<compile_context>
chip_gen: v7x
topology: tpu7x:2x2x1
jax: 0.10.2.dev20260603
libtpu: 0.0.44.dev20260713+nightly
codegen_flags: <defaults>
</compile_context>

<pallas_src>
import jax
import jax.numpy as jnp
from jax import lax
from jax.experimental import pallas as pl
from jax.experimental.pallas import tpu as pltpu
from jax.experimental.pallas import tpu_sc as plsc

_B, _C, _H, _W = 8, 4, 512, 512
_NI = 16384
_L = 16
_NC, _NS = 2, 16
_NW = _NC * _NS
_K = 4096
_T = _NI // _K
_GL = 2048
_NG = _K // _GL

_TASKS = [(comp, chunk) for comp in (0, 1) for chunk in range(_T - 1, -1, -1)]


def _sc_body(pred_hbm, ints0_hbm, ints1_hbm, out_hbm,
             pxb0_v, pxd0_v, idxb0_v, idxd0_v, valsb0_v, valsd0_v,
             pxb1_v, pxd1_v, idxb1_v, idxd1_v, valsb1_v, valsd1_v,
             stage_v, gsems, psems):
    cid = lax.axis_index("c")
    sid = lax.axis_index("s")
    wid = sid * _NC + cid
    b = wid // _C
    cls = wid % _C

    lane = lax.iota(jnp.int32, _L)
    pbase = wid * (_H * _W)

    bufs = ((pxb0_v, pxd0_v, idxb0_v, idxd0_v, valsb0_v, valsd0_v),
            (pxb1_v, pxd1_v, idxb1_v, idxd1_v, valsb1_v, valsd1_v))
    ints = (ints0_hbm, ints1_hbm)

    c1 = (cls == 1).astype(jnp.int32)
    c2 = (cls == 2).astype(jnp.int32)
    c3 = (cls == 3).astype(jnp.int32)
    goods = (1 + c1 + 2 * c2, c1 + 2 * c2 + c3)

    def plane_copies(task_i):
        comp, chunk = _TASKS[task_i]
        p = task_i % 2
        pxb_v, pxd_v = bufs[p][0], bufs[p][1]
        n0 = chunk * _K
        return [
            pltpu.make_async_copy(
                ints[comp].at[b, cls, 0, :, pl.ds(n0, _K)], pxb_v,
                psems.at[p]),
            pltpu.make_async_copy(
                ints[comp].at[b, cls, 1, :, pl.ds(n0, _K)], pxd_v,
                psems.at[p]),
        ]

    def idx_compute(task_i):
        p = task_i % 2
        pxb_v, pxd_v, idxb_v, idxd_v = bufs[p][:4]

        def idx_body(j, _):
            s = pl.ds(j * _L, _L)
            idxb_v[s] = pxb_v[0, s] * _W + pxb_v[1, s] + pbase
            idxd_v[s] = pxd_v[0, s] * _W + pxd_v[1, s] + pbase
            return 0

        lax.fori_loop(0, _K // _L, idx_body, 0, unroll=4)

    def gather_copies(task_i):
        p = task_i % 2
        idxb_v, idxd_v, valsb_v, valsd_v = bufs[p][2:]
        return [
            pltpu.make_async_copy(
                pred_hbm.at[src.at[pl.ds(g * _GL, _GL)]],
                dst.at[pl.ds(g * _GL, _GL)], gsems.at[p])
            for g in range(_NG)
            for src, dst in ((idxb_v, valsb_v), (idxd_v, valsd_v))
        ]

    def consume(task_i, acc):
        comp, chunk = _TASKS[task_i]
        p = task_i % 2
        valsb_v, valsd_v = bufs[p][4], bufs[p][5]

        def sum_body(m, a):
            s = pl.ds(m * _L, _L)
            d = valsb_v[s] - valsd_v[s]
            return a + d * d

        acc = lax.fori_loop(0, _K // _L, sum_body, acc, unroll=4)
        if chunk == 0:
            d0 = valsb_v[pl.ds(0, _L)] - valsd_v[pl.ds(0, _L)]
            sq0 = d0 * d0
            acc = acc + jnp.where(lane < goods[comp], 1.0 - 2.0 * sq0, 0.0)
        return acc

    acc = jnp.zeros((_L,), jnp.float32)
    n_tasks = len(_TASKS)

    for cpy in plane_copies(0):
        cpy.start()
    for cpy in plane_copies(0):
        cpy.wait()
    idx_compute(0)
    for cpy in plane_copies(1):
        cpy.start()
    for cpy in gather_copies(0):
        cpy.start()

    for i in range(1, n_tasks):
        for cpy in plane_copies(i):
            cpy.wait()
        idx_compute(i)
        for cpy in gather_copies(i):
            cpy.start()
        for cpy in gather_copies(i - 1):
            cpy.wait()
        if i + 1 < n_tasks:
            for cpy in plane_copies(i + 1):
                cpy.start()
        acc = consume(i - 1, acc)

    for cpy in gather_copies(n_tasks - 1):
        cpy.wait()
    acc = consume(n_tasks - 1, acc)

    stage_v[...] = acc
    pltpu.sync_copy(stage_v, out_hbm.at[wid])


@jax.jit
def kernel(prediction, intervals_comp_0, intervals_comp_1):
    pred_flat = prediction.reshape(-1)
    it0 = jnp.transpose(intervals_comp_0, (0, 1, 3, 4, 2))
    it1 = jnp.transpose(intervals_comp_1, (0, 1, 3, 4, 2))
    mesh = plsc.VectorSubcoreMesh(core_axis_name="c", subcore_axis_name="s",
                                  num_cores=_NC, num_subcores=_NS)
    out = pl.kernel(
        _sc_body,
        out_type=jax.ShapeDtypeStruct((_NW, _L), jnp.float32),
        mesh=mesh,
        scratch_types=[
            pltpu.VMEM((2, _K), jnp.int32),
            pltpu.VMEM((2, _K), jnp.int32),
            pltpu.VMEM((_K,), jnp.int32),
            pltpu.VMEM((_K,), jnp.int32),
            pltpu.VMEM((_K,), jnp.float32),
            pltpu.VMEM((_K,), jnp.float32),
            pltpu.VMEM((2, _K), jnp.int32),
            pltpu.VMEM((2, _K), jnp.int32),
            pltpu.VMEM((_K,), jnp.int32),
            pltpu.VMEM((_K,), jnp.int32),
            pltpu.VMEM((_K,), jnp.float32),
            pltpu.VMEM((_K,), jnp.float32),
            pltpu.VMEM((_L,), jnp.float32),
            pltpu.SemaphoreType.DMA((2,)),
            pltpu.SemaphoreType.DMA((2,)),
        ],
    )(pred_flat, it0, it1)
    return jnp.sum(out)

# --- scband reference (transcript-rebuilt; emitter-appended) ---
"""Pipeline reference for scband-birth-death-loss-12034498363966 (READ-ONLY COPY).

The authoritative reference and input builder live on the scoring server;
editing this copy changes nothing except your own understanding.
"""

import jax, jax.numpy as jnp
import numpy as np

B, C, H, W = 8, 4, 512, 512
NI = 16384
# betti_numbers = [[1,0],[2,1],[3,2],[1,1]] -> per-class good interval counts
GOOD0 = [1, 2, 3, 1]
GOOD1 = [0, 1, 2, 1]


def setup_inputs(seed: int = 0) -> dict:
    key = jax.random.key(seed)
    k1, k2, k3 = jax.random.split(key, 3)
    prediction = jax.random.normal(k1, (B, C, H, W), dtype=jnp.float32)
    intervals_comp_0 = jax.random.randint(k2, (B, C, NI, 2, 2), 0, 512, dtype=jnp.int32)
    intervals_comp_1 = jax.random.randint(k3, (B, C, NI, 2, 2), 0, 512, dtype=jnp.int32)
    return {
        "prediction": prediction,
        "intervals_comp_0": intervals_comp_0,
        "intervals_comp_1": intervals_comp_1,
    }


def _interval_diff(prediction, intervals, num_comps):
    b, c, h, w = prediction.shape
    ni = intervals.shape[2]
    # Concatenation order in the original: sample-major, then class, then interval.
    flat = intervals.reshape(b * c * ni, 2, 2)
    sample_idx = jnp.repeat(jnp.arange(b), c * ni)
    class_idx = jnp.tile(jnp.repeat(jnp.arange(c), ni), b)
    # good_intervals: ones for the first min(num_comps[j], ni) intervals of each (sample, class)
    good_per_class = jnp.stack(
        [(jnp.arange(ni) < min(int(num_comps[j]), ni)).astype(jnp.float32) for j in range(c)],
        axis=0,
    )  # [c, ni]
    good = jnp.tile(good_per_class.reshape(-1), b)  # [b*c*ni]
    birth_x = flat[:, 0, 0]
    birth_y = flat[:, 0, 1]
    death_x = flat[:, 1, 0]
    death_y = flat[:, 1, 1]
    birth_values = prediction[sample_idx, class_idx, birth_x, birth_y]
    death_values = prediction[sample_idx, class_idx, death_x, death_y]
    interval_diff = (birth_values - death_values) ** 2
    interval_diff = jnp.where(good == 1, 1.0 - interval_diff, interval_diff)
    return jnp.sum(interval_diff)


def reference(prediction, intervals_comp_0, intervals_comp_1):
    loss_0 = _interval_diff(prediction, intervals_comp_0, GOOD0)
    loss_1 = _interval_diff(prediction, intervals_comp_1, GOOD1)
    return loss_0 + loss_1

if __name__ == "__main__":
    import jax
    _d = setup_inputs()
    print(jax.jit(kernel)(*tuple(_d.values())))

</pallas_src>

<mosaic_0001>
#map = affine_map<(d0, d1) -> (0)>
#map1 = affine_map<(d0, d1) -> (0, 0, 0, 0, 0)>
#map2 = affine_map<(d0, d1) -> (0, 0)>
module attributes {stable_mosaic.version = 14 : i64} {
  func.func @_sc_body(%arg0: i32, %arg1: i32, %arg2: memref<8388608xf32, #tpu.memory_space<hbm>>, %arg3: memref<8x4x2x2x16384xi32, #tpu.memory_space<hbm>>, %arg4: memref<8x4x2x2x16384xi32, #tpu.memory_space<hbm>>, %arg5: memref<32x16xf32, #tpu.memory_space<hbm>>, %arg6: memref<2x4096xi32, #tpu.memory_space<vmem>>, %arg7: memref<2x4096xi32, #tpu.memory_space<vmem>>, %arg8: memref<4096xi32, #tpu.memory_space<vmem>>, %arg9: memref<4096xi32, #tpu.memory_space<vmem>>, %arg10: memref<4096xf32, #tpu.memory_space<vmem>>, %arg11: memref<4096xf32, #tpu.memory_space<vmem>>, %arg12: memref<2x4096xi32, #tpu.memory_space<vmem>>, %arg13: memref<2x4096xi32, #tpu.memory_space<vmem>>, %arg14: memref<4096xi32, #tpu.memory_space<vmem>>, %arg15: memref<4096xi32, #tpu.memory_space<vmem>>, %arg16: memref<4096xf32, #tpu.memory_space<vmem>>, %arg17: memref<4096xf32, #tpu.memory_space<vmem>>, %arg18: memref<16xf32, #tpu.memory_space<vmem>>, %arg19: memref<2x!tpu.dma_semaphore, #tpu.memory_space<semaphore_mem>>, %arg20: memref<2x!tpu.dma_semaphore, #tpu.memory_space<semaphore_mem>>) attributes {dimension_semantics = [#tpu.dimension_semantics<core_parallel>, #tpu.dimension_semantics<subcore_parallel>], iteration_bounds = array<i64: 2, 16>, scalar_prefetch = 0 : i64, scratch_operands = 15 : i64, tpu.core_type = #tpu.core_type<sc_vector_subcore>, window_params = [{transform_indices = #map}, {transform_indices = #map1}, {transform_indices = #map1}, {transform_indices = #map2}]} {
    %mul3A = arith.constant 2 : i32
    %mul3A_0 = arith.muli %arg1, %mul3A : i32
    %add3A = arith.addi %mul3A_0, %arg0 : i32
    %jit3A = arith.constant 4 : i32
    %div3A = arith.divsi %add3A, %jit3A : i32
    %sign3A = arith.constant 0 : i32
    %sign3A_1 = arith.cmpi sgt, %add3A, %sign3A : i32
    %sign3A_2 = arith.extui %sign3A_1 : i1 to i32
    %sign3A_3 = arith.constant 0 : i32
    %sign3A_4 = arith.cmpi slt, %add3A, %sign3A_3 : i32
    %sign3A_5 = arith.extui %sign3A_4 : i1 to i32
    %sign3A_6 = arith.subi %sign3A_2, %sign3A_5 : i32
    %sign3A_7 = arith.constant 0 : i32
    %sign3A_8 = arith.cmpi sgt, %jit3A, %sign3A_7 : i32
    %sign3A_9 = arith.extui %sign3A_8 : i1 to i32
    %sign3A_10 = arith.constant 0 : i32
    %sign3A_11 = arith.cmpi slt, %jit3A, %sign3A_10 : i32
    %sign3A_12 = arith.extui %sign3A_11 : i1 to i32
    %sign3A_13 = arith.subi %sign3A_9, %sign3A_12 : i32
    %ne3A = arith.cmpi ne, %sign3A_6, %sign3A_13 : i32
    %rem3A = arith.remsi %add3A, %jit3A : i32
    %ne3A_14 = arith.constant 0 : i32
    %ne3A_15 = arith.cmpi ne, %rem3A, %ne3A_14 : i32
    %and3A = arith.andi %ne3A, %ne3A_15 : i1
    %sub3A = arith.constant 1 : i32
    %sub3A_16 = arith.subi %div3A, %sub3A : i32
    %select_n3A = arith.select %and3A, %sub3A_16, %div3A : i32
    %jit3A_17 = arith.constant 4 : i32
    %eq3A = arith.constant 0 : i32
    %eq3A_18 = arith.cmpi eq, %jit3A_17, %eq3A : i32
    %jit3A_19 = arith.constant 1 : i32
    %select_n3A_20 = arith.select %eq3A_18, %jit3A_19, %jit3A_17 : i32
    %rem3A_21 = arith.remsi %add3A, %select_n3A_20 : i32
    %ne3A_22 = arith.constant 0 : i32
    %ne3A_23 = arith.cmpi ne, %rem3A_21, %ne3A_22 : i32
    %lt3A = arith.constant 0 : i32
    %lt3A_24 = arith.cmpi slt, %rem3A_21, %lt3A : i32
    %lt3A_25 = arith.constant 0 : i32
    %lt3A_26 = arith.cmpi slt, %select_n3A_20, %lt3A_25 : i32
    %ne3A_27 = arith.xori %lt3A_24, %lt3A_26 : i1
    %and3A_28 = arith.andi %ne3A_27, %ne3A_23 : i1
    %add3A_29 = arith.addi %rem3A_21, %select_n3A_20 : i32
    %select_n3A_30 = arith.select %and3A_28, %add3A_29, %rem3A_21 : i32
    %iota3A = tpu.iota {dimensions = array<i32: 0>} : vector<16xi32>
    %mul3A_31 = arith.constant 262144 : i32
    %mul3A_32 = arith.muli %add3A, %mul3A_31 : i32
    %eq3A_33 = arith.constant 1 : i32
    %eq3A_34 = arith.cmpi eq, %select_n3A_30, %eq3A_33 : i32
    %convert_element_type3A = arith.extui %eq3A_34 : i1 to i32
    %eq3A_35 = arith.constant 2 : i32
    %eq3A_36 = arith.cmpi eq, %select_n3A_30, %eq3A_35 : i32
    %convert_element_type3A_37 = arith.extui %eq3A_36 : i1 to i32
    %eq3A_38 = arith.constant 3 : i32
    %eq3A_39 = arith.cmpi eq, %select_n3A_30, %eq3A_38 : i32
    %convert_element_type3A_40 = arith.extui %eq3A_39 : i1 to i32
    %add3A_41 = arith.constant 1 : i32
    %add3A_42 = arith.addi %add3A_41, %convert_element_type3A : i32
    %mul3A_43 = arith.constant 2 : i32
    %mul3A_44 = arith.muli %mul3A_43, %convert_element_type3A_37 : i32
    %add3A_45 = arith.addi %add3A_42, %mul3A_44 : i32
    %mul3A_46 = arith.constant 2 : i32
    %mul3A_47 = arith.muli %mul3A_46, %convert_element_type3A_37 : i32
    %add3A_48 = arith.addi %convert_element_type3A, %mul3A_47 : i32
    %add3A_49 = arith.addi %add3A_48, %convert_element_type3A_40 : i32
    %broadcast_in_dim3A = arith.constant 0.000000e+00 : f32
    %broadcast_in_dim3A_50 = vector.broadcast %broadcast_in_dim3A : f32 to vector<16xf32>
    %dma_start3A = arith.constant 0 : i32
    %dma_start3A_51 = arith.constant 0 : i32
    %dma_start3A_52 = arith.constant 0 : i32
    %dma_start3A_53 = arith.constant 12288 : i32
    %dma_start3A_54 = tpu.memref_slice %arg3[%select_n3A, %select_n3A_30, %dma_start3A, %dma_start3A_52, %dma_start3A_53] : memref<8x4x2x2x16384xi32, #tpu.memory_space<hbm>> -> memref<1x1x1x2x4096xi32, #tpu.memory_space<hbm>>
    %dma_start3A_55 = tpu.memref_squeeze %dma_start3A_54 : memref<1x1x1x2x4096xi32, #tpu.memory_space<hbm>> -> memref<2x4096xi32, #tpu.memory_space<hbm>>
    %dma_start3A_56 = tpu.memref_slice %arg20[%dma_start3A_51] : memref<2x!tpu.dma_semaphore, #tpu.memory_space<semaphore_mem>> -> memref<1x!tpu.dma_semaphore, #tpu.memory_space<semaphore_mem>>
    %dma_start3A_57 = tpu.memref_squeeze %dma_start3A_56 : memref<1x!tpu.dma_semaphore, #tpu.memory_space<semaphore_mem>> -> memref<!tpu.dma_semaphore, #tpu.memory_space<semaphore_mem>>
    %dma_start3A_58 = arith.constant 0 : i32
    %dma_start3A_59 = arith.constant 12288 : i32
    %dma_start3A_60 = tpu.memref_slice %arg3[%select_n3A, %select_n3A_30, %dma_start3A, %dma_start3A_58, %dma_start3A_59] : memref<8x4x2x2x16384xi32, #tpu.memory_space<hbm>> -> memref<1x1x1x2x4096xi32, #tpu.memory_space<hbm>>
    %dma_start3A_61 = tpu.memref_squeeze %dma_start3A_60 : memref<1x1x1x2x4096xi32, #tpu.memory_space<hbm>> -> memref<2x4096xi32, #tpu.memory_space<hbm>>
    tpu.enqueue_dma source(%dma_start3A_61 : memref<2x4096xi32, #tpu.memory_space<hbm>>) target(%arg6 : memref<2x4096xi32, #tpu.memory_space<vmem>>) target_semaphore(%dma_start3A_57 : memref<!tpu.dma_semaphore, #tpu.memory_space<semaphore_mem>>)
    %dma_start3A_62 = arith.constant 1 : i32
    %dma_start3A_63 = arith.constant 0 : i32
    %dma_start3A_64 = arith.constant 0 : i32
    %dma_start3A_65 = arith.constant 12288 : i32
    %dma_start3A_66 = tpu.memref_slice %arg3[%select_n3A, %select_n3A_30, %dma_start3A_62, %dma_start3A_64, %dma_start3A_65] : memref<8x4x2x2x16384xi32, #tpu.memory_space<hbm>> -> memref<1x1x1x2x4096xi32, #tpu.memory_space<hbm>>
    %dma_start3A_67 = tpu.memref_squeeze %dma_start3A_66 : memref<1x1x1x2x4096xi32, #tpu.memory_space<hbm>> -> memref<2x4096xi32, #tpu.memory_space<hbm>>
    %dma_start3A_68 = tpu.memref_slice %arg20[%dma_start3A_63] : memref<2x!tpu.dma_semaphore, #tpu.memory_space<semaphore_mem>> -> memref<1x!tpu.dma_semaphore, #tpu.memory_space<semaphore_mem>>
    %dma_start3A_69 = tpu.memref_squeeze %dma_start3A_68 : memref<1x!tpu.dma_semaphore, #tpu.memory_space<semaphore_mem>> -> memref<!tpu.dma_semaphore, #tpu.memory_space<semaphore_mem>>
    %dma_start3A_70 = arith.constant 0 : i32
    %dma_start3A_71 = arith.constant 12288 : i32
    %dma_start3A_72 = tpu.memref_slice %arg3[%select_n3A, %select_n3A_30, %dma_start3A_62, %dma_start3A_70, %dma_start3A_71] : memref<8x4x2x2x16384xi32, #tpu.memory_space<hbm>> -> memref<1x1x1x2x4096xi32, #tpu.memory_space<hbm>>
    %dma_start3A_73 = tpu.memref_squeeze %dma_start3A_72 : memref<1x1x1x2x4096xi32, #tpu.memory_space<hbm>> -> memref<2x4096xi32, #tpu.memory_space<hbm>>
    tpu.enqueue_dma source(%dma_start3A_73 : memref<2x4096xi32, #tpu.memory_space<hbm>>) target(%arg7 : memref<2x4096xi32, #tpu.memory_space<vmem>>) target_semaphore(%dma_start3A_69 : memref<!tpu.dma_semaphore, #tpu.memory_space<semaphore_mem>>)
    %dma_wait3A = arith.constant 0 : i32
    %dma_wait3A_74 = arith.constant 0 : i32
    %dma_wait3A_75 = arith.constant 0 : i32
    %dma_wait3A_76 = arith.constant 12288 : i32
    %dma_wait3A_77 = tpu.memref_slice %arg3[%select_n3A, %select_n3A_30, %dma_wait3A, %dma_wait3A_75, %dma_wait3A_76] : memref<8x4x2x2x16384xi32, #tpu.memory_space<hbm>> -> memref<1x1x1x2x4096xi32, #tpu.memory_space<hbm>>
    %dma_wait3A_78 = tpu.memref_squeeze %dma_wait3A_77 : memref<1x1x1x2x4096xi32, #tpu.memory_space<hbm>> -> memref<2x4096xi32, #tpu.memory_space<hbm>>
    %dma_wait3A_79 = tpu.memref_slice %arg20[%dma_wait3A_74] : memref<2x!tpu.dma_semaphore, #tpu.memory_space<semaphore_mem>> -> memref<1x!tpu.dma_semaphore, #tpu.memory_space<semaphore_mem>>
    %dma_wait3A_80 = tpu.memref_squeeze %dma_wait3A_79 : memref<1x!tpu.dma_semaphore, #tpu.memory_space<semaphore_mem>> -> memref<!tpu.dma_semaphore, #tpu.memory_space<semaphore_mem>>
    %dma_wait3A_81 = arith.constant 0 : i32
    %dma_wait3A_82 = arith.constant 12288 : i32
    %dma_wait3A_83 = tpu.memref_slice %arg3[%select_n3A, %select_n3A_30, %dma_wait3A, %dma_wait3A_81, %dma_wait3A_82] : memref<8x4x2x2x16384xi32, #tpu.memory_space<hbm>> -> memref<1x1x1x2x4096xi32, #tpu.memory_space<hbm>>
    %dma_wait3A_84 = tpu.memref_squeeze %dma_wait3A_83 : memref<1x1x1x2x4096xi32, #tpu.memory_space<hbm>> -> memref<2x4096xi32, #tpu.memory_space<hbm>>
    tpu.wait_dma2 semaphore(%dma_wait3A_80 : memref<!tpu.dma_semaphore, #tpu.memory_space<semaphore_mem>>) src(%dma_wait3A_84 : memref<2x4096xi32, #tpu.memory_space<hbm>>) dst(%arg6 : memref<2x4096xi32, #tpu.memory_space<vmem>>)
    %dma_wait3A_85 = arith.constant 1 : i32
    %dma_wait3A_86 = arith.constant 0 : i32
    %dma_wait3A_87 = arith.constant 0 : i32
    %dma_wait3A_88 = arith.constant 12288 : i32
    %dma_wait3A_89 = tpu.memref_slice %arg3[%select_n3A, %select_n3A_30, %dma_wait3A_85, %dma_wait3A_87, %dma_wait3A_88] : memref<8x4x2x2x16384xi32, #tpu.memory_space<hbm>> -> memref<1x1x1x2x4096xi32, #tpu.memory_space<hbm>>
    %dma_wait3A_90 = tpu.memref_squeeze %dma_wait3A_89 : memref<1x1x1x2x4096xi32, #tpu.memory_space<hbm>> -> memref<2x4096xi32, #tpu.memory_space<hbm>>
    %dma_wait3A_91 = tpu.memref_slice %arg20[%dma_wait3A_86] : memref<2x!tpu.dma_semaphore, #tpu.memory_space<semaphore_mem>> -> memref<1x!tpu.dma_semaphore, #tpu.memory_space<semaphore_mem>>
    %dma_wait3A_92 = tpu.memref_squeeze %dma_wait3A_91 : memref<1x!tpu.dma_semaphore, #tpu.memory_space<semaphore_mem>> -> memref<!tpu.dma_semaphore, #tpu.memory_space<semaphore_mem>>
    %dma_wait3A_93 = arith.constant 0 : i32
    %dma_wait3A_94 = arith.constant 12288 : i32
    %dma_wait3A_95 = tpu.memref_slice %arg3[%select_n3A, %select_n3A_30, %dma_wait3A_85, %dma_wait3A_93, %dma_wait3A_94] : memref<8x4x2x2x16384xi32, #tpu.memory_space<hbm>> -> memref<1x1x1x2x4096xi32, #tpu.memory_space<hbm>>
    %dma_wait3A_96 = tpu.memref_squeeze %dma_wait3A_95 : memref<1x1x1x2x4096xi32, #tpu.memory_space<hbm>> -> memref<2x4096xi32, #tpu.memory_space<hbm>>
    tpu.wait_dma2 semaphore(%dma_wait3A_92 : memref<!tpu.dma_semaphore, #tpu.memory_space<semaphore_mem>>) src(%dma_wait3A_96 : memref<2x4096xi32, #tpu.memory_space<hbm>>) dst(%arg7 : memref<2x4096xi32, #tpu.memory_space<vmem>>)
    %scan3A = arith.constant 0 : i32
    %scan3A_97 = arith.constant 0 : i32
    %scan3A_98 = arith.constant 256 : i32
    %scan3A_99 = arith.addi %scan3A_97, %scan3A_98 : i32
    %scan3A_100 = arith.constant 4 : i32
    %scan3A_101 = scf.for %scan3A_1154 = %scan3A_97 to %scan3A_99 step %scan3A_100 iter_args(%scan3A_1155 = %scan3A) -> (i32)  : i32 {
      %mul3A_1156 = arith.constant 16 : i32
      %mul3A_1157 = arith.muli %scan3A_1154, %mul3A_1156 : i32
      %get3A_1158 = arith.constant 0 : i32
      %get3A_1159 = arith.index_cast %get3A_1158 : i32 to index
      %get3A_1160 = arith.index_cast %mul3A_1157 : i32 to index
      %get3A_1161 = tpu.vector_load %arg6[%get3A_1159, %get3A_1160] {strides = array<i32>} : memref<2x4096xi32, #tpu.memory_space<vmem>>, vector<1x16xi32>,
      %get3A_1162 = vector.shape_cast %get3A_1161 : vector<1x16xi32> to vector<16xi32>
      %mul3A_1163 = arith.constant 512 : i32
      %mul3A_1164 = vector.broadcast %mul3A_1163 : i32 to vector<16xi32>
      %mul3A_1165 = arith.muli %get3A_1162, %mul3A_1164 : vector<16xi32>
      %get3A_1166 = arith.constant 1 : i32
      %get3A_1167 = arith.index_cast %get3A_1166 : i32 to index
      %get3A_1168 = arith.index_cast %mul3A_1157 : i32 to index
      %get3A_1169 = tpu.vector_load %arg6[%get3A_1167, %get3A_1168] {strides = array<i32>} : memref<2x4096xi32, #tpu.memory_space<vmem>>, vector<1x16xi32>,
      %get3A_1170 = vector.shape_cast %get3A_1169 : vector<1x16xi32> to vector<16xi32>
      %add3A_1171 = arith.addi %mul3A_1165, %get3A_1170 : vector<16xi32>
      %add3A_1172 = vector.broadcast %mul3A_32 : i32 to vector<16xi32>
      %add3A_1173 = arith.addi %add3A_1171, %add3A_1172 : vector<16xi32>
      %swap3A_1174 = arith.index_cast %mul3A_1157 : i32 to index
      %swap3A_1175 = tpu.vector_load %arg8[%swap3A_1174] {strides = array<i32>} : memref<4096xi32, #tpu.memory_space<vmem>>, vector<16xi32>,
      %swap3A_1176 = vector.shape_cast %swap3A_1175 : vector<16xi32> to vector<16xi32>
      %swap3A_1177 = vector.shape_cast %add3A_1173 : vector<16xi32> to vector<16xi32>
      tpu.vector_store %arg8[%swap3A_1174], %swap3A_1177 {strides = array<i32>} : memref<4096xi32, #tpu.memory_space<vmem>>, vector<16xi32>,
      %get3A_1178 = arith.constant 0 : i32
      %get3A_1179 = arith.index_cast %get3A_1178 : i32 to index
      %get3A_1180 = arith.index_cast %mul3A_1157 : i32 to index
      %get3A_1181 = tpu.vector_load %arg7[%get3A_1179, %get3A_1180] {strides = array<i32>} : memref<2x4096xi32, #tpu.memory_space<vmem>>, vector<1x16xi32>,
      %get3A_1182 = vector.shape_cast %get3A_1181 : vector<1x16xi32> to vector<16xi32>
      %mul3A_1183 = arith.constant 512 : i32
      %mul3A_1184 = vector.broadcast %mul3A_1183 : i32 to vector<16xi32>
      %mul3A_1185 = arith.muli %get3A_1182, %mul3A_1184 : vector<16xi32>
      %get3A_1186 = arith.constant 1 : i32
      %get3A_1187 = arith.index_cast %get3A_1186 : i32 to index
      %get3A_1188 = arith.index_cast %mul3A_1157 : i32 to index
      %get3A_1189 = tpu.vector_load %arg7[%get3A_1187, %get3A_1188] {strides = array<i32>} : memref<2x4096xi32, #tpu.memory_space<vmem>>, vector<1x16xi32>,
      %get3A_1190 = vector.shape_cast %get3A_1189 : vector<1x16xi32> to vector<16xi32>
      %add3A_1191 = arith.addi %mul3A_1185, %get3A_1190 : vector<16xi32>
      %add3A_1192 = vector.broadcast %mul3A_32 : i32 to vector<16xi32>
      %add3A_1193 = arith.addi %add3A_1191, %add3A_1192 : vector<16xi32>
      %swap3A_1194 = arith.index_cast %mul3A_1157 : i32 to index
      %swap3A_1195 = tpu.vector_load %arg9[%swap3A_1194] {strides = array<i32>} : memref<4096xi32, #tpu.memory_space<vmem>>, vector<16xi32>,
      %swap3A_1196 = vector.shape_cast %swap3A_1195 : vector<16xi32> to vector<16xi32>
      %swap3A_1197 = vector.shape_cast %add3A_1193 : vector<16xi32> to vector<16xi32>
      tpu.vector_store %arg9[%swap3A_1194], %swap3A_1197 {strides = array<i32>} : memref<4096xi32, #tpu.memory_space<vmem>>, vector<16xi32>,
      %scan3A_1198 = arith.constant 0 : i32
      %scan3A_1199 = arith.constant 1 : i32
      %scan3A_1200 = arith.addi %scan3A_1154, %scan3A_1199 : i32
      %mul3A_1201 = arith.constant 16 : i32
      %mul3A_1202 = arith.muli %scan3A_1200, %mul3A_1201 : i32
      %get3A_1203 = arith.constant 0 : i32
      %get3A_1204 = arith.index_cast %get3A_1203 : i32 to index
      %get3A_1205 = arith.index_cast %mul3A_1202 : i32 to index
      %get3A_1206 = tpu.vector_load %arg6[%get3A_1204, %get3A_1205] {strides = array<i32>} : memref<2x4096xi32, #tpu.memory_space<vmem>>, vector<1x16xi32>,
      %get3A_1207 = vector.shape_cast %get3A_1206 : vector<1x16xi32> to vector<16xi32>
      %mul3A_1208 = arith.constant 512 : i32
      %mul3A_1209 = vector.broadcast %mul3A_1208 : i32 to vector<16xi32>
      %mul3A_1210 = arith.muli %get3A_1207, %mul3A_1209 : vector<16xi32>
      %get3A_1211 = arith.constant 1 : i32
      %get3A_1212 = arith.index_cast %get3A_1211 : i32 to index
      %get3A_1213 = arith.index_cast %mul3A_1202 : i32 to index
      %get3A_1214 = tpu.vector_load %arg6[%get3A_1212, %get3A_1213] {strides = array<i32>} : memref<2x4096xi32, #tpu.memory_space<vmem>>, vector<1x16xi32>,
      %get3A_1215 = vector.shape_cast %get3A_1214 : vector<1x16xi32> to vector<16xi32>
      %add3A_1216 = arith.addi %mul3A_1210, %get3A_1215 : vector<16xi32>
      %add3A_1217 = vector.broadcast %mul3A_32 : i32 to vector<16xi32>
      %add3A_1218 = arith.addi %add3A_1216, %add3A_1217 : vector<16xi32>
      %swap3A_1219 = arith.index_cast %mul3A_1202 : i32 to index
      %swap3A_1220 = tpu.vector_load %arg8[%swap3A_1219] {strides = array<i32>} : memref<4096xi32, #tpu.memory_space<vmem>>, vector<16xi32>,
      %swap3A_1221 = vector.shape_cast %swap3A_1220 : vector<16xi32> to vector<16xi32>
      %swap3A_1222 = vector.shape_cast %add3A_1218 : vector<16xi32> to vector<16xi32>
      tpu.vector_store %arg8[%swap3A_1219], %swap3A_1222 {strides = array<i32>} : memref<4096xi32, #tpu.memory_space<vmem>>, vector<16xi32>,
      %get3A_1223 = arith.constant 0 : i32
      %get3A_1224 = arith.index_cast %get3A_1223 : i32 to index
      %get3A_1225 = arith.index_cast %mul3A_1202 : i32 to index
      %get3A_1226 = tpu.vector_load %arg7[%get3A_1224, %get3A_1225] {strides = array<i32>} : memref<2x4096xi32, #tpu.memory_space<vmem>>, vector<1x16xi32>,
      %get3A_1227 = vector.shape_cast %get3A_1226 : vector<1x16xi32> to vector<16xi32>
      %mul3A_1228 = arith.constant 512 : i32
      %mul3A_1229 = vector.broadcast %mul3A_1228 : i32 to vector<16xi32>
      %mul3A_1230 = arith.muli %get3A_1227, %mul3A_1229 : vector<16xi32>
      %get3A_1231 = arith.constant 1 : i32
      %get3A_1232 = arith.index_cast %get3A_1231 : i32 to index
      %get3A_1233 = arith.index_cast %mul3A_1202 : i32 to index
      %get3A_1234 = tpu.vector_load %arg7[%get3A_1232, %get3A_1233] {strides = array<i32>} : memref<2x4096xi32, #tpu.memory_space<vmem>>, vector<1x16xi32>,
      %get3A_1235 = vector.shape_cast %get3A_1234 : vector<1x16xi32> to vector<16xi32>
      %add3A_1236 = arith.addi %mul3A_1230, %get3A_1235 : vector<16xi32>
      %add3A_1237 = vector.broadcast %mul3A_32 : i32 to vector<16xi32>
      %add3A_1238 = arith.addi %add3A_1236, %add3A_1237 : vector<16xi32>
      %swap3A_1239 = arith.index_cast %mul3A_1202 : i32 to index
      %swap3A_1240 = tpu.vector_load %arg9[%swap3A_1239] {strides = array<i32>} : memref<4096xi32, #tpu.memory_space<vmem>>, vector<16xi32>,
      %swap3A_1241 = vector.shape_cast %swap3A_1240 : vector<16xi32> to vector<16xi32>
      %swap3A_1242 = vector.shape_cast %add3A_1238 : vector<16xi32> to vector<16xi32>
      tpu.vector_store %arg9[%swap3A_1239], %swap3A_1242 {strides = array<i32>} : memref<4096xi32, #tpu.memory_space<vmem>>, vector<16xi32>,
      %scan3A_1243 = arith.constant 0 : i32
      %scan3A_1244 = arith.constant 2 : i32
      %scan3A_1245 = arith.addi %scan3A_1154, %scan3A_1244 : i32
      %mul3A_1246 = arith.constant 16 : i32
      %mul3A_1247 = arith.muli %scan3A_1245, %mul3A_1246 : i32
      %get3A_1248 = arith.constant 0 : i32
      %get3A_1249 = arith.index_cast %get3A_1248 : i32 to index
      %get3A_1250 = arith.index_cast %mul3A_1247 : i32 to index
      %get3A_1251 = tpu.vector_load %arg6[%get3A_1249, %get3A_1250] {strides = array<i32>} : memref<2x4096xi32, #tpu.memory_space<vmem>>, vector<1x16xi32>,
      %get3A_1252 = vector.shape_cast %get3A_1251 : vector<1x16xi32> to vector<16xi32>
      %mul3A_1253 = arith.constant 512 : i32
      %mul3A_1254 = vector.broadcast %mul3A_1253 : i32 to vector<16xi32>
      %mul3A_1255 = arith.muli %get3A_1252, %mul3A_1254 : vector<16xi32>
      %get3A_1256 = arith.constant 1 : i32
      %get3A_1257 = arith.index_cast %get3A_1256 : i32 to index
      %get3A_1258 = arith.index_cast %mul3A_1247 : i32 to index
      %get3A_1259 = tpu.vector_load %arg6[%get3A_1257, %get3A_1258] {strides = array<i32>} : memref<2x4096xi32, #tpu.memory_space<vmem>>, vector<1x16xi32>,
      %get3A_1260 = vector.shape_cast %get3A_1259 : vector<1x16xi32> to vector<16xi32>
      %add3A_1261 = arith.addi %mul3A_1255, %get3A_1260 : vector<16xi32>
      %add3A_1262 = vector.broadcast %mul3A_32 : i32 to vector<16xi32>
      %add3A_1263 = arith.addi %add3A_1261, %add3A_1262 : vector<16xi32>
      %swap3A_1264 = arith.index_cast %mul3A_1247 : i32 to index
      %swap3A_1265 = tpu.vector_load %arg8[%swap3A_1264] {strides = array<i32>} : memref<4096xi32, #tpu.memory_space<vmem>>, vector<16xi32>,
      %swap3A_1266 = vector.shape_cast %swap3A_1265 : vector<16xi32> to vector<16xi32>
      %swap3A_1267 = vector.shape_cast %add3A_1263 : vector<16xi32> to vector<16xi32>
      tpu.vector_store %arg8[%swap3A_1264], %swap3A_1267 {strides = array<i32>} : memref<4096xi32, #tpu.memory_space<vmem>>, vector<16xi32>,
      %get3A_1268 = arith.constant 0 : i32
      %get3A_1269 = arith.index_cast %get3A_1268 : i32 to index
      %get3A_1270 = arith.index_cast %mul3A_1247 : i32 to index
      %get3A_1271 = tpu.vector_load %arg7[%get3A_1269, %get3A_1270] {strides = array<i32>} : memref<2x4096xi32, #tpu.memory_space<vmem>>, vector<1x16xi32>,
      %get3A_1272 = vector.shape_cast %get3A_1271 : vector<1x16xi32> to vector<16xi32>
      %mul3A_1273 = arith.constant 512 : i32
      %mul3A_1274 = vector.broadcast %mul3A_1273 : i32 to vector<16xi32>
      %mul3A_1275 = arith.muli %get3A_1272, %mul3A_1274 : vector<16xi32>
      %get3A_1276 = arith.constant 1 : i32
      %get3A_1277 = arith.index_cast %get3A_1276 : i32 to index
      %get3A_1278 = arith.index_cast %mul3A_1247 : i32 to index
      %get3A_1279 = tpu.vector_load %arg7[%get3A_1277, %get3A_1278] {strides = array<i32>} : memref<2x4096xi32, #tpu.memory_space<vmem>>, vector<1x16xi32>,
      %get3A_1280 = vector.shape_cast %get3A_1279 : vector<1x16xi32> to vector<16xi32>
      %add3A_1281 = arith.addi %mul3A_1275, %get3A_1280 : vector<16xi32>
      %add3A_1282 = vector.broadcast %mul3A_32 : i32 to vector<16xi32>
      %add3A_1283 = arith.addi %add3A_1281, %add3A_1282 : vector<16xi32>
      %swap3A_1284 = arith.index_cast %mul3A_1247 : i32 to index
      %swap3A_1285 = tpu.vector_load %arg9[%swap3A_1284] {strides = array<i32>} : memref<4096xi32, #tpu.memory_space<vmem>>, vector<16xi32>,
      %swap3A_1286 = vector.shape_cast %swap3A_1285 : vector<16xi32> to vector<16xi32>
      %swap3A_1287 = vector.shape_cast %add3A_1283 : vector<16xi32> to vector<16xi32>
      tpu.vector_store %arg9[%swap3A_1284], %swap3A_1287 {strides = array<i32>} : memref<4096xi32, #tpu.memory_space<vmem>>, vector<16xi32>,
      %scan3A_1288 = arith.constant 0 : i32
      %scan3A_1289 = arith.constant 3 : i32
      %scan3A_1290 = arith.addi %scan3A_1154, %scan3A_1289 : i32
      %mul3A_1291 = arith.constant 16 : i32
      %mul3A_1292 = arith.muli %scan3A_1290, %mul3A_1291 : i32
      %get3A_1293 = arith.constant 0 : i32
      %get3A_1294 = arith.index_cast %get3A_1293 : i32 to index
      %get3A_1295 = arith.index_cast %mul3A_1292 : i32 to index
      %get3A_1296 = tpu.vector_load %arg6[%get3A_1294, %get3A_1295] {strides = array<i32>} : memref<2x4096xi32, #tpu.memory_space<vmem>>, vector<1x16xi32>,
      %get3A_1297 = vector.shape_cast %get3A_1296 : vector<1x16xi32> to vector<16xi32>
      %mul3A_1298 = arith.constant 512 : i32
      %mul3A_1299 = vector.broadcast %mul3A_1298 : i32 to vector<16xi32>
      %mul3A_1300 = arith.muli %get3A_1297, %mul3A_1299 : vector<16xi32>
      %get3A_1301 = arith.constant 1 : i32
      %get3A_1302 = arith.index_cast %get3A_1301 : i32 to index
      %get3A_1303 = arith.index_cast %mul3A_1292 : i32 to index
      %get3A_1304 = tpu.vector_load %arg6[%get3A_1302, %get3A_1303] {strides = array<i32>} : memref<2x4096xi32, #tpu.memory_space<vmem>>, vector<1x16xi32>,
      %get3A_1305 = vector.shape_cast %get3A_1304 : vector<1x16xi32> to vector<16xi32>
      %add3A_1306 = arith.addi %mul3A_1300, %get3A_1305 : vector<16xi32>
      %add3A_1307 = vector.broadcast %mul3A_32 : i32 to vector<16xi32>
      %add3A_1308 = arith.addi %add3A_1306, %add3A_1307 : vector<16xi32>
      %swap3A_1309 = arith.index_cast %mul3A_1292 : i32 to index
      %swap3A_1310 = tpu.vector_load %arg8[%swap3A_1309] {strides = array<i32>} : memref<4096xi32, #tpu.memory_space<vmem>>, vector<16xi32>,
      %swap3A_1311 = vector.shape_cast %swap3A_1310 : vector<16xi32> to vector<16xi32>
      %swap3A_1312 = vector.shape_cast %add3A_1308 : vector<16xi32> to vector<16xi32>
      tpu.vector_store %arg8[%swap3A_1309], %swap3A_1312 {strides = array<i32>} : memref<4096xi32, #tpu.memory_space<vmem>>, vector<16xi32>,
      %get3A_1313 = arith.constant 0 : i32
      %get3A_1314 = arith.index_cast %get3A_1313 : i32 to index
      %get3A_1315 = arith.index_cast %mul3A_1292 : i32 to index
      %get3A_1316 = tpu.vector_load %arg7[%get3A_1314, %get3A_1315] {strides = array<i32>} : memref<2x4096xi32, #tpu.memory_space<vmem>>, vector<1x16xi32>,
      %get3A_1317 = vector.shape_cast %get3A_1316 : vector<1x16xi32> to vector<16xi32>
      %mul3A_1318 = arith.constant 512 : i32
      %mul3A_1319 = vector.broadcast %mul3A_1318 : i32 to vector<16xi32>
      %mul3A_1320 = arith.muli %get3A_1317, %mul3A_1319 : vector<16xi32>
      %get3A_1321 = arith.constant 1 : i32
      %get3A_1322 = arith.index_cast %get3A_1321 : i32 to index
      %get3A_1323 = arith.index_cast %mul3A_1292 : i32 to index
      %get3A_1324 = tpu.vector_load %arg7[%get3A_1322, %get3A_1323] {strides = array<i32>} : memref<2x4096xi32, #tpu.memory_space<vmem>>, vector<1x16xi32>,
      %get3A_1325 = vector.shape_cast %get3A_1324 : vector<1x16xi32> to vector<16xi32>
      %add3A_1326 = arith.addi %mul3A_1320, %get3A_1325 : vector<16xi32>
      %add3A_1327 = vector.broadcast %mul3A_32 : i32 to vector<16xi32>
      %add3A_1328 = arith.addi %add3A_1326, %add3A_1327 : vector<16xi32>
      %swap3A_1329 = arith.index_cast %mul3A_1292 : i32 to index
      %swap3A_1330 = tpu.vector_load %arg9[%swap3A_1329] {strides = array<i32>} : memref<4096xi32, #tpu.memory_space<vmem>>, vector<16xi32>,
      %swap3A_1331 = vector.shape_cast %swap3A_1330 : vector<16xi32> to vector<16xi32>
      %swap3A_1332 = vector.shape_cast %add3A_1328 : vector<16xi32> to vector<16xi32>
      tpu.vector_store %arg9[%swap3A_1329], %swap3A_1332 {strides = array<i32>} : memref<4096xi32, #tpu.memory_space<vmem>>, vector<16xi32>,
      %scan3A_1333 = arith.constant 0 : i32
      scf.yield %scan3A_1333 : i32
    }
    %scan3A_102 = arith.constant 256 : i32
    %dma_start3A_103 = arith.constant 0 : i32
    %dma_start3A_104 = arith.constant 1 : i32
    %dma_start3A_105 = arith.constant 0 : i32
    %dma_start3A_106 = arith.constant 8192 : i32
    %dma_start3A_107 = tpu.memref_slice %arg3[%select_n3A, %select_n3A_30, %dma_start3A_103, %dma_start3A_105, %dma_start3A_106] : memref<8x4x2x2x16384xi32, #tpu.memory_space<hbm>> -> memref<1x1x1x2x4096xi32, #tpu.memory_space<hbm>>
    %dma_start3A_108 = tpu.memref_squeeze %dma_start3A_107 : memref<1x1x1x2x4096xi32, #tpu.memory_space<hbm>> -> memref<2x4096xi32, #tpu.memory_space<hbm>>
    %dma_start3A_109 = tpu.memref_slice %arg20[%dma_start3A_104] : memref<2x!tpu.dma_semaphore, #tpu.memory_space<semaphore_mem>> -> memref<1x!tpu.dma_semaphore, #tpu.memory_space<semaphore_mem>>
    %dma_start3A_110 = tpu.memref_squeeze %dma_start3A_109 : memref<1x!tpu.dma_semaphore, #tpu.memory_space<semaphore_mem>> -> memref<!tpu.dma_semaphore, #tpu.memory_space<semaphore_mem>>
    %dma_start3A_111 = arith.constant 0 : i32
    %dma_start3A_112 = arith.constant 8192 : i32
    %dma_start3A_113 = tpu.memref_slice %arg3[%select_n3A, %select_n3A_30, %dma_start3A_103, %dma_start3A_111, %dma_start3A_112] : memref<8x4x2x2x16384xi32, #tpu.memory_space<hbm>> -> memref<1x1x1x2x4096xi32, #tpu.memory_space<hbm>>
    %dma_start3A_114 = tpu.memref_squeeze %dma_start3A_113 : memref<1x1x1x2x4096xi32, #tpu.memory_space<hbm>> -> memref<2x4096xi32, #tpu.memory_space<hbm>>
    tpu.enqueue_dma source(%dma_start3A_114 : memref<2x4096xi32, #tpu.memory_space<hbm>>) target(%arg12 : memref<2x4096xi32, #tpu.memory_space<vmem>>) target_semaphore(%dma_start3A_110 : memref<!tpu.dma_semaphore, #tpu.memory_space<semaphore_mem>>)
    %dma_start3A_115 = arith.constant 1 : i32
    %dma_start3A_116 = arith.constant 1 : i32
    %dma_start3A_117 = arith.constant 0 : i32
    %dma_start3A_118 = arith.constant 8192 : i32
    %dma_start3A_119 = tpu.memref_slice %arg3[%select_n3A, %select_n3A_30, %dma_start3A_115, %dma_start3A_117, %dma_start3A_118] : memref<8x4x2x2x16384xi32, #tpu.memory_space<hbm>> -> memref<1x1x1x2x4096xi32, #tpu.memory_space<hbm>>
    %dma_start3A_120 = tpu.memref_squeeze %dma_start3A_119 : memref<1x1x1x2x4096xi32, #tpu.memory_space<hbm>> -> memref<2x4096xi32, #tpu.memory_space<hbm>>
    %dma_start3A_121 = tpu.memref_slice %arg20[%dma_start3A_116] : memref<2x!tpu.dma_semaphore, #tpu.memory_space<semaphore_mem>> -> memref<1x!tpu.dma_semaphore, #tpu.memory_space<semaphore_mem>>
    %dma_start3A_122 = tpu.memref_squeeze %dma_start3A_121 : memref<1x!tpu.dma_semaphore, #tpu.memory_space<semaphore_mem>> -> memref<!tpu.dma_semaphore, #tpu.memory_space<semaphore_mem>>
    %dma_start3A_123 = arith.constant 0 : i32
    %dma_start3A_124 = arith.constant 8192 : i32
    %dma_start3A_125 = tpu.memref_slice %arg3[%select_n3A, %select_n3A_30, %dma_start3A_115, %dma_start3A_123, %dma_start3A_124] : memref<8x4x2x2x16384xi32, #tpu.memory_space<hbm>> -> memref<1x1x1x2x4096xi32, #tpu.memory_space<hbm>>
    %dma_start3A_126 = tpu.memref_squeeze %dma_start3A_125 : memref<1x1x1x2x4096xi32, #tpu.memory_space<hbm>> -> memref<2x4096xi32, #tpu.memory_space<hbm>>
    tpu.enqueue_dma source(%dma_start3A_126 : memref<2x4096xi32, #tpu.memory_space<hbm>>) target(%arg13 : memref<2x4096xi32, #tpu.memory_space<vmem>>) target_semaphore(%dma_start3A_122 : memref<!tpu.dma_semaphore, #tpu.memory_space<semaphore_mem>>)
    %dma_start3A_127 = arith.constant 0 : i32
    %dma_start3A_128 = arith.constant 0 : i32
    %dma_start3A_129 = tpu.memref_slice %arg10[%dma_start3A_128] : memref<4096xf32, #tpu.memory_space<vmem>> -> memref<2048xf32, #tpu.memory_space<vmem>>
    %dma_start3A_130 = arith.constant 0 : i32
    %dma_start3A_131 = tpu.memref_slice %arg8[%dma_start3A_130] : memref<4096xi32, #tpu.memory_space<vmem>> -> memref<2048xi32, #tpu.memory_space<vmem>>
    %dma_start3A_132 = arith.constant 0 : i32
    %dma_start3A_133 = tpu.memref_slice %arg2[%dma_start3A_132] : memref<8388608xf32, #tpu.memory_space<hbm>> -> memref<8388608xf32, #tpu.memory_space<hbm>>
    %dma_start3A_134 = tpu.memref_slice %arg19[%dma_start3A_127] : memref<2x!tpu.dma_semaphore, #tpu.memory_space<semaphore_mem>> -> memref<1x!tpu.dma_semaphore, #tpu.memory_space<semaphore_mem>>
    %dma_start3A_135 = tpu.memref_squeeze %dma_start3A_134 : memref<1x!tpu.dma_semaphore, #tpu.memory_space<semaphore_mem>> -> memref<!tpu.dma_semaphore, #tpu.memory_space<semaphore_mem>>
    tpu.enqueue_indirect_dma source(%dma_start3A_133 : memref<8388608xf32, #tpu.memory_space<hbm>>) target(%dma_start3A_129 : memref<2048xf32, #tpu.memory_space<vmem>>) offsets(%dma_start3A_131 : memref<2048xi32, #tpu.memory_space<vmem>>) semaphore(%dma_start3A_135 : memref<!tpu.dma_semaphore, #tpu.memory_space<semaphore_mem>>)
    %dma_start3A_136 = arith.constant 0 : i32
    %dma_start3A_137 = arith.constant 0 : i32
    %dma_start3A_138 = tpu.memref_slice %arg11[%dma_start3A_137] : memref<4096xf32, #tpu.memory_space<vmem>> -> memref<2048xf32, #tpu.memory_space<vmem>>
    %dma_start3A_139 = arith.constant 0 : i32
    %dma_start3A_140 = tpu.memref_slice %arg9[%dma_start3A_139] : memref<4096xi32, #tpu.memory_space<vmem>> -> memref<2048xi32, #tpu.memory_space<vmem>>
    %dma_start3A_141 = arith.constant 0 : i32
    %dma_start3A_142 = tpu.memref_slice %arg2[%dma_start3A_141] : memref<8388608xf32, #tpu.memory_space<hbm>> -> memref<8388608xf32, #tpu.memory_space<hbm>>
    %dma_start3A_143 = tpu.memref_slice %arg19[%dma_start3A_136] : memref<2x!tpu.dma_semaphore, #tpu.memory_space<semaphore_mem>> -> memref<1x!tpu.dma_semaphore, #tpu.memory_space<semaphore_mem>>
    %dma_start3A_144 = tpu.memref_squeeze %dma_start3A_143 : memref<1x!tpu.dma_semaphore, #tpu.memory_space<semaphore_mem>> -> memref<!tpu.dma_semaphore, #tpu.memory_space<semaphore_mem>>
    tpu.enqueue_indirect_dma source(%dma_start3A_142 : memref<8388608xf32, #tpu.memory_space<hbm>>) target(%dma_start3A_138 : memref<2048xf32, #tpu.memory_space<vmem>>) offsets(%dma_start3A_140 : memref<2048xi32, #tpu.memory_space<vmem>>) semaphore(%dma_start3A_144 : memref<!tpu.dma_semaphore, #tpu.memory_space<semaphore_mem>>)
    %dma_start3A_145 = arith.constant 0 : i32
    %dma_start3A_146 = arith.constant 2048 : i32
    %dma_start3A_147 = tpu.memref_slice %arg10[%dma_start3A_146] : memref<4096xf32, #tpu.memory_space<vmem>> -> memref<2048xf32, #tpu.memory_space<vmem>>
    %dma_start3A_148 = arith.constant 2048 : i32
    %dma_start3A_149 = tpu.memref_slice %arg8[%dma_start3A_148] : memref<4096xi32, #tpu.memory_space<vmem>> -> memref<2048xi32, #tpu.memory_space<vmem>>
    %dma_start3A_150 = arith.constant 0 : i32
    %dma_start3A_151 = tpu.memref_slice %arg2[%dma_start3A_150] : memref<8388608xf32, #tpu.memory_space<hbm>> -> memref<8388608xf32, #tpu.memory_space<hbm>>
    %dma_start3A_152 = tpu.memref_slice %arg19[%dma_start3A_145] : memref<2x!tpu.dma_semaphore, #tpu.memory_space<semaphore_mem>> -> memref<1x!tpu.dma_semaphore, #tpu.memory_space<semaphore_mem>>
    %dma_start3A_153 = tpu.memref_squeeze %dma_start3A_152 : memref<1x!tpu.dma_semaphore, #tpu.memory_space<semaphore_mem>> -> memref<!tpu.dma_semaphore, #tpu.memory_space<semaphore_mem>>
    tpu.enqueue_indirect_dma source(%dma_start3A_151 : memref<8388608xf32, #tpu.memory_space<hbm>>) target(%dma_start3A_147 : memref<2048xf32, #tpu.memory_space<vmem>>) offsets(%dma_start3A_149 : memref<2048xi32, #tpu.memory_space<vmem>>) semaphore(%dma_start3A_153 : memref<!tpu.dma_semaphore, #tpu.memory_space<semaphore_mem>>)
    %dma_start3A_154 = arith.constant 0 : i32
    %dma_start3A_155 = arith.constant 2048 : i32
    %dma_start3A_156 = tpu.memref_slice %arg11[%dma_start3A_155] : memref<4096xf32, #tpu.memory_space<vmem>> -> memref<2048xf32, #tpu.memory_space<vmem>>
    %dma_start3A_157 = arith.constant 2048 : i32
    %dma_start3A_158 = tpu.memref_slice %arg9[%dma_start3A_157] : memref<4096xi32, #tpu.memory_space<vmem>> -> memref<2048xi32, #tpu.memory_space<vmem>>
    %dma_start3A_159 = arith.constant 0 : i32
    %dma_start3A_160 = tpu.memref_slice %arg2[%dma_start3A_159] : memref<8388608xf32, #tpu.memory_space<hbm>> -> memref<8388608xf32, #tpu.memory_space<hbm>>
    %dma_start3A_161 = tpu.memref_slice %arg19[%dma_start3A_154] : memref<2x!tpu.dma_semaphore, #tpu.memory_space<semaphore_mem>> -> memref<1x!tpu.dma_semaphore, #tpu.memory_space<semaphore_mem>>
    %dma_start3A_162 = tpu.memref_squeeze %dma_start3A_161 : memref<1x!tpu.dma_semaphore, #tpu.memory_space<semaphore_mem>> -> memref<!tpu.dma_semaphore, #tpu.memory_space<semaphore_mem>>
    tpu.enqueue_indirect_dma source(%dma_start3A_160 : memref<8388608xf32, #tpu.memory_space<hbm>>) target(%dma_start3A_156 : memref<2048xf32, #tpu.memory_space<vmem>>) offsets(%dma_start3A_158 : memref<2048xi32, #tpu.memory_space<vmem>>) semaphore(%dma_start3A_162 : memref<!tpu.dma_semaphore, #tpu.memory_space<semaphore_mem>>)
    %dma_wait3A_163 = arith.constant 0 : i32
    %dma_wait3A_164 = arith.constant 1 : i32
    %dma_wait3A_165 = arith.constant 0 : i32
    %dma_wait3A_166 = arith.constant 8192 : i32
    %dma_wait3A_167 = tpu.memref_slice %arg3[%select_n3A, %select_n3A_30, %dma_wait3A_163, %dma_wait3A_165, %dma_wait3A_166] : memref<8x4x2x2x16384xi32, #tpu.memory_space<hbm>> -> memref<1x1x1x2x4096xi32, #tpu.memory_space<hbm>>
    %dma_wait3A_168 = tpu.memref_squeeze %dma_wait3A_167 : memref<1x1x1x2x4096xi32, #tpu.memory_space<hbm>> -> memref<2x4096xi32, #tpu.memory_space<hbm>>
    %dma_wait3A_169 = tpu.memref_slice %arg20[%dma_wait3A_164] : memref<2x!tpu.dma_semaphore, #tpu.memory_space<semaphore_mem>> -> memref<1x!tpu.dma_semaphore, #tpu.memory_space<semaphore_mem>>
    %dma_wait3A_170 = tpu.memref_squeeze %dma_wait3A_169 : memref<1x!tpu.dma_semaphore, #tpu.memory_space<semaphore_mem>> -> memref<!tpu.dma_semaphore, #tpu.memory_space<semaphore_mem>>
    %dma_wait3A_171 = arith.constant 0 : i32
    %dma_wait3A_172 = arith.constant 8192 : i32
    %dma_wait3A_173 = tpu.memref_slice %arg3[%select_n3A, %select_n3A_30, %dma_wait3A_163, %dma_wait3A_171, %dma_wait3A_172] : memref<8x4x2x2x16384xi32, #tpu.memory_space<hbm>> -> memref<1x1x1x2x4096xi32, #tpu.memory_space<hbm>>
    %dma_wait3A_174 = tpu.memref_squeeze %dma_wait3A_173 : memref<1x1x1x2x4096xi32, #tpu.memory_space<hbm>> -> memref<2x4096xi32, #tpu.memory_space<hbm>>
    tpu.wait_dma2 semaphore(%dma_wait3A_170 : memref<!tpu.dma_semaphore, #tpu.memory_space<semaphore_mem>>) src(%dma_wait3A_174 : memref<2x4096xi32, #tpu.memory_space<hbm>>) dst(%arg12 : memref<2x4096xi32, #tpu.memory_space<vmem>>)
    %dma_wait3A_175 = arith.constant 1 : i32
    %dma_wait3A_176 = arith.constant 1 : i32
    %dma_wait3A_177 = arith.constant 0 : i32
    %dma_wait3A_178 = arith.constant 8192 : i32
    %dma_wait3A_179 = tpu.memref_slice %arg3[%select_n3A, %select_n3A_30, %dma_wait3A_175, %dma_wait3A_177, %dma_wait3A_178] : memref<8x4x2x2x16384xi32, #tpu.memory_space<hbm>> -> memref<1x1x1x2x4096xi32, #tpu.memory_space<hbm>>
    %dma_wait3A_180 = tpu.memref_squeeze %dma_wait3A_179 : memref<1x1x1x2x4096xi32, #tpu.memory_space<hbm>> -> memref<2x4096xi32, #tpu.memory_space<hbm>>
    %dma_wait3A_181 = tpu.memref_slice %arg20[%dma_wait3A_176] : memref<2x!tpu.dma_semaphore, #tpu.memory_space<semaphore_mem>> -> memref<1x!tpu.dma_semaphore, #tpu.memory_space<semaphore_mem>>
    %dma_wait3A_182 = tpu.memref_squeeze %dma_wait3A_181 : memref<1x!tpu.dma_semaphore, #tpu.memory_space<semaphore_mem>> -> memref<!tpu.dma_semaphore, #tpu.memory_space<semaphore_mem>>
    %dma_wait3A_183 = arith.constant 0 : i32
    %dma_wait3A_184 = arith.constant 8192 : i32
    %dma_wait3A_185 = tpu.memref_slice %arg3[%select_n3A, %select_n3A_30, %dma_wait3A_175, %dma_wait3A_183, %dma_wait3A_184] : memref<8x4x2x2x16384xi32, #tpu.memory_space<hbm>> -> memref<1x1x1x2x4096xi32, #tpu.memory_space<hbm>>
    %dma_wait3A_186 = tpu.memref_squeeze %dma_wait3A_185 : memref<1x1x1x2x4096xi32, #tpu.memory_space<hbm>> -> memref<2x4096xi32, #tpu.memory_space<hbm>>
    tpu.wait_dma2 semaphore(%dma_wait3A_182 : memref<!tpu.dma_semaphore, #tpu.memory_space<semaphore_mem>>) src(%dma_wait3A_186 : memref<2x4096xi32, #tpu.memory_space<hbm>>) dst(%arg13 : memref<2x4096xi32, #tpu.memory_space<vmem>>)
    %scan3A_187 = arith.constant 0 : i32
    %scan3A_188 = arith.constant 0 : i32
    %scan3A_189 = arith.constant 256 : i32
    %scan3A_190 = arith.addi %scan3A_188, %scan3A_189 : i32
    %scan3A_191 = arith.constant 4 : i32
    %scan3A_192 = scf.for %scan3A_1154 = %scan3A_188 to %scan3A_190 step %scan3A_191 iter_args(%scan3A_1155 = %scan3A_187) -> (i32)  : i32 {
      %mul3A_1156 = arith.constant 16 : i32
      %mul3A_1157 = arith.muli %scan3A_1154, %mul3A_1156 : i32
      %get3A_1158 = arith.constant 0 : i32
      %get3A_1159 = arith.index_cast %get3A_1158 : i32 to index
      %get3A_1160 = arith.index_cast %mul3A_1157 : i32 to index
      %get3A_1161 = tpu.vector_load %arg12[%get3A_1159, %get3A_1160] {strides = array<i32>} : memref<2x4096xi32, #tpu.memory_space<vmem>>, vector<1x16xi32>,
      %get3A_1162 = vector.shape_cast %get3A_1161 : vector<1x16xi32> to vector<16xi32>
      %mul3A_1163 = arith.constant 512 : i32
      %mul3A_1164 = vector.broadcast %mul3A_1163 : i32 to vector<16xi32>
      %mul3A_1165 = arith.muli %get3A_1162, %mul3A_1164 : vector<16xi32>
      %get3A_1166 = arith.constant 1 : i32
      %get3A_1167 = arith.index_cast %get3A_1166 : i32 to index
      %get3A_1168 = arith.index_cast %mul3A_1157 : i32 to index
      %get3A_1169 = tpu.vector_load %arg12[%get3A_1167, %get3A_1168] {strides = array<i32>} : memref<2x4096xi32, #tpu.memory_space<vmem>>, vector<1x16xi32>,
      %get3A_1170 = vector.shape_cast %get3A_1169 : vector<1x16xi32> to vector<16xi32>
      %add3A_1171 = arith.addi %mul3A_1165, %get3A_1170 : vector<16xi32>
      %add3A_1172 = vector.broadcast %mul3A_32 : i32 to vector<16xi32>
      %add3A_1173 = arith.addi %add3A_1171, %add3A_1172 : vector<16xi32>
      %swap3A_1174 = arith.index_cast %mul3A_1157 : i32 to index
      %swap3A_1175 = tpu.vector_load %arg14[%swap3A_1174] {strides = array<i32>} : memref<4096xi32, #tpu.memory_space<vmem>>, vector<16xi32>,
      %swap3A_1176 = vector.shape_cast %swap3A_1175 : vector<16xi32> to vector<16xi32>
      %swap3A_1177 = vector.shape_cast %add3A_1173 : vector<16xi32> to vector<16xi32>
      tpu.vector_store %arg14[%swap3A_1174], %swap3A_1177 {strides = array<i32>} : memref<4096xi32, #tpu.memory_space<vmem>>, vector<16xi32>,
      %get3A_1178 = arith.constant 0 : i32
      %get3A_1179 = arith.index_cast %get3A_1178 : i32 to index
      %get3A_1180 = arith.index_cast %mul3A_1157 : i32 to index
      %get3A_1181 = tpu.vector_load %arg13[%get3A_1179, %get3A_1180] {strides = array<i32>} : memref<2x4096xi32, #tpu.memory_space<vmem>>, vector<1x16xi32>,
      %get3A_1182 = vector.shape_cast %get3A_1181 : vector<1x16xi32> to vector<16xi32>
      %mul3A_1183 = arith.constant 512 : i32
      %mul3A_1184 = vector.broadcast %mul3A_1183 : i32 to vector<16xi32>
      %mul3A_1185 = arith.muli %get3A_1182, %mul3A_1184 : vector<16xi32>
      %get3A_1186 = arith.constant 1 : i32
      %get3A_1187 = arith.index_cast %get3A_1186 : i32 to index
      %get3A_1188 = arith.index_cast %mul3A_1157 : i32 to index
      %get3A_1189 = tpu.vector_load %arg13[%get3A_1187, %get3A_1188] {strides = array<i32>} : memref<2x4096xi32, #tpu.memory_space<vmem>>, vector<1x16xi32>,
      %get3A_1190 = vector.shape_cast %get3A_1189 : vector<1x16xi32> to vector<16xi32>
      %add3A_1191 = arith.addi %mul3A_1185, %get3A_1190 : vector<16xi32>
      %add3A_1192 = vector.broadcast %mul3A_32 : i32 to vector<16xi32>
      %add3A_1193 = arith.addi %add3A_1191, %add3A_1192 : vector<16xi32>
      %swap3A_1194 = arith.index_cast %mul3A_1157 : i32 to index
      %swap3A_1195 = tpu.vector_load %arg15[%swap3A_1194] {strides = array<i32>} : memref<4096xi32, #tpu.memory_space<vmem>>, vector<16xi32>,
      %swap3A_1196 = vector.shape_cast %swap3A_1195 : vector<16xi32> to vector<16xi32>
      %swap3A_1197 = vector.shape_cast %add3A_1193 : vector<16xi32> to vector<16xi32>
      tpu.vector_store %arg15[%swap3A_1194], %swap3A_1197 {strides = array<i32>} : memref<4096xi32, #tpu.memory_space<vmem>>, vector<16xi32>,
      %scan3A_1198 = arith.constant 0 : i32
      %scan3A_1199 = arith.constant 1 : i32
      %scan3A_1200 = arith.addi %scan3A_1154, %scan3A_1199 : i32
      %mul3A_1201 = arith.constant 16 : i32
      %mul3A_1202 = arith.muli %scan3A_1200, %mul3A_1201 : i32
      %get3A_1203 = arith.constant 0 : i32
      %get3A_1204 = arith.index_cast %get3A_1203 : i32 to index
      %get3A_1205 = arith.index_cast %mul3A_1202 : i32 to index
      %get3A_1206 = tpu.vector_load %arg12[%get3A_1204, %get3A_1205] {strides = array<i32>} : memref<2x4096xi32, #tpu.memory_space<vmem>>, vector<1x16xi32>,
      %get3A_1207 = vector.shape_cast %get3A_1206 : vector<1x16xi32> to vector<16xi32>
      %mul3A_1208 = arith.constant 512 : i32
      %mul3A_1209 = vector.broadcast %mul3A_1208 : i32 to vector<16xi32>
      %mul3A_1210 = arith.muli %get3A_1207, %mul3A_1209 : vector<16xi32>
      %get3A_1211 = arith.constant 1 : i32
      %get3A_1212 = arith.index_cast %get3A_1211 : i32 to index
      %get3A_1213 = arith.index_cast %mul3A_1202 : i32 to index
      %get3A_1214 = tpu.vector_load %arg12[%get3A_1212, %get3A_1213] {strides = array<i32>} : memref<2x4096xi32, #tpu.memory_space<vmem>>, vector<1x16xi32>,
      %get3A_1215 = vector.shape_cast %get3A_1214 : vector<1x16xi32> to vector<16xi32>
      %add3A_1216 = arith.addi %mul3A_1210, %get3A_1215 : vector<16xi32>
      %add3A_1217 = vector.broadcast %mul3A_32 : i32 to vector<16xi32>
      %add3A_1218 = arith.addi %add3A_1216, %add3A_1217 : vector<16xi32>
      %swap3A_1219 = arith.index_cast %mul3A_1202 : i32 to index
      %swap3A_1220 = tpu.vector_load %arg14[%swap3A_1219] {strides = array<i32>} : memref<4096xi32, #tpu.memory_space<vmem>>, vector<16xi32>,
      %swap3A_1221 = vector.shape_cast %swap3A_1220 : vector<16xi32> to vector<16xi32>
      %swap3A_1222 = vector.shape_cast %add3A_1218 : vector<16xi32> to vector<16xi32>
      tpu.vector_store %arg14[%swap3A_1219], %swap3A_1222 {strides = array<i32>} : memref<4096xi32, #tpu.memory_space<vmem>>, vector<16xi32>,
      %get3A_1223 = arith.constant 0 : i32
      %get3A_1224 = arith.index_cast %get3A_1223 : i32 to index
      %get3A_1225 = arith.index_cast %mul3A_1202 : i32 to index
      %get3A_1226 = tpu.vector_load %arg13[%get3A_1224, %get3A_1225] {strides = array<i32>} : memref<2x4096xi32, #tpu.memory_space<vmem>>, vector<1x16xi32>,
      %get3A_1227 = vector.shape_cast %get3A_1226 : vector<1x16xi32> to vector<16xi32>
      %mul3A_1228 = arith.constant 512 : i32
      %mul3A_1229 = vector.broadcast %mul3A_1228 : i32 to vector<16xi32>
      %mul3A_1230 = arith.muli %get3A_1227, %mul3A_1229 : vector<16xi32>
      %get3A_1231 = arith.constant 1 : i32
      %get3A_1232 = arith.index_cast %get3A_1231 : i32 to index
      %get3A_1233 = arith.index_cast %mul3A_1202 : i32 to index
      %get3A_1234 = tpu.vector_load %arg13[%get3A_1232, %get3A_1233] {strides = array<i32>} : memref<2x4096xi32, #tpu.memory_space<vmem>>, vector<1x16xi32>,
      %get3A_1235 = vector.shape_cast %get3A_1234 : vector<1x16xi32> to vector<16xi32>
      %add3A_1236 = arith.addi %mul3A_1230, %get3A_1235 : vector<16xi32>
      %add3A_1237 = vector.broadcast %mul3A_32 : i32 to vector<16xi32>
      %add3A_1238 = arith.addi %add3A_1236, %add3A_1237 : vector<16xi32>
      %swap3A_1239 = arith.index_cast %mul3A_1202 : i32 to index
      %swap3A_1240 = tpu.vector_load %arg15[%swap3A_1239] {strides = array<i32>} : memref<4096xi32, #tpu.memory_space<vmem>>, vector<16xi32>,
      %swap3A_1241 = vector.shape_cast %swap3A_1240 : vector<16xi32> to vector<16xi32>
      %swap3A_1242 = vector.shape_cast %add3A_1238 : vector<16xi32> to vector<16xi32>
      tpu.vector_store %arg15[%swap3A_1239], %swap3A_1242 {strides = array<i32>} : memref<4096xi32, #tpu.memory_space<vmem>>, vector<16xi32>,
      %scan3A_1243 = arith.constant 0 : i32
      %scan3A_1244 = arith.constant 2 : i32
      %scan3A_1245 = arith.addi %scan3A_1154, %scan3A_1244 : i32
      %mul3A_1246 = arith.constant 16 : i32
      %mul3A_1247 = arith.muli %scan3A_1245, %mul3A_1246 : i32
      %get3A_1248 = arith.constant 0 : i32
      %get3A_1249 = arith.index_cast %get3A_1248 : i32 to index
      %get3A_1250 = arith.index_cast %mul3A_1247 : i32 to index
      %get3A_1251 = tpu.vector_load %arg12[%get3A_1249, %get3A_1250] {strides = array<i32>} : memref<2x4096xi32, #tpu.memory_space<vmem>>, vector<1x16xi32>,
      %get3A_1252 = vector.shape_cast %get3A_1251 : vector<1x16xi32> to vector<16xi32>
      %mul3A_1253 = arith.constant 512 : i32
      %mul3A_1254 = vector.broadcast %mul3A_1253 : i32 to vector<16xi32>
      %mul3A_1255 = arith.muli %get3A_1252, %mul3A_1254 : vector<16xi32>
      %get3A_1256 = arith.constant 1 : i32
      %get3A_1257 = arith.index_cast %get3A_1256 : i32 to index
      %get3A_1258 = arith.index_cast %mul3A_1247 : i32 to index
      %get3A_1259 = tpu.vector_load %arg12[%get3A_1257, %get3A_1258] {strides = array<i32>} : memref<2x4096xi32, #tpu.memory_space<vmem>>, vector<1x16xi32>,
      %get3A_1260 = vector.shape_cast %get3A_1259 : vector<1x16xi32> to vector<16xi32>
      %add3A_1261 = arith.addi %mul3A_1255, %get3A_1260 : vector<16xi32>
      %add3A_1262 = vector.broadcast %mul3A_32 : i32 to vector<16xi32>
      %add3A_1263 = arith.addi %add3A_1261, %add3A_1262 : vector<16xi32>
      %swap3A_1264 = arith.index_cast %mul3A_1247 : i32 to index
      %swap3A_1265 = tpu.vector_load %arg14[%swap3A_1264] {strides = array<i32>} : memref<4096xi32, #tpu.memory_space<vmem>>, vector<16xi32>,
      %swap3A_1266 = vector.shape_cast %swap3A_1265 : vector<16xi32> to vector<16xi32>
      %swap3A_1267 = vector.shape_cast %add3A_1263 : vector<16xi32> to vector<16xi32>
      tpu.vector_store %arg14[%swap3A_1264], %swap3A_1267 {strides = array<i32>} : memref<4096xi32, #tpu.memory_space<vmem>>, vector<16xi32>,
      %get3A_1268 = arith.constant 0 : i32
      %get3A_1269 = arith.index_cast %get3A_1268 : i32 to index
      %get3A_1270 = arith.index_cast %mul3A_1247 : i32 to index
      %get3A_1271 = tpu.vector_load %arg13[%get3A_1269, %get3A_1270] {strides = array<i32>} : memref<2x4096xi32, #tpu.memory_space<vmem>>, vector<1x16xi32>,
      %get3A_1272 = vector.shape_cast %get3A_1271 : vector<1x16xi32> to vector<16xi32>
      %mul3A_1273 = arith.constant 512 : i32
      %mul3A_1274 = vector.broadcast %mul3A_1273 : i32 to vector<16xi32>
      %mul3A_1275 = arith.muli %get3A_1272, %mul3A_1274 : vector<16xi32>
      %get3A_1276 = arith.constant 1 : i32
      %get3A_1277 = arith.index_cast %get3A_1276 : i32 to index
      %get3A_1278 = arith.index_cast %mul3A_1247 : i32 to index
      %get3A_1279 = tpu.vector_load %arg13[%get3A_1277, %get3A_1278] {strides = array<i32>} : memref<2x4096xi32, #tpu.memory_space<vmem>>, vector<1x16xi32>,
      %get3A_1280 = vector.shape_cast %get3A_1279 : vector<1x16xi32> to vector<16xi32>
      %add3A_1281 = arith.addi %mul3A_1275, %get3A_1280 : vector<16xi32>
      %add3A_1282 = vector.broadcast %mul3A_32 : i32 to vector<16xi32>
      %add3A_1283 = arith.addi %add3A_1281, %add3A_1282 : vector<16xi32>
      %swap3A_1284 = arith.index_cast %mul3A_1247 : i32 to index
      %swap3A_1285 = tpu.vector_load %arg15[%swap3A_1284] {strides = array<i32>} : memref<4096xi32, #tpu.memory_space<vmem>>, vector<16xi32>,
      %swap3A_1286 = vector.shape_cast %swap3A_1285 : vector<16xi32> to vector<16xi32>
      %swap3A_1287 = vector.shape_cast %add3A_1283 : vector<16xi32> to vector<16xi32>
      tpu.vector_store %arg15[%swap3A_1284], %swap3A_1287 {strides = array<i32>} : memref<4096xi32, #tpu.memory_space<vmem>>, vector<16xi32>,
      %scan3A_1288 = arith.constant 0 : i32
      %scan3A_1289 = arith.constant 3 : i32
      %scan3A_1290 = arith.addi %scan3A_1154, %scan3A_1289 : i32
      %mul3A_1291 = arith.constant 16 : i32
      %mul3A_1292 = arith.muli %scan3A_1290, %mul3A_1291 : i32
      %get3A_1293 = arith.constant 0 : i32
      %get3A_1294 = arith.index_cast %get3A_1293 : i32 to index
      %get3A_1295 = arith.index_cast %mul3A_1292 : i32 to index
      %get3A_1296 = tpu.vector_load %arg12[%get3A_1294, %get3A_1295] {strides = array<i32>} : memref<2x4096xi32, #tpu.memory_space<vmem>>, vector<1x16xi32>,
      %get3A_1297 = vector.shape_cast %get3A_1296 : vector<1x16xi32> to vector<16xi32>
      %mul3A_1298 = arith.constant 512 : i32
      %mul3A_1299 = vector.broadcast %mul3A_1298 : i32 to vector<16xi32>
      %mul3A_1300 = arith.muli %get3A_1297, %mul3A_1299 : vector<16xi32>
      %get3A_1301 = arith.constant 1 : i32
      %get3A_1302 = arith.index_cast %get3A_1301 : i32 to index
      %get3A_1303 = arith.index_cast %mul3A_1292 : i32 to index
      %get3A_1304 = tpu.vector_load %arg12[%get3A_1302, %get3A_1303] {strides = array<i32>} : memref<2x4096xi32, #tpu.memory_space<vmem>>, vector<1x16xi32>,
      %get3A_1305 = vector.shape_cast %get3A_1304 : vector<1x16xi32> to vector<16xi32>
      %add3A_1306 = arith.addi %mul3A_1300, %get3A_1305 : vector<16xi32>
      %add3A_1307 = vector.broadcast %mul3A_32 : i32 to vector<16xi32>
      %add3A_1308 = arith.addi %add3A_1306, %add3A_1307 : vector<16xi32>
      %swap3A_1309 = arith.index_cast %mul3A_1292 : i32 to index
      %swap3A_1310 = tpu.vector_load %arg14[%swap3A_1309] {strides = array<i32>} : memref<4096xi32, #tpu.memory_space<vmem>>, vector<16xi32>,
      %swap3A_1311 = vector.shape_cast %swap3A_1310 : vector<16xi32> to vector<16xi32>
      %swap3A_1312 = vector.shape_cast %add3A_1308 : vector<16xi32> to vector<16xi32>
      tpu.vector_store %arg14[%swap3A_1309], %swap3A_1312 {strides = array<i32>} : memref<4096xi32, #tpu.memory_space<vmem>>, vector<16xi32>,
      %get3A_1313 = arith.constant 0 : i32
      %get3A_1314 = arith.index_cast %get3A_1313 : i32 to index
      %get3A_1315 = arith.index_cast %mul3A_1292 : i32 to index
      %get3A_1316 = tpu.vector_load %arg13[%get3A_1314, %get3A_1315] {strides = array<i32>} : memref<2x4096xi32, #tpu.memory_space<vmem>>, vector<1x16xi32>,
      %get3A_1317 = vector.shape_cast %get3A_1316 : vector<1x16xi32> to vector<16xi32>
      %mul3A_1318 = arith.constant 512 : i32
      %mul3A_1319 = vector.broadcast %mul3A_1318 : i32 to vector<16xi32>
      %mul3A_1320 = arith.muli %get3A_1317, %mul3A_1319 : vector<16xi32>
      %get3A_1321 = arith.constant 1 : i32
      %get3A_1322 = arith.index_cast %get3A_1321 : i32 to index
      %get3A_1323 = arith.index_cast %mul3A_1292 : i32 to index
      %get3A_1324 = tpu.vector_load %arg13[%get3A_1322, %get3A_1323] {strides = array<i32>} : memref<2x4096xi32, #tpu.memory_space<vmem>>, vector<1x16xi32>,
      %get3A_1325 = vector.shape_cast %get3A_1324 : vector<1x16xi32> to vector<16xi32>
      %add3A_1326 = arith.addi %mul3A_1320, %get3A_1325 : vector<16xi32>
      %add3A_1327 = vector.broadcast %mul3A_32 : i32 to vector<16xi32>
      %add3A_1328 = arith.addi %add3A_1326, %add3A_1327 : vector<16xi32>
      %swap3A_1329 = arith.index_cast %mul3A_1292 : i32 to index
      %swap3A_1330 = tpu.vector_load %arg15[%swap3A_1329] {strides = array<i32>} : memref<4096xi32, #tpu.memory_space<vmem>>, vector<16xi32>,
      %swap3A_1331 = vector.shape_cast %swap3A_1330 : vector<16xi32> to vector<16xi32>
      %swap3A_1332 = vector.shape_cast %add3A_1328 : vector<16xi32> to vector<16xi32>
      tpu.vector_store %arg15[%swap3A_1329], %swap3A_1332 {strides = array<i32>} : memref<4096xi32, #tpu.memory_space<vmem>>, vector<16xi32>,
      %scan3A_1333 = arith.constant 0 : i32
      scf.yield %scan3A_1333 : i32
    }
    %scan3A_193 = arith.constant 256 : i32
    %dma_start3A_194 = arith.constant 1 : i32
    %dma_start3A_195 = arith.constant 0 : i32
    %dma_start3A_196 = tpu.memref_slice %arg16[%dma_start3A_195] : memref<4096xf32, #tpu.memory_space<vmem>> -> memref<2048xf32, #tpu.memory_space<vmem>>
    %dma_start3A_197 = arith.constant 0 : i32
    %dma_start3A_198 = tpu.memref_slice %arg14[%dma_start3A_197] : memref<4096xi32, #tpu.memory_space<vmem>> -> memref<2048xi32, #tpu.memory_space<vmem>>
    %dma_start3A_199 = arith.constant 0 : i32
    %dma_start3A_200 = tpu.memref_slice %arg2[%dma_start3A_199] : memref<8388608xf32, #tpu.memory_space<hbm>> -> memref<8388608xf32, #tpu.memory_space<hbm>>
    %dma_start3A_201 = tpu.memref_slice %arg19[%dma_start3A_194] : memref<2x!tpu.dma_semaphore, #tpu.memory_space<semaphore_mem>> -> memref<1x!tpu.dma_semaphore, #tpu.memory_space<semaphore_mem>>
    %dma_start3A_202 = tpu.memref_squeeze %dma_start3A_201 : memref<1x!tpu.dma_semaphore, #tpu.memory_space<semaphore_mem>> -> memref<!tpu.dma_semaphore, #tpu.memory_space<semaphore_mem>>
    tpu.enqueue_indirect_dma source(%dma_start3A_200 : memref<8388608xf32, #tpu.memory_space<hbm>>) target(%dma_start3A_196 : memref<2048xf32, #tpu.memory_space<vmem>>) offsets(%dma_start3A_198 : memref<2048xi32, #tpu.memory_space<vmem>>) semaphore(%dma_start3A_202 : memref<!tpu.dma_semaphore, #tpu.memory_space<semaphore_mem>>)
    %dma_start3A_203 = arith.constant 1 : i32
    %dma_start3A_204 = arith.constant 0 : i32
    %dma_start3A_205 = tpu.memref_slice %arg17[%dma_start3A_204] : memref<4096xf32, #tpu.memory_space<vmem>> -> memref<2048xf32, #tpu.memory_space<vmem>>
    %dma_start3A_206 = arith.constant 0 : i32
    %dma_start3A_207 = tpu.memref_slice %arg15[%dma_start3A_206] : memref<4096xi32, #tpu.memory_space<vmem>> -> memref<2048xi32, #tpu.memory_space<vmem>>
    %dma_start3A_208 = arith.constant 0 : i32
    %dma_start3A_209 = tpu.memref_slice %arg2[%dma_start3A_208] : memref<8388608xf32, #tpu.memory_space<hbm>> -> memref<8388608xf32, #tpu.memory_space<hbm>>
    %dma_start3A_210 = tpu.memref_slice %arg19[%dma_start3A_203] : memref<2x!tpu.dma_semaphore, #tpu.memory_space<semaphore_mem>> -> memref<1x!tpu.dma_semaphore, #tpu.memory_space<semaphore_mem>>
    %dma_start3A_211 = tpu.memref_squeeze %dma_start3A_210 : memref<1x!tpu.dma_semaphore, #tpu.memory_space<semaphore_mem>> -> memref<!tpu.dma_semaphore, #tpu.memory_space<semaphore_mem>>
    tpu.enqueue_indirect_dma source(%dma_start3A_209 : memref<8388608xf32, #tpu.memory_space<hbm>>) target(%dma_start3A_205 : memref<2048xf32, #tpu.memory_space<vmem>>) offsets(%dma_start3A_207 : memref<2048xi32, #tpu.memory_space<vmem>>) semaphore(%dma_start3A_211 : memref<!tpu.dma_semaphore, #tpu.memory_space<semaphore_mem>>)
    %dma_start3A_212 = arith.constant 1 : i32
    %dma_start3A_213 = arith.constant 2048 : i32
    %dma_start3A_214 = tpu.memref_slice %arg16[%dma_start3A_213] : memref<4096xf32, #tpu.memory_space<vmem>> -> memref<2048xf32, #tpu.memory_space<vmem>>
    %dma_start3A_215 = arith.constant 2048 : i32
    %dma_start3A_216 = tpu.memref_slice %arg14[%dma_start3A_215] : memref<4096xi32, #tpu.memory_space<vmem>> -> memref<2048xi32, #tpu.memory_space<vmem>>
    %dma_start3A_217 = arith.constant 0 : i32
    %dma_start3A_218 = tpu.memref_slice %arg2[%dma_start3A_217] : memref<8388608xf32, #tpu.memory_space<hbm>> -> memref<8388608xf32, #tpu.memory_space<hbm>>
    %dma_start3A_219 = tpu.memref_slice %arg19[%dma_start3A_212] : memref<2x!tpu.dma_semaphore, #tpu.memory_space<semaphore_mem>> -> memref<1x!tpu.dma_semaphore, #tpu.memory_space<semaphore_mem>>
    %dma_start3A_220 = tpu.memref_squeeze %dma_start3A_219 : memref<1x!tpu.dma_semaphore, #tpu.memory_space<semaphore_mem>> -> memref<!tpu.dma_semaphore, #tpu.memory_space<semaphore_mem>>
    tpu.enqueue_indirect_dma source(%dma_start3A_218 : memref<8388608xf32, #tpu.memory_space<hbm>>) target(%dma_start3A_214 : memref<2048xf32, #tpu.memory_space<vmem>>) offsets(%dma_start3A_216 : memref<2048xi32, #tpu.memory_space<vmem>>) semaphore(%dma_start3A_220 : memref<!tpu.dma_semaphore, #tpu.memory_space<semaphore_mem>>)
    %dma_start3A_221 = arith.constant 1 : i32
    %dma_start3A_222 = arith.constant 2048 : i32
    %dma_start3A_223 = tpu.memref_slice %arg17[%dma_start3A_222] : memref<4096xf32, #tpu.memory_space<vmem>> -> memref<2048xf32, #tpu.memory_space<vmem>>
    %dma_start3A_224 = arith.constant 2048 : i32
    %dma_start3A_225 = tpu.memref_slice %arg15[%dma_start3A_224] : memref<4096xi32, #tpu.memory_space<vmem>> -> memref<2048xi32, #tpu.memory_space<vmem>>
    %dma_start3A_226 = arith.constant 0 : i32
    %dma_start3A_227 = tpu.memref_slice %arg2[%dma_start3A_226] : memref<8388608xf32, #tpu.memory_space<hbm>> -> memref<8388608xf32, #tpu.memory_space<hbm>>
    %dma_start3A_228 = tpu.memref_slice %arg19[%dma_start3A_221] : memref<2x!tpu.dma_semaphore, #tpu.memory_space<semaphore_mem>> -> memref<1x!tpu.dma_semaphore, #tpu.memory_space<semaphore_mem>>
    %dma_start3A_229 = tpu.memref_squeeze %dma_start3A_228 : memref<1x!tpu.dma_semaphore, #tpu.memory_space<semaphore_mem>> -> memref<!tpu.dma_semaphore, #tpu.memory_space<semaphore_mem>>
    tpu.enqueue_indirect_dma source(%dma_start3A_227 : memref<8388608xf32, #tpu.memory_space<hbm>>) target(%dma_start3A_223 : memref<2048xf32, #tpu.memory_space<vmem>>) offsets(%dma_start3A_225 : memref<2048xi32, #tpu.memory_space<vmem>>) semaphore(%dma_start3A_229 : memref<!tpu.dma_semaphore, #tpu.memory_space<semaphore_mem>>)
    %dma_wait3A_230 = arith.constant 0 : i32
    %dma_wait3A_231 = arith.constant 0 : i32
    %dma_wait3A_232 = tpu.memref_slice %arg10[%dma_wait3A_231] : memref<4096xf32, #tpu.memory_space<vmem>> -> memref<2048xf32, #tpu.memory_space<vmem>>
    %dma_wait3A_233 = arith.constant 0 : i32
    %dma_wait3A_234 = tpu.memref_slice %arg8[%dma_wait3A_233] : memref<4096xi32, #tpu.memory_space<vmem>> -> memref<2048xi32, #tpu.memory_space<vmem>>
    %dma_wait3A_235 = arith.constant 0 : i32
    %dma_wait3A_236 = tpu.memref_slice %arg2[%dma_wait3A_235] : memref<8388608xf32, #tpu.memory_space<hbm>> -> memref<8388608xf32, #tpu.memory_space<hbm>>
    %dma_wait3A_237 = tpu.memref_slice %arg19[%dma_wait3A_230] : memref<2x!tpu.dma_semaphore, #tpu.memory_space<semaphore_mem>> -> memref<1x!tpu.dma_semaphore, #tpu.memory_space<semaphore_mem>>
    %dma_wait3A_238 = tpu.memref_squeeze %dma_wait3A_237 : memref<1x!tpu.dma_semaphore, #tpu.memory_space<semaphore_mem>> -> memref<!tpu.dma_semaphore, #tpu.memory_space<semaphore_mem>>
    tpu.wait_indirect_dma semaphore(%dma_wait3A_238 : memref<!tpu.dma_semaphore, #tpu.memory_space<semaphore_mem>>) src(%dma_wait3A_236 : memref<8388608xf32, #tpu.memory_space<hbm>>) dst(%dma_wait3A_232 : memref<2048xf32, #tpu.memory_space<vmem>>)
    %dma_wait3A_239 = arith.constant 0 : i32
    %dma_wait3A_240 = arith.constant 0 : i32
    %dma_wait3A_241 = tpu.memref_slice %arg11[%dma_wait3A_240] : memref<4096xf32, #tpu.memory_space<vmem>> -> memref<2048xf32, #tpu.memory_space<vmem>>
    %dma_wait3A_242 = arith.constant 0 : i32
    %dma_wait3A_243 = tpu.memref_slice %arg9[%dma_wait3A_242] : memref<4096xi32, #tpu.memory_space<vmem>> -> memref<2048xi32, #tpu.memory_space<vmem>>
    %dma_wait3A_244 = arith.constant 0 : i32
    %dma_wait3A_245 = tpu.memref_slice %arg2[%dma_wait3A_244] : memref<8388608xf32, #tpu.memory_space<hbm>> -> memref<8388608xf32, #tpu.memory_space<hbm>>
    %dma_wait3A_246 = tpu.memref_slice %arg19[%dma_wait3A_239] : memref<2x!tpu.dma_semaphore, #tpu.memory_space<semaphore_mem>> -> memref<1x!tpu.dma_semaphore, #tpu.memory_space<semaphore_mem>>
    %dma_wait3A_247 = tpu.memref_squeeze %dma_wait3A_246 : memref<1x!tpu.dma_semaphore, #tpu.memory_space<semaphore_mem>> -> memref<!tpu.dma_semaphore, #tpu.memory_space<semaphore_mem>>
    tpu.wait_indirect_dma semaphore(%dma_wait3A_247 : memref<!tpu.dma_semaphore, #tpu.memory_space<semaphore_mem>>) src(%dma_wait3A_245 : memref<8388608xf32, #tpu.memory_space<hbm>>) dst(%dma_wait3A_241 : memref<2048xf32, #tpu.memory_space<vmem>>)
    %dma_wait3A_248 = arith.constant 0 : i32
    %dma_wait3A_249 = arith.constant 2048 : i32
    %dma_wait3A_250 = tpu.memref_slice %arg10[%dma_wait3A_249] : memref<4096xf32, #tpu.memory_space<vmem>> -> memref<2048xf32, #tpu.memory_space<vmem>>
    %dma_wait3A_251 = arith.constant 2048 : i32
    %dma_wait3A_252 = tpu.memref_slice %arg8[%dma_wait3A_251] : memref<4096xi32, #tpu.memory_space<vmem>> -> memref<2048xi32, #tpu.memory_space<vmem>>
    %dma_wait3A_253 = arith.constant 0 : i32
    %dma_wait3A_254 = tpu.memref_slice %arg2[%dma_wait3A_253] : memref<8388608xf32, #tpu.memory_space<hbm>> -> memref<8388608xf32, #tpu.memory_space<hbm>>
    %dma_wait3A_255 = tpu.memref_slice %arg19[%dma_wait3A_248] : memref<2x!tpu.dma_semaphore, #tpu.memory_space<semaphore_mem>> -> memref<1x!tpu.dma_semaphore, #tpu.memory_space<semaphore_mem>>
    %dma_wait3A_256 = tpu.memref_squeeze %dma_wait3A_255 : memref<1x!tpu.dma_semaphore, #tpu.memory_space<semaphore_mem>> -> memref<!tpu.dma_semaphore, #tpu.memory_space<semaphore_mem>>
    tpu.wait_indirect_dma semaphore(%dma_wait3A_256 : memref<!tpu.dma_semaphore, #tpu.memory_space<semaphore_mem>>) src(%dma_wait3A_254 : memref<8388608xf32, #tpu.memory_space<hbm>>) dst(%dma_wait3A_250 : memref<2048xf32, #tpu.memory_space<vmem>>)
    %dma_wait3A_257 = arith.constant 0 : i32
    %dma_wait3A_258 = arith.constant 2048 : i32
    %dma_wait3A_259 = tpu.memref_slice %arg11[%dma_wait3A_258] : memref<4096xf32, #tpu.memory_space<vmem>> -> memref<2048xf32, #tpu.memory_space<vmem>>
    %dma_wait3A_260 = arith.constant 2048 : i32
    %dma_wait3A_261 = tpu.memref_slice %arg9[%dma_wait3A_260] : memref<4096xi32, #tpu.memory_space<vmem>> -> memref<2048xi32, #tpu.memory_space<vmem>>
    %dma_wait3A_262 = arith.constant 0 : i32
    %dma_wait3A_263 = tpu.memref_slice %arg2[%dma_wait3A_262] : memref<8388608xf32, #tpu.memory_space<hbm>> -> memref<8388608xf32, #tpu.memory_space<hbm>>
    %dma_wait3A_264 = tpu.memref_slice %arg19[%dma_wait3A_257] : memref<2x!tpu.dma_semaphore, #tpu.memory_space<semaphore_mem>> -> memref<1x!tpu.dma_semaphore, #tpu.memory_space<semaphore_mem>>
    %dma_wait3A_265 = tpu.memref_squeeze %dma_wait3A_264 : memref<1x!tpu.dma_semaphore, #tpu.memory_space<semaphore_mem>> -> memref<!tpu.dma_semaphore, #tpu.memory_space<semaphore_mem>>
    tpu.wait_indirect_dma semaphore(%dma_wait3A_265 : memref<!tpu.dma_semaphore, #tpu.memory_space<semaphore_mem>>) src(%dma_wait3A_263 : memref<8388608xf32, #tpu.memory_space<hbm>>) dst(%dma_wait3A_259 : memref<2048xf32, #tpu.memory_space<vmem>>)
    %dma_start3A_266 = arith.constant 0 : i32
    %dma_start3A_267 = arith.constant 0 : i32
    %dma_start3A_268 = arith.constant 0 : i32
    %dma_start3A_269 = arith.constant 4096 : i32
    %dma_start3A_270 = tpu.memref_slice %arg3[%select_n3A, %select_n3A_30, %dma_start3A_266, %dma_start3A_268, %dma_start3A_269] : memref<8x4x2x2x16384xi32, #tpu.memory_space<hbm>> -> memref<1x1x1x2x4096xi32, #tpu.memory_space<hbm>>
    %dma_start3A_271 = tpu.memref_squeeze %dma_start3A_270 : memref<1x1x1x2x4096xi32, #tpu.memory_space<hbm>> -> memref<2x4096xi32, #tpu.memory_space<hbm>>
    %dma_start3A_272 = tpu.memref_slice %arg20[%dma_start3A_267] : memref<2x!tpu.dma_semaphore, #tpu.memory_space<semaphore_mem>> -> memref<1x!tpu.dma_semaphore, #tpu.memory_space<semaphore_mem>>
    %dma_start3A_273 = tpu.memref_squeeze %dma_start3A_272 : memref<1x!tpu.dma_semaphore, #tpu.memory_space<semaphore_mem>> -> memref<!tpu.dma_semaphore, #tpu.memory_space<semaphore_mem>>
    %dma_start3A_274 = arith.constant 0 : i32
    %dma_start3A_275 = arith.constant 4096 : i32
    %dma_start3A_276 = tpu.memref_slice %arg3[%select_n3A, %select_n3A_30, %dma_start3A_266, %dma_start3A_274, %dma_start3A_275] : memref<8x4x2x2x16384xi32, #tpu.memory_space<hbm>> -> memref<1x1x1x2x4096xi32, #tpu.memory_space<hbm>>
    %dma_start3A_277 = tpu.memref_squeeze %dma_start3A_276 : memref<1x1x1x2x4096xi32, #tpu.memory_space<hbm>> -> memref<2x4096xi32, #tpu.memory_space<hbm>>
    tpu.enqueue_dma source(%dma_start3A_277 : memref<2x4096xi32, #tpu.memory_space<hbm>>) target(%arg6 : memref<2x4096xi32, #tpu.memory_space<vmem>>) target_semaphore(%dma_start3A_273 : memref<!tpu.dma_semaphore, #tpu.memory_space<semaphore_mem>>)
    %dma_start3A_278 = arith.constant 1 : i32
    %dma_start3A_279 = arith.constant 0 : i32
    %dma_start3A_280 = arith.constant 0 : i32
    %dma_start3A_281 = arith.constant 4096 : i32
    %dma_start3A_282 = tpu.memref_slice %arg3[%select_n3A, %select_n3A_30, %dma_start3A_278, %dma_start3A_280, %dma_start3A_281] : memref<8x4x2x2x16384xi32, #tpu.memory_space<hbm>> -> memref<1x1x1x2x4096xi32, #tpu.memory_space<hbm>>
    %dma_start3A_283 = tpu.memref_squeeze %dma_start3A_282 : memref<1x1x1x2x4096xi32, #tpu.memory_space<hbm>> -> memref<2x4096xi32, #tpu.memory_space<hbm>>
    %dma_start3A_284 = tpu.memref_slice %arg20[%dma_start3A_279] : memref<2x!tpu.dma_semaphore, #tpu.memory_space<semaphore_mem>> -> memref<1x!tpu.dma_semaphore, #tpu.memory_space<semaphore_mem>>
    %dma_start3A_285 = tpu.memref_squeeze %dma_start3A_284 : memref<1x!tpu.dma_semaphore, #tpu.memory_space<semaphore_mem>> -> memref<!tpu.dma_semaphore, #tpu.memory_space<semaphore_mem>>
    %dma_start3A_286 = arith.constant 0 : i32
    %dma_start3A_287 = arith.constant 4096 : i32
    %dma_start3A_288 = tpu.memref_slice %arg3[%select_n3A, %select_n3A_30, %dma_start3A_278, %dma_start3A_286, %dma_start3A_287] : memref<8x4x2x2x16384xi32, #tpu.memory_space<hbm>> -> memref<1x1x1x2x4096xi32, #tpu.memory_space<hbm>>
    %dma_start3A_289 = tpu.memref_squeeze %dma_start3A_288 : memref<1x1x1x2x4096xi32, #tpu.memory_space<hbm>> -> memref<2x4096xi32, #tpu.memory_space<hbm>>
    tpu.enqueue_dma source(%dma_start3A_289 : memref<2x4096xi32, #tpu.memory_space<hbm>>) target(%arg7 : memref<2x4096xi32, #tpu.memory_space<vmem>>) target_semaphore(%dma_start3A_285 : memref<!tpu.dma_semaphore, #tpu.memory_space<semaphore_mem>>)
    %scan3A_290 = arith.constant 0 : i32
    %scan3A_291 = arith.constant 256 : i32
    %scan3A_292 = arith.addi %scan3A_290, %scan3A_291 : i32
    %scan3A_293 = arith.constant 4 : i32
    %scan3A_294 = scf.for %scan3A_1154 = %scan3A_290 to %scan3A_292 step %scan3A_293 iter_args(%scan3A_1155 = %broadcast_in_dim3A_50) -> (vector<16xf32>)  : i32 {
      %mul3A_1156 = arith.constant 16 : i32
      %mul3A_1157 = arith.muli %scan3A_1154, %mul3A_1156 : i32
      %get3A_1158 = arith.index_cast %mul3A_1157 : i32 to index
      %get3A_1159 = tpu.vector_load %arg10[%get3A_1158] {strides = array<i32>} : memref<4096xf32, #tpu.memory_space<vmem>>, vector<16xf32>,
      %get3A_1160 = vector.shape_cast %get3A_1159 : vector<16xf32> to vector<16xf32>
      %get3A_1161 = arith.index_cast %mul3A_1157 : i32 to index
      %get3A_1162 = tpu.vector_load %arg11[%get3A_1161] {strides = array<i32>} : memref<4096xf32, #tpu.memory_space<vmem>>, vector<16xf32>,
      %get3A_1163 = vector.shape_cast %get3A_1162 : vector<16xf32> to vector<16xf32>
      %sub3A_1164 = arith.subf %get3A_1160, %get3A_1163 : vector<16xf32>
      %mul3A_1165 = arith.mulf %sub3A_1164, %sub3A_1164 : vector<16xf32>
      %add3A_1166 = arith.addf %scan3A_1155, %mul3A_1165 : vector<16xf32>
      %scan3A_1167 = arith.constant 1 : i32
      %scan3A_1168 = arith.addi %scan3A_1154, %scan3A_1167 : i32
      %mul3A_1169 = arith.constant 16 : i32
      %mul3A_1170 = arith.muli %scan3A_1168, %mul3A_1169 : i32
      %get3A_1171 = arith.index_cast %mul3A_1170 : i32 to index
      %get3A_1172 = tpu.vector_load %arg10[%get3A_1171] {strides = array<i32>} : memref<4096xf32, #tpu.memory_space<vmem>>, vector<16xf32>,
      %get3A_1173 = vector.shape_cast %get3A_1172 : vector<16xf32> to vector<16xf32>
      %get3A_1174 = arith.index_cast %mul3A_1170 : i32 to index
      %get3A_1175 = tpu.vector_load %arg11[%get3A_1174] {strides = array<i32>} : memref<4096xf32, #tpu.memory_space<vmem>>, vector<16xf32>,
      %get3A_1176 = vector.shape_cast %get3A_1175 : vector<16xf32> to vector<16xf32>
      %sub3A_1177 = arith.subf %get3A_1173, %get3A_1176 : vector<16xf32>
      %mul3A_1178 = arith.mulf %sub3A_1177, %sub3A_1177 : vector<16xf32>
      %add3A_1179 = arith.addf %add3A_1166, %mul3A_1178 : vector<16xf32>
      %scan3A_1180 = arith.constant 2 : i32
      %scan3A_1181 = arith.addi %scan3A_1154, %scan3A_1180 : i32
      %mul3A_1182 = arith.constant 16 : i32
      %mul3A_1183 = arith.muli %scan3A_1181, %mul3A_1182 : i32
      %get3A_1184 = arith.index_cast %mul3A_1183 : i32 to index
      %get3A_1185 = tpu.vector_load %arg10[%get3A_1184] {strides = array<i32>} : memref<4096xf32, #tpu.memory_space<vmem>>, vector<16xf32>,
      %get3A_1186 = vector.shape_cast %get3A_1185 : vector<16xf32> to vector<16xf32>
      %get3A_1187 = arith.index_cast %mul3A_1183 : i32 to index
      %get3A_1188 = tpu.vector_load %arg11[%get3A_1187] {strides = array<i32>} : memref<4096xf32, #tpu.memory_space<vmem>>, vector<16xf32>,
      %get3A_1189 = vector.shape_cast %get3A_1188 : vector<16xf32> to vector<16xf32>
      %sub3A_1190 = arith.subf %get3A_1186, %get3A_1189 : vector<16xf32>
      %mul3A_1191 = arith.mulf %sub3A_1190, %sub3A_1190 : vector<16xf32>
      %add3A_1192 = arith.addf %add3A_1179, %mul3A_1191 : vector<16xf32>
      %scan3A_1193 = arith.constant 3 : i32
      %scan3A_1194 = arith.addi %scan3A_1154, %scan3A_1193 : i32
      %mul3A_1195 = arith.constant 16 : i32
      %mul3A_1196 = arith.muli %scan3A_1194, %mul3A_1195 : i32
      %get3A_1197 = arith.index_cast %mul3A_1196 : i32 to index
      %get3A_1198 = tpu.vector_load %arg10[%get3A_1197] {strides = array<i32>} : memref<4096xf32, #tpu.memory_space<vmem>>, vector<16xf32>,
      %get3A_1199 = vector.shape_cast %get3A_1198 : vector<16xf32> to vector<16xf32>
      %get3A_1200 = arith.index_cast %mul3A_1196 : i32 to index
      %get3A_1201 = tpu.vector_load %arg11[%get3A_1200] {strides = array<i32>} : memref<4096xf32, #tpu.memory_space<vmem>>, vector<16xf32>,
      %get3A_1202 = vector.shape_cast %get3A_1201 : vector<16xf32> to vector<16xf32>
      %sub3A_1203 = arith.subf %get3A_1199, %get3A_1202 : vector<16xf32>
      %mul3A_1204 = arith.mulf %sub3A_1203, %sub3A_1203 : vector<16xf32>
      %add3A_1205 = arith.addf %add3A_1192, %mul3A_1204 : vector<16xf32>
      scf.yield %add3A_1205 : vector<16xf32>
    }
    %scan3A_295 = arith.constant 256 : i32
    %dma_wait3A_296 = arith.constant 0 : i32
    %dma_wait3A_297 = arith.constant 0 : i32
    %dma_wait3A_298 = arith.constant 0 : i32
    %dma_wait3A_299 = arith.constant 4096 : i32
    %dma_wait3A_300 = tpu.memref_slice %arg3[%select_n3A, %select_n3A_30, %dma_wait3A_296, %dma_wait3A_298, %dma_wait3A_299] : memref<8x4x2x2x16384xi32, #tpu.memory_space<hbm>> -> memref<1x1x1x2x4096xi32, #tpu.memory_space<hbm>>
    %dma_wait3A_301 = tpu.memref_squeeze %dma_wait3A_300 : memref<1x1x1x2x4096xi32, #tpu.memory_space<hbm>> -> memref<2x4096xi32, #tpu.memory_space<hbm>>
    %dma_wait3A_302 = tpu.memref_slice %arg20[%dma_wait3A_297] : memref<2x!tpu.dma_semaphore, #tpu.memory_space<semaphore_mem>> -> memref<1x!tpu.dma_semaphore, #tpu.memory_space<semaphore_mem>>
    %dma_wait3A_303 = tpu.memref_squeeze %dma_wait3A_302 : memref<1x!tpu.dma_semaphore, #tpu.memory_space<semaphore_mem>> -> memref<!tpu.dma_semaphore, #tpu.memory_space<semaphore_mem>>
    %dma_wait3A_304 = arith.constant 0 : i32
    %dma_wait3A_305 = arith.constant 4096 : i32
    %dma_wait3A_306 = tpu.memref_slice %arg3[%select_n3A, %select_n3A_30, %dma_wait3A_296, %dma_wait3A_304, %dma_wait3A_305] : memref<8x4x2x2x16384xi32, #tpu.memory_space<hbm>> -> memref<1x1x1x2x4096xi32, #tpu.memory_space<hbm>>
    %dma_wait3A_307 = tpu.memref_squeeze %dma_wait3A_306 : memref<1x1x1x2x4096xi32, #tpu.memory_space<hbm>> -> memref<2x4096xi32, #tpu.memory_space<hbm>>
    tpu.wait_dma2 semaphore(%dma_wait3A_303 : memref<!tpu.dma_semaphore, #tpu.memory_space<semaphore_mem>>) src(%dma_wait3A_307 : memref<2x4096xi32, #tpu.memory_space<hbm>>) dst(%arg6 : memref<2x4096xi32, #tpu.memory_space<vmem>>)
    %dma_wait3A_308 = arith.constant 1 : i32
    %dma_wait3A_309 = arith.constant 0 : i32
    %dma_wait3A_310 = arith.constant 0 : i32
    %dma_wait3A_311 = arith.constant 4096 : i32
    %dma_wait3A_312 = tpu.memref_slice %arg3[%select_n3A, %select_n3A_30, %dma_wait3A_308, %dma_wait3A_310, %dma_wait3A_311] : memref<8x4x2x2x16384xi32, #tpu.memory_space<hbm>> -> memref<1x1x1x2x4096xi32, #tpu.memory_space<hbm>>
    %dma_wait3A_313 = tpu.memref_squeeze %dma_wait3A_312 : memref<1x1x1x2x4096xi32, #tpu.memory_space<hbm>> -> memref<2x4096xi32, #tpu.memory_space<hbm>>
    %dma_wait3A_314 = tpu.memref_slice %arg20[%dma_wait3A_309] : memref<2x!tpu.dma_semaphore, #tpu.memory_space<semaphore_mem>> -> memref<1x!tpu.dma_semaphore, #tpu.memory_space<semaphore_mem>>
    %dma_wait3A_315 = tpu.memref_squeeze %dma_wait3A_314 : memref<1x!tpu.dma_semaphore, #tpu.memory_space<semaphore_mem>> -> memref<!tpu.dma_semaphore, #tpu.memory_space<semaphore_mem>>
    %dma_wait3A_316 = arith.constant 0 : i32
    %dma_wait3A_317 = arith.constant 4096 : i32
    %dma_wait3A_318 = tpu.memref_slice %arg3[%select_n3A, %select_n3A_30, %dma_wait3A_308, %dma_wait3A_316, %dma_wait3A_317] : memref<8x4x2x2x16384xi32, #tpu.memory_space<hbm>> -> memref<1x1x1x2x4096xi32, #tpu.memory_space<hbm>>
    %dma_wait3A_319 = tpu.memref_squeeze %dma_wait3A_318 : memref<1x1x1x2x4096xi32, #tpu.memory_space<hbm>> -> memref<2x4096xi32, #tpu.memory_space<hbm>>
    tpu.wait_dma2 semaphore(%dma_wait3A_315 : memref<!tpu.dma_semaphore, #tpu.memory_space<semaphore_mem>>) src(%dma_wait3A_319 : memref<2x4096xi32, #tpu.memory_space<hbm>>) dst(%arg7 : memref<2x4096xi32, #tpu.memory_space<vmem>>)
    %scan3A_320 = arith.constant 0 : i32
    %scan3A_321 = arith.constant 0 : i32
    %scan3A_322 = arith.constant 256 : i32
    %scan3A_323 = arith.addi %scan3A_321, %scan3A_322 : i32
    %scan3A_324 = arith.constant 4 : i32
    %scan3A_325 = scf.for %scan3A_1154 = %scan3A_321 to %scan3A_323 step %scan3A_324 iter_args(%scan3A_1155 = %scan3A_320) -> (i32)  : i32 {
      %mul3A_1156 = arith.constant 16 : i32
      %mul3A_1157 = arith.muli %scan3A_1154, %mul3A_1156 : i32
      %get3A_1158 = arith.constant 0 : i32
      %get3A_1159 = arith.index_cast %get3A_1158 : i32 to index
      %get3A_1160 = arith.index_cast %mul3A_1157 : i32 to index
      %get3A_1161 = tpu.vector_load %arg6[%get3A_1159, %get3A_1160] {strides = array<i32>} : memref<2x4096xi32, #tpu.memory_space<vmem>>, vector<1x16xi32>,
      %get3A_1162 = vector.shape_cast %get3A_1161 : vector<1x16xi32> to vector<16xi32>
      %mul3A_1163 = arith.constant 512 : i32
      %mul3A_1164 = vector.broadcast %mul3A_1163 : i32 to vector<16xi32>
      %mul3A_1165 = arith.muli %get3A_1162, %mul3A_1164 : vector<16xi32>
      %get3A_1166 = arith.constant 1 : i32
      %get3A_1167 = arith.index_cast %get3A_1166 : i32 to index
      %get3A_1168 = arith.index_cast %mul3A_1157 : i32 to index
      %get3A_1169 = tpu.vector_load %arg6[%get3A_1167, %get3A_1168] {strides = array<i32>} : memref<2x4096xi32, #tpu.memory_space<vmem>>, vector<1x16xi32>,
      %get3A_1170 = vector.shape_cast %get3A_1169 : vector<1x16xi32> to vector<16xi32>
      %add3A_1171 = arith.addi %mul3A_1165, %get3A_1170 : vector<16xi32>
      %add3A_1172 = vector.broadcast %mul3A_32 : i32 to vector<16xi32>
      %add3A_1173 = arith.addi %add3A_1171, %add3A_1172 : vector<16xi32>
      %swap3A_1174 = arith.index_cast %mul3A_1157 : i32 to index
      %swap3A_1175 = tpu.vector_load %arg8[%swap3A_1174] {strides = array<i32>} : memref<4096xi32, #tpu.memory_space<vmem>>, vector<16xi32>,
      %swap3A_1176 = vector.shape_cast %swap3A_1175 : vector<16xi32> to vector<16xi32>
      %swap3A_1177 = vector.shape_cast %add3A_1173 : vector<16xi32> to vector<16xi32>
      tpu.vector_store %arg8[%swap3A_1174], %swap3A_1177 {strides = array<i32>} : memref<4096xi32, #tpu.memory_space<vmem>>, vector<16xi32>,
      %get3A_1178 = arith.constant 0 : i32
      %get3A_1179 = arith.index_cast %get3A_1178 : i32 to index
      %get3A_1180 = arith.index_cast %mul3A_1157 : i32 to index
      %get3A_1181 = tpu.vector_load %arg7[%get3A_1179, %get3A_1180] {strides = array<i32>} : memref<2x4096xi32, #tpu.memory_space<vmem>>, vector<1x16xi32>,
      %get3A_1182 = vector.shape_cast %get3A_1181 : vector<1x16xi32> to vector<16xi32>
      %mul3A_1183 = arith.constant 512 : i32
      %mul3A_1184 = vector.broadcast %mul3A_1183 : i32 to vector<16xi32>
      %mul3A_1185 = arith.muli %get3A_1182, %mul3A_1184 : vector<16xi32>
      %get3A_1186 = arith.constant 1 : i32
      %get3A_1187 = arith.index_cast %get3A_1186 : i32 to index
      %get3A_1188 = arith.index_cast %mul3A_1157 : i32 to index
      %get3A_1189 = tpu.vector_load %arg7[%get3A_1187, %get3A_1188] {strides = array<i32>} : memref<2x4096xi32, #tpu.memory_space<vmem>>, vector<1x16xi32>,
      %get3A_1190 = vector.shape_cast %get3A_1189 : vector<1x16xi32> to vector<16xi32>
      %add3A_1191 = arith.addi %mul3A_1185, %get3A_1190 : vector<16xi32>
      %add3A_1192 = vector.broadcast %mul3A_32 : i32 to vector<16xi32>
      %add3A_1193 = arith.addi %add3A_1191, %add3A_1192 : vector<16xi32>
      %swap3A_1194 = arith.index_cast %mul3A_1157 : i32 to index
      %swap3A_1195 = tpu.vector_load %arg9[%swap3A_1194] {strides = array<i32>} : memref<4096xi32, #tpu.memory_space<vmem>>, vector<16xi32>,
      %swap3A_1196 = vector.shape_cast %swap3A_1195 : vector<16xi32> to vector<16xi32>
      %swap3A_1197 = vector.shape_cast %add3A_1193 : vector<16xi32> to vector<16xi32>
      tpu.vector_store %arg9[%swap3A_1194], %swap3A_1197 {strides = array<i32>} : memref<4096xi32, #tpu.memory_space<vmem>>, vector<16xi32>,
      %scan3A_1198 = arith.constant 0 : i32
      %scan3A_1199 = arith.constant 1 : i32
      %scan3A_1200 = arith.addi %scan3A_1154, %scan3A_1199 : i32
      %mul3A_1201 = arith.constant 16 : i32
      %mul3A_1202 = arith.muli %scan3A_1200, %mul3A_1201 : i32
      %get3A_1203 = arith.constant 0 : i32
      %get3A_1204 = arith.index_cast %get3A_1203 : i32 to index
      %get3A_1205 = arith.index_cast %mul3A_1202 : i32 to index
      %get3A_1206 = tpu.vector_load %arg6[%get3A_1204, %get3A_1205] {strides = array<i32>} : memref<2x4096xi32, #tpu.memory_space<vmem>>, vector<1x16xi32>,
      %get3A_1207 = vector.shape_cast %get3A_1206 : vector<1x16xi32> to vector<16xi32>
      %mul3A_1208 = arith.constant 512 : i32
      %mul3A_1209 = vector.broadcast %mul3A_1208 : i32 to vector<16xi32>
      %mul3A_1210 = arith.muli %get3A_1207, %mul3A_1209 : vector<16xi32>
      %get3A_1211 = arith.constant 1 : i32
      %get3A_1212 = arith.index_cast %get3A_1211 : i32 to index
      %get3A_1213 = arith.index_cast %mul3A_1202 : i32 to index
      %get3A_1214 = tpu.vector_load %arg6[%get3A_1212, %get3A_1213] {strides = array<i32>} : memref<2x4096xi32, #tpu.memory_space<vmem>>, vector<1x16xi32>,
      %get3A_1215 = vector.shape_cast %get3A_1214 : vector<1x16xi32> to vector<16xi32>
      %add3A_1216 = arith.addi %mul3A_1210, %get3A_1215 : vector<16xi32>
      %add3A_1217 = vector.broadcast %mul3A_32 : i32 to vector<16xi32>
      %add3A_1218 = arith.addi %add3A_1216, %add3A_1217 : vector<16xi32>
      %swap3A_1219 = arith.index_cast %mul3A_1202 : i32 to index
      %swap3A_1220 = tpu.vector_load %arg8[%swap3A_1219] {strides = array<i32>} : memref<4096xi32, #tpu.memory_space<vmem>>, vector<16xi32>,
      %swap3A_1221 = vector.shape_cast %swap3A_1220 : vector<16xi32> to vector<16xi32>
      %swap3A_1222 = vector.shape_cast %add3A_1218 : vector<16xi32> to vector<16xi32>
      tpu.vector_store %arg8[%swap3A_1219], %swap3A_1222 {strides = array<i32>} : memref<4096xi32, #tpu.memory_space<vmem>>, vector<16xi32>,
      %get3A_1223 = arith.constant 0 : i32
      %get3A_1224 = arith.index_cast %get3A_1223 : i32 to index
      %get3A_1225 = arith.index_cast %mul3A_1202 : i32 to index
      %get3A_1226 = tpu.vector_load %arg7[%get3A_1224, %get3A_1225] {strides = array<i32>} : memref<2x4096xi32, #tpu.memory_space<vmem>>, vector<1x16xi32>,
      %get3A_1227 = vector.shape_cast %get3A_1226 : vector<1x16xi32> to vector<16xi32>
      %mul3A_1228 = arith.constant 512 : i32
      %mul3A_1229 = vector.broadcast %mul3A_1228 : i32 to vector<16xi32>
      %mul3A_1230 = arith.muli %get3A_1227, %mul3A_1229 : vector<16xi32>
      %get3A_1231 = arith.constant 1 : i32
      %get3A_1232 = arith.index_cast %get3A_1231 : i32 to index
      %get3A_1233 = arith.index_cast %mul3A_1202 : i32 to index
      %get3A_1234 = tpu.vector_load %arg7[%get3A_1232, %get3A_1233] {strides = array<i32>} : memref<2x4096xi32, #tpu.memory_space<vmem>>, vector<1x16xi32>,
      %get3A_1235 = vector.shape_cast %get3A_1234 : vector<1x16xi32> to vector<16xi32>
      %add3A_1236 = arith.addi %mul3A_1230, %get3A_1235 : vector<16xi32>
      %add3A_1237 = vector.broadcast %mul3A_32 : i32 to vector<16xi32>
      %add3A_1238 = arith.addi %add3A_1236, %add3A_1237 : vector<16xi32>
      %swap3A_1239 = arith.index_cast %mul3A_1202 : i32 to index
      %swap3A_1240 = tpu.vector_load %arg9[%swap3A_1239] {strides = array<i32>} : memref<4096xi32, #tpu.memory_space<vmem>>, vector<16xi32>,
      %swap3A_1241 = vector.shape_cast %swap3A_1240 : vector<16xi32> to vector<16xi32>
      %swap3A_1242 = vector.shape_cast %add3A_1238 : vector<16xi32> to vector<16xi32>
      tpu.vector_store %arg9[%swap3A_1239], %swap3A_1242 {strides = array<i32>} : memref<4096xi32, #tpu.memory_space<vmem>>, vector<16xi32>,
      %scan3A_1243 = arith.constant 0 : i32
      %scan3A_1244 = arith.constant 2 : i32
      %scan3A_1245 = arith.addi %scan3A_1154, %scan3A_1244 : i32
      %mul3A_1246 = arith.constant 16 : i32
      %mul3A_1247 = arith.muli %scan3A_1245, %mul3A_1246 : i32
      %get3A_1248 = arith.constant 0 : i32
      %get3A_1249 = arith.index_cast %get3A_1248 : i32 to index
      %get3A_1250 = arith.index_cast %mul3A_1247 : i32 to index
      %get3A_1251 = tpu.vector_load %arg6[%get3A_1249, %get3A_1250] {strides = array<i32>} : memref<2x4096xi32, #tpu.memory_space<vmem>>, vector<1x16xi32>,
      %get3A_1252 = vector.shape_cast %get3A_1251 : vector<1x16xi32> to vector<16xi32>
      %mul3A_1253 = arith.constant 512 : i32
      %mul3A_1254 = vector.broadcast %mul3A_1253 : i32 to vector<16xi32>
      %mul3A_1255 = arith.muli %get3A_1252, %mul3A_1254 : vector<16xi32>
      %get3A_1256 = arith.constant 1 : i32
      %get3A_1257 = arith.index_cast %get3A_1256 : i32 to index
      %get3A_1258 = arith.index_cast %mul3A_1247 : i32 to index
      %get3A_1259 = tpu.vector_load %arg6[%get3A_1257, %get3A_1258] {strides = array<i32>} : memref<2x4096xi32, #tpu.memory_space<vmem>>, vector<1x16xi32>,
      %get3A_1260 = vector.shape_cast %get3A_1259 : vector<1x16xi32> to vector<16xi32>
      %add3A_1261 = arith.addi %mul3A_1255, %get3A_1260 : vector<16xi32>
      %add3A_1262 = vector.broadcast %mul3A_32 : i32 to vector<16xi32>
      %add3A_1263 = arith.addi %add3A_1261, %add3A_1262 : vector<16xi32>
      %swap3A_1264 = arith.index_cast %mul3A_1247 : i32 to index
      %swap3A_1265 = tpu.vector_load %arg8[%swap3A_1264] {strides = array<i32>} : memref<4096xi32, #tpu.memory_space<vmem>>, vector<16xi32>,
      %swap3A_1266 = vector.shape_cast %swap3A_1265 : vector<16xi32> to vector<16xi32>
      %swap3A_1267 = vector.shape_cast %add3A_1263 : vector<16xi32> to vector<16xi32>
      tpu.vector_store %arg8[%swap3A_1264], %swap3A_1267 {strides = array<i32>} : memref<4096xi32, #tpu.memory_space<vmem>>, vector<16xi32>,
      %get3A_1268 = arith.constant 0 : i32
      %get3A_1269 = arith.index_cast %get3A_1268 : i32 to index
      %get3A_1270 = arith.index_cast %mul3A_1247 : i32 to index
      %get3A_1271 = tpu.vector_load %arg7[%get3A_1269, %get3A_1270] {strides = array<i32>} : memref<2x4096xi32, #tpu.memory_space<vmem>>, vector<1x16xi32>,
      %get3A_1272 = vector.shape_cast %get3A_1271 : vector<1x16xi32> to vector<16xi32>
      %mul3A_1273 = arith.constant 512 : i32
      %mul3A_1274 = vector.broadcast %mul3A_1273 : i32 to vector<16xi32>
      %mul3A_1275 = arith.muli %get3A_1272, %mul3A_1274 : vector<16xi32>
      %get3A_1276 = arith.constant 1 : i32
      %get3A_1277 = arith.index_cast %get3A_1276 : i32 to index
      %get3A_1278 = arith.index_cast %mul3A_1247 : i32 to index
      %get3A_1279 = tpu.vector_load %arg7[%get3A_1277, %get3A_1278] {strides = array<i32>} : memref<2x4096xi32, #tpu.memory_space<vmem>>, vector<1x16xi32>,
      %get3A_1280 = vector.shape_cast %get3A_1279 : vector<1x16xi32> to vector<16xi32>
      %add3A_1281 = arith.addi %mul3A_1275, %get3A_1280 : vector<16xi32>
      %add3A_1282 = vector.broadcast %mul3A_32 : i32 to vector<16xi32>
      %add3A_1283 = arith.addi %add3A_1281, %add3A_1282 : vector<16xi32>
      %swap3A_1284 = arith.index_cast %mul3A_1247 : i32 to index
      %swap3A_1285 = tpu.vector_load %arg9[%swap3A_1284] {strides = array<i32>} : memref<4096xi32, #tpu.memory_space<vmem>>, vector<16xi32>,
      %swap3A_1286 = vector.shape_cast %swap3A_1285 : vector<16xi32> to vector<16xi32>
      %swap3A_1287 = vector.shape_cast %add3A_1283 : vector<16xi32> to vector<16xi32>
      tpu.vector_store %arg9[%swap3A_1284], %swap3A_1287 {strides = array<i32>} : memref<4096xi32, #tpu.memory_space<vmem>>, vector<16xi32>,
      %scan3A_1288 = arith.constant 0 : i32
      %scan3A_1289 = arith.constant 3 : i32
      %scan3A_1290 = arith.addi %scan3A_1154, %scan3A_1289 : i32
      %mul3A_1291 = arith.constant 16 : i32
      %mul3A_1292 = arith.muli %scan3A_1290, %mul3A_1291 : i32
      %get3A_1293 = arith.constant 0 : i32
      %get3A_1294 = arith.index_cast %get3A_1293 : i32 to index
      %get3A_1295 = arith.index_cast %mul3A_1292 : i32 to index
      %get3A_1296 = tpu.vector_load %arg6[%get3A_1294, %get3A_1295] {strides = array<i32>} : memref<2x4096xi32, #tpu.memory_space<vmem>>, vector<1x16xi32>,
      %get3A_1297 = vector.shape_cast %get3A_1296 : vector<1x16xi32> to vector<16xi32>
      %mul3A_1298 = arith.constant 512 : i32
      %mul3A_1299 = vector.broadcast %mul3A_1298 : i32 to vector<16xi32>
      %mul3A_1300 = arith.muli %get3A_1297, %mul3A_1299 : vector<16xi32>
      %get3A_1301 = arith.constant 1 : i32
      %get3A_1302 = arith.index_cast %get3A_1301 : i32 to index
      %get3A_1303 = arith.index_cast %mul3A_1292 : i32 to index
      %get3A_1304 = tpu.vector_load %arg6[%get3A_1302, %get3A_1303] {strides = array<i32>} : memref<2x4096xi32, #tpu.memory_space<vmem>>, vector<1x16xi32>,
      %get3A_1305 = vector.shape_cast %get3A_1304 : vector<1x16xi32> to vector<16xi32>
      %add3A_1306 = arith.addi %mul3A_1300, %get3A_1305 : vector<16xi32>
      %add3A_1307 = vector.broadcast %mul3A_32 : i32 to vector<16xi32>
      %add3A_1308 = arith.addi %add3A_1306, %add3A_1307 : vector<16xi32>
      %swap3A_1309 = arith.index_cast %mul3A_1292 : i32 to index
      %swap3A_1310 = tpu.vector_load %arg8[%swap3A_1309] {strides = array<i32>} : memref<4096xi32, #tpu.memory_space<vmem>>, vector<16xi32>,
      %swap3A_1311 = vector.shape_cast %swap3A_1310 : vector<16xi32> to vector<16xi32>
      %swap3A_1312 = vector.shape_cast %add3A_1308 : vector<16xi32> to vector<16xi32>
      tpu.vector_store %arg8[%swap3A_1309], %swap3A_1312 {strides = array<i32>} : memref<4096xi32, #tpu.memory_space<vmem>>, vector<16xi32>,
      %get3A_1313 = arith.constant 0 : i32
      %get3A_1314 = arith.index_cast %get3A_1313 : i32 to index
      %get3A_1315 = arith.index_cast %mul3A_1292 : i32 to index
      %get3A_1316 = tpu.vector_load %arg7[%get3A_1314, %get3A_1315] {strides = array<i32>} : memref<2x4096xi32, #tpu.memory_space<vmem>>, vector<1x16xi32>,
      %get3A_1317 = vector.shape_cast %get3A_1316 : vector<1x16xi32> to vector<16xi32>
      %mul3A_1318 = arith.constant 512 : i32
      %mul3A_1319 = vector.broadcast %mul3A_1318 : i32 to vector<16xi32>
      %mul3A_1320 = arith.muli %get3A_1317, %mul3A_1319 : vector<16xi32>
      %get3A_1321 = arith.constant 1 : i32
      %get3A_1322 = arith.index_cast %get3A_1321 : i32 to index
      %get3A_1323 = arith.index_cast %mul3A_1292 : i32 to index
      %get3A_1324 = tpu.vector_load %arg7[%get3A_1322, %get3A_1323] {strides = array<i32>} : memref<2x4096xi32, #tpu.memory_space<vmem>>, vector<1x16xi32>,
      %get3A_1325 = vector.shape_cast %get3A_1324 : vector<1x16xi32> to vector<16xi32>
      %add3A_1326 = arith.addi %mul3A_1320, %get3A_1325 : vector<16xi32>
      %add3A_1327 = vector.broadcast %mul3A_32 : i32 to vector<16xi32>
      %add3A_1328 = arith.addi %add3A_1326, %add3A_1327 : vector<16xi32>
      %swap3A_1329 = arith.index_cast %mul3A_1292 : i32 to index
      %swap3A_1330 = tpu.vector_load %arg9[%swap3A_1329] {strides = array<i32>} : memref<4096xi32, #tpu.memory_space<vmem>>, vector<16xi32>,
      %swap3A_1331 = vector.shape_cast %swap3A_1330 : vector<16xi32> to vector<16xi32>
      %swap3A_1332 = vector.shape_cast %add3A_1328 : vector<16xi32> to vector<16xi32>
      tpu.vector_store %arg9[%swap3A_1329], %swap3A_1332 {strides = array<i32>} : memref<4096xi32, #tpu.memory_space<vmem>>, vector<16xi32>,
      %scan3A_1333 = arith.constant 0 : i32
      scf.yield %scan3A_1333 : i32
    }
    %scan3A_326 = arith.constant 256 : i32
    %dma_start3A_327 = arith.constant 0 : i32
    %dma_start3A_328 = arith.constant 0 : i32
    %dma_start3A_329 = tpu.memref_slice %arg10[%dma_start3A_328] : memref<4096xf32, #tpu.memory_space<vmem>> -> memref<2048xf32, #tpu.memory_space<vmem>>
    %dma_start3A_330 = arith.constant 0 : i32
    %dma_start3A_331 = tpu.memref_slice %arg8[%dma_start3A_330] : memref<4096xi32, #tpu.memory_space<vmem>> -> memref<2048xi32, #tpu.memory_space<vmem>>
    %dma_start3A_332 = arith.constant 0 : i32
    %dma_start3A_333 = tpu.memref_slice %arg2[%dma_start3A_332] : memref<8388608xf32, #tpu.memory_space<hbm>> -> memref<8388608xf32, #tpu.memory_space<hbm>>
    %dma_start3A_334 = tpu.memref_slice %arg19[%dma_start3A_327] : memref<2x!tpu.dma_semaphore, #tpu.memory_space<semaphore_mem>> -> memref<1x!tpu.dma_semaphore, #tpu.memory_space<semaphore_mem>>
    %dma_start3A_335 = tpu.memref_squeeze %dma_start3A_334 : memref<1x!tpu.dma_semaphore, #tpu.memory_space<semaphore_mem>> -> memref<!tpu.dma_semaphore, #tpu.memory_space<semaphore_mem>>
    tpu.enqueue_indirect_dma source(%dma_start3A_333 : memref<8388608xf32, #tpu.memory_space<hbm>>) target(%dma_start3A_329 : memref<2048xf32, #tpu.memory_space<vmem>>) offsets(%dma_start3A_331 : memref<2048xi32, #tpu.memory_space<vmem>>) semaphore(%dma_start3A_335 : memref<!tpu.dma_semaphore, #tpu.memory_space<semaphore_mem>>)
    %dma_start3A_336 = arith.constant 0 : i32
    %dma_start3A_337 = arith.constant 0 : i32
    %dma_start3A_338 = tpu.memref_slice %arg11[%dma_start3A_337] : memref<4096xf32, #tpu.memory_space<vmem>> -> memref<2048xf32, #tpu.memory_space<vmem>>
    %dma_start3A_339 = arith.constant 0 : i32
    %dma_start3A_340 = tpu.memref_slice %arg9[%dma_start3A_339] : memref<4096xi32, #tpu.memory_space<vmem>> -> memref<2048xi32, #tpu.memory_space<vmem>>
    %dma_start3A_341 = arith.constant 0 : i32
    %dma_start3A_342 = tpu.memref_slice %arg2[%dma_start3A_341] : memref<8388608xf32, #tpu.memory_space<hbm>> -> memref<8388608xf32, #tpu.memory_space<hbm>>
    %dma_start3A_343 = tpu.memref_slice %arg19[%dma_start3A_336] : memref<2x!tpu.dma_semaphore, #tpu.memory_space<semaphore_mem>> -> memref<1x!tpu.dma_semaphore, #tpu.memory_space<semaphore_mem>>
    %dma_start3A_344 = tpu.memref_squeeze %dma_start3A_343 : memref<1x!tpu.dma_semaphore, #tpu.memory_space<semaphore_mem>> -> memref<!tpu.dma_semaphore, #tpu.memory_space<semaphore_mem>>
    tpu.enqueue_indirect_dma source(%dma_start3A_342 : memref<8388608xf32, #tpu.memory_space<hbm>>) target(%dma_start3A_338 : memref<2048xf32, #tpu.memory_space<vmem>>) offsets(%dma_start3A_340 : memref<2048xi32, #tpu.memory_space<vmem>>) semaphore(%dma_start3A_344 : memref<!tpu.dma_semaphore, #tpu.memory_space<semaphore_mem>>)
    %dma_start3A_345 = arith.constant 0 : i32
    %dma_start3A_346 = arith.constant 2048 : i32
    %dma_start3A_347 = tpu.memref_slice %arg10[%dma_start3A_346] : memref<4096xf32, #tpu.memory_space<vmem>> -> memref<2048xf32, #tpu.memory_space<vmem>>
    %dma_start3A_348 = arith.constant 2048 : i32
    %dma_start3A_349 = tpu.memref_slice %arg8[%dma_start3A_348] : memref<4096xi32, #tpu.memory_space<vmem>> -> memref<2048xi32, #tpu.memory_space<vmem>>
    %dma_start3A_350 = arith.constant 0 : i32
    %dma_start3A_351 = tpu.memref_slice %arg2[%dma_start3A_350] : memref<8388608xf32, #tpu.memory_space<hbm>> -> memref<8388608xf32, #tpu.memory_space<hbm>>
    %dma_start3A_352 = tpu.memref_slice %arg19[%dma_start3A_345] : memref<2x!tpu.dma_semaphore, #tpu.memory_space<semaphore_mem>> -> memref<1x!tpu.dma_semaphore, #tpu.memory_space<semaphore_mem>>
    %dma_start3A_353 = tpu.memref_squeeze %dma_start3A_352 : memref<1x!tpu.dma_semaphore, #tpu.memory_space<semaphore_mem>> -> memref<!tpu.dma_semaphore, #tpu.memory_space<semaphore_mem>>
    tpu.enqueue_indirect_dma source(%dma_start3A_351 : memref<8388608xf32, #tpu.memory_space<hbm>>) target(%dma_start3A_347 : memref<2048xf32, #tpu.memory_space<vmem>>) offsets(%dma_start3A_349 : memref<2048xi32, #tpu.memory_space<vmem>>) semaphore(%dma_start3A_353 : memref<!tpu.dma_semaphore, #tpu.memory_space<semaphore_mem>>)
    %dma_start3A_354 = arith.constant 0 : i32
    %dma_start3A_355 = arith.constant 2048 : i32
    %dma_start3A_356 = tpu.memref_slice %arg11[%dma_start3A_355] : memref<4096xf32, #tpu.memory_space<vmem>> -> memref<2048xf32, #tpu.memory_space<vmem>>
    %dma_start3A_357 = arith.constant 2048 : i32
    %dma_start3A_358 = tpu.memref_slice %arg9[%dma_start3A_357] : memref<4096xi32, #tpu.memory_space<vmem>> -> memref<2048xi32, #tpu.memory_space<vmem>>
    %dma_start3A_359 = arith.constant 0 : i32
    %dma_start3A_360 = tpu.memref_slice %arg2[%dma_start3A_359] : memref<8388608xf32, #tpu.memory_space<hbm>> -> memref<8388608xf32, #tpu.memory_space<hbm>>
    %dma_start3A_361 = tpu.memref_slice %arg19[%dma_start3A_354] : memref<2x!tpu.dma_semaphore, #tpu.memory_space<semaphore_mem>> -> memref<1x!tpu.dma_semaphore, #tpu.memory_space<semaphore_mem>>
    %dma_start3A_362 = tpu.memref_squeeze %dma_start3A_361 : memref<1x!tpu.dma_semaphore, #tpu.memory_space<semaphore_mem>> -> memref<!tpu.dma_semaphore, #tpu.memory_space<semaphore_mem>>
    tpu.enqueue_indirect_dma source(%dma_start3A_360 : memref<8388608xf32, #tpu.memory_space<hbm>>) target(%dma_start3A_356 : memref<2048xf32, #tpu.memory_space<vmem>>) offsets(%dma_start3A_358 : memref<2048xi32, #tpu.memory_space<vmem>>) semaphore(%dma_start3A_362 : memref<!tpu.dma_semaphore, #tpu.memory_space<semaphore_mem>>)
    %dma_wait3A_363 = arith.constant 1 : i32
    %dma_wait3A_364 = arith.constant 0 : i32
    %dma_wait3A_365 = tpu.memref_slice %arg16[%dma_wait3A_364] : memref<4096xf32, #tpu.memory_space<vmem>> -> memref<2048xf32, #tpu.memory_space<vmem>>
    %dma_wait3A_366 = arith.constant 0 : i32
    %dma_wait3A_367 = tpu.memref_slice %arg14[%dma_wait3A_366] : memref<4096xi32, #tpu.memory_space<vmem>> -> memref<2048xi32, #tpu.memory_space<vmem>>
    %dma_wait3A_368 = arith.constant 0 : i32
    %dma_wait3A_369 = tpu.memref_slice %arg2[%dma_wait3A_368] : memref<8388608xf32, #tpu.memory_space<hbm>> -> memref<8388608xf32, #tpu.memory_space<hbm>>
    %dma_wait3A_370 = tpu.memref_slice %arg19[%dma_wait3A_363] : memref<2x!tpu.dma_semaphore, #tpu.memory_space<semaphore_mem>> -> memref<1x!tpu.dma_semaphore, #tpu.memory_space<semaphore_mem>>
    %dma_wait3A_371 = tpu.memref_squeeze %dma_wait3A_370 : memref<1x!tpu.dma_semaphore, #tpu.memory_space<semaphore_mem>> -> memref<!tpu.dma_semaphore, #tpu.memory_space<semaphore_mem>>
    tpu.wait_indirect_dma semaphore(%dma_wait3A_371 : memref<!tpu.dma_semaphore, #tpu.memory_space<semaphore_mem>>) src(%dma_wait3A_369 : memref<8388608xf32, #tpu.memory_space<hbm>>) dst(%dma_wait3A_365 : memref<2048xf32, #tpu.memory_space<vmem>>)
    %dma_wait3A_372 = arith.constant 1 : i32
    %dma_wait3A_373 = arith.constant 0 : i32
    %dma_wait3A_374 = tpu.memref_slice %arg17[%dma_wait3A_373] : memref<4096xf32, #tpu.memory_space<vmem>> -> memref<2048xf32, #tpu.memory_space<vmem>>
    %dma_wait3A_375 = arith.constant 0 : i32
    %dma_wait3A_376 = tpu.memref_slice %arg15[%dma_wait3A_375] : memref<4096xi32, #tpu.memory_space<vmem>> -> memref<2048xi32, #tpu.memory_space<vmem>>
    %dma_wait3A_377 = arith.constant 0 : i32
    %dma_wait3A_378 = tpu.memref_slice %arg2[%dma_wait3A_377] : memref<8388608xf32, #tpu.memory_space<hbm>> -> memref<8388608xf32, #tpu.memory_space<hbm>>
    %dma_wait3A_379 = tpu.memref_slice %arg19[%dma_wait3A_372] : memref<2x!tpu.dma_semaphore, #tpu.memory_space<semaphore_mem>> -> memref<1x!tpu.dma_semaphore, #tpu.memory_space<semaphore_mem>>
    %dma_wait3A_380 = tpu.memref_squeeze %dma_wait3A_379 : memref<1x!tpu.dma_semaphore, #tpu.memory_space<semaphore_mem>> -> memref<!tpu.dma_semaphore, #tpu.memory_space<semaphore_mem>>
    tpu.wait_indirect_dma semaphore(%dma_wait3A_380 : memref<!tpu.dma_semaphore, #tpu.memory_space<semaphore_mem>>) src(%dma_wait3A_378 : memref<8388608xf32, #tpu.memory_space<hbm>>) dst(%dma_wait3A_374 : memref<2048xf32, #tpu.memory_space<vmem>>)
    %dma_wait3A_381 = arith.constant 1 : i32
    %dma_wait3A_382 = arith.constant 2048 : i32
    %dma_wait3A_383 = tpu.memref_slice %arg16[%dma_wait3A_382] : memref<4096xf32, #tpu.memory_space<vmem>> -> memref<2048xf32, #tpu.memory_space<vmem>>
    %dma_wait3A_384 = arith.constant 2048 : i32
    %dma_wait3A_385 = tpu.memref_slice %arg14[%dma_wait3A_384] : memref<4096xi32, #tpu.memory_space<vmem>> -> memref<2048xi32, #tpu.memory_space<vmem>>
    %dma_wait3A_386 = arith.constant 0 : i32
    %dma_wait3A_387 = tpu.memref_slice %arg2[%dma_wait3A_386] : memref<8388608xf32, #tpu.memory_space<hbm>> -> memref<8388608xf32, #tpu.memory_space<hbm>>
    %dma_wait3A_388 = tpu.memref_slice %arg19[%dma_wait3A_381] : memref<2x!tpu.dma_semaphore, #tpu.memory_space<semaphore_mem>> -> memref<1x!tpu.dma_semaphore, #tpu.memory_space<semaphore_mem>>
    %dma_wait3A_389 = tpu.memref_squeeze %dma_wait3A_388 : memref<1x!tpu.dma_semaphore, #tpu.memory_space<semaphore_mem>> -> memref<!tpu.dma_semaphore, #tpu.memory_space<semaphore_mem>>
    tpu.wait_indirect_dma semaphore(%dma_wait3A_389 : memref<!tpu.dma_semaphore, #tpu.memory_space<semaphore_mem>>) src(%dma_wait3A_387 : memref<8388608xf32, #tpu.memory_space<hbm>>) dst(%dma_wait3A_383 : memref<2048xf32, #tpu.memory_space<vmem>>)
    %dma_wait3A_390 = arith.constant 1 : i32
    %dma_wait3A_391 = arith.constant 2048 : i32
    %dma_wait3A_392 = tpu.memref_slice %arg17[%dma_wait3A_391] : memref<4096xf32, #tpu.memory_space<vmem>> -> memref<2048xf32, #tpu.memory_space<vmem>>
    %dma_wait3A_393 = arith.constant 2048 : i32
    %dma_wait3A_394 = tpu.memref_slice %arg15[%dma_wait3A_393] : memref<4096xi32, #tpu.memory_space<vmem>> -> memref<2048xi32, #tpu.memory_space<vmem>>
    %dma_wait3A_395 = arith.constant 0 : i32
    %dma_wait3A_396 = tpu.memref_slice %arg2[%dma_wait3A_395] : memref<8388608xf32, #tpu.memory_space<hbm>> -> memref<8388608xf32, #tpu.memory_space<hbm>>
    %dma_wait3A_397 = tpu.memref_slice %arg19[%dma_wait3A_390] : memref<2x!tpu.dma_semaphore, #tpu.memory_space<semaphore_mem>> -> memref<1x!tpu.dma_semaphore, #tpu.memory_space<semaphore_mem>>
    %dma_wait3A_398 = tpu.memref_squeeze %dma_wait3A_397 : memref<1x!tpu.dma_semaphore, #tpu.memory_space<semaphore_mem>> -> memref<!tpu.dma_semaphore, #tpu.memory_space<semaphore_mem>>
    tpu.wait_indirect_dma semaphore(%dma_wait3A_398 : memref<!tpu.dma_semaphore, #tpu.memory_space<semaphore_mem>>) src(%dma_wait3A_396 : memref<8388608xf32, #tpu.memory_space<hbm>>) dst(%dma_wait3A_392 : memref<2048xf32, #tpu.memory_space<vmem>>)
    %dma_start3A_399 = arith.constant 0 : i32
    %dma_start3A_400 = arith.constant 1 : i32
    %dma_start3A_401 = arith.constant 0 : i32
    %dma_start3A_402 = arith.constant 0 : i32
    %dma_start3A_403 = tpu.memref_slice %arg3[%select_n3A, %select_n3A_30, %dma_start3A_399, %dma_start3A_401, %dma_start3A_402] : memref<8x4x2x2x16384xi32, #tpu.memory_space<hbm>> -> memref<1x1x1x2x4096xi32, #tpu.memory_space<hbm>>
    %dma_start3A_404 = tpu.memref_squeeze %dma_start3A_403 : memref<1x1x1x2x4096xi32, #tpu.memory_space<hbm>> -> memref<2x4096xi32, #tpu.memory_space<hbm>>
    %dma_start3A_405 = tpu.memref_slice %arg20[%dma_start3A_400] : memref<2x!tpu.dma_semaphore, #tpu.memory_space<semaphore_mem>> -> memref<1x!tpu.dma_semaphore, #tpu.memory_space<semaphore_mem>>
    %dma_start3A_406 = tpu.memref_squeeze %dma_start3A_405 : memref<1x!tpu.dma_semaphore, #tpu.memory_space<semaphore_mem>> -> memref<!tpu.dma_semaphore, #tpu.memory_space<semaphore_mem>>
    %dma_start3A_407 = arith.constant 0 : i32
    %dma_start3A_408 = arith.constant 0 : i32
    %dma_start3A_409 = tpu.memref_slice %arg3[%select_n3A, %select_n3A_30, %dma_start3A_399, %dma_start3A_407, %dma_start3A_408] : memref<8x4x2x2x16384xi32, #tpu.memory_space<hbm>> -> memref<1x1x1x2x4096xi32, #tpu.memory_space<hbm>>
    %dma_start3A_410 = tpu.memref_squeeze %dma_start3A_409 : memref<1x1x1x2x4096xi32, #tpu.memory_space<hbm>> -> memref<2x4096xi32, #tpu.memory_space<hbm>>
    tpu.enqueue_dma source(%dma_start3A_410 : memref<2x4096xi32, #tpu.memory_space<hbm>>) target(%arg12 : memref<2x4096xi32, #tpu.memory_space<vmem>>) target_semaphore(%dma_start3A_406 : memref<!tpu.dma_semaphore, #tpu.memory_space<semaphore_mem>>)
    %dma_start3A_411 = arith.constant 1 : i32
    %dma_start3A_412 = arith.constant 1 : i32
    %dma_start3A_413 = arith.constant 0 : i32
    %dma_start3A_414 = arith.constant 0 : i32
    %dma_start3A_415 = tpu.memref_slice %arg3[%select_n3A, %select_n3A_30, %dma_start3A_411, %dma_start3A_413, %dma_start3A_414] : memref<8x4x2x2x16384xi32, #tpu.memory_space<hbm>> -> memref<1x1x1x2x4096xi32, #tpu.memory_space<hbm>>
    %dma_start3A_416 = tpu.memref_squeeze %dma_start3A_415 : memref<1x1x1x2x4096xi32, #tpu.memory_space<hbm>> -> memref<2x4096xi32, #tpu.memory_space<hbm>>
    %dma_start3A_417 = tpu.memref_slice %arg20[%dma_start3A_412] : memref<2x!tpu.dma_semaphore, #tpu.memory_space<semaphore_mem>> -> memref<1x!tpu.dma_semaphore, #tpu.memory_space<semaphore_mem>>
    %dma_start3A_418 = tpu.memref_squeeze %dma_start3A_417 : memref<1x!tpu.dma_semaphore, #tpu.memory_space<semaphore_mem>> -> memref<!tpu.dma_semaphore, #tpu.memory_space<semaphore_mem>>
    %dma_start3A_419 = arith.constant 0 : i32
    %dma_start3A_420 = arith.constant 0 : i32
    %dma_start3A_421 = tpu.memref_slice %arg3[%select_n3A, %select_n3A_30, %dma_start3A_411, %dma_start3A_419, %dma_start3A_420] : memref<8x4x2x2x16384xi32, #tpu.memory_space<hbm>> -> memref<1x1x1x2x4096xi32, #tpu.memory_space<hbm>>
    %dma_start3A_422 = tpu.memref_squeeze %dma_start3A_421 : memref<1x1x1x2x4096xi32, #tpu.memory_space<hbm>> -> memref<2x4096xi32, #tpu.memory_space<hbm>>
    tpu.enqueue_dma source(%dma_start3A_422 : memref<2x4096xi32, #tpu.memory_space<hbm>>) target(%arg13 : memref<2x4096xi32, #tpu.memory_space<vmem>>) target_semaphore(%dma_start3A_418 : memref<!tpu.dma_semaphore, #tpu.memory_space<semaphore_mem>>)
    %scan3A_423 = arith.constant 0 : i32
    %scan3A_424 = arith.constant 256 : i32
    %scan3A_425 = arith.addi %scan3A_423, %scan3A_424 : i32
    %scan3A_426 = arith.constant 4 : i32
    %scan3A_427 = scf.for %scan3A_1154 = %scan3A_423 to %scan3A_425 step %scan3A_426 iter_args(%scan3A_1155 = %scan3A_294) -> (vector<16xf32>)  : i32 {
      %mul3A_1156 = arith.constant 16 : i32
      %mul3A_1157 = arith.muli %scan3A_1154, %mul3A_1156 : i32
      %get3A_1158 = arith.index_cast %mul3A_1157 : i32 to index
      %get3A_1159 = tpu.vector_load %arg16[%get3A_1158] {strides = array<i32>} : memref<4096xf32, #tpu.memory_space<vmem>>, vector<16xf32>,
      %get3A_1160 = vector.shape_cast %get3A_1159 : vector<16xf32> to vector<16xf32>
      %get3A_1161 = arith.index_cast %mul3A_1157 : i32 to index
      %get3A_1162 = tpu.vector_load %arg17[%get3A_1161] {strides = array<i32>} : memref<4096xf32, #tpu.memory_space<vmem>>, vector<16xf32>,
      %get3A_1163 = vector.shape_cast %get3A_1162 : vector<16xf32> to vector<16xf32>
      %sub3A_1164 = arith.subf %get3A_1160, %get3A_1163 : vector<16xf32>
      %mul3A_1165 = arith.mulf %sub3A_1164, %sub3A_1164 : vector<16xf32>
      %add3A_1166 = arith.addf %scan3A_1155, %mul3A_1165 : vector<16xf32>
      %scan3A_1167 = arith.constant 1 : i32
      %scan3A_1168 = arith.addi %scan3A_1154, %scan3A_1167 : i32
      %mul3A_1169 = arith.constant 16 : i32
      %mul3A_1170 = arith.muli %scan3A_1168, %mul3A_1169 : i32
      %get3A_1171 = arith.index_cast %mul3A_1170 : i32 to index
      %get3A_1172 = tpu.vector_load %arg16[%get3A_1171] {strides = array<i32>} : memref<4096xf32, #tpu.memory_space<vmem>>, vector<16xf32>,
      %get3A_1173 = vector.shape_cast %get3A_1172 : vector<16xf32> to vector<16xf32>
      %get3A_1174 = arith.index_cast %mul3A_1170 : i32 to index
      %get3A_1175 = tpu.vector_load %arg17[%get3A_1174] {strides = array<i32>} : memref<4096xf32, #tpu.memory_space<vmem>>, vector<16xf32>,
      %get3A_1176 = vector.shape_cast %get3A_1175 : vector<16xf32> to vector<16xf32>
      %sub3A_1177 = arith.subf %get3A_1173, %get3A_1176 : vector<16xf32>
      %mul3A_1178 = arith.mulf %sub3A_1177, %sub3A_1177 : vector<16xf32>
      %add3A_1179 = arith.addf %add3A_1166, %mul3A_1178 : vector<16xf32>
      %scan3A_1180 = arith.constant 2 : i32
      %scan3A_1181 = arith.addi %scan3A_1154, %scan3A_1180 : i32
      %mul3A_1182 = arith.constant 16 : i32
      %mul3A_1183 = arith.muli %scan3A_1181, %mul3A_1182 : i32
      %get3A_1184 = arith.index_cast %mul3A_1183 : i32 to index
      %get3A_1185 = tpu.vector_load %arg16[%get3A_1184] {strides = array<i32>} : memref<4096xf32, #tpu.memory_space<vmem>>, vector<16xf32>,
      %get3A_1186 = vector.shape_cast %get3A_1185 : vector<16xf32> to vector<16xf32>
      %get3A_1187 = arith.index_cast %mul3A_1183 : i32 to index
      %get3A_1188 = tpu.vector_load %arg17[%get3A_1187] {strides = array<i32>} : memref<4096xf32, #tpu.memory_space<vmem>>, vector<16xf32>,
      %get3A_1189 = vector.shape_cast %get3A_1188 : vector<16xf32> to vector<16xf32>
      %sub3A_1190 = arith.subf %get3A_1186, %get3A_1189 : vector<16xf32>
      %mul3A_1191 = arith.mulf %sub3A_1190, %sub3A_1190 : vector<16xf32>
      %add3A_1192 = arith.addf %add3A_1179, %mul3A_1191 : vector<16xf32>
      %scan3A_1193 = arith.constant 3 : i32
      %scan3A_1194 = arith.addi %scan3A_1154, %scan3A_1193 : i32
      %mul3A_1195 = arith.constant 16 : i32
      %mul3A_1196 = arith.muli %scan3A_1194, %mul3A_1195 : i32
      %get3A_1197 = arith.index_cast %mul3A_1196 : i32 to index
      %get3A_1198 = tpu.vector_load %arg16[%get3A_1197] {strides = array<i32>} : memref<4096xf32, #tpu.memory_space<vmem>>, vector<16xf32>,
      %get3A_1199 = vector.shape_cast %get3A_1198 : vector<16xf32> to vector<16xf32>
      %get3A_1200 = arith.index_cast %mul3A_1196 : i32 to index
      %get3A_1201 = tpu.vector_load %arg17[%get3A_1200] {strides = array<i32>} : memref<4096xf32, #tpu.memory_space<vmem>>, vector<16xf32>,
      %get3A_1202 = vector.shape_cast %get3A_1201 : vector<16xf32> to vector<16xf32>
      %sub3A_1203 = arith.subf %get3A_1199, %get3A_1202 : vector<16xf32>
      %mul3A_1204 = arith.mulf %sub3A_1203, %sub3A_1203 : vector<16xf32>
      %add3A_1205 = arith.addf %add3A_1192, %mul3A_1204 : vector<16xf32>
      scf.yield %add3A_1205 : vector<16xf32>
    }
    %scan3A_428 = arith.constant 256 : i32
    %dma_wait3A_429 = arith.constant 0 : i32
    %dma_wait3A_430 = arith.constant 1 : i32
    %dma_wait3A_431 = arith.constant 0 : i32
    %dma_wait3A_432 = arith.constant 0 : i32
    %dma_wait3A_433 = tpu.memref_slice %arg3[%select_n3A, %select_n3A_30, %dma_wait3A_429, %dma_wait3A_431, %dma_wait3A_432] : memref<8x4x2x2x16384xi32, #tpu.memory_space<hbm>> -> memref<1x1x1x2x4096xi32, #tpu.memory_space<hbm>>
    %dma_wait3A_434 = tpu.memref_squeeze %dma_wait3A_433 : memref<1x1x1x2x4096xi32, #tpu.memory_space<hbm>> -> memref<2x4096xi32, #tpu.memory_space<hbm>>
    %dma_wait3A_435 = tpu.memref_slice %arg20[%dma_wait3A_430] : memref<2x!tpu.dma_semaphore, #tpu.memory_space<semaphore_mem>> -> memref<1x!tpu.dma_semaphore, #tpu.memory_space<semaphore_mem>>
    %dma_wait3A_436 = tpu.memref_squeeze %dma_wait3A_435 : memref<1x!tpu.dma_semaphore, #tpu.memory_space<semaphore_mem>> -> memref<!tpu.dma_semaphore, #tpu.memory_space<semaphore_mem>>
    %dma_wait3A_437 = arith.constant 0 : i32
    %dma_wait3A_438 = arith.constant 0 : i32
    %dma_wait3A_439 = tpu.memref_slice %arg3[%select_n3A, %select_n3A_30, %dma_wait3A_429, %dma_wait3A_437, %dma_wait3A_438] : memref<8x4x2x2x16384xi32, #tpu.memory_space<hbm>> -> memref<1x1x1x2x4096xi32, #tpu.memory_space<hbm>>
    %dma_wait3A_440 = tpu.memref_squeeze %dma_wait3A_439 : memref<1x1x1x2x4096xi32, #tpu.memory_space<hbm>> -> memref<2x4096xi32, #tpu.memory_space<hbm>>
    tpu.wait_dma2 semaphore(%dma_wait3A_436 : memref<!tpu.dma_semaphore, #tpu.memory_space<semaphore_mem>>) src(%dma_wait3A_440 : memref<2x4096xi32, #tpu.memory_space<hbm>>) dst(%arg12 : memref<2x4096xi32, #tpu.memory_space<vmem>>)
    %dma_wait3A_441 = arith.constant 1 : i32
    %dma_wait3A_442 = arith.constant 1 : i32
    %dma_wait3A_443 = arith.constant 0 : i32
    %dma_wait3A_444 = arith.constant 0 : i32
    %dma_wait3A_445 = tpu.memref_slice %arg3[%select_n3A, %select_n3A_30, %dma_wait3A_441, %dma_wait3A_443, %dma_wait3A_444] : memref<8x4x2x2x16384xi32, #tpu.memory_space<hbm>> -> memref<1x1x1x2x4096xi32, #tpu.memory_space<hbm>>
    %dma_wait3A_446 = tpu.memref_squeeze %dma_wait3A_445 : memref<1x1x1x2x4096xi32, #tpu.memory_space<hbm>> -> memref<2x4096xi32, #tpu.memory_space<hbm>>
    %dma_wait3A_447 = tpu.memref_slice %arg20[%dma_wait3A_442] : memref<2x!tpu.dma_semaphore, #tpu.memory_space<semaphore_mem>> -> memref<1x!tpu.dma_semaphore, #tpu.memory_space<semaphore_mem>>
    %dma_wait3A_448 = tpu.memref_squeeze %dma_wait3A_447 : memref<1x!tpu.dma_semaphore, #tpu.memory_space<semaphore_mem>> -> memref<!tpu.dma_semaphore, #tpu.memory_space<semaphore_mem>>
    %dma_wait3A_449 = arith.constant 0 : i32
    %dma_wait3A_450 = arith.constant 0 : i32
    %dma_wait3A_451 = tpu.memref_slice %arg3[%select_n3A, %select_n3A_30, %dma_wait3A_441, %dma_wait3A_449, %dma_wait3A_450] : memref<8x4x2x2x16384xi32, #tpu.memory_space<hbm>> -> memref<1x1x1x2x4096xi32, #tpu.memory_space<hbm>>
    %dma_wait3A_452 = tpu.memref_squeeze %dma_wait3A_451 : memref<1x1x1x2x4096xi32, #tpu.memory_space<hbm>> -> memref<2x4096xi32, #tpu.memory_space<hbm>>
    tpu.wait_dma2 semaphore(%dma_wait3A_448 : memref<!tpu.dma_semaphore, #tpu.memory_space<semaphore_mem>>) src(%dma_wait3A_452 : memref<2x4096xi32, #tpu.memory_space<hbm>>) dst(%arg13 : memref<2x4096xi32, #tpu.memory_space<vmem>>)
    %scan3A_453 = arith.constant 0 : i32
    %scan3A_454 = arith.constant 0 : i32
    %scan3A_455 = arith.constant 256 : i32
    %scan3A_456 = arith.addi %scan3A_454, %scan3A_455 : i32
    %scan3A_457 = arith.constant 4 : i32
    %scan3A_458 = scf.for %scan3A_1154 = %scan3A_454 to %scan3A_456 step %scan3A_457 iter_args(%scan3A_1155 = %scan3A_453) -> (i32)  : i32 {
      %mul3A_1156 = arith.constant 16 : i32
      %mul3A_1157 = arith.muli %scan3A_1154, %mul3A_1156 : i32
      %get3A_1158 = arith.constant 0 : i32
      %get3A_1159 = arith.index_cast %get3A_1158 : i32 to index
      %get3A_1160 = arith.index_cast %mul3A_1157 : i32 to index
      %get3A_1161 = tpu.vector_load %arg12[%get3A_1159, %get3A_1160] {strides = array<i32>} : memref<2x4096xi32, #tpu.memory_space<vmem>>, vector<1x16xi32>,
      %get3A_1162 = vector.shape_cast %get3A_1161 : vector<1x16xi32> to vector<16xi32>
      %mul3A_1163 = arith.constant 512 : i32
      %mul3A_1164 = vector.broadcast %mul3A_1163 : i32 to vector<16xi32>
      %mul3A_1165 = arith.muli %get3A_1162, %mul3A_1164 : vector<16xi32>
      %get3A_1166 = arith.constant 1 : i32
      %get3A_1167 = arith.index_cast %get3A_1166 : i32 to index
      %get3A_1168 = arith.index_cast %mul3A_1157 : i32 to index
      %get3A_1169 = tpu.vector_load %arg12[%get3A_1167, %get3A_1168] {strides = array<i32>} : memref<2x4096xi32, #tpu.memory_space<vmem>>, vector<1x16xi32>,
      %get3A_1170 = vector.shape_cast %get3A_1169 : vector<1x16xi32> to vector<16xi32>
      %add3A_1171 = arith.addi %mul3A_1165, %get3A_1170 : vector<16xi32>
      %add3A_1172 = vector.broadcast %mul3A_32 : i32 to vector<16xi32>
      %add3A_1173 = arith.addi %add3A_1171, %add3A_1172 : vector<16xi32>
      %swap3A_1174 = arith.index_cast %mul3A_1157 : i32 to index
      %swap3A_1175 = tpu.vector_load %arg14[%swap3A_1174] {strides = array<i32>} : memref<4096xi32, #tpu.memory_space<vmem>>, vector<16xi32>,
      %swap3A_1176 = vector.shape_cast %swap3A_1175 : vector<16xi32> to vector<16xi32>
      %swap3A_1177 = vector.shape_cast %add3A_1173 : vector<16xi32> to vector<16xi32>
      tpu.vector_store %arg14[%swap3A_1174], %swap3A_1177 {strides = array<i32>} : memref<4096xi32, #tpu.memory_space<vmem>>, vector<16xi32>,
      %get3A_1178 = arith.constant 0 : i32
      %get3A_1179 = arith.index_cast %get3A_1178 : i32 to index
      %get3A_1180 = arith.index_cast %mul3A_1157 : i32 to index
      %get3A_1181 = tpu.vector_load %arg13[%get3A_1179, %get3A_1180] {strides = array<i32>} : memref<2x4096xi32, #tpu.memory_space<vmem>>, vector<1x16xi32>,
      %get3A_1182 = vector.shape_cast %get3A_1181 : vector<1x16xi32> to vector<16xi32>
      %mul3A_1183 = arith.constant 512 : i32
      %mul3A_1184 = vector.broadcast %mul3A_1183 : i32 to vector<16xi32>
      %mul3A_1185 = arith.muli %get3A_1182, %mul3A_1184 : vector<16xi32>
      %get3A_1186 = arith.constant 1 : i32
      %get3A_1187 = arith.index_cast %get3A_1186 : i32 to index
      %get3A_1188 = arith.index_cast %mul3A_1157 : i32 to index
      %get3A_1189 = tpu.vector_load %arg13[%get3A_1187, %get3A_1188] {strides = array<i32>} : memref<2x4096xi32, #tpu.memory_space<vmem>>, vector<1x16xi32>,
      %get3A_1190 = vector.shape_cast %get3A_1189 : vector<1x16xi32> to vector<16xi32>
      %add3A_1191 = arith.addi %mul3A_1185, %get3A_1190 : vector<16xi32>
      %add3A_1192 = vector.broadcast %mul3A_32 : i32 to vector<16xi32>
      %add3A_1193 = arith.addi %add3A_1191, %add3A_1192 : vector<16xi32>
      %swap3A_1194 = arith.index_cast %mul3A_1157 : i32 to index
      %swap3A_1195 = tpu.vector_load %arg15[%swap3A_1194] {strides = array<i32>} : memref<4096xi32, #tpu.memory_space<vmem>>, vector<16xi32>,
      %swap3A_1196 = vector.shape_cast %swap3A_1195 : vector<16xi32> to vector<16xi32>
      %swap3A_1197 = vector.shape_cast %add3A_1193 : vector<16xi32> to vector<16xi32>
      tpu.vector_store %arg15[%swap3A_1194], %swap3A_1197 {strides = array<i32>} : memref<4096xi32, #tpu.memory_space<vmem>>, vector<16xi32>,
      %scan3A_1198 = arith.constant 0 : i32
      %scan3A_1199 = arith.constant 1 : i32
      %scan3A_1200 = arith.addi %scan3A_1154, %scan3A_1199 : i32
      %mul3A_1201 = arith.constant 16 : i32
      %mul3A_1202 = arith.muli %scan3A_1200, %mul3A_1201 : i32
      %get3A_1203 = arith.constant 0 : i32
      %get3A_1204 = arith.index_cast %get3A_1203 : i32 to index
      %get3A_1205 = arith.index_cast %mul3A_1202 : i32 to index
      %get3A_1206 = tpu.vector_load %arg12[%get3A_1204, %get3A_1205] {strides = array<i32>} : memref<2x4096xi32, #tpu.memory_space<vmem>>, vector<1x16xi32>,
      %get3A_1207 = vector.shape_cast %get3A_1206 : vector<1x16xi32> to vector<16xi32>
      %mul3A_1208 = arith.constant 512 : i32
      %mul3A_1209 = vector.broadcast %mul3A_1208 : i32 to vector<16xi32>
      %mul3A_1210 = arith.muli %get3A_1207, %mul3A_1209 : vector<16xi32>
      %get3A_1211 = arith.constant 1 : i32
      %get3A_1212 = arith.index_cast %get3A_1211 : i32 to index
      %get3A_1213 = arith.index_cast %mul3A_1202 : i32 to index
      %get3A_1214 = tpu.vector_load %arg12[%get3A_1212, %get3A_1213] {strides = array<i32>} : memref<2x4096xi32, #tpu.memory_space<vmem>>, vector<1x16xi32>,
      %get3A_1215 = vector.shape_cast %get3A_1214 : vector<1x16xi32> to vector<16xi32>
      %add3A_1216 = arith.addi %mul3A_1210, %get3A_1215 : vector<16xi32>
      %add3A_1217 = vector.broadcast %mul3A_32 : i32 to vector<16xi32>
      %add3A_1218 = arith.addi %add3A_1216, %add3A_1217 : vector<16xi32>
      %swap3A_1219 = arith.index_cast %mul3A_1202 : i32 to index
      %swap3A_1220 = tpu.vector_load %arg14[%swap3A_1219] {strides = array<i32>} : memref<4096xi32, #tpu.memory_space<vmem>>, vector<16xi32>,
      %swap3A_1221 = vector.shape_cast %swap3A_1220 : vector<16xi32> to vector<16xi32>
      %swap3A_1222 = vector.shape_cast %add3A_1218 : vector<16xi32> to vector<16xi32>
      tpu.vector_store %arg14[%swap3A_1219], %swap3A_1222 {strides = array<i32>} : memref<4096xi32, #tpu.memory_space<vmem>>, vector<16xi32>,
      %get3A_1223 = arith.constant 0 : i32
      %get3A_1224 = arith.index_cast %get3A_1223 : i32 to index
      %get3A_1225 = arith.index_cast %mul3A_1202 : i32 to index
      %get3A_1226 = tpu.vector_load %arg13[%get3A_1224, %get3A_1225] {strides = array<i32>} : memref<2x4096xi32, #tpu.memory_space<vmem>>, vector<1x16xi32>,
      %get3A_1227 = vector.shape_cast %get3A_1226 : vector<1x16xi32> to vector<16xi32>
      %mul3A_1228 = arith.constant 512 : i32
      %mul3A_1229 = vector.broadcast %mul3A_1228 : i32 to vector<16xi32>
      %mul3A_1230 = arith.muli %get3A_1227, %mul3A_1229 : vector<16xi32>
      %get3A_1231 = arith.constant 1 : i32
      %get3A_1232 = arith.index_cast %get3A_1231 : i32 to index
      %get3A_1233 = arith.index_cast %mul3A_1202 : i32 to index
      %get3A_1234 = tpu.vector_load %arg13[%get3A_1232, %get3A_1233] {strides = array<i32>} : memref<2x4096xi32, #tpu.memory_space<vmem>>, vector<1x16xi32>,
      %get3A_1235 = vector.shape_cast %get3A_1234 : vector<1x16xi32> to vector<16xi32>
      %add3A_1236 = arith.addi %mul3A_1230, %get3A_1235 : vector<16xi32>
      %add3A_1237 = vector.broadcast %mul3A_32 : i32 to vector<16xi32>
      %add3A_1238 = arith.addi %add3A_1236, %add3A_1237 : vector<16xi32>
      %swap3A_1239 = arith.index_cast %mul3A_1202 : i32 to index
      %swap3A_1240 = tpu.vector_load %arg15[%swap3A_1239] {strides = array<i32>} : memref<4096xi32, #tpu.memory_space<vmem>>, vector<16xi32>,
      %swap3A_1241 = vector.shape_cast %swap3A_1240 : vector<16xi32> to vector<16xi32>
      %swap3A_1242 = vector.shape_cast %add3A_1238 : vector<16xi32> to vector<16xi32>
      tpu.vector_store %arg15[%swap3A_1239], %swap3A_1242 {strides = array<i32>} : memref<4096xi32, #tpu.memory_space<vmem>>, vector<16xi32>,
      %scan3A_1243 = arith.constant 0 : i32
      %scan3A_1244 = arith.constant 2 : i32
      %scan3A_1245 = arith.addi %scan3A_1154, %scan3A_1244 : i32
      %mul3A_1246 = arith.constant 16 : i32
      %mul3A_1247 = arith.muli %scan3A_1245, %mul3A_1246 : i32
      %get3A_1248 = arith.constant 0 : i32
      %get3A_1249 = arith.index_cast %get3A_1248 : i32 to index
      %get3A_1250 = arith.index_cast %mul3A_1247 : i32 to index
      %get3A_1251 = tpu.vector_load %arg12[%get3A_1249, %get3A_1250] {strides = array<i32>} : memref<2x4096xi32, #tpu.memory_space<vmem>>, vector<1x16xi32>,
      %get3A_1252 = vector.shape_cast %get3A_1251 : vector<1x16xi32> to vector<16xi32>
      %mul3A_1253 = arith.constant 512 : i32
      %mul3A_1254 = vector.broadcast %mul3A_1253 : i32 to vector<16xi32>
      %mul3A_1255 = arith.muli %get3A_1252, %mul3A_1254 : vector<16xi32>
      %get3A_1256 = arith.constant 1 : i32
      %get3A_1257 = arith.index_cast %get3A_1256 : i32 to index
      %get3A_1258 = arith.index_cast %mul3A_1247 : i32 to index
      %get3A_1259 = tpu.vector_load %arg12[%get3A_1257, %get3A_1258] {strides = array<i32>} : memref<2x4096xi32, #tpu.memory_space<vmem>>, vector<1x16xi32>,
      %get3A_1260 = vector.shape_cast %get3A_1259 : vector<1x16xi32> to vector<16xi32>
      %add3A_1261 = arith.addi %mul3A_1255, %get3A_1260 : vector<16xi32>
      %add3A_1262 = vector.broadcast %mul3A_32 : i32 to vector<16xi32>
      %add3A_1263 = arith.addi %add3A_1261, %add3A_1262 : vector<16xi32>
      %swap3A_1264 = arith.index_cast %mul3A_1247 : i32 to index
      %swap3A_1265 = tpu.vector_load %arg14[%swap3A_1264] {strides = array<i32>} : memref<4096xi32, #tpu.memory_space<vmem>>, vector<16xi32>,
      %swap3A_1266 = vector.shape_cast %swap3A_1265 : vector<16xi32> to vector<16xi32>
      %swap3A_1267 = vector.shape_cast %add3A_1263 : vector<16xi32> to vector<16xi32>
      tpu.vector_store %arg14[%swap3A_1264], %swap3A_1267 {strides = array<i32>} : memref<4096xi32, #tpu.memory_space<vmem>>, vector<16xi32>,
      %get3A_1268 = arith.constant 0 : i32
      %get3A_1269 = arith.index_cast %get3A_1268 : i32 to index
      %get3A_1270 = arith.index_cast %mul3A_1247 : i32 to index
      %get3A_1271 = tpu.vector_load %arg13[%get3A_1269, %get3A_1270] {strides = array<i32>} : memref<2x4096xi32, #tpu.memory_space<vmem>>, vector<1x16xi32>,
      %get3A_1272 = vector.shape_cast %get3A_1271 : vector<1x16xi32> to vector<16xi32>
      %mul3A_1273 = arith.constant 512 : i32
      %mul3A_1274 = vector.broadcast %mul3A_1273 : i32 to vector<16xi32>
      %mul3A_1275 = arith.muli %get3A_1272, %mul3A_1274 : vector<16xi32>
      %get3A_1276 = arith.constant 1 : i32
      %get3A_1277 = arith.index_cast %get3A_1276 : i32 to index
      %get3A_1278 = arith.index_cast %mul3A_1247 : i32 to index
      %get3A_1279 = tpu.vector_load %arg13[%get3A_1277, %get3A_1278] {strides = array<i32>} : memref<2x4096xi32, #tpu.memory_space<vmem>>, vector<1x16xi32>,
      %get3A_1280 = vector.shape_cast %get3A_1279 : vector<1x16xi32> to vector<16xi32>
      %add3A_1281 = arith.addi %mul3A_1275, %get3A_1280 : vector<16xi32>
      %add3A_1282 = vector.broadcast %mul3A_32 : i32 to vector<16xi32>
      %add3A_1283 = arith.addi %add3A_1281, %add3A_1282 : vector<16xi32>
      %swap3A_1284 = arith.index_cast %mul3A_1247 : i32 to index
      %swap3A_1285 = tpu.vector_load %arg15[%swap3A_1284] {strides = array<i32>} : memref<4096xi32, #tpu.memory_space<vmem>>, vector<16xi32>,
      %swap3A_1286 = vector.shape_cast %swap3A_1285 : vector<16xi32> to vector<16xi32>
      %swap3A_1287 = vector.shape_cast %add3A_1283 : vector<16xi32> to vector<16xi32>
      tpu.vector_store %arg15[%swap3A_1284], %swap3A_1287 {strides = array<i32>} : memref<4096xi32, #tpu.memory_space<vmem>>, vector<16xi32>,
      %scan3A_1288 = arith.constant 0 : i32
      %scan3A_1289 = arith.constant 3 : i32
      %scan3A_1290 = arith.addi %scan3A_1154, %scan3A_1289 : i32
      %mul3A_1291 = arith.constant 16 : i32
      %mul3A_1292 = arith.muli %scan3A_1290, %mul3A_1291 : i32
      %get3A_1293 = arith.constant 0 : i32
      %get3A_1294 = arith.index_cast %get3A_1293 : i32 to index
      %get3A_1295 = arith.index_cast %mul3A_1292 : i32 to index
      %get3A_1296 = tpu.vector_load %arg12[%get3A_1294, %get3A_1295] {strides = array<i32>} : memref<2x4096xi32, #tpu.memory_space<vmem>>, vector<1x16xi32>,
      %get3A_1297 = vector.shape_cast %get3A_1296 : vector<1x16xi32> to vector<16xi32>
      %mul3A_1298 = arith.constant 512 : i32
      %mul3A_1299 = vector.broadcast %mul3A_1298 : i32 to vector<16xi32>
      %mul3A_1300 = arith.muli %get3A_1297, %mul3A_1299 : vector<16xi32>
      %get3A_1301 = arith.constant 1 : i32
      %get3A_1302 = arith.index_cast %get3A_1301 : i32 to index
      %get3A_1303 = arith.index_cast %mul3A_1292 : i32 to index
      %get3A_1304 = tpu.vector_load %arg12[%get3A_1302, %get3A_1303] {strides = array<i32>} : memref<2x4096xi32, #tpu.memory_space<vmem>>, vector<1x16xi32>,
      %get3A_1305 = vector.shape_cast %get3A_1304 : vector<1x16xi32> to vector<16xi32>
      %add3A_1306 = arith.addi %mul3A_1300, %get3A_1305 : vector<16xi32>
      %add3A_1307 = vector.broadcast %mul3A_32 : i32 to vector<16xi32>
      %add3A_1308 = arith.addi %add3A_1306, %add3A_1307 : vector<16xi32>
      %swap3A_1309 = arith.index_cast %mul3A_1292 : i32 to index
      %swap3A_1310 = tpu.vector_load %arg14[%swap3A_1309] {strides = array<i32>} : memref<4096xi32, #tpu.memory_space<vmem>>, vector<16xi32>,
      %swap3A_1311 = vector.shape_cast %swap3A_1310 : vector<16xi32> to vector<16xi32>
      %swap3A_1312 = vector.shape_cast %add3A_1308 : vector<16xi32> to vector<16xi32>
      tpu.vector_store %arg14[%swap3A_1309], %swap3A_1312 {strides = array<i32>} : memref<4096xi32, #tpu.memory_space<vmem>>, vector<16xi32>,
      %get3A_1313 = arith.constant 0 : i32
      %get3A_1314 = arith.index_cast %get3A_1313 : i32 to index
      %get3A_1315 = arith.index_cast %mul3A_1292 : i32 to index
      %get3A_1316 = tpu.vector_load %arg13[%get3A_1314, %get3A_1315] {strides = array<i32>} : memref<2x4096xi32, #tpu.memory_space<vmem>>, vector<1x16xi32>,
      %get3A_1317 = vector.shape_cast %get3A_1316 : vector<1x16xi32> to vector<16xi32>
      %mul3A_1318 = arith.constant 512 : i32
      %mul3A_1319 = vector.broadcast %mul3A_1318 : i32 to vector<16xi32>
      %mul3A_1320 = arith.muli %get3A_1317, %mul3A_1319 : vector<16xi32>
      %get3A_1321 = arith.constant 1 : i32
      %get3A_1322 = arith.index_cast %get3A_1321 : i32 to index
      %get3A_1323 = arith.index_cast %mul3A_1292 : i32 to index
      %get3A_1324 = tpu.vector_load %arg13[%get3A_1322, %get3A_1323] {strides = array<i32>} : memref<2x4096xi32, #tpu.memory_space<vmem>>, vector<1x16xi32>,
      %get3A_1325 = vector.shape_cast %get3A_1324 : vector<1x16xi32> to vector<16xi32>
      %add3A_1326 = arith.addi %mul3A_1320, %get3A_1325 : vector<16xi32>
      %add3A_1327 = vector.broadcast %mul3A_32 : i32 to vector<16xi32>
      %add3A_1328 = arith.addi %add3A_1326, %add3A_1327 : vector<16xi32>
      %swap3A_1329 = arith.index_cast %mul3A_1292 : i32 to index
      %swap3A_1330 = tpu.vector_load %arg15[%swap3A_1329] {strides = array<i32>} : memref<4096xi32, #tpu.memory_space<vmem>>, vector<16xi32>,
      %swap3A_1331 = vector.shape_cast %swap3A_1330 : vector<16xi32> to vector<16xi32>
      %swap3A_1332 = vector.shape_cast %add3A_1328 : vector<16xi32> to vector<16xi32>
      tpu.vector_store %arg15[%swap3A_1329], %swap3A_1332 {strides = array<i32>} : memref<4096xi32, #tpu.memory_space<vmem>>, vector<16xi32>,
      %scan3A_1333 = arith.constant 0 : i32
      scf.yield %scan3A_1333 : i32
    }
    %scan3A_459 = arith.constant 256 : i32
    %dma_start3A_460 = arith.constant 1 : i32
    %dma_start3A_461 = arith.constant 0 : i32
    %dma_start3A_462 = tpu.memref_slice %arg16[%dma_start3A_461] : memref<4096xf32, #tpu.memory_space<vmem>> -> memref<2048xf32, #tpu.memory_space<vmem>>
    %dma_start3A_463 = arith.constant 0 : i32
    %dma_start3A_464 = tpu.memref_slice %arg14[%dma_start3A_463] : memref<4096xi32, #tpu.memory_space<vmem>> -> memref<2048xi32, #tpu.memory_space<vmem>>
    %dma_start3A_465 = arith.constant 0 : i32
    %dma_start3A_466 = tpu.memref_slice %arg2[%dma_start3A_465] : memref<8388608xf32, #tpu.memory_space<hbm>> -> memref<8388608xf32, #tpu.memory_space<hbm>>
    %dma_start3A_467 = tpu.memref_slice %arg19[%dma_start3A_460] : memref<2x!tpu.dma_semaphore, #tpu.memory_space<semaphore_mem>> -> memref<1x!tpu.dma_semaphore, #tpu.memory_space<semaphore_mem>>
    %dma_start3A_468 = tpu.memref_squeeze %dma_start3A_467 : memref<1x!tpu.dma_semaphore, #tpu.memory_space<semaphore_mem>> -> memref<!tpu.dma_semaphore, #tpu.memory_space<semaphore_mem>>
    tpu.enqueue_indirect_dma source(%dma_start3A_466 : memref<8388608xf32, #tpu.memory_space<hbm>>) target(%dma_start3A_462 : memref<2048xf32, #tpu.memory_space<vmem>>) offsets(%dma_start3A_464 : memref<2048xi32, #tpu.memory_space<vmem>>) semaphore(%dma_start3A_468 : memref<!tpu.dma_semaphore, #tpu.memory_space<semaphore_mem>>)
    %dma_start3A_469 = arith.constant 1 : i32
    %dma_start3A_470 = arith.constant 0 : i32
    %dma_start3A_471 = tpu.memref_slice %arg17[%dma_start3A_470] : memref<4096xf32, #tpu.memory_space<vmem>> -> memref<2048xf32, #tpu.memory_space<vmem>>
    %dma_start3A_472 = arith.constant 0 : i32
    %dma_start3A_473 = tpu.memref_slice %arg15[%dma_start3A_472] : memref<4096xi32, #tpu.memory_space<vmem>> -> memref<2048xi32, #tpu.memory_space<vmem>>
    %dma_start3A_474 = arith.constant 0 : i32
    %dma_start3A_475 = tpu.memref_slice %arg2[%dma_start3A_474] : memref<8388608xf32, #tpu.memory_space<hbm>> -> memref<8388608xf32, #tpu.memory_space<hbm>>
    %dma_start3A_476 = tpu.memref_slice %arg19[%dma_start3A_469] : memref<2x!tpu.dma_semaphore, #tpu.memory_space<semaphore_mem>> -> memref<1x!tpu.dma_semaphore, #tpu.memory_space<semaphore_mem>>
    %dma_start3A_477 = tpu.memref_squeeze %dma_start3A_476 : memref<1x!tpu.dma_semaphore, #tpu.memory_space<semaphore_mem>> -> memref<!tpu.dma_semaphore, #tpu.memory_space<semaphore_mem>>
    tpu.enqueue_indirect_dma source(%dma_start3A_475 : memref<8388608xf32, #tpu.memory_space<hbm>>) target(%dma_start3A_471 : memref<2048xf32, #tpu.memory_space<vmem>>) offsets(%dma_start3A_473 : memref<2048xi32, #tpu.memory_space<vmem>>) semaphore(%dma_start3A_477 : memref<!tpu.dma_semaphore, #tpu.memory_space<semaphore_mem>>)
    %dma_start3A_478 = arith.constant 1 : i32
    %dma_start3A_479 = arith.constant 2048 : i32
    %dma_start3A_480 = tpu.memref_slice %arg16[%dma_start3A_479] : memref<4096xf32, #tpu.memory_space<vmem>> -> memref<2048xf32, #tpu.memory_space<vmem>>
    %dma_start3A_481 = arith.constant 2048 : i32
    %dma_start3A_482 = tpu.memref_slice %arg14[%dma_start3A_481] : memref<4096xi32, #tpu.memory_space<vmem>> -> memref<2048xi32, #tpu.memory_space<vmem>>
    %dma_start3A_483 = arith.constant 0 : i32
    %dma_start3A_484 = tpu.memref_slice %arg2[%dma_start3A_483] : memref<8388608xf32, #tpu.memory_space<hbm>> -> memref<8388608xf32, #tpu.memory_space<hbm>>
    %dma_start3A_485 = tpu.memref_slice %arg19[%dma_start3A_478] : memref<2x!tpu.dma_semaphore, #tpu.memory_space<semaphore_mem>> -> memref<1x!tpu.dma_semaphore, #tpu.memory_space<semaphore_mem>>
    %dma_start3A_486 = tpu.memref_squeeze %dma_start3A_485 : memref<1x!tpu.dma_semaphore, #tpu.memory_space<semaphore_mem>> -> memref<!tpu.dma_semaphore, #tpu.memory_space<semaphore_mem>>
    tpu.enqueue_indirect_dma source(%dma_start3A_484 : memref<8388608xf32, #tpu.memory_space<hbm>>) target(%dma_start3A_480 : memref<2048xf32, #tpu.memory_space<vmem>>) offsets(%dma_start3A_482 : memref<2048xi32, #tpu.memory_space<vmem>>) semaphore(%dma_start3A_486 : memref<!tpu.dma_semaphore, #tpu.memory_space<semaphore_mem>>)
    %dma_start3A_487 = arith.constant 1 : i32
    %dma_start3A_488 = arith.constant 2048 : i32
    %dma_start3A_489 = tpu.memref_slice %arg17[%dma_start3A_488] : memref<4096xf32, #tpu.memory_space<vmem>> -> memref<2048xf32, #tpu.memory_space<vmem>>
    %dma_start3A_490 = arith.constant 2048 : i32
    %dma_start3A_491 = tpu.memref_slice %arg15[%dma_start3A_490] : memref<4096xi32, #tpu.memory_space<vmem>> -> memref<2048xi32, #tpu.memory_space<vmem>>
    %dma_start3A_492 = arith.constant 0 : i32
    %dma_start3A_493 = tpu.memref_slice %arg2[%dma_start3A_492] : memref<8388608xf32, #tpu.memory_space<hbm>> -> memref<8388608xf32, #tpu.memory_space<hbm>>
    %dma_start3A_494 = tpu.memref_slice %arg19[%dma_start3A_487] : memref<2x!tpu.dma_semaphore, #tpu.memory_space<semaphore_mem>> -> memref<1x!tpu.dma_semaphore, #tpu.memory_space<semaphore_mem>>
    %dma_start3A_495 = tpu.memref_squeeze %dma_start3A_494 : memref<1x!tpu.dma_semaphore, #tpu.memory_space<semaphore_mem>> -> memref<!tpu.dma_semaphore, #tpu.memory_space<semaphore_mem>>
    tpu.enqueue_indirect_dma source(%dma_start3A_493 : memref<8388608xf32, #tpu.memory_space<hbm>>) target(%dma_start3A_489 : memref<2048xf32, #tpu.memory_space<vmem>>) offsets(%dma_start3A_491 : memref<2048xi32, #tpu.memory_space<vmem>>) semaphore(%dma_start3A_495 : memref<!tpu.dma_semaphore, #tpu.memory_space<semaphore_mem>>)
    %dma_wait3A_496 = arith.constant 0 : i32
    %dma_wait3A_497 = arith.constant 0 : i32
    %dma_wait3A_498 = tpu.memref_slice %arg10[%dma_wait3A_497] : memref<4096xf32, #tpu.memory_space<vmem>> -> memref<2048xf32, #tpu.memory_space<vmem>>
    %dma_wait3A_499 = arith.constant 0 : i32
    %dma_wait3A_500 = tpu.memref_slice %arg8[%dma_wait3A_499] : memref<4096xi32, #tpu.memory_space<vmem>> -> memref<2048xi32, #tpu.memory_space<vmem>>
    %dma_wait3A_501 = arith.constant 0 : i32
    %dma_wait3A_502 = tpu.memref_slice %arg2[%dma_wait3A_501] : memref<8388608xf32, #tpu.memory_space<hbm>> -> memref<8388608xf32, #tpu.memory_space<hbm>>
    %dma_wait3A_503 = tpu.memref_slice %arg19[%dma_wait3A_496] : memref<2x!tpu.dma_semaphore, #tpu.memory_space<semaphore_mem>> -> memref<1x!tpu.dma_semaphore, #tpu.memory_space<semaphore_mem>>
    %dma_wait3A_504 = tpu.memref_squeeze %dma_wait3A_503 : memref<1x!tpu.dma_semaphore, #tpu.memory_space<semaphore_mem>> -> memref<!tpu.dma_semaphore, #tpu.memory_space<semaphore_mem>>
    tpu.wait_indirect_dma semaphore(%dma_wait3A_504 : memref<!tpu.dma_semaphore, #tpu.memory_space<semaphore_mem>>) src(%dma_wait3A_502 : memref<8388608xf32, #tpu.memory_space<hbm>>) dst(%dma_wait3A_498 : memref<2048xf32, #tpu.memory_space<vmem>>)
    %dma_wait3A_505 = arith.constant 0 : i32
    %dma_wait3A_506 = arith.constant 0 : i32
    %dma_wait3A_507 = tpu.memref_slice %arg11[%dma_wait3A_506] : memref<4096xf32, #tpu.memory_space<vmem>> -> memref<2048xf32, #tpu.memory_space<vmem>>
    %dma_wait3A_508 = arith.constant 0 : i32
    %dma_wait3A_509 = tpu.memref_slice %arg9[%dma_wait3A_508] : memref<4096xi32, #tpu.memory_space<vmem>> -> memref<2048xi32, #tpu.memory_space<vmem>>
    %dma_wait3A_510 = arith.constant 0 : i32
    %dma_wait3A_511 = tpu.memref_slice %arg2[%dma_wait3A_510] : memref<8388608xf32, #tpu.memory_space<hbm>> -> memref<8388608xf32, #tpu.memory_space<hbm>>
    %dma_wait3A_512 = tpu.memref_slice %arg19[%dma_wait3A_505] : memref<2x!tpu.dma_semaphore, #tpu.memory_space<semaphore_mem>> -> memref<1x!tpu.dma_semaphore, #tpu.memory_space<semaphore_mem>>
    %dma_wait3A_513 = tpu.memref_squeeze %dma_wait3A_512 : memref<1x!tpu.dma_semaphore, #tpu.memory_space<semaphore_mem>> -> memref<!tpu.dma_semaphore, #tpu.memory_space<semaphore_mem>>
    tpu.wait_indirect_dma semaphore(%dma_wait3A_513 : memref<!tpu.dma_semaphore, #tpu.memory_space<semaphore_mem>>) src(%dma_wait3A_511 : memref<8388608xf32, #tpu.memory_space<hbm>>) dst(%dma_wait3A_507 : memref<2048xf32, #tpu.memory_space<vmem>>)
    %dma_wait3A_514 = arith.constant 0 : i32
    %dma_wait3A_515 = arith.constant 2048 : i32
    %dma_wait3A_516 = tpu.memref_slice %arg10[%dma_wait3A_515] : memref<4096xf32, #tpu.memory_space<vmem>> -> memref<2048xf32, #tpu.memory_space<vmem>>
    %dma_wait3A_517 = arith.constant 2048 : i32
    %dma_wait3A_518 = tpu.memref_slice %arg8[%dma_wait3A_517] : memref<4096xi32, #tpu.memory_space<vmem>> -> memref<2048xi32, #tpu.memory_space<vmem>>
    %dma_wait3A_519 = arith.constant 0 : i32
    %dma_wait3A_520 = tpu.memref_slice %arg2[%dma_wait3A_519] : memref<8388608xf32, #tpu.memory_space<hbm>> -> memref<8388608xf32, #tpu.memory_space<hbm>>
    %dma_wait3A_521 = tpu.memref_slice %arg19[%dma_wait3A_514] : memref<2x!tpu.dma_semaphore, #tpu.memory_space<semaphore_mem>> -> memref<1x!tpu.dma_semaphore, #tpu.memory_space<semaphore_mem>>
    %dma_wait3A_522 = tpu.memref_squeeze %dma_wait3A_521 : memref<1x!tpu.dma_semaphore, #tpu.memory_space<semaphore_mem>> -> memref<!tpu.dma_semaphore, #tpu.memory_space<semaphore_mem>>
    tpu.wait_indirect_dma semaphore(%dma_wait3A_522 : memref<!tpu.dma_semaphore, #tpu.memory_space<semaphore_mem>>) src(%dma_wait3A_520 : memref<8388608xf32, #tpu.memory_space<hbm>>) dst(%dma_wait3A_516 : memref<2048xf32, #tpu.memory_space<vmem>>)
    %dma_wait3A_523 = arith.constant 0 : i32
    %dma_wait3A_524 = arith.constant 2048 : i32
    %dma_wait3A_525 = tpu.memref_slice %arg11[%dma_wait3A_524] : memref<4096xf32, #tpu.memory_space<vmem>> -> memref<2048xf32, #tpu.memory_space<vmem>>
    %dma_wait3A_526 = arith.constant 2048 : i32
    %dma_wait3A_527 = tpu.memref_slice %arg9[%dma_wait3A_526] : memref<4096xi32, #tpu.memory_space<vmem>> -> memref<2048xi32, #tpu.memory_space<vmem>>
    %dma_wait3A_528 = arith.constant 0 : i32
    %dma_wait3A_529 = tpu.memref_slice %arg2[%dma_wait3A_528] : memref<8388608xf32, #tpu.memory_space<hbm>> -> memref<8388608xf32, #tpu.memory_space<hbm>>
    %dma_wait3A_530 = tpu.memref_slice %arg19[%dma_wait3A_523] : memref<2x!tpu.dma_semaphore, #tpu.memory_space<semaphore_mem>> -> memref<1x!tpu.dma_semaphore, #tpu.memory_space<semaphore_mem>>
    %dma_wait3A_531 = tpu.memref_squeeze %dma_wait3A_530 : memref<1x!tpu.dma_semaphore, #tpu.memory_space<semaphore_mem>> -> memref<!tpu.dma_semaphore, #tpu.memory_space<semaphore_mem>>
    tpu.wait_indirect_dma semaphore(%dma_wait3A_531 : memref<!tpu.dma_semaphore, #tpu.memory_space<semaphore_mem>>) src(%dma_wait3A_529 : memref<8388608xf32, #tpu.memory_space<hbm>>) dst(%dma_wait3A_525 : memref<2048xf32, #tpu.memory_space<vmem>>)
    %dma_start3A_532 = arith.constant 0 : i32
    %dma_start3A_533 = arith.constant 0 : i32
    %dma_start3A_534 = arith.constant 0 : i32
    %dma_start3A_535 = arith.constant 12288 : i32
    %dma_start3A_536 = tpu.memref_slice %arg4[%select_n3A, %select_n3A_30, %dma_start3A_532, %dma_start3A_534, %dma_start3A_535] : memref<8x4x2x2x16384xi32, #tpu.memory_space<hbm>> -> memref<1x1x1x2x4096xi32, #tpu.memory_space<hbm>>
    %dma_start3A_537 = tpu.memref_squeeze %dma_start3A_536 : memref<1x1x1x2x4096xi32, #tpu.memory_space<hbm>> -> memref<2x4096xi32, #tpu.memory_space<hbm>>
    %dma_start3A_538 = tpu.memref_slice %arg20[%dma_start3A_533] : memref<2x!tpu.dma_semaphore, #tpu.memory_space<semaphore_mem>> -> memref<1x!tpu.dma_semaphore, #tpu.memory_space<semaphore_mem>>
    %dma_start3A_539 = tpu.memref_squeeze %dma_start3A_538 : memref<1x!tpu.dma_semaphore, #tpu.memory_space<semaphore_mem>> -> memref<!tpu.dma_semaphore, #tpu.memory_space<semaphore_mem>>
    %dma_start3A_540 = arith.constant 0 : i32
    %dma_start3A_541 = arith.constant 12288 : i32
    %dma_start3A_542 = tpu.memref_slice %arg4[%select_n3A, %select_n3A_30, %dma_start3A_532, %dma_start3A_540, %dma_start3A_541] : memref<8x4x2x2x16384xi32, #tpu.memory_space<hbm>> -> memref<1x1x1x2x4096xi32, #tpu.memory_space<hbm>>
    %dma_start3A_543 = tpu.memref_squeeze %dma_start3A_542 : memref<1x1x1x2x4096xi32, #tpu.memory_space<hbm>> -> memref<2x4096xi32, #tpu.memory_space<hbm>>
    tpu.enqueue_dma source(%dma_start3A_543 : memref<2x4096xi32, #tpu.memory_space<hbm>>) target(%arg6 : memref<2x4096xi32, #tpu.memory_space<vmem>>) target_semaphore(%dma_start3A_539 : memref<!tpu.dma_semaphore, #tpu.memory_space<semaphore_mem>>)
    %dma_start3A_544 = arith.constant 1 : i32
    %dma_start3A_545 = arith.constant 0 : i32
    %dma_start3A_546 = arith.constant 0 : i32
    %dma_start3A_547 = arith.constant 12288 : i32
    %dma_start3A_548 = tpu.memref_slice %arg4[%select_n3A, %select_n3A_30, %dma_start3A_544, %dma_start3A_546, %dma_start3A_547] : memref<8x4x2x2x16384xi32, #tpu.memory_space<hbm>> -> memref<1x1x1x2x4096xi32, #tpu.memory_space<hbm>>
    %dma_start3A_549 = tpu.memref_squeeze %dma_start3A_548 : memref<1x1x1x2x4096xi32, #tpu.memory_space<hbm>> -> memref<2x4096xi32, #tpu.memory_space<hbm>>
    %dma_start3A_550 = tpu.memref_slice %arg20[%dma_start3A_545] : memref<2x!tpu.dma_semaphore, #tpu.memory_space<semaphore_mem>> -> memref<1x!tpu.dma_semaphore, #tpu.memory_space<semaphore_mem>>
    %dma_start3A_551 = tpu.memref_squeeze %dma_start3A_550 : memref<1x!tpu.dma_semaphore, #tpu.memory_space<semaphore_mem>> -> memref<!tpu.dma_semaphore, #tpu.memory_space<semaphore_mem>>
    %dma_start3A_552 = arith.constant 0 : i32
    %dma_start3A_553 = arith.constant 12288 : i32
    %dma_start3A_554 = tpu.memref_slice %arg4[%select_n3A, %select_n3A_30, %dma_start3A_544, %dma_start3A_552, %dma_start3A_553] : memref<8x4x2x2x16384xi32, #tpu.memory_space<hbm>> -> memref<1x1x1x2x4096xi32, #tpu.memory_space<hbm>>
    %dma_start3A_555 = tpu.memref_squeeze %dma_start3A_554 : memref<1x1x1x2x4096xi32, #tpu.memory_space<hbm>> -> memref<2x4096xi32, #tpu.memory_space<hbm>>
    tpu.enqueue_dma source(%dma_start3A_555 : memref<2x4096xi32, #tpu.memory_space<hbm>>) target(%arg7 : memref<2x4096xi32, #tpu.memory_space<vmem>>) target_semaphore(%dma_start3A_551 : memref<!tpu.dma_semaphore, #tpu.memory_space<semaphore_mem>>)
    %scan3A_556 = arith.constant 0 : i32
    %scan3A_557 = arith.constant 256 : i32
    %scan3A_558 = arith.addi %scan3A_556, %scan3A_557 : i32
    %scan3A_559 = arith.constant 4 : i32
    %scan3A_560 = scf.for %scan3A_1154 = %scan3A_556 to %scan3A_558 step %scan3A_559 iter_args(%scan3A_1155 = %scan3A_427) -> (vector<16xf32>)  : i32 {
      %mul3A_1156 = arith.constant 16 : i32
      %mul3A_1157 = arith.muli %scan3A_1154, %mul3A_1156 : i32
      %get3A_1158 = arith.index_cast %mul3A_1157 : i32 to index
      %get3A_1159 = tpu.vector_load %arg10[%get3A_1158] {strides = array<i32>} : memref<4096xf32, #tpu.memory_space<vmem>>, vector<16xf32>,
      %get3A_1160 = vector.shape_cast %get3A_1159 : vector<16xf32> to vector<16xf32>
      %get3A_1161 = arith.index_cast %mul3A_1157 : i32 to index
      %get3A_1162 = tpu.vector_load %arg11[%get3A_1161] {strides = array<i32>} : memref<4096xf32, #tpu.memory_space<vmem>>, vector<16xf32>,
      %get3A_1163 = vector.shape_cast %get3A_1162 : vector<16xf32> to vector<16xf32>
      %sub3A_1164 = arith.subf %get3A_1160, %get3A_1163 : vector<16xf32>
      %mul3A_1165 = arith.mulf %sub3A_1164, %sub3A_1164 : vector<16xf32>
      %add3A_1166 = arith.addf %scan3A_1155, %mul3A_1165 : vector<16xf32>
      %scan3A_1167 = arith.constant 1 : i32
      %scan3A_1168 = arith.addi %scan3A_1154, %scan3A_1167 : i32
      %mul3A_1169 = arith.constant 16 : i32
      %mul3A_1170 = arith.muli %scan3A_1168, %mul3A_1169 : i32
      %get3A_1171 = arith.index_cast %mul3A_1170 : i32 to index
      %get3A_1172 = tpu.vector_load %arg10[%get3A_1171] {strides = array<i32>} : memref<4096xf32, #tpu.memory_space<vmem>>, vector<16xf32>,
      %get3A_1173 = vector.shape_cast %get3A_1172 : vector<16xf32> to vector<16xf32>
      %get3A_1174 = arith.index_cast %mul3A_1170 : i32 to index
      %get3A_1175 = tpu.vector_load %arg11[%get3A_1174] {strides = array<i32>} : memref<4096xf32, #tpu.memory_space<vmem>>, vector<16xf32>,
      %get3A_1176 = vector.shape_cast %get3A_1175 : vector<16xf32> to vector<16xf32>
      %sub3A_1177 = arith.subf %get3A_1173, %get3A_1176 : vector<16xf32>
      %mul3A_1178 = arith.mulf %sub3A_1177, %sub3A_1177 : vector<16xf32>
      %add3A_1179 = arith.addf %add3A_1166, %mul3A_1178 : vector<16xf32>
      %scan3A_1180 = arith.constant 2 : i32
      %scan3A_1181 = arith.addi %scan3A_1154, %scan3A_1180 : i32
      %mul3A_1182 = arith.constant 16 : i32
      %mul3A_1183 = arith.muli %scan3A_1181, %mul3A_1182 : i32
      %get3A_1184 = arith.index_cast %mul3A_1183 : i32 to index
      %get3A_1185 = tpu.vector_load %arg10[%get3A_1184] {strides = array<i32>} : memref<4096xf32, #tpu.memory_space<vmem>>, vector<16xf32>,
      %get3A_1186 = vector.shape_cast %get3A_1185 : vector<16xf32> to vector<16xf32>
      %get3A_1187 = arith.index_cast %mul3A_1183 : i32 to index
      %get3A_1188 = tpu.vector_load %arg11[%get3A_1187] {strides = array<i32>} : memref<4096xf32, #tpu.memory_space<vmem>>, vector<16xf32>,
      %get3A_1189 = vector.shape_cast %get3A_1188 : vector<16xf32> to vector<16xf32>
      %sub3A_1190 = arith.subf %get3A_1186, %get3A_1189 : vector<16xf32>
      %mul3A_1191 = arith.mulf %sub3A_1190, %sub3A_1190 : vector<16xf32>
      %add3A_1192 = arith.addf %add3A_1179, %mul3A_1191 : vector<16xf32>
      %scan3A_1193 = arith.constant 3 : i32
      %scan3A_1194 = arith.addi %scan3A_1154, %scan3A_1193 : i32
      %mul3A_1195 = arith.constant 16 : i32
      %mul3A_1196 = arith.muli %scan3A_1194, %mul3A_1195 : i32
      %get3A_1197 = arith.index_cast %mul3A_1196 : i32 to index
      %get3A_1198 = tpu.vector_load %arg10[%get3A_1197] {strides = array<i32>} : memref<4096xf32, #tpu.memory_space<vmem>>, vector<16xf32>,
      %get3A_1199 = vector.shape_cast %get3A_1198 : vector<16xf32> to vector<16xf32>
      %get3A_1200 = arith.index_cast %mul3A_1196 : i32 to index
      %get3A_1201 = tpu.vector_load %arg11[%get3A_1200] {strides = array<i32>} : memref<4096xf32, #tpu.memory_space<vmem>>, vector<16xf32>,
      %get3A_1202 = vector.shape_cast %get3A_1201 : vector<16xf32> to vector<16xf32>
      %sub3A_1203 = arith.subf %get3A_1199, %get3A_1202 : vector<16xf32>
      %mul3A_1204 = arith.mulf %sub3A_1203, %sub3A_1203 : vector<16xf32>
      %add3A_1205 = arith.addf %add3A_1192, %mul3A_1204 : vector<16xf32>
      scf.yield %add3A_1205 : vector<16xf32>
    }
    %scan3A_561 = arith.constant 256 : i32
    %dma_wait3A_562 = arith.constant 0 : i32
    %dma_wait3A_563 = arith.constant 0 : i32
    %dma_wait3A_564 = arith.constant 0 : i32
    %dma_wait3A_565 = arith.constant 12288 : i32
    %dma_wait3A_566 = tpu.memref_slice %arg4[%select_n3A, %select_n3A_30, %dma_wait3A_562, %dma_wait3A_564, %dma_wait3A_565] : memref<8x4x2x2x16384xi32, #tpu.memory_space<hbm>> -> memref<1x1x1x2x4096xi32, #tpu.memory_space<hbm>>
    %dma_wait3A_567 = tpu.memref_squeeze %dma_wait3A_566 : memref<1x1x1x2x4096xi32, #tpu.memory_space<hbm>> -> memref<2x4096xi32, #tpu.memory_space<hbm>>
    %dma_wait3A_568 = tpu.memref_slice %arg20[%dma_wait3A_563] : memref<2x!tpu.dma_semaphore, #tpu.memory_space<semaphore_mem>> -> memref<1x!tpu.dma_semaphore, #tpu.memory_space<semaphore_mem>>
    %dma_wait3A_569 = tpu.memref_squeeze %dma_wait3A_568 : memref<1x!tpu.dma_semaphore, #tpu.memory_space<semaphore_mem>> -> memref<!tpu.dma_semaphore, #tpu.memory_space<semaphore_mem>>
    %dma_wait3A_570 = arith.constant 0 : i32
    %dma_wait3A_571 = arith.constant 12288 : i32
    %dma_wait3A_572 = tpu.memref_slice %arg4[%select_n3A, %select_n3A_30, %dma_wait3A_562, %dma_wait3A_570, %dma_wait3A_571] : memref<8x4x2x2x16384xi32, #tpu.memory_space<hbm>> -> memref<1x1x1x2x4096xi32, #tpu.memory_space<hbm>>
    %dma_wait3A_573 = tpu.memref_squeeze %dma_wait3A_572 : memref<1x1x1x2x4096xi32, #tpu.memory_space<hbm>> -> memref<2x4096xi32, #tpu.memory_space<hbm>>
    tpu.wait_dma2 semaphore(%dma_wait3A_569 : memref<!tpu.dma_semaphore, #tpu.memory_space<semaphore_mem>>) src(%dma_wait3A_573 : memref<2x4096xi32, #tpu.memory_space<hbm>>) dst(%arg6 : memref<2x4096xi32, #tpu.memory_space<vmem>>)
    %dma_wait3A_574 = arith.constant 1 : i32
    %dma_wait3A_575 = arith.constant 0 : i32
    %dma_wait3A_576 = arith.constant 0 : i32
    %dma_wait3A_577 = arith.constant 12288 : i32
    %dma_wait3A_578 = tpu.memref_slice %arg4[%select_n3A, %select_n3A_30, %dma_wait3A_574, %dma_wait3A_576, %dma_wait3A_577] : memref<8x4x2x2x16384xi32, #tpu.memory_space<hbm>> -> memref<1x1x1x2x4096xi32, #tpu.memory_space<hbm>>
    %dma_wait3A_579 = tpu.memref_squeeze %dma_wait3A_578 : memref<1x1x1x2x4096xi32, #tpu.memory_space<hbm>> -> memref<2x4096xi32, #tpu.memory_space<hbm>>
    %dma_wait3A_580 = tpu.memref_slice %arg20[%dma_wait3A_575] : memref<2x!tpu.dma_semaphore, #tpu.memory_space<semaphore_mem>> -> memref<1x!tpu.dma_semaphore, #tpu.memory_space<semaphore_mem>>
    %dma_wait3A_581 = tpu.memref_squeeze %dma_wait3A_580 : memref<1x!tpu.dma_semaphore, #tpu.memory_space<semaphore_mem>> -> memref<!tpu.dma_semaphore, #tpu.memory_space<semaphore_mem>>
    %dma_wait3A_582 = arith.constant 0 : i32
    %dma_wait3A_583 = arith.constant 12288 : i32
    %dma_wait3A_584 = tpu.memref_slice %arg4[%select_n3A, %select_n3A_30, %dma_wait3A_574, %dma_wait3A_582, %dma_wait3A_583] : memref<8x4x2x2x16384xi32, #tpu.memory_space<hbm>> -> memref<1x1x1x2x4096xi32, #tpu.memory_space<hbm>>
    %dma_wait3A_585 = tpu.memref_squeeze %dma_wait3A_584 : memref<1x1x1x2x4096xi32, #tpu.memory_space<hbm>> -> memref<2x4096xi32, #tpu.memory_space<hbm>>
    tpu.wait_dma2 semaphore(%dma_wait3A_581 : memref<!tpu.dma_semaphore, #tpu.memory_space<semaphore_mem>>) src(%dma_wait3A_585 : memref<2x4096xi32, #tpu.memory_space<hbm>>) dst(%arg7 : memref<2x4096xi32, #tpu.memory_space<vmem>>)
    %scan3A_586 = arith.constant 0 : i32
    %scan3A_587 = arith.constant 0 : i32
    %scan3A_588 = arith.constant 256 : i32
    %scan3A_589 = arith.addi %scan3A_587, %scan3A_588 : i32
    %scan3A_590 = arith.constant 4 : i32
    %scan3A_591 = scf.for %scan3A_1154 = %scan3A_587 to %scan3A_589 step %scan3A_590 iter_args(%scan3A_1155 = %scan3A_586) -> (i32)  : i32 {
      %mul3A_1156 = arith.constant 16 : i32
      %mul3A_1157 = arith.muli %scan3A_1154, %mul3A_1156 : i32
      %get3A_1158 = arith.constant 0 : i32
      %get3A_1159 = arith.index_cast %get3A_1158 : i32 to index
      %get3A_1160 = arith.index_cast %mul3A_1157 : i32 to index
      %get3A_1161 = tpu.vector_load %arg6[%get3A_1159, %get3A_1160] {strides = array<i32>} : memref<2x4096xi32, #tpu.memory_space<vmem>>, vector<1x16xi32>,
      %get3A_1162 = vector.shape_cast %get3A_1161 : vector<1x16xi32> to vector<16xi32>
      %mul3A_1163 = arith.constant 512 : i32
      %mul3A_1164 = vector.broadcast %mul3A_1163 : i32 to vector<16xi32>
      %mul3A_1165 = arith.muli %get3A_1162, %mul3A_1164 : vector<16xi32>
      %get3A_1166 = arith.constant 1 : i32
      %get3A_1167 = arith.index_cast %get3A_1166 : i32 to index
      %get3A_1168 = arith.index_cast %mul3A_1157 : i32 to index
      %get3A_1169 = tpu.vector_load %arg6[%get3A_1167, %get3A_1168] {strides = array<i32>} : memref<2x4096xi32, #tpu.memory_space<vmem>>, vector<1x16xi32>,
      %get3A_1170 = vector.shape_cast %get3A_1169 : vector<1x16xi32> to vector<16xi32>
      %add3A_1171 = arith.addi %mul3A_1165, %get3A_1170 : vector<16xi32>
      %add3A_1172 = vector.broadcast %mul3A_32 : i32 to vector<16xi32>
      %add3A_1173 = arith.addi %add3A_1171, %add3A_1172 : vector<16xi32>
      %swap3A_1174 = arith.index_cast %mul3A_1157 : i32 to index
      %swap3A_1175 = tpu.vector_load %arg8[%swap3A_1174] {strides = array<i32>} : memref<4096xi32, #tpu.memory_space<vmem>>, vector<16xi32>,
      %swap3A_1176 = vector.shape_cast %swap3A_1175 : vector<16xi32> to vector<16xi32>
      %swap3A_1177 = vector.shape_cast %add3A_1173 : vector<16xi32> to vector<16xi32>
      tpu.vector_store %arg8[%swap3A_1174], %swap3A_1177 {strides = array<i32>} : memref<4096xi32, #tpu.memory_space<vmem>>, vector<16xi32>,
      %get3A_1178 = arith.constant 0 : i32
      %get3A_1179 = arith.index_cast %get3A_1178 : i32 to index
      %get3A_1180 = arith.index_cast %mul3A_1157 : i32 to index
      %get3A_1181 = tpu.vector_load %arg7[%get3A_1179, %get3A_1180] {strides = array<i32>} : memref<2x4096xi32, #tpu.memory_space<vmem>>, vector<1x16xi32>,
      %get3A_1182 = vector.shape_cast %get3A_1181 : vector<1x16xi32> to vector<16xi32>
      %mul3A_1183 = arith.constant 512 : i32
      %mul3A_1184 = vector.broadcast %mul3A_1183 : i32 to vector<16xi32>
      %mul3A_1185 = arith.muli %get3A_1182, %mul3A_1184 : vector<16xi32>
      %get3A_1186 = arith.constant 1 : i32
      %get3A_1187 = arith.index_cast %get3A_1186 : i32 to index
      %get3A_1188 = arith.index_cast %mul3A_1157 : i32 to index
      %get3A_1189 = tpu.vector_load %arg7[%get3A_1187, %get3A_1188] {strides = array<i32>} : memref<2x4096xi32, #tpu.memory_space<vmem>>, vector<1x16xi32>,
      %get3A_1190 = vector.shape_cast %get3A_1189 : vector<1x16xi32> to vector<16xi32>
      %add3A_1191 = arith.addi %mul3A_1185, %get3A_1190 : vector<16xi32>
      %add3A_1192 = vector.broadcast %mul3A_32 : i32 to vector<16xi32>
      %add3A_1193 = arith.addi %add3A_1191, %add3A_1192 : vector<16xi32>
      %swap3A_1194 = arith.index_cast %mul3A_1157 : i32 to index
      %swap3A_1195 = tpu.vector_load %arg9[%swap3A_1194] {strides = array<i32>} : memref<4096xi32, #tpu.memory_space<vmem>>, vector<16xi32>,
      %swap3A_1196 = vector.shape_cast %swap3A_1195 : vector<16xi32> to vector<16xi32>
      %swap3A_1197 = vector.shape_cast %add3A_1193 : vector<16xi32> to vector<16xi32>
      tpu.vector_store %arg9[%swap3A_1194], %swap3A_1197 {strides = array<i32>} : memref<4096xi32, #tpu.memory_space<vmem>>, vector<16xi32>,
      %scan3A_1198 = arith.constant 0 : i32
      %scan3A_1199 = arith.constant 1 : i32
      %scan3A_1200 = arith.addi %scan3A_1154, %scan3A_1199 : i32
      %mul3A_1201 = arith.constant 16 : i32
      %mul3A_1202 = arith.muli %scan3A_1200, %mul3A_1201 : i32
      %get3A_1203 = arith.constant 0 : i32
      %get3A_1204 = arith.index_cast %get3A_1203 : i32 to index
      %get3A_1205 = arith.index_cast %mul3A_1202 : i32 to index
      %get3A_1206 = tpu.vector_load %arg6[%get3A_1204, %get3A_1205] {strides = array<i32>} : memref<2x4096xi32, #tpu.memory_space<vmem>>, vector<1x16xi32>,
      %get3A_1207 = vector.shape_cast %get3A_1206 : vector<1x16xi32> to vector<16xi32>
      %mul3A_1208 = arith.constant 512 : i32
      %mul3A_1209 = vector.broadcast %mul3A_1208 : i32 to vector<16xi32>
      %mul3A_1210 = arith.muli %get3A_1207, %mul3A_1209 : vector<16xi32>
      %get3A_1211 = arith.constant 1 : i32
      %get3A_1212 = arith.index_cast %get3A_1211 : i32 to index
      %get3A_1213 = arith.index_cast %mul3A_1202 : i32 to index
      %get3A_1214 = tpu.vector_load %arg6[%get3A_1212, %get3A_1213] {strides = array<i32>} : memref<2x4096xi32, #tpu.memory_space<vmem>>, vector<1x16xi32>,
      %get3A_1215 = vector.shape_cast %get3A_1214 : vector<1x16xi32> to vector<16xi32>
      %add3A_1216 = arith.addi %mul3A_1210, %get3A_1215 : vector<16xi32>
      %add3A_1217 = vector.broadcast %mul3A_32 : i32 to vector<16xi32>
      %add3A_1218 = arith.addi %add3A_1216, %add3A_1217 : vector<16xi32>
      %swap3A_1219 = arith.index_cast %mul3A_1202 : i32 to index
      %swap3A_1220 = tpu.vector_load %arg8[%swap3A_1219] {strides = array<i32>} : memref<4096xi32, #tpu.memory_space<vmem>>, vector<16xi32>,
      %swap3A_1221 = vector.shape_cast %swap3A_1220 : vector<16xi32> to vector<16xi32>
      %swap3A_1222 = vector.shape_cast %add3A_1218 : vector<16xi32> to vector<16xi32>
      tpu.vector_store %arg8[%swap3A_1219], %swap3A_1222 {strides = array<i32>} : memref<4096xi32, #tpu.memory_space<vmem>>, vector<16xi32>,
      %get3A_1223 = arith.constant 0 : i32
      %get3A_1224 = arith.index_cast %get3A_1223 : i32 to index
      %get3A_1225 = arith.index_cast %mul3A_1202 : i32 to index
      %get3A_1226 = tpu.vector_load %arg7[%get3A_1224, %get3A_1225] {strides = array<i32>} : memref<2x4096xi32, #tpu.memory_space<vmem>>, vector<1x16xi32>,
      %get3A_1227 = vector.shape_cast %get3A_1226 : vector<1x16xi32> to vector<16xi32>
      %mul3A_1228 = arith.constant 512 : i32
      %mul3A_1229 = vector.broadcast %mul3A_1228 : i32 to vector<16xi32>
      %mul3A_1230 = arith.muli %get3A_1227, %mul3A_1229 : vector<16xi32>
      %get3A_1231 = arith.constant 1 : i32
      %get3A_1232 = arith.index_cast %get3A_1231 : i32 to index
      %get3A_1233 = arith.index_cast %mul3A_1202 : i32 to index
      %get3A_1234 = tpu.vector_load %arg7[%get3A_1232, %get3A_1233] {strides = array<i32>} : memref<2x4096xi32, #tpu.memory_space<vmem>>, vector<1x16xi32>,
      %get3A_1235 = vector.shape_cast %get3A_1234 : vector<1x16xi32> to vector<16xi32>
      %add3A_1236 = arith.addi %mul3A_1230, %get3A_1235 : vector<16xi32>
      %add3A_1237 = vector.broadcast %mul3A_32 : i32 to vector<16xi32>
      %add3A_1238 = arith.addi %add3A_1236, %add3A_1237 : vector<16xi32>
      %swap3A_1239 = arith.index_cast %mul3A_1202 : i32 to index
      %swap3A_1240 = tpu.vector_load %arg9[%swap3A_1239] {strides = array<i32>} : memref<4096xi32, #tpu.memory_space<vmem>>, vector<16xi32>,
      %swap3A_1241 = vector.shape_cast %swap3A_1240 : vector<16xi32> to vector<16xi32>
      %swap3A_1242 = vector.shape_cast %add3A_1238 : vector<16xi32> to vector<16xi32>
      tpu.vector_store %arg9[%swap3A_1239], %swap3A_1242 {strides = array<i32>} : memref<4096xi32, #tpu.memory_space<vmem>>, vector<16xi32>,
      %scan3A_1243 = arith.constant 0 : i32
      %scan3A_1244 = arith.constant 2 : i32
      %scan3A_1245 = arith.addi %scan3A_1154, %scan3A_1244 : i32
      %mul3A_1246 = arith.constant 16 : i32
      %mul3A_1247 = arith.muli %scan3A_1245, %mul3A_1246 : i32
      %get3A_1248 = arith.constant 0 : i32
      %get3A_1249 = arith.index_cast %get3A_1248 : i32 to index
      %get3A_1250 = arith.index_cast %mul3A_1247 : i32 to index
      %get3A_1251 = tpu.vector_load %arg6[%get3A_1249, %get3A_1250] {strides = array<i32>} : memref<2x4096xi32, #tpu.memory_space<vmem>>, vector<1x16xi32>,
      %get3A_1252 = vector.shape_cast %get3A_1251 : vector<1x16xi32> to vector<16xi32>
      %mul3A_1253 = arith.constant 512 : i32
      %mul3A_1254 = vector.broadcast %mul3A_1253 : i32 to vector<16xi32>
      %mul3A_1255 = arith.muli %get3A_1252, %mul3A_1254 : vector<16xi32>
      %get3A_1256 = arith.constant 1 : i32
      %get3A_1257 = arith.index_cast %get3A_1256 : i32 to index
      %get3A_1258 = arith.index_cast %mul3A_1247 : i32 to index
      %get3A_1259 = tpu.vector_load %arg6[%get3A_1257, %get3A_1258] {strides = array<i32>} : memref<2x4096xi32, #tpu.memory_space<vmem>>, vector<1x16xi32>,
      %get3A_1260 = vector.shape_cast %get3A_1259 : vector<1x16xi32> to vector<16xi32>
      %add3A_1261 = arith.addi %mul3A_1255, %get3A_1260 : vector<16xi32>
      %add3A_1262 = vector.broadcast %mul3A_32 : i32 to vector<16xi32>
      %add3A_1263 = arith.addi %add3A_1261, %add3A_1262 : vector<16xi32>
      %swap3A_1264 = arith.index_cast %mul3A_1247 : i32 to index
      %swap3A_1265 = tpu.vector_load %arg8[%swap3A_1264] {strides = array<i32>} : memref<4096xi32, #tpu.memory_space<vmem>>, vector<16xi32>,
      %swap3A_1266 = vector.shape_cast %swap3A_1265 : vector<16xi32> to vector<16xi32>
      %swap3A_1267 = vector.shape_cast %add3A_1263 : vector<16xi32> to vector<16xi32>
      tpu.vector_store %arg8[%swap3A_1264], %swap3A_1267 {strides = array<i32>} : memref<4096xi32, #tpu.memory_space<vmem>>, vector<16xi32>,
      %get3A_1268 = arith.constant 0 : i32
      %get3A_1269 = arith.index_cast %get3A_1268 : i32 to index
      %get3A_1270 = arith.index_cast %mul3A_1247 : i32 to index
      %get3A_1271 = tpu.vector_load %arg7[%get3A_1269, %get3A_1270] {strides = array<i32>} : memref<2x4096xi32, #tpu.memory_space<vmem>>, vector<1x16xi32>,
      %get3A_1272 = vector.shape_cast %get3A_1271 : vector<1x16xi32> to vector<16xi32>
      %mul3A_1273 = arith.constant 512 : i32
      %mul3A_1274 = vector.broadcast %mul3A_1273 : i32 to vector<16xi32>
      %mul3A_1275 = arith.muli %get3A_1272, %mul3A_1274 : vector<16xi32>
      %get3A_1276 = arith.constant 1 : i32
      %get3A_1277 = arith.index_cast %get3A_1276 : i32 to index
      %get3A_1278 = arith.index_cast %mul3A_1247 : i32 to index
      %get3A_1279 = tpu.vector_load %arg7[%get3A_1277, %get3A_1278] {strides = array<i32>} : memref<2x4096xi32, #tpu.memory_space<vmem>>, vector<1x16xi32>,
      %get3A_1280 = vector.shape_cast %get3A_1279 : vector<1x16xi32> to vector<16xi32>
      %add3A_1281 = arith.addi %mul3A_1275, %get3A_1280 : vector<16xi32>
      %add3A_1282 = vector.broadcast %mul3A_32 : i32 to vector<16xi32>
      %add3A_1283 = arith.addi %add3A_1281, %add3A_1282 : vector<16xi32>
      %swap3A_1284 = arith.index_cast %mul3A_1247 : i32 to index
      %swap3A_1285 = tpu.vector_load %arg9[%swap3A_1284] {strides = array<i32>} : memref<4096xi32, #tpu.memory_space<vmem>>, vector<16xi32>,
      %swap3A_1286 = vector.shape_cast %swap3A_1285 : vector<16xi32> to vector<16xi32>
      %swap3A_1287 = vector.shape_cast %add3A_1283 : vector<16xi32> to vector<16xi32>
      tpu.vector_store %arg9[%swap3A_1284], %swap3A_1287 {strides = array<i32>} : memref<4096xi32, #tpu.memory_space<vmem>>, vector<16xi32>,
      %scan3A_1288 = arith.constant 0 : i32
      %scan3A_1289 = arith.constant 3 : i32
      %scan3A_1290 = arith.addi %scan3A_1154, %scan3A_1289 : i32
      %mul3A_1291 = arith.constant 16 : i32
      %mul3A_1292 = arith.muli %scan3A_1290, %mul3A_1291 : i32
      %get3A_1293 = arith.constant 0 : i32
      %get3A_1294 = arith.index_cast %get3A_1293 : i32 to index
      %get3A_1295 = arith.index_cast %mul3A_1292 : i32 to index
      %get3A_1296 = tpu.vector_load %arg6[%get3A_1294, %get3A_1295] {strides = array<i32>} : memref<2x4096xi32, #tpu.memory_space<vmem>>, vector<1x16xi32>,
      %get3A_1297 = vector.shape_cast %get3A_1296 : vector<1x16xi32> to vector<16xi32>
      %mul3A_1298 = arith.constant 512 : i32
      %mul3A_1299 = vector.broadcast %mul3A_1298 : i32 to vector<16xi32>
      %mul3A_1300 = arith.muli %get3A_1297, %mul3A_1299 : vector<16xi32>
      %get3A_1301 = arith.constant 1 : i32
      %get3A_1302 = arith.index_cast %get3A_1301 : i32 to index
      %get3A_1303 = arith.index_cast %mul3A_1292 : i32 to index
      %get3A_1304 = tpu.vector_load %arg6[%get3A_1302, %get3A_1303] {strides = array<i32>} : memref<2x4096xi32, #tpu.memory_space<vmem>>, vector<1x16xi32>,
      %get3A_1305 = vector.shape_cast %get3A_1304 : vector<1x16xi32> to vector<16xi32>
      %add3A_1306 = arith.addi %mul3A_1300, %get3A_1305 : vector<16xi32>
      %add3A_1307 = vector.broadcast %mul3A_32 : i32 to vector<16xi32>
      %add3A_1308 = arith.addi %add3A_1306, %add3A_1307 : vector<16xi32>
      %swap3A_1309 = arith.index_cast %mul3A_1292 : i32 to index
      %swap3A_1310 = tpu.vector_load %arg8[%swap3A_1309] {strides = array<i32>} : memref<4096xi32, #tpu.memory_space<vmem>>, vector<16xi32>,
      %swap3A_1311 = vector.shape_cast %swap3A_1310 : vector<16xi32> to vector<16xi32>
      %swap3A_1312 = vector.shape_cast %add3A_1308 : vector<16xi32> to vector<16xi32>
      tpu.vector_store %arg8[%swap3A_1309], %swap3A_1312 {strides = array<i32>} : memref<4096xi32, #tpu.memory_space<vmem>>, vector<16xi32>,
      %get3A_1313 = arith.constant 0 : i32
      %get3A_1314 = arith.index_cast %get3A_1313 : i32 to index
      %get3A_1315 = arith.index_cast %mul3A_1292 : i32 to index
      %get3A_1316 = tpu.vector_load %arg7[%get3A_1314, %get3A_1315] {strides = array<i32>} : memref<2x4096xi32, #tpu.memory_space<vmem>>, vector<1x16xi32>,
      %get3A_1317 = vector.shape_cast %get3A_1316 : vector<1x16xi32> to vector<16xi32>
      %mul3A_1318 = arith.constant 512 : i32
      %mul3A_1319 = vector.broadcast %mul3A_1318 : i32 to vector<16xi32>
      %mul3A_1320 = arith.muli %get3A_1317, %mul3A_1319 : vector<16xi32>
      %get3A_1321 = arith.constant 1 : i32
      %get3A_1322 = arith.index_cast %get3A_1321 : i32 to index
      %get3A_1323 = arith.index_cast %mul3A_1292 : i32 to index
      %get3A_1324 = tpu.vector_load %arg7[%get3A_1322, %get3A_1323] {strides = array<i32>} : memref<2x4096xi32, #tpu.memory_space<vmem>>, vector<1x16xi32>,
      %get3A_1325 = vector.shape_cast %get3A_1324 : vector<1x16xi32> to vector<16xi32>
      %add3A_1326 = arith.addi %mul3A_1320, %get3A_1325 : vector<16xi32>
      %add3A_1327 = vector.broadcast %mul3A_32 : i32 to vector<16xi32>
      %add3A_1328 = arith.addi %add3A_1326, %add3A_1327 : vector<16xi32>
      %swap3A_1329 = arith.index_cast %mul3A_1292 : i32 to index
      %swap3A_1330 = tpu.vector_load %arg9[%swap3A_1329] {strides = array<i32>} : memref<4096xi32, #tpu.memory_space<vmem>>, vector<16xi32>,
      %swap3A_1331 = vector.shape_cast %swap3A_1330 : vector<16xi32> to vector<16xi32>
      %swap3A_1332 = vector.shape_cast %add3A_1328 : vector<16xi32> to vector<16xi32>
      tpu.vector_store %arg9[%swap3A_1329], %swap3A_1332 {strides = array<i32>} : memref<4096xi32, #tpu.memory_space<vmem>>, vector<16xi32>,
      %scan3A_1333 = arith.constant 0 : i32
      scf.yield %scan3A_1333 : i32
    }
    %scan3A_592 = arith.constant 256 : i32
    %dma_start3A_593 = arith.constant 0 : i32
    %dma_start3A_594 = arith.constant 0 : i32
    %dma_start3A_595 = tpu.memref_slice %arg10[%dma_start3A_594] : memref<4096xf32, #tpu.memory_space<vmem>> -> memref<2048xf32, #tpu.memory_space<vmem>>
    %dma_start3A_596 = arith.constant 0 : i32
    %dma_start3A_597 = tpu.memref_slice %arg8[%dma_start3A_596] : memref<4096xi32, #tpu.memory_space<vmem>> -> memref<2048xi32, #tpu.memory_space<vmem>>
    %dma_start3A_598 = arith.constant 0 : i32
    %dma_start3A_599 = tpu.memref_slice %arg2[%dma_start3A_598] : memref<8388608xf32, #tpu.memory_space<hbm>> -> memref<8388608xf32, #tpu.memory_space<hbm>>
    %dma_start3A_600 = tpu.memref_slice %arg19[%dma_start3A_593] : memref<2x!tpu.dma_semaphore, #tpu.memory_space<semaphore_mem>> -> memref<1x!tpu.dma_semaphore, #tpu.memory_space<semaphore_mem>>
    %dma_start3A_601 = tpu.memref_squeeze %dma_start3A_600 : memref<1x!tpu.dma_semaphore, #tpu.memory_space<semaphore_mem>> -> memref<!tpu.dma_semaphore, #tpu.memory_space<semaphore_mem>>
    tpu.enqueue_indirect_dma source(%dma_start3A_599 : memref<8388608xf32, #tpu.memory_space<hbm>>) target(%dma_start3A_595 : memref<2048xf32, #tpu.memory_space<vmem>>) offsets(%dma_start3A_597 : memref<2048xi32, #tpu.memory_space<vmem>>) semaphore(%dma_start3A_601 : memref<!tpu.dma_semaphore, #tpu.memory_space<semaphore_mem>>)
    %dma_start3A_602 = arith.constant 0 : i32
    %dma_start3A_603 = arith.constant 0 : i32
    %dma_start3A_604 = tpu.memref_slice %arg11[%dma_start3A_603] : memref<4096xf32, #tpu.memory_space<vmem>> -> memref<2048xf32, #tpu.memory_space<vmem>>
    %dma_start3A_605 = arith.constant 0 : i32
    %dma_start3A_606 = tpu.memref_slice %arg9[%dma_start3A_605] : memref<4096xi32, #tpu.memory_space<vmem>> -> memref<2048xi32, #tpu.memory_space<vmem>>
    %dma_start3A_607 = arith.constant 0 : i32
    %dma_start3A_608 = tpu.memref_slice %arg2[%dma_start3A_607] : memref<8388608xf32, #tpu.memory_space<hbm>> -> memref<8388608xf32, #tpu.memory_space<hbm>>
    %dma_start3A_609 = tpu.memref_slice %arg19[%dma_start3A_602] : memref<2x!tpu.dma_semaphore, #tpu.memory_space<semaphore_mem>> -> memref<1x!tpu.dma_semaphore, #tpu.memory_space<semaphore_mem>>
    %dma_start3A_610 = tpu.memref_squeeze %dma_start3A_609 : memref<1x!tpu.dma_semaphore, #tpu.memory_space<semaphore_mem>> -> memref<!tpu.dma_semaphore, #tpu.memory_space<semaphore_mem>>
    tpu.enqueue_indirect_dma source(%dma_start3A_608 : memref<8388608xf32, #tpu.memory_space<hbm>>) target(%dma_start3A_604 : memref<2048xf32, #tpu.memory_space<vmem>>) offsets(%dma_start3A_606 : memref<2048xi32, #tpu.memory_space<vmem>>) semaphore(%dma_start3A_610 : memref<!tpu.dma_semaphore, #tpu.memory_space<semaphore_mem>>)
    %dma_start3A_611 = arith.constant 0 : i32
    %dma_start3A_612 = arith.constant 2048 : i32
    %dma_start3A_613 = tpu.memref_slice %arg10[%dma_start3A_612] : memref<4096xf32, #tpu.memory_space<vmem>> -> memref<2048xf32, #tpu.memory_space<vmem>>
    %dma_start3A_614 = arith.constant 2048 : i32
    %dma_start3A_615 = tpu.memref_slice %arg8[%dma_start3A_614] : memref<4096xi32, #tpu.memory_space<vmem>> -> memref<2048xi32, #tpu.memory_space<vmem>>
    %dma_start3A_616 = arith.constant 0 : i32
    %dma_start3A_617 = tpu.memref_slice %arg2[%dma_start3A_616] : memref<8388608xf32, #tpu.memory_space<hbm>> -> memref<8388608xf32, #tpu.memory_space<hbm>>
    %dma_start3A_618 = tpu.memref_slice %arg19[%dma_start3A_611] : memref<2x!tpu.dma_semaphore, #tpu.memory_space<semaphore_mem>> -> memref<1x!tpu.dma_semaphore, #tpu.memory_space<semaphore_mem>>
    %dma_start3A_619 = tpu.memref_squeeze %dma_start3A_618 : memref<1x!tpu.dma_semaphore, #tpu.memory_space<semaphore_mem>> -> memref<!tpu.dma_semaphore, #tpu.memory_space<semaphore_mem>>
    tpu.enqueue_indirect_dma source(%dma_start3A_617 : memref<8388608xf32, #tpu.memory_space<hbm>>) target(%dma_start3A_613 : memref<2048xf32, #tpu.memory_space<vmem>>) offsets(%dma_start3A_615 : memref<2048xi32, #tpu.memory_space<vmem>>) semaphore(%dma_start3A_619 : memref<!tpu.dma_semaphore, #tpu.memory_space<semaphore_mem>>)
    %dma_start3A_620 = arith.constant 0 : i32
    %dma_start3A_621 = arith.constant 2048 : i32
    %dma_start3A_622 = tpu.memref_slice %arg11[%dma_start3A_621] : memref<4096xf32, #tpu.memory_space<vmem>> -> memref<2048xf32, #tpu.memory_space<vmem>>
    %dma_start3A_623 = arith.constant 2048 : i32
    %dma_start3A_624 = tpu.memref_slice %arg9[%dma_start3A_623] : memref<4096xi32, #tpu.memory_space<vmem>> -> memref<2048xi32, #tpu.memory_space<vmem>>
    %dma_start3A_625 = arith.constant 0 : i32
    %dma_start3A_626 = tpu.memref_slice %arg2[%dma_start3A_625] : memref<8388608xf32, #tpu.memory_space<hbm>> -> memref<8388608xf32, #tpu.memory_space<hbm>>
    %dma_start3A_627 = tpu.memref_slice %arg19[%dma_start3A_620] : memref<2x!tpu.dma_semaphore, #tpu.memory_space<semaphore_mem>> -> memref<1x!tpu.dma_semaphore, #tpu.memory_space<semaphore_mem>>
    %dma_start3A_628 = tpu.memref_squeeze %dma_start3A_627 : memref<1x!tpu.dma_semaphore, #tpu.memory_space<semaphore_mem>> -> memref<!tpu.dma_semaphore, #tpu.memory_space<semaphore_mem>>
    tpu.enqueue_indirect_dma source(%dma_start3A_626 : memref<8388608xf32, #tpu.memory_space<hbm>>) target(%dma_start3A_622 : memref<2048xf32, #tpu.memory_space<vmem>>) offsets(%dma_start3A_624 : memref<2048xi32, #tpu.memory_space<vmem>>) semaphore(%dma_start3A_628 : memref<!tpu.dma_semaphore, #tpu.memory_space<semaphore_mem>>)
    %dma_wait3A_629 = arith.constant 1 : i32
    %dma_wait3A_630 = arith.constant 0 : i32
    %dma_wait3A_631 = tpu.memref_slice %arg16[%dma_wait3A_630] : memref<4096xf32, #tpu.memory_space<vmem>> -> memref<2048xf32, #tpu.memory_space<vmem>>
    %dma_wait3A_632 = arith.constant 0 : i32
    %dma_wait3A_633 = tpu.memref_slice %arg14[%dma_wait3A_632] : memref<4096xi32, #tpu.memory_space<vmem>> -> memref<2048xi32, #tpu.memory_space<vmem>>
    %dma_wait3A_634 = arith.constant 0 : i32
    %dma_wait3A_635 = tpu.memref_slice %arg2[%dma_wait3A_634] : memref<8388608xf32, #tpu.memory_space<hbm>> -> memref<8388608xf32, #tpu.memory_space<hbm>>
    %dma_wait3A_636 = tpu.memref_slice %arg19[%dma_wait3A_629] : memref<2x!tpu.dma_semaphore, #tpu.memory_space<semaphore_mem>> -> memref<1x!tpu.dma_semaphore, #tpu.memory_space<semaphore_mem>>
    %dma_wait3A_637 = tpu.memref_squeeze %dma_wait3A_636 : memref<1x!tpu.dma_semaphore, #tpu.memory_space<semaphore_mem>> -> memref<!tpu.dma_semaphore, #tpu.memory_space<semaphore_mem>>
    tpu.wait_indirect_dma semaphore(%dma_wait3A_637 : memref<!tpu.dma_semaphore, #tpu.memory_space<semaphore_mem>>) src(%dma_wait3A_635 : memref<8388608xf32, #tpu.memory_space<hbm>>) dst(%dma_wait3A_631 : memref<2048xf32, #tpu.memory_space<vmem>>)
    %dma_wait3A_638 = arith.constant 1 : i32
    %dma_wait3A_639 = arith.constant 0 : i32
    %dma_wait3A_640 = tpu.memref_slice %arg17[%dma_wait3A_639] : memref<4096xf32, #tpu.memory_space<vmem>> -> memref<2048xf32, #tpu.memory_space<vmem>>
    %dma_wait3A_641 = arith.constant 0 : i32
    %dma_wait3A_642 = tpu.memref_slice %arg15[%dma_wait3A_641] : memref<4096xi32, #tpu.memory_space<vmem>> -> memref<2048xi32, #tpu.memory_space<vmem>>
    %dma_wait3A_643 = arith.constant 0 : i32
    %dma_wait3A_644 = tpu.memref_slice %arg2[%dma_wait3A_643] : memref<8388608xf32, #tpu.memory_space<hbm>> -> memref<8388608xf32, #tpu.memory_space<hbm>>
    %dma_wait3A_645 = tpu.memref_slice %arg19[%dma_wait3A_638] : memref<2x!tpu.dma_semaphore, #tpu.memory_space<semaphore_mem>> -> memref<1x!tpu.dma_semaphore, #tpu.memory_space<semaphore_mem>>
    %dma_wait3A_646 = tpu.memref_squeeze %dma_wait3A_645 : memref<1x!tpu.dma_semaphore, #tpu.memory_space<semaphore_mem>> -> memref<!tpu.dma_semaphore, #tpu.memory_space<semaphore_mem>>
    tpu.wait_indirect_dma semaphore(%dma_wait3A_646 : memref<!tpu.dma_semaphore, #tpu.memory_space<semaphore_mem>>) src(%dma_wait3A_644 : memref<8388608xf32, #tpu.memory_space<hbm>>) dst(%dma_wait3A_640 : memref<2048xf32, #tpu.memory_space<vmem>>)
    %dma_wait3A_647 = arith.constant 1 : i32
    %dma_wait3A_648 = arith.constant 2048 : i32
    %dma_wait3A_649 = tpu.memref_slice %arg16[%dma_wait3A_648] : memref<4096xf32, #tpu.memory_space<vmem>> -> memref<2048xf32, #tpu.memory_space<vmem>>
    %dma_wait3A_650 = arith.constant 2048 : i32
    %dma_wait3A_651 = tpu.memref_slice %arg14[%dma_wait3A_650] : memref<4096xi32, #tpu.memory_space<vmem>> -> memref<2048xi32, #tpu.memory_space<vmem>>
    %dma_wait3A_652 = arith.constant 0 : i32
    %dma_wait3A_653 = tpu.memref_slice %arg2[%dma_wait3A_652] : memref<8388608xf32, #tpu.memory_space<hbm>> -> memref<8388608xf32, #tpu.memory_space<hbm>>
    %dma_wait3A_654 = tpu.memref_slice %arg19[%dma_wait3A_647] : memref<2x!tpu.dma_semaphore, #tpu.memory_space<semaphore_mem>> -> memref<1x!tpu.dma_semaphore, #tpu.memory_space<semaphore_mem>>
    %dma_wait3A_655 = tpu.memref_squeeze %dma_wait3A_654 : memref<1x!tpu.dma_semaphore, #tpu.memory_space<semaphore_mem>> -> memref<!tpu.dma_semaphore, #tpu.memory_space<semaphore_mem>>
    tpu.wait_indirect_dma semaphore(%dma_wait3A_655 : memref<!tpu.dma_semaphore, #tpu.memory_space<semaphore_mem>>) src(%dma_wait3A_653 : memref<8388608xf32, #tpu.memory_space<hbm>>) dst(%dma_wait3A_649 : memref<2048xf32, #tpu.memory_space<vmem>>)
    %dma_wait3A_656 = arith.constant 1 : i32
    %dma_wait3A_657 = arith.constant 2048 : i32
    %dma_wait3A_658 = tpu.memref_slice %arg17[%dma_wait3A_657] : memref<4096xf32, #tpu.memory_space<vmem>> -> memref<2048xf32, #tpu.memory_space<vmem>>
    %dma_wait3A_659 = arith.constant 2048 : i32
    %dma_wait3A_660 = tpu.memref_slice %arg15[%dma_wait3A_659] : memref<4096xi32, #tpu.memory_space<vmem>> -> memref<2048xi32, #tpu.memory_space<vmem>>
    %dma_wait3A_661 = arith.constant 0 : i32
    %dma_wait3A_662 = tpu.memref_slice %arg2[%dma_wait3A_661] : memref<8388608xf32, #tpu.memory_space<hbm>> -> memref<8388608xf32, #tpu.memory_space<hbm>>
    %dma_wait3A_663 = tpu.memref_slice %arg19[%dma_wait3A_656] : memref<2x!tpu.dma_semaphore, #tpu.memory_space<semaphore_mem>> -> memref<1x!tpu.dma_semaphore, #tpu.memory_space<semaphore_mem>>
    %dma_wait3A_664 = tpu.memref_squeeze %dma_wait3A_663 : memref<1x!tpu.dma_semaphore, #tpu.memory_space<semaphore_mem>> -> memref<!tpu.dma_semaphore, #tpu.memory_space<semaphore_mem>>
    tpu.wait_indirect_dma semaphore(%dma_wait3A_664 : memref<!tpu.dma_semaphore, #tpu.memory_space<semaphore_mem>>) src(%dma_wait3A_662 : memref<8388608xf32, #tpu.memory_space<hbm>>) dst(%dma_wait3A_658 : memref<2048xf32, #tpu.memory_space<vmem>>)
    %dma_start3A_665 = arith.constant 0 : i32
    %dma_start3A_666 = arith.constant 1 : i32
    %dma_start3A_667 = arith.constant 0 : i32
    %dma_start3A_668 = arith.constant 8192 : i32
    %dma_start3A_669 = tpu.memref_slice %arg4[%select_n3A, %select_n3A_30, %dma_start3A_665, %dma_start3A_667, %dma_start3A_668] : memref<8x4x2x2x16384xi32, #tpu.memory_space<hbm>> -> memref<1x1x1x2x4096xi32, #tpu.memory_space<hbm>>
    %dma_start3A_670 = tpu.memref_squeeze %dma_start3A_669 : memref<1x1x1x2x4096xi32, #tpu.memory_space<hbm>> -> memref<2x4096xi32, #tpu.memory_space<hbm>>
    %dma_start3A_671 = tpu.memref_slice %arg20[%dma_start3A_666] : memref<2x!tpu.dma_semaphore, #tpu.memory_space<semaphore_mem>> -> memref<1x!tpu.dma_semaphore, #tpu.memory_space<semaphore_mem>>
    %dma_start3A_672 = tpu.memref_squeeze %dma_start3A_671 : memref<1x!tpu.dma_semaphore, #tpu.memory_space<semaphore_mem>> -> memref<!tpu.dma_semaphore, #tpu.memory_space<semaphore_mem>>
    %dma_start3A_673 = arith.constant 0 : i32
    %dma_start3A_674 = arith.constant 8192 : i32
    %dma_start3A_675 = tpu.memref_slice %arg4[%select_n3A, %select_n3A_30, %dma_start3A_665, %dma_start3A_673, %dma_start3A_674] : memref<8x4x2x2x16384xi32, #tpu.memory_space<hbm>> -> memref<1x1x1x2x4096xi32, #tpu.memory_space<hbm>>
    %dma_start3A_676 = tpu.memref_squeeze %dma_start3A_675 : memref<1x1x1x2x4096xi32, #tpu.memory_space<hbm>> -> memref<2x4096xi32, #tpu.memory_space<hbm>>
    tpu.enqueue_dma source(%dma_start3A_676 : memref<2x4096xi32, #tpu.memory_space<hbm>>) target(%arg12 : memref<2x4096xi32, #tpu.memory_space<vmem>>) target_semaphore(%dma_start3A_672 : memref<!tpu.dma_semaphore, #tpu.memory_space<semaphore_mem>>)
    %dma_start3A_677 = arith.constant 1 : i32
    %dma_start3A_678 = arith.constant 1 : i32
    %dma_start3A_679 = arith.constant 0 : i32
    %dma_start3A_680 = arith.constant 8192 : i32
    %dma_start3A_681 = tpu.memref_slice %arg4[%select_n3A, %select_n3A_30, %dma_start3A_677, %dma_start3A_679, %dma_start3A_680] : memref<8x4x2x2x16384xi32, #tpu.memory_space<hbm>> -> memref<1x1x1x2x4096xi32, #tpu.memory_space<hbm>>
    %dma_start3A_682 = tpu.memref_squeeze %dma_start3A_681 : memref<1x1x1x2x4096xi32, #tpu.memory_space<hbm>> -> memref<2x4096xi32, #tpu.memory_space<hbm>>
    %dma_start3A_683 = tpu.memref_slice %arg20[%dma_start3A_678] : memref<2x!tpu.dma_semaphore, #tpu.memory_space<semaphore_mem>> -> memref<1x!tpu.dma_semaphore, #tpu.memory_space<semaphore_mem>>
    %dma_start3A_684 = tpu.memref_squeeze %dma_start3A_683 : memref<1x!tpu.dma_semaphore, #tpu.memory_space<semaphore_mem>> -> memref<!tpu.dma_semaphore, #tpu.memory_space<semaphore_mem>>
    %dma_start3A_685 = arith.constant 0 : i32
    %dma_start3A_686 = arith.constant 8192 : i32
    %dma_start3A_687 = tpu.memref_slice %arg4[%select_n3A, %select_n3A_30, %dma_start3A_677, %dma_start3A_685, %dma_start3A_686] : memref<8x4x2x2x16384xi32, #tpu.memory_space<hbm>> -> memref<1x1x1x2x4096xi32, #tpu.memory_space<hbm>>
    %dma_start3A_688 = tpu.memref_squeeze %dma_start3A_687 : memref<1x1x1x2x4096xi32, #tpu.memory_space<hbm>> -> memref<2x4096xi32, #tpu.memory_space<hbm>>
    tpu.enqueue_dma source(%dma_start3A_688 : memref<2x4096xi32, #tpu.memory_space<hbm>>) target(%arg13 : memref<2x4096xi32, #tpu.memory_space<vmem>>) target_semaphore(%dma_start3A_684 : memref<!tpu.dma_semaphore, #tpu.memory_space<semaphore_mem>>)
    %scan3A_689 = arith.constant 0 : i32
    %scan3A_690 = arith.constant 256 : i32
    %scan3A_691 = arith.addi %scan3A_689, %scan3A_690 : i32
    %scan3A_692 = arith.constant 4 : i32
    %scan3A_693 = scf.for %scan3A_1154 = %scan3A_689 to %scan3A_691 step %scan3A_692 iter_args(%scan3A_1155 = %scan3A_560) -> (vector<16xf32>)  : i32 {
      %mul3A_1156 = arith.constant 16 : i32
      %mul3A_1157 = arith.muli %scan3A_1154, %mul3A_1156 : i32
      %get3A_1158 = arith.index_cast %mul3A_1157 : i32 to index
      %get3A_1159 = tpu.vector_load %arg16[%get3A_1158] {strides = array<i32>} : memref<4096xf32, #tpu.memory_space<vmem>>, vector<16xf32>,
      %get3A_1160 = vector.shape_cast %get3A_1159 : vector<16xf32> to vector<16xf32>
      %get3A_1161 = arith.index_cast %mul3A_1157 : i32 to index
      %get3A_1162 = tpu.vector_load %arg17[%get3A_1161] {strides = array<i32>} : memref<4096xf32, #tpu.memory_space<vmem>>, vector<16xf32>,
      %get3A_1163 = vector.shape_cast %get3A_1162 : vector<16xf32> to vector<16xf32>
      %sub3A_1164 = arith.subf %get3A_1160, %get3A_1163 : vector<16xf32>
      %mul3A_1165 = arith.mulf %sub3A_1164, %sub3A_1164 : vector<16xf32>
      %add3A_1166 = arith.addf %scan3A_1155, %mul3A_1165 : vector<16xf32>
      %scan3A_1167 = arith.constant 1 : i32
      %scan3A_1168 = arith.addi %scan3A_1154, %scan3A_1167 : i32
      %mul3A_1169 = arith.constant 16 : i32
      %mul3A_1170 = arith.muli %scan3A_1168, %mul3A_1169 : i32
      %get3A_1171 = arith.index_cast %mul3A_1170 : i32 to index
      %get3A_1172 = tpu.vector_load %arg16[%get3A_1171] {strides = array<i32>} : memref<4096xf32, #tpu.memory_space<vmem>>, vector<16xf32>,
      %get3A_1173 = vector.shape_cast %get3A_1172 : vector<16xf32> to vector<16xf32>
      %get3A_1174 = arith.index_cast %mul3A_1170 : i32 to index
      %get3A_1175 = tpu.vector_load %arg17[%get3A_1174] {strides = array<i32>} : memref<4096xf32, #tpu.memory_space<vmem>>, vector<16xf32>,
      %get3A_1176 = vector.shape_cast %get3A_1175 : vector<16xf32> to vector<16xf32>
      %sub3A_1177 = arith.subf %get3A_1173, %get3A_1176 : vector<16xf32>
      %mul3A_1178 = arith.mulf %sub3A_1177, %sub3A_1177 : vector<16xf32>
      %add3A_1179 = arith.addf %add3A_1166, %mul3A_1178 : vector<16xf32>
      %scan3A_1180 = arith.constant 2 : i32
      %scan3A_1181 = arith.addi %scan3A_1154, %scan3A_1180 : i32
      %mul3A_1182 = arith.constant 16 : i32
      %mul3A_1183 = arith.muli %scan3A_1181, %mul3A_1182 : i32
      %get3A_1184 = arith.index_cast %mul3A_1183 : i32 to index
      %get3A_1185 = tpu.vector_load %arg16[%get3A_1184] {strides = array<i32>} : memref<4096xf32, #tpu.memory_space<vmem>>, vector<16xf32>,
      %get3A_1186 = vector.shape_cast %get3A_1185 : vector<16xf32> to vector<16xf32>
      %get3A_1187 = arith.index_cast %mul3A_1183 : i32 to index
      %get3A_1188 = tpu.vector_load %arg17[%get3A_1187] {strides = array<i32>} : memref<4096xf32, #tpu.memory_space<vmem>>, vector<16xf32>,
      %get3A_1189 = vector.shape_cast %get3A_1188 : vector<16xf32> to vector<16xf32>
      %sub3A_1190 = arith.subf %get3A_1186, %get3A_1189 : vector<16xf32>
      %mul3A_1191 = arith.mulf %sub3A_1190, %sub3A_1190 : vector<16xf32>
      %add3A_1192 = arith.addf %add3A_1179, %mul3A_1191 : vector<16xf32>
      %scan3A_1193 = arith.constant 3 : i32
      %scan3A_1194 = arith.addi %scan3A_1154, %scan3A_1193 : i32
      %mul3A_1195 = arith.constant 16 : i32
      %mul3A_1196 = arith.muli %scan3A_1194, %mul3A_1195 : i32
      %get3A_1197 = arith.index_cast %mul3A_1196 : i32 to index
      %get3A_1198 = tpu.vector_load %arg16[%get3A_1197] {strides = array<i32>} : memref<4096xf32, #tpu.memory_space<vmem>>, vector<16xf32>,
      %get3A_1199 = vector.shape_cast %get3A_1198 : vector<16xf32> to vector<16xf32>
      %get3A_1200 = arith.index_cast %mul3A_1196 : i32 to index
      %get3A_1201 = tpu.vector_load %arg17[%get3A_1200] {strides = array<i32>} : memref<4096xf32, #tpu.memory_space<vmem>>, vector<16xf32>,
      %get3A_1202 = vector.shape_cast %get3A_1201 : vector<16xf32> to vector<16xf32>
      %sub3A_1203 = arith.subf %get3A_1199, %get3A_1202 : vector<16xf32>
      %mul3A_1204 = arith.mulf %sub3A_1203, %sub3A_1203 : vector<16xf32>
      %add3A_1205 = arith.addf %add3A_1192, %mul3A_1204 : vector<16xf32>
      scf.yield %add3A_1205 : vector<16xf32>
    }
    %scan3A_694 = arith.constant 256 : i32
    %get3A = arith.constant 0 : index
    %get3A_695 = tpu.vector_load %arg16[%get3A] {strides = array<i32>} : memref<4096xf32, #tpu.memory_space<vmem>>, vector<16xf32>,
    %get3A_696 = vector.shape_cast %get3A_695 : vector<16xf32> to vector<16xf32>
    %get3A_697 = arith.constant 0 : index
    %get3A_698 = tpu.vector_load %arg17[%get3A_697] {strides = array<i32>} : memref<4096xf32, #tpu.memory_space<vmem>>, vector<16xf32>,
    %get3A_699 = vector.shape_cast %get3A_698 : vector<16xf32> to vector<16xf32>
    %sub3A_700 = arith.subf %get3A_696, %get3A_699 : vector<16xf32>
    %mul3A_701 = arith.mulf %sub3A_700, %sub3A_700 : vector<16xf32>
    %lt3A_702 = vector.broadcast %add3A_45 : i32 to vector<16xi32>
    %lt3A_703 = arith.cmpi slt, %iota3A, %lt3A_702 : vector<16xi32>
    %mul3A_704 = arith.constant 2.000000e+00 : f32
    %mul3A_705 = vector.broadcast %mul3A_704 : f32 to vector<16xf32>
    %mul3A_706 = arith.mulf %mul3A_705, %mul3A_701 : vector<16xf32>
    %sub3A_707 = arith.constant 1.000000e+00 : f32
    %sub3A_708 = vector.broadcast %sub3A_707 : f32 to vector<16xf32>
    %sub3A_709 = arith.subf %sub3A_708, %mul3A_706 : vector<16xf32>
    %jit3A_710 = arith.constant 0.000000e+00 : f32
    %broadcast_in_dim3A_711 = vector.broadcast %jit3A_710 : f32 to vector<16xf32>
    %select_n3A_712 = arith.select %lt3A_703, %sub3A_709, %broadcast_in_dim3A_711 : vector<16xi1>, vector<16xf32>
    %add3A_713 = arith.addf %scan3A_693, %select_n3A_712 : vector<16xf32>
    %dma_wait3A_714 = arith.constant 0 : i32
    %dma_wait3A_715 = arith.constant 1 : i32
    %dma_wait3A_716 = arith.constant 0 : i32
    %dma_wait3A_717 = arith.constant 8192 : i32
    %dma_wait3A_718 = tpu.memref_slice %arg4[%select_n3A, %select_n3A_30, %dma_wait3A_714, %dma_wait3A_716, %dma_wait3A_717] : memref<8x4x2x2x16384xi32, #tpu.memory_space<hbm>> -> memref<1x1x1x2x4096xi32, #tpu.memory_space<hbm>>
    %dma_wait3A_719 = tpu.memref_squeeze %dma_wait3A_718 : memref<1x1x1x2x4096xi32, #tpu.memory_space<hbm>> -> memref<2x4096xi32, #tpu.memory_space<hbm>>
    %dma_wait3A_720 = tpu.memref_slice %arg20[%dma_wait3A_715] : memref<2x!tpu.dma_semaphore, #tpu.memory_space<semaphore_mem>> -> memref<1x!tpu.dma_semaphore, #tpu.memory_space<semaphore_mem>>
    %dma_wait3A_721 = tpu.memref_squeeze %dma_wait3A_720 : memref<1x!tpu.dma_semaphore, #tpu.memory_space<semaphore_mem>> -> memref<!tpu.dma_semaphore, #tpu.memory_space<semaphore_mem>>
    %dma_wait3A_722 = arith.constant 0 : i32
    %dma_wait3A_723 = arith.constant 8192 : i32
    %dma_wait3A_724 = tpu.memref_slice %arg4[%select_n3A, %select_n3A_30, %dma_wait3A_714, %dma_wait3A_722, %dma_wait3A_723] : memref<8x4x2x2x16384xi32, #tpu.memory_space<hbm>> -> memref<1x1x1x2x4096xi32, #tpu.memory_space<hbm>>
    %dma_wait3A_725 = tpu.memref_squeeze %dma_wait3A_724 : memref<1x1x1x2x4096xi32, #tpu.memory_space<hbm>> -> memref<2x4096xi32, #tpu.memory_space<hbm>>
    tpu.wait_dma2 semaphore(%dma_wait3A_721 : memref<!tpu.dma_semaphore, #tpu.memory_space<semaphore_mem>>) src(%dma_wait3A_725 : memref<2x4096xi32, #tpu.memory_space<hbm>>) dst(%arg12 : memref<2x4096xi32, #tpu.memory_space<vmem>>)
    %dma_wait3A_726 = arith.constant 1 : i32
    %dma_wait3A_727 = arith.constant 1 : i32
    %dma_wait3A_728 = arith.constant 0 : i32
    %dma_wait3A_729 = arith.constant 8192 : i32
    %dma_wait3A_730 = tpu.memref_slice %arg4[%select_n3A, %select_n3A_30, %dma_wait3A_726, %dma_wait3A_728, %dma_wait3A_729] : memref<8x4x2x2x16384xi32, #tpu.memory_space<hbm>> -> memref<1x1x1x2x4096xi32, #tpu.memory_space<hbm>>
    %dma_wait3A_731 = tpu.memref_squeeze %dma_wait3A_730 : memref<1x1x1x2x4096xi32, #tpu.memory_space<hbm>> -> memref<2x4096xi32, #tpu.memory_space<hbm>>
    %dma_wait3A_732 = tpu.memref_slice %arg20[%dma_wait3A_727] : memref<2x!tpu.dma_semaphore, #tpu.memory_space<semaphore_mem>> -> memref<1x!tpu.dma_semaphore, #tpu.memory_space<semaphore_mem>>
    %dma_wait3A_733 = tpu.memref_squeeze %dma_wait3A_732 : memref<1x!tpu.dma_semaphore, #tpu.memory_space<semaphore_mem>> -> memref<!tpu.dma_semaphore, #tpu.memory_space<semaphore_mem>>
    %dma_wait3A_734 = arith.constant 0 : i32
    %dma_wait3A_735 = arith.constant 8192 : i32
    %dma_wait3A_736 = tpu.memref_slice %arg4[%select_n3A, %select_n3A_30, %dma_wait3A_726, %dma_wait3A_734, %dma_wait3A_735] : memref<8x4x2x2x16384xi32, #tpu.memory_space<hbm>> -> memref<1x1x1x2x4096xi32, #tpu.memory_space<hbm>>
    %dma_wait3A_737 = tpu.memref_squeeze %dma_wait3A_736 : memref<1x1x1x2x4096xi32, #tpu.memory_space<hbm>> -> memref<2x4096xi32, #tpu.memory_space<hbm>>
    tpu.wait_dma2 semaphore(%dma_wait3A_733 : memref<!tpu.dma_semaphore, #tpu.memory_space<semaphore_mem>>) src(%dma_wait3A_737 : memref<2x4096xi32, #tpu.memory_space<hbm>>) dst(%arg13 : memref<2x4096xi32, #tpu.memory_space<vmem>>)
    %scan3A_738 = arith.constant 0 : i32
    %scan3A_739 = arith.constant 0 : i32
    %scan3A_740 = arith.constant 256 : i32
    %scan3A_741 = arith.addi %scan3A_739, %scan3A_740 : i32
    %scan3A_742 = arith.constant 4 : i32
    %scan3A_743 = scf.for %scan3A_1154 = %scan3A_739 to %scan3A_741 step %scan3A_742 iter_args(%scan3A_1155 = %scan3A_738) -> (i32)  : i32 {
      %mul3A_1156 = arith.constant 16 : i32
      %mul3A_1157 = arith.muli %scan3A_1154, %mul3A_1156 : i32
      %get3A_1158 = arith.constant 0 : i32
      %get3A_1159 = arith.index_cast %get3A_1158 : i32 to index
      %get3A_1160 = arith.index_cast %mul3A_1157 : i32 to index
      %get3A_1161 = tpu.vector_load %arg12[%get3A_1159, %get3A_1160] {strides = array<i32>} : memref<2x4096xi32, #tpu.memory_space<vmem>>, vector<1x16xi32>,
      %get3A_1162 = vector.shape_cast %get3A_1161 : vector<1x16xi32> to vector<16xi32>
      %mul3A_1163 = arith.constant 512 : i32
      %mul3A_1164 = vector.broadcast %mul3A_1163 : i32 to vector<16xi32>
      %mul3A_1165 = arith.muli %get3A_1162, %mul3A_1164 : vector<16xi32>
      %get3A_1166 = arith.constant 1 : i32
      %get3A_1167 = arith.index_cast %get3A_1166 : i32 to index
      %get3A_1168 = arith.index_cast %mul3A_1157 : i32 to index
      %get3A_1169 = tpu.vector_load %arg12[%get3A_1167, %get3A_1168] {strides = array<i32>} : memref<2x4096xi32, #tpu.memory_space<vmem>>, vector<1x16xi32>,
      %get3A_1170 = vector.shape_cast %get3A_1169 : vector<1x16xi32> to vector<16xi32>
      %add3A_1171 = arith.addi %mul3A_1165, %get3A_1170 : vector<16xi32>
      %add3A_1172 = vector.broadcast %mul3A_32 : i32 to vector<16xi32>
      %add3A_1173 = arith.addi %add3A_1171, %add3A_1172 : vector<16xi32>
      %swap3A_1174 = arith.index_cast %mul3A_1157 : i32 to index
      %swap3A_1175 = tpu.vector_load %arg14[%swap3A_1174] {strides = array<i32>} : memref<4096xi32, #tpu.memory_space<vmem>>, vector<16xi32>,
      %swap3A_1176 = vector.shape_cast %swap3A_1175 : vector<16xi32> to vector<16xi32>
      %swap3A_1177 = vector.shape_cast %add3A_1173 : vector<16xi32> to vector<16xi32>
      tpu.vector_store %arg14[%swap3A_1174], %swap3A_1177 {strides = array<i32>} : memref<4096xi32, #tpu.memory_space<vmem>>, vector<16xi32>,
      %get3A_1178 = arith.constant 0 : i32
      %get3A_1179 = arith.index_cast %get3A_1178 : i32 to index
      %get3A_1180 = arith.index_cast %mul3A_1157 : i32 to index
      %get3A_1181 = tpu.vector_load %arg13[%get3A_1179, %get3A_1180] {strides = array<i32>} : memref<2x4096xi32, #tpu.memory_space<vmem>>, vector<1x16xi32>,
      %get3A_1182 = vector.shape_cast %get3A_1181 : vector<1x16xi32> to vector<16xi32>
      %mul3A_1183 = arith.constant 512 : i32
      %mul3A_1184 = vector.broadcast %mul3A_1183 : i32 to vector<16xi32>
      %mul3A_1185 = arith.muli %get3A_1182, %mul3A_1184 : vector<16xi32>
      %get3A_1186 = arith.constant 1 : i32
      %get3A_1187 = arith.index_cast %get3A_1186 : i32 to index
      %get3A_1188 = arith.index_cast %mul3A_1157 : i32 to index
      %get3A_1189 = tpu.vector_load %arg13[%get3A_1187, %get3A_1188] {strides = array<i32>} : memref<2x4096xi32, #tpu.memory_space<vmem>>, vector<1x16xi32>,
      %get3A_1190 = vector.shape_cast %get3A_1189 : vector<1x16xi32> to vector<16xi32>
      %add3A_1191 = arith.addi %mul3A_1185, %get3A_1190 : vector<16xi32>
      %add3A_1192 = vector.broadcast %mul3A_32 : i32 to vector<16xi32>
      %add3A_1193 = arith.addi %add3A_1191, %add3A_1192 : vector<16xi32>
      %swap3A_1194 = arith.index_cast %mul3A_1157 : i32 to index
      %swap3A_1195 = tpu.vector_load %arg15[%swap3A_1194] {strides = array<i32>} : memref<4096xi32, #tpu.memory_space<vmem>>, vector<16xi32>,
      %swap3A_1196 = vector.shape_cast %swap3A_1195 : vector<16xi32> to vector<16xi32>
      %swap3A_1197 = vector.shape_cast %add3A_1193 : vector<16xi32> to vector<16xi32>
      tpu.vector_store %arg15[%swap3A_1194], %swap3A_1197 {strides = array<i32>} : memref<4096xi32, #tpu.memory_space<vmem>>, vector<16xi32>,
      %scan3A_1198 = arith.constant 0 : i32
      %scan3A_1199 = arith.constant 1 : i32
      %scan3A_1200 = arith.addi %scan3A_1154, %scan3A_1199 : i32
      %mul3A_1201 = arith.constant 16 : i32
      %mul3A_1202 = arith.muli %scan3A_1200, %mul3A_1201 : i32
      %get3A_1203 = arith.constant 0 : i32
      %get3A_1204 = arith.index_cast %get3A_1203 : i32 to index
      %get3A_1205 = arith.index_cast %mul3A_1202 : i32 to index
      %get3A_1206 = tpu.vector_load %arg12[%get3A_1204, %get3A_1205] {strides = array<i32>} : memref<2x4096xi32, #tpu.memory_space<vmem>>, vector<1x16xi32>,
      %get3A_1207 = vector.shape_cast %get3A_1206 : vector<1x16xi32> to vector<16xi32>
      %mul3A_1208 = arith.constant 512 : i32
      %mul3A_1209 = vector.broadcast %mul3A_1208 : i32 to vector<16xi32>
      %mul3A_1210 = arith.muli %get3A_1207, %mul3A_1209 : vector<16xi32>
      %get3A_1211 = arith.constant 1 : i32
      %get3A_1212 = arith.index_cast %get3A_1211 : i32 to index
      %get3A_1213 = arith.index_cast %mul3A_1202 : i32 to index
      %get3A_1214 = tpu.vector_load %arg12[%get3A_1212, %get3A_1213] {strides = array<i32>} : memref<2x4096xi32, #tpu.memory_space<vmem>>, vector<1x16xi32>,
      %get3A_1215 = vector.shape_cast %get3A_1214 : vector<1x16xi32> to vector<16xi32>
      %add3A_1216 = arith.addi %mul3A_1210, %get3A_1215 : vector<16xi32>
      %add3A_1217 = vector.broadcast %mul3A_32 : i32 to vector<16xi32>
      %add3A_1218 = arith.addi %add3A_1216, %add3A_1217 : vector<16xi32>
      %swap3A_1219 = arith.index_cast %mul3A_1202 : i32 to index
      %swap3A_1220 = tpu.vector_load %arg14[%swap3A_1219] {strides = array<i32>} : memref<4096xi32, #tpu.memory_space<vmem>>, vector<16xi32>,
      %swap3A_1221 = vector.shape_cast %swap3A_1220 : vector<16xi32> to vector<16xi32>
      %swap3A_1222 = vector.shape_cast %add3A_1218 : vector<16xi32> to vector<16xi32>
      tpu.vector_store %arg14[%swap3A_1219], %swap3A_1222 {strides = array<i32>} : memref<4096xi32, #tpu.memory_space<vmem>>, vector<16xi32>,
      %get3A_1223 = arith.constant 0 : i32
      %get3A_1224 = arith.index_cast %get3A_1223 : i32 to index
      %get3A_1225 = arith.index_cast %mul3A_1202 : i32 to index
      %get3A_1226 = tpu.vector_load %arg13[%get3A_1224, %get3A_1225] {strides = array<i32>} : memref<2x4096xi32, #tpu.memory_space<vmem>>, vector<1x16xi32>,
      %get3A_1227 = vector.shape_cast %get3A_1226 : vector<1x16xi32> to vector<16xi32>
      %mul3A_1228 = arith.constant 512 : i32
      %mul3A_1229 = vector.broadcast %mul3A_1228 : i32 to vector<16xi32>
      %mul3A_1230 = arith.muli %get3A_1227, %mul3A_1229 : vector<16xi32>
      %get3A_1231 = arith.constant 1 : i32
      %get3A_1232 = arith.index_cast %get3A_1231 : i32 to index
      %get3A_1233 = arith.index_cast %mul3A_1202 : i32 to index
      %get3A_1234 = tpu.vector_load %arg13[%get3A_1232, %get3A_1233] {strides = array<i32>} : memref<2x4096xi32, #tpu.memory_space<vmem>>, vector<1x16xi32>,
      %get3A_1235 = vector.shape_cast %get3A_1234 : vector<1x16xi32> to vector<16xi32>
      %add3A_1236 = arith.addi %mul3A_1230, %get3A_1235 : vector<16xi32>
      %add3A_1237 = vector.broadcast %mul3A_32 : i32 to vector<16xi32>
      %add3A_1238 = arith.addi %add3A_1236, %add3A_1237 : vector<16xi32>
      %swap3A_1239 = arith.index_cast %mul3A_1202 : i32 to index
      %swap3A_1240 = tpu.vector_load %arg15[%swap3A_1239] {strides = array<i32>} : memref<4096xi32, #tpu.memory_space<vmem>>, vector<16xi32>,
      %swap3A_1241 = vector.shape_cast %swap3A_1240 : vector<16xi32> to vector<16xi32>
      %swap3A_1242 = vector.shape_cast %add3A_1238 : vector<16xi32> to vector<16xi32>
      tpu.vector_store %arg15[%swap3A_1239], %swap3A_1242 {strides = array<i32>} : memref<4096xi32, #tpu.memory_space<vmem>>, vector<16xi32>,
      %scan3A_1243 = arith.constant 0 : i32
      %scan3A_1244 = arith.constant 2 : i32
      %scan3A_1245 = arith.addi %scan3A_1154, %scan3A_1244 : i32
      %mul3A_1246 = arith.constant 16 : i32
      %mul3A_1247 = arith.muli %scan3A_1245, %mul3A_1246 : i32
      %get3A_1248 = arith.constant 0 : i32
      %get3A_1249 = arith.index_cast %get3A_1248 : i32 to index
      %get3A_1250 = arith.index_cast %mul3A_1247 : i32 to index
      %get3A_1251 = tpu.vector_load %arg12[%get3A_1249, %get3A_1250] {strides = array<i32>} : memref<2x4096xi32, #tpu.memory_space<vmem>>, vector<1x16xi32>,
      %get3A_1252 = vector.shape_cast %get3A_1251 : vector<1x16xi32> to vector<16xi32>
      %mul3A_1253 = arith.constant 512 : i32
      %mul3A_1254 = vector.broadcast %mul3A_1253 : i32 to vector<16xi32>
      %mul3A_1255 = arith.muli %get3A_1252, %mul3A_1254 : vector<16xi32>
      %get3A_1256 = arith.constant 1 : i32
      %get3A_1257 = arith.index_cast %get3A_1256 : i32 to index
      %get3A_1258 = arith.index_cast %mul3A_1247 : i32 to index
      %get3A_1259 = tpu.vector_load %arg12[%get3A_1257, %get3A_1258] {strides = array<i32>} : memref<2x4096xi32, #tpu.memory_space<vmem>>, vector<1x16xi32>,
      %get3A_1260 = vector.shape_cast %get3A_1259 : vector<1x16xi32> to vector<16xi32>
      %add3A_1261 = arith.addi %mul3A_1255, %get3A_1260 : vector<16xi32>
      %add3A_1262 = vector.broadcast %mul3A_32 : i32 to vector<16xi32>
      %add3A_1263 = arith.addi %add3A_1261, %add3A_1262 : vector<16xi32>
      %swap3A_1264 = arith.index_cast %mul3A_1247 : i32 to index
      %swap3A_1265 = tpu.vector_load %arg14[%swap3A_1264] {strides = array<i32>} : memref<4096xi32, #tpu.memory_space<vmem>>, vector<16xi32>,
      %swap3A_1266 = vector.shape_cast %swap3A_1265 : vector<16xi32> to vector<16xi32>
      %swap3A_1267 = vector.shape_cast %add3A_1263 : vector<16xi32> to vector<16xi32>
      tpu.vector_store %arg14[%swap3A_1264], %swap3A_1267 {strides = array<i32>} : memref<4096xi32, #tpu.memory_space<vmem>>, vector<16xi32>,
      %get3A_1268 = arith.constant 0 : i32
      %get3A_1269 = arith.index_cast %get3A_1268 : i32 to index
      %get3A_1270 = arith.index_cast %mul3A_1247 : i32 to index
      %get3A_1271 = tpu.vector_load %arg13[%get3A_1269, %get3A_1270] {strides = array<i32>} : memref<2x4096xi32, #tpu.memory_space<vmem>>, vector<1x16xi32>,
      %get3A_1272 = vector.shape_cast %get3A_1271 : vector<1x16xi32> to vector<16xi32>
      %mul3A_1273 = arith.constant 512 : i32
      %mul3A_1274 = vector.broadcast %mul3A_1273 : i32 to vector<16xi32>
      %mul3A_1275 = arith.muli %get3A_1272, %mul3A_1274 : vector<16xi32>
      %get3A_1276 = arith.constant 1 : i32
      %get3A_1277 = arith.index_cast %get3A_1276 : i32 to index
      %get3A_1278 = arith.index_cast %mul3A_1247 : i32 to index
      %get3A_1279 = tpu.vector_load %arg13[%get3A_1277, %get3A_1278] {strides = array<i32>} : memref<2x4096xi32, #tpu.memory_space<vmem>>, vector<1x16xi32>,
      %get3A_1280 = vector.shape_cast %get3A_1279 : vector<1x16xi32> to vector<16xi32>
      %add3A_1281 = arith.addi %mul3A_1275, %get3A_1280 : vector<16xi32>
      %add3A_1282 = vector.broadcast %mul3A_32 : i32 to vector<16xi32>
      %add3A_1283 = arith.addi %add3A_1281, %add3A_1282 : vector<16xi32>
      %swap3A_1284 = arith.index_cast %mul3A_1247 : i32 to index
      %swap3A_1285 = tpu.vector_load %arg15[%swap3A_1284] {strides = array<i32>} : memref<4096xi32, #tpu.memory_space<vmem>>, vector<16xi32>,
      %swap3A_1286 = vector.shape_cast %swap3A_1285 : vector<16xi32> to vector<16xi32>
      %swap3A_1287 = vector.shape_cast %add3A_1283 : vector<16xi32> to vector<16xi32>
      tpu.vector_store %arg15[%swap3A_1284], %swap3A_1287 {strides = array<i32>} : memref<4096xi32, #tpu.memory_space<vmem>>, vector<16xi32>,
      %scan3A_1288 = arith.constant 0 : i32
      %scan3A_1289 = arith.constant 3 : i32
      %scan3A_1290 = arith.addi %scan3A_1154, %scan3A_1289 : i32
      %mul3A_1291 = arith.constant 16 : i32
      %mul3A_1292 = arith.muli %scan3A_1290, %mul3A_1291 : i32
      %get3A_1293 = arith.constant 0 : i32
      %get3A_1294 = arith.index_cast %get3A_1293 : i32 to index
      %get3A_1295 = arith.index_cast %mul3A_1292 : i32 to index
      %get3A_1296 = tpu.vector_load %arg12[%get3A_1294, %get3A_1295] {strides = array<i32>} : memref<2x4096xi32, #tpu.memory_space<vmem>>, vector<1x16xi32>,
      %get3A_1297 = vector.shape_cast %get3A_1296 : vector<1x16xi32> to vector<16xi32>
      %mul3A_1298 = arith.constant 512 : i32
      %mul3A_1299 = vector.broadcast %mul3A_1298 : i32 to vector<16xi32>
      %mul3A_1300 = arith.muli %get3A_1297, %mul3A_1299 : vector<16xi32>
      %get3A_1301 = arith.constant 1 : i32
      %get3A_1302 = arith.index_cast %get3A_1301 : i32 to index
      %get3A_1303 = arith.index_cast %mul3A_1292 : i32 to index
      %get3A_1304 = tpu.vector_load %arg12[%get3A_1302, %get3A_1303] {strides = array<i32>} : memref<2x4096xi32, #tpu.memory_space<vmem>>, vector<1x16xi32>,
      %get3A_1305 = vector.shape_cast %get3A_1304 : vector<1x16xi32> to vector<16xi32>
      %add3A_1306 = arith.addi %mul3A_1300, %get3A_1305 : vector<16xi32>
      %add3A_1307 = vector.broadcast %mul3A_32 : i32 to vector<16xi32>
      %add3A_1308 = arith.addi %add3A_1306, %add3A_1307 : vector<16xi32>
      %swap3A_1309 = arith.index_cast %mul3A_1292 : i32 to index
      %swap3A_1310 = tpu.vector_load %arg14[%swap3A_1309] {strides = array<i32>} : memref<4096xi32, #tpu.memory_space<vmem>>, vector<16xi32>,
      %swap3A_1311 = vector.shape_cast %swap3A_1310 : vector<16xi32> to vector<16xi32>
      %swap3A_1312 = vector.shape_cast %add3A_1308 : vector<16xi32> to vector<16xi32>
      tpu.vector_store %arg14[%swap3A_1309], %swap3A_1312 {strides = array<i32>} : memref<4096xi32, #tpu.memory_space<vmem>>, vector<16xi32>,
      %get3A_1313 = arith.constant 0 : i32
      %get3A_1314 = arith.index_cast %get3A_1313 : i32 to index
      %get3A_1315 = arith.index_cast %mul3A_1292 : i32 to index
      %get3A_1316 = tpu.vector_load %arg13[%get3A_1314, %get3A_1315] {strides = array<i32>} : memref<2x4096xi32, #tpu.memory_space<vmem>>, vector<1x16xi32>,
      %get3A_1317 = vector.shape_cast %get3A_1316 : vector<1x16xi32> to vector<16xi32>
      %mul3A_1318 = arith.constant 512 : i32
      %mul3A_1319 = vector.broadcast %mul3A_1318 : i32 to vector<16xi32>
      %mul3A_1320 = arith.muli %get3A_1317, %mul3A_1319 : vector<16xi32>
      %get3A_1321 = arith.constant 1 : i32
      %get3A_1322 = arith.index_cast %get3A_1321 : i32 to index
      %get3A_1323 = arith.index_cast %mul3A_1292 : i32 to index
      %get3A_1324 = tpu.vector_load %arg13[%get3A_1322, %get3A_1323] {strides = array<i32>} : memref<2x4096xi32, #tpu.memory_space<vmem>>, vector<1x16xi32>,
      %get3A_1325 = vector.shape_cast %get3A_1324 : vector<1x16xi32> to vector<16xi32>
      %add3A_1326 = arith.addi %mul3A_1320, %get3A_1325 : vector<16xi32>
      %add3A_1327 = vector.broadcast %mul3A_32 : i32 to vector<16xi32>
      %add3A_1328 = arith.addi %add3A_1326, %add3A_1327 : vector<16xi32>
      %swap3A_1329 = arith.index_cast %mul3A_1292 : i32 to index
      %swap3A_1330 = tpu.vector_load %arg15[%swap3A_1329] {strides = array<i32>} : memref<4096xi32, #tpu.memory_space<vmem>>, vector<16xi32>,
      %swap3A_1331 = vector.shape_cast %swap3A_1330 : vector<16xi32> to vector<16xi32>
      %swap3A_1332 = vector.shape_cast %add3A_1328 : vector<16xi32> to vector<16xi32>
      tpu.vector_store %arg15[%swap3A_1329], %swap3A_1332 {strides = array<i32>} : memref<4096xi32, #tpu.memory_space<vmem>>, vector<16xi32>,
      %scan3A_1333 = arith.constant 0 : i32
      scf.yield %scan3A_1333 : i32
    }
    %scan3A_744 = arith.constant 256 : i32
    %dma_start3A_745 = arith.constant 1 : i32
    %dma_start3A_746 = arith.constant 0 : i32
    %dma_start3A_747 = tpu.memref_slice %arg16[%dma_start3A_746] : memref<4096xf32, #tpu.memory_space<vmem>> -> memref<2048xf32, #tpu.memory_space<vmem>>
    %dma_start3A_748 = arith.constant 0 : i32
    %dma_start3A_749 = tpu.memref_slice %arg14[%dma_start3A_748] : memref<4096xi32, #tpu.memory_space<vmem>> -> memref<2048xi32, #tpu.memory_space<vmem>>
    %dma_start3A_750 = arith.constant 0 : i32
    %dma_start3A_751 = tpu.memref_slice %arg2[%dma_start3A_750] : memref<8388608xf32, #tpu.memory_space<hbm>> -> memref<8388608xf32, #tpu.memory_space<hbm>>
    %dma_start3A_752 = tpu.memref_slice %arg19[%dma_start3A_745] : memref<2x!tpu.dma_semaphore, #tpu.memory_space<semaphore_mem>> -> memref<1x!tpu.dma_semaphore, #tpu.memory_space<semaphore_mem>>
    %dma_start3A_753 = tpu.memref_squeeze %dma_start3A_752 : memref<1x!tpu.dma_semaphore, #tpu.memory_space<semaphore_mem>> -> memref<!tpu.dma_semaphore, #tpu.memory_space<semaphore_mem>>
    tpu.enqueue_indirect_dma source(%dma_start3A_751 : memref<8388608xf32, #tpu.memory_space<hbm>>) target(%dma_start3A_747 : memref<2048xf32, #tpu.memory_space<vmem>>) offsets(%dma_start3A_749 : memref<2048xi32, #tpu.memory_space<vmem>>) semaphore(%dma_start3A_753 : memref<!tpu.dma_semaphore, #tpu.memory_space<semaphore_mem>>)
    %dma_start3A_754 = arith.constant 1 : i32
    %dma_start3A_755 = arith.constant 0 : i32
    %dma_start3A_756 = tpu.memref_slice %arg17[%dma_start3A_755] : memref<4096xf32, #tpu.memory_space<vmem>> -> memref<2048xf32, #tpu.memory_space<vmem>>
    %dma_start3A_757 = arith.constant 0 : i32
    %dma_start3A_758 = tpu.memref_slice %arg15[%dma_start3A_757] : memref<4096xi32, #tpu.memory_space<vmem>> -> memref<2048xi32, #tpu.memory_space<vmem>>
    %dma_start3A_759 = arith.constant 0 : i32
    %dma_start3A_760 = tpu.memref_slice %arg2[%dma_start3A_759] : memref<8388608xf32, #tpu.memory_space<hbm>> -> memref<8388608xf32, #tpu.memory_space<hbm>>
    %dma_start3A_761 = tpu.memref_slice %arg19[%dma_start3A_754] : memref<2x!tpu.dma_semaphore, #tpu.memory_space<semaphore_mem>> -> memref<1x!tpu.dma_semaphore, #tpu.memory_space<semaphore_mem>>
    %dma_start3A_762 = tpu.memref_squeeze %dma_start3A_761 : memref<1x!tpu.dma_semaphore, #tpu.memory_space<semaphore_mem>> -> memref<!tpu.dma_semaphore, #tpu.memory_space<semaphore_mem>>
    tpu.enqueue_indirect_dma source(%dma_start3A_760 : memref<8388608xf32, #tpu.memory_space<hbm>>) target(%dma_start3A_756 : memref<2048xf32, #tpu.memory_space<vmem>>) offsets(%dma_start3A_758 : memref<2048xi32, #tpu.memory_space<vmem>>) semaphore(%dma_start3A_762 : memref<!tpu.dma_semaphore, #tpu.memory_space<semaphore_mem>>)
    %dma_start3A_763 = arith.constant 1 : i32
    %dma_start3A_764 = arith.constant 2048 : i32
    %dma_start3A_765 = tpu.memref_slice %arg16[%dma_start3A_764] : memref<4096xf32, #tpu.memory_space<vmem>> -> memref<2048xf32, #tpu.memory_space<vmem>>
    %dma_start3A_766 = arith.constant 2048 : i32
    %dma_start3A_767 = tpu.memref_slice %arg14[%dma_start3A_766] : memref<4096xi32, #tpu.memory_space<vmem>> -> memref<2048xi32, #tpu.memory_space<vmem>>
    %dma_start3A_768 = arith.constant 0 : i32
    %dma_start3A_769 = tpu.memref_slice %arg2[%dma_start3A_768] : memref<8388608xf32, #tpu.memory_space<hbm>> -> memref<8388608xf32, #tpu.memory_space<hbm>>
    %dma_start3A_770 = tpu.memref_slice %arg19[%dma_start3A_763] : memref<2x!tpu.dma_semaphore, #tpu.memory_space<semaphore_mem>> -> memref<1x!tpu.dma_semaphore, #tpu.memory_space<semaphore_mem>>
    %dma_start3A_771 = tpu.memref_squeeze %dma_start3A_770 : memref<1x!tpu.dma_semaphore, #tpu.memory_space<semaphore_mem>> -> memref<!tpu.dma_semaphore, #tpu.memory_space<semaphore_mem>>
    tpu.enqueue_indirect_dma source(%dma_start3A_769 : memref<8388608xf32, #tpu.memory_space<hbm>>) target(%dma_start3A_765 : memref<2048xf32, #tpu.memory_space<vmem>>) offsets(%dma_start3A_767 : memref<2048xi32, #tpu.memory_space<vmem>>) semaphore(%dma_start3A_771 : memref<!tpu.dma_semaphore, #tpu.memory_space<semaphore_mem>>)
    %dma_start3A_772 = arith.constant 1 : i32
    %dma_start3A_773 = arith.constant 2048 : i32
    %dma_start3A_774 = tpu.memref_slice %arg17[%dma_start3A_773] : memref<4096xf32, #tpu.memory_space<vmem>> -> memref<2048xf32, #tpu.memory_space<vmem>>
    %dma_start3A_775 = arith.constant 2048 : i32
    %dma_start3A_776 = tpu.memref_slice %arg15[%dma_start3A_775] : memref<4096xi32, #tpu.memory_space<vmem>> -> memref<2048xi32, #tpu.memory_space<vmem>>
    %dma_start3A_777 = arith.constant 0 : i32
    %dma_start3A_778 = tpu.memref_slice %arg2[%dma_start3A_777] : memref<8388608xf32, #tpu.memory_space<hbm>> -> memref<8388608xf32, #tpu.memory_space<hbm>>
    %dma_start3A_779 = tpu.memref_slice %arg19[%dma_start3A_772] : memref<2x!tpu.dma_semaphore, #tpu.memory_space<semaphore_mem>> -> memref<1x!tpu.dma_semaphore, #tpu.memory_space<semaphore_mem>>
    %dma_start3A_780 = tpu.memref_squeeze %dma_start3A_779 : memref<1x!tpu.dma_semaphore, #tpu.memory_space<semaphore_mem>> -> memref<!tpu.dma_semaphore, #tpu.memory_space<semaphore_mem>>
    tpu.enqueue_indirect_dma source(%dma_start3A_778 : memref<8388608xf32, #tpu.memory_space<hbm>>) target(%dma_start3A_774 : memref<2048xf32, #tpu.memory_space<vmem>>) offsets(%dma_start3A_776 : memref<2048xi32, #tpu.memory_space<vmem>>) semaphore(%dma_start3A_780 : memref<!tpu.dma_semaphore, #tpu.memory_space<semaphore_mem>>)
    %dma_wait3A_781 = arith.constant 0 : i32
    %dma_wait3A_782 = arith.constant 0 : i32
    %dma_wait3A_783 = tpu.memref_slice %arg10[%dma_wait3A_782] : memref<4096xf32, #tpu.memory_space<vmem>> -> memref<2048xf32, #tpu.memory_space<vmem>>
    %dma_wait3A_784 = arith.constant 0 : i32
    %dma_wait3A_785 = tpu.memref_slice %arg8[%dma_wait3A_784] : memref<4096xi32, #tpu.memory_space<vmem>> -> memref<2048xi32, #tpu.memory_space<vmem>>
    %dma_wait3A_786 = arith.constant 0 : i32
    %dma_wait3A_787 = tpu.memref_slice %arg2[%dma_wait3A_786] : memref<8388608xf32, #tpu.memory_space<hbm>> -> memref<8388608xf32, #tpu.memory_space<hbm>>
    %dma_wait3A_788 = tpu.memref_slice %arg19[%dma_wait3A_781] : memref<2x!tpu.dma_semaphore, #tpu.memory_space<semaphore_mem>> -> memref<1x!tpu.dma_semaphore, #tpu.memory_space<semaphore_mem>>
    %dma_wait3A_789 = tpu.memref_squeeze %dma_wait3A_788 : memref<1x!tpu.dma_semaphore, #tpu.memory_space<semaphore_mem>> -> memref<!tpu.dma_semaphore, #tpu.memory_space<semaphore_mem>>
    tpu.wait_indirect_dma semaphore(%dma_wait3A_789 : memref<!tpu.dma_semaphore, #tpu.memory_space<semaphore_mem>>) src(%dma_wait3A_787 : memref<8388608xf32, #tpu.memory_space<hbm>>) dst(%dma_wait3A_783 : memref<2048xf32, #tpu.memory_space<vmem>>)
    %dma_wait3A_790 = arith.constant 0 : i32
    %dma_wait3A_791 = arith.constant 0 : i32
    %dma_wait3A_792 = tpu.memref_slice %arg11[%dma_wait3A_791] : memref<4096xf32, #tpu.memory_space<vmem>> -> memref<2048xf32, #tpu.memory_space<vmem>>
    %dma_wait3A_793 = arith.constant 0 : i32
    %dma_wait3A_794 = tpu.memref_slice %arg9[%dma_wait3A_793] : memref<4096xi32, #tpu.memory_space<vmem>> -> memref<2048xi32, #tpu.memory_space<vmem>>
    %dma_wait3A_795 = arith.constant 0 : i32
    %dma_wait3A_796 = tpu.memref_slice %arg2[%dma_wait3A_795] : memref<8388608xf32, #tpu.memory_space<hbm>> -> memref<8388608xf32, #tpu.memory_space<hbm>>
    %dma_wait3A_797 = tpu.memref_slice %arg19[%dma_wait3A_790] : memref<2x!tpu.dma_semaphore, #tpu.memory_space<semaphore_mem>> -> memref<1x!tpu.dma_semaphore, #tpu.memory_space<semaphore_mem>>
    %dma_wait3A_798 = tpu.memref_squeeze %dma_wait3A_797 : memref<1x!tpu.dma_semaphore, #tpu.memory_space<semaphore_mem>> -> memref<!tpu.dma_semaphore, #tpu.memory_space<semaphore_mem>>
    tpu.wait_indirect_dma semaphore(%dma_wait3A_798 : memref<!tpu.dma_semaphore, #tpu.memory_space<semaphore_mem>>) src(%dma_wait3A_796 : memref<8388608xf32, #tpu.memory_space<hbm>>) dst(%dma_wait3A_792 : memref<2048xf32, #tpu.memory_space<vmem>>)
    %dma_wait3A_799 = arith.constant 0 : i32
    %dma_wait3A_800 = arith.constant 2048 : i32
    %dma_wait3A_801 = tpu.memref_slice %arg10[%dma_wait3A_800] : memref<4096xf32, #tpu.memory_space<vmem>> -> memref<2048xf32, #tpu.memory_space<vmem>>
    %dma_wait3A_802 = arith.constant 2048 : i32
    %dma_wait3A_803 = tpu.memref_slice %arg8[%dma_wait3A_802] : memref<4096xi32, #tpu.memory_space<vmem>> -> memref<2048xi32, #tpu.memory_space<vmem>>
    %dma_wait3A_804 = arith.constant 0 : i32
    %dma_wait3A_805 = tpu.memref_slice %arg2[%dma_wait3A_804] : memref<8388608xf32, #tpu.memory_space<hbm>> -> memref<8388608xf32, #tpu.memory_space<hbm>>
    %dma_wait3A_806 = tpu.memref_slice %arg19[%dma_wait3A_799] : memref<2x!tpu.dma_semaphore, #tpu.memory_space<semaphore_mem>> -> memref<1x!tpu.dma_semaphore, #tpu.memory_space<semaphore_mem>>
    %dma_wait3A_807 = tpu.memref_squeeze %dma_wait3A_806 : memref<1x!tpu.dma_semaphore, #tpu.memory_space<semaphore_mem>> -> memref<!tpu.dma_semaphore, #tpu.memory_space<semaphore_mem>>
    tpu.wait_indirect_dma semaphore(%dma_wait3A_807 : memref<!tpu.dma_semaphore, #tpu.memory_space<semaphore_mem>>) src(%dma_wait3A_805 : memref<8388608xf32, #tpu.memory_space<hbm>>) dst(%dma_wait3A_801 : memref<2048xf32, #tpu.memory_space<vmem>>)
    %dma_wait3A_808 = arith.constant 0 : i32
    %dma_wait3A_809 = arith.constant 2048 : i32
    %dma_wait3A_810 = tpu.memref_slice %arg11[%dma_wait3A_809] : memref<4096xf32, #tpu.memory_space<vmem>> -> memref<2048xf32, #tpu.memory_space<vmem>>
    %dma_wait3A_811 = arith.constant 2048 : i32
    %dma_wait3A_812 = tpu.memref_slice %arg9[%dma_wait3A_811] : memref<4096xi32, #tpu.memory_space<vmem>> -> memref<2048xi32, #tpu.memory_space<vmem>>
    %dma_wait3A_813 = arith.constant 0 : i32
    %dma_wait3A_814 = tpu.memref_slice %arg2[%dma_wait3A_813] : memref<8388608xf32, #tpu.memory_space<hbm>> -> memref<8388608xf32, #tpu.memory_space<hbm>>
    %dma_wait3A_815 = tpu.memref_slice %arg19[%dma_wait3A_808] : memref<2x!tpu.dma_semaphore, #tpu.memory_space<semaphore_mem>> -> memref<1x!tpu.dma_semaphore, #tpu.memory_space<semaphore_mem>>
    %dma_wait3A_816 = tpu.memref_squeeze %dma_wait3A_815 : memref<1x!tpu.dma_semaphore, #tpu.memory_space<semaphore_mem>> -> memref<!tpu.dma_semaphore, #tpu.memory_space<semaphore_mem>>
    tpu.wait_indirect_dma semaphore(%dma_wait3A_816 : memref<!tpu.dma_semaphore, #tpu.memory_space<semaphore_mem>>) src(%dma_wait3A_814 : memref<8388608xf32, #tpu.memory_space<hbm>>) dst(%dma_wait3A_810 : memref<2048xf32, #tpu.memory_space<vmem>>)
    %dma_start3A_817 = arith.constant 0 : i32
    %dma_start3A_818 = arith.constant 0 : i32
    %dma_start3A_819 = arith.constant 0 : i32
    %dma_start3A_820 = arith.constant 4096 : i32
    %dma_start3A_821 = tpu.memref_slice %arg4[%select_n3A, %select_n3A_30, %dma_start3A_817, %dma_start3A_819, %dma_start3A_820] : memref<8x4x2x2x16384xi32, #tpu.memory_space<hbm>> -> memref<1x1x1x2x4096xi32, #tpu.memory_space<hbm>>
    %dma_start3A_822 = tpu.memref_squeeze %dma_start3A_821 : memref<1x1x1x2x4096xi32, #tpu.memory_space<hbm>> -> memref<2x4096xi32, #tpu.memory_space<hbm>>
    %dma_start3A_823 = tpu.memref_slice %arg20[%dma_start3A_818] : memref<2x!tpu.dma_semaphore, #tpu.memory_space<semaphore_mem>> -> memref<1x!tpu.dma_semaphore, #tpu.memory_space<semaphore_mem>>
    %dma_start3A_824 = tpu.memref_squeeze %dma_start3A_823 : memref<1x!tpu.dma_semaphore, #tpu.memory_space<semaphore_mem>> -> memref<!tpu.dma_semaphore, #tpu.memory_space<semaphore_mem>>
    %dma_start3A_825 = arith.constant 0 : i32
    %dma_start3A_826 = arith.constant 4096 : i32
    %dma_start3A_827 = tpu.memref_slice %arg4[%select_n3A, %select_n3A_30, %dma_start3A_817, %dma_start3A_825, %dma_start3A_826] : memref<8x4x2x2x16384xi32, #tpu.memory_space<hbm>> -> memref<1x1x1x2x4096xi32, #tpu.memory_space<hbm>>
    %dma_start3A_828 = tpu.memref_squeeze %dma_start3A_827 : memref<1x1x1x2x4096xi32, #tpu.memory_space<hbm>> -> memref<2x4096xi32, #tpu.memory_space<hbm>>
    tpu.enqueue_dma source(%dma_start3A_828 : memref<2x4096xi32, #tpu.memory_space<hbm>>) target(%arg6 : memref<2x4096xi32, #tpu.memory_space<vmem>>) target_semaphore(%dma_start3A_824 : memref<!tpu.dma_semaphore, #tpu.memory_space<semaphore_mem>>)
    %dma_start3A_829 = arith.constant 1 : i32
    %dma_start3A_830 = arith.constant 0 : i32
    %dma_start3A_831 = arith.constant 0 : i32
    %dma_start3A_832 = arith.constant 4096 : i32
    %dma_start3A_833 = tpu.memref_slice %arg4[%select_n3A, %select_n3A_30, %dma_start3A_829, %dma_start3A_831, %dma_start3A_832] : memref<8x4x2x2x16384xi32, #tpu.memory_space<hbm>> -> memref<1x1x1x2x4096xi32, #tpu.memory_space<hbm>>
    %dma_start3A_834 = tpu.memref_squeeze %dma_start3A_833 : memref<1x1x1x2x4096xi32, #tpu.memory_space<hbm>> -> memref<2x4096xi32, #tpu.memory_space<hbm>>
    %dma_start3A_835 = tpu.memref_slice %arg20[%dma_start3A_830] : memref<2x!tpu.dma_semaphore, #tpu.memory_space<semaphore_mem>> -> memref<1x!tpu.dma_semaphore, #tpu.memory_space<semaphore_mem>>
    %dma_start3A_836 = tpu.memref_squeeze %dma_start3A_835 : memref<1x!tpu.dma_semaphore, #tpu.memory_space<semaphore_mem>> -> memref<!tpu.dma_semaphore, #tpu.memory_space<semaphore_mem>>
    %dma_start3A_837 = arith.constant 0 : i32
    %dma_start3A_838 = arith.constant 4096 : i32
    %dma_start3A_839 = tpu.memref_slice %arg4[%select_n3A, %select_n3A_30, %dma_start3A_829, %dma_start3A_837, %dma_start3A_838] : memref<8x4x2x2x16384xi32, #tpu.memory_space<hbm>> -> memref<1x1x1x2x4096xi32, #tpu.memory_space<hbm>>
    %dma_start3A_840 = tpu.memref_squeeze %dma_start3A_839 : memref<1x1x1x2x4096xi32, #tpu.memory_space<hbm>> -> memref<2x4096xi32, #tpu.memory_space<hbm>>
    tpu.enqueue_dma source(%dma_start3A_840 : memref<2x4096xi32, #tpu.memory_space<hbm>>) target(%arg7 : memref<2x4096xi32, #tpu.memory_space<vmem>>) target_semaphore(%dma_start3A_836 : memref<!tpu.dma_semaphore, #tpu.memory_space<semaphore_mem>>)
    %scan3A_841 = arith.constant 0 : i32
    %scan3A_842 = arith.constant 256 : i32
    %scan3A_843 = arith.addi %scan3A_841, %scan3A_842 : i32
    %scan3A_844 = arith.constant 4 : i32
    %scan3A_845 = scf.for %scan3A_1154 = %scan3A_841 to %scan3A_843 step %scan3A_844 iter_args(%scan3A_1155 = %add3A_713) -> (vector<16xf32>)  : i32 {
      %mul3A_1156 = arith.constant 16 : i32
      %mul3A_1157 = arith.muli %scan3A_1154, %mul3A_1156 : i32
      %get3A_1158 = arith.index_cast %mul3A_1157 : i32 to index
      %get3A_1159 = tpu.vector_load %arg10[%get3A_1158] {strides = array<i32>} : memref<4096xf32, #tpu.memory_space<vmem>>, vector<16xf32>,
      %get3A_1160 = vector.shape_cast %get3A_1159 : vector<16xf32> to vector<16xf32>
      %get3A_1161 = arith.index_cast %mul3A_1157 : i32 to index
      %get3A_1162 = tpu.vector_load %arg11[%get3A_1161] {strides = array<i32>} : memref<4096xf32, #tpu.memory_space<vmem>>, vector<16xf32>,
      %get3A_1163 = vector.shape_cast %get3A_1162 : vector<16xf32> to vector<16xf32>
      %sub3A_1164 = arith.subf %get3A_1160, %get3A_1163 : vector<16xf32>
      %mul3A_1165 = arith.mulf %sub3A_1164, %sub3A_1164 : vector<16xf32>
      %add3A_1166 = arith.addf %scan3A_1155, %mul3A_1165 : vector<16xf32>
      %scan3A_1167 = arith.constant 1 : i32
      %scan3A_1168 = arith.addi %scan3A_1154, %scan3A_1167 : i32
      %mul3A_1169 = arith.constant 16 : i32
      %mul3A_1170 = arith.muli %scan3A_1168, %mul3A_1169 : i32
      %get3A_1171 = arith.index_cast %mul3A_1170 : i32 to index
      %get3A_1172 = tpu.vector_load %arg10[%get3A_1171] {strides = array<i32>} : memref<4096xf32, #tpu.memory_space<vmem>>, vector<16xf32>,
      %get3A_1173 = vector.shape_cast %get3A_1172 : vector<16xf32> to vector<16xf32>
      %get3A_1174 = arith.index_cast %mul3A_1170 : i32 to index
      %get3A_1175 = tpu.vector_load %arg11[%get3A_1174] {strides = array<i32>} : memref<4096xf32, #tpu.memory_space<vmem>>, vector<16xf32>,
      %get3A_1176 = vector.shape_cast %get3A_1175 : vector<16xf32> to vector<16xf32>
      %sub3A_1177 = arith.subf %get3A_1173, %get3A_1176 : vector<16xf32>
      %mul3A_1178 = arith.mulf %sub3A_1177, %sub3A_1177 : vector<16xf32>
      %add3A_1179 = arith.addf %add3A_1166, %mul3A_1178 : vector<16xf32>
      %scan3A_1180 = arith.constant 2 : i32
      %scan3A_1181 = arith.addi %scan3A_1154, %scan3A_1180 : i32
      %mul3A_1182 = arith.constant 16 : i32
      %mul3A_1183 = arith.muli %scan3A_1181, %mul3A_1182 : i32
      %get3A_1184 = arith.index_cast %mul3A_1183 : i32 to index
      %get3A_1185 = tpu.vector_load %arg10[%get3A_1184] {strides = array<i32>} : memref<4096xf32, #tpu.memory_space<vmem>>, vector<16xf32>,
      %get3A_1186 = vector.shape_cast %get3A_1185 : vector<16xf32> to vector<16xf32>
      %get3A_1187 = arith.index_cast %mul3A_1183 : i32 to index
      %get3A_1188 = tpu.vector_load %arg11[%get3A_1187] {strides = array<i32>} : memref<4096xf32, #tpu.memory_space<vmem>>, vector<16xf32>,
      %get3A_1189 = vector.shape_cast %get3A_1188 : vector<16xf32> to vector<16xf32>
      %sub3A_1190 = arith.subf %get3A_1186, %get3A_1189 : vector<16xf32>
      %mul3A_1191 = arith.mulf %sub3A_1190, %sub3A_1190 : vector<16xf32>
      %add3A_1192 = arith.addf %add3A_1179, %mul3A_1191 : vector<16xf32>
      %scan3A_1193 = arith.constant 3 : i32
      %scan3A_1194 = arith.addi %scan3A_1154, %scan3A_1193 : i32
      %mul3A_1195 = arith.constant 16 : i32
      %mul3A_1196 = arith.muli %scan3A_1194, %mul3A_1195 : i32
      %get3A_1197 = arith.index_cast %mul3A_1196 : i32 to index
      %get3A_1198 = tpu.vector_load %arg10[%get3A_1197] {strides = array<i32>} : memref<4096xf32, #tpu.memory_space<vmem>>, vector<16xf32>,
      %get3A_1199 = vector.shape_cast %get3A_1198 : vector<16xf32> to vector<16xf32>
      %get3A_1200 = arith.index_cast %mul3A_1196 : i32 to index
      %get3A_1201 = tpu.vector_load %arg11[%get3A_1200] {strides = array<i32>} : memref<4096xf32, #tpu.memory_space<vmem>>, vector<16xf32>,
      %get3A_1202 = vector.shape_cast %get3A_1201 : vector<16xf32> to vector<16xf32>
      %sub3A_1203 = arith.subf %get3A_1199, %get3A_1202 : vector<16xf32>
      %mul3A_1204 = arith.mulf %sub3A_1203, %sub3A_1203 : vector<16xf32>
      %add3A_1205 = arith.addf %add3A_1192, %mul3A_1204 : vector<16xf32>
      scf.yield %add3A_1205 : vector<16xf32>
    }
    %scan3A_846 = arith.constant 256 : i32
    %dma_wait3A_847 = arith.constant 0 : i32
    %dma_wait3A_848 = arith.constant 0 : i32
    %dma_wait3A_849 = arith.constant 0 : i32
    %dma_wait3A_850 = arith.constant 4096 : i32
    %dma_wait3A_851 = tpu.memref_slice %arg4[%select_n3A, %select_n3A_30, %dma_wait3A_847, %dma_wait3A_849, %dma_wait3A_850] : memref<8x4x2x2x16384xi32, #tpu.memory_space<hbm>> -> memref<1x1x1x2x4096xi32, #tpu.memory_space<hbm>>
    %dma_wait3A_852 = tpu.memref_squeeze %dma_wait3A_851 : memref<1x1x1x2x4096xi32, #tpu.memory_space<hbm>> -> memref<2x4096xi32, #tpu.memory_space<hbm>>
    %dma_wait3A_853 = tpu.memref_slice %arg20[%dma_wait3A_848] : memref<2x!tpu.dma_semaphore, #tpu.memory_space<semaphore_mem>> -> memref<1x!tpu.dma_semaphore, #tpu.memory_space<semaphore_mem>>
    %dma_wait3A_854 = tpu.memref_squeeze %dma_wait3A_853 : memref<1x!tpu.dma_semaphore, #tpu.memory_space<semaphore_mem>> -> memref<!tpu.dma_semaphore, #tpu.memory_space<semaphore_mem>>
    %dma_wait3A_855 = arith.constant 0 : i32
    %dma_wait3A_856 = arith.constant 4096 : i32
    %dma_wait3A_857 = tpu.memref_slice %arg4[%select_n3A, %select_n3A_30, %dma_wait3A_847, %dma_wait3A_855, %dma_wait3A_856] : memref<8x4x2x2x16384xi32, #tpu.memory_space<hbm>> -> memref<1x1x1x2x4096xi32, #tpu.memory_space<hbm>>
    %dma_wait3A_858 = tpu.memref_squeeze %dma_wait3A_857 : memref<1x1x1x2x4096xi32, #tpu.memory_space<hbm>> -> memref<2x4096xi32, #tpu.memory_space<hbm>>
    tpu.wait_dma2 semaphore(%dma_wait3A_854 : memref<!tpu.dma_semaphore, #tpu.memory_space<semaphore_mem>>) src(%dma_wait3A_858 : memref<2x4096xi32, #tpu.memory_space<hbm>>) dst(%arg6 : memref<2x4096xi32, #tpu.memory_space<vmem>>)
    %dma_wait3A_859 = arith.constant 1 : i32
    %dma_wait3A_860 = arith.constant 0 : i32
    %dma_wait3A_861 = arith.constant 0 : i32
    %dma_wait3A_862 = arith.constant 4096 : i32
    %dma_wait3A_863 = tpu.memref_slice %arg4[%select_n3A, %select_n3A_30, %dma_wait3A_859, %dma_wait3A_861, %dma_wait3A_862] : memref<8x4x2x2x16384xi32, #tpu.memory_space<hbm>> -> memref<1x1x1x2x4096xi32, #tpu.memory_space<hbm>>
    %dma_wait3A_864 = tpu.memref_squeeze %dma_wait3A_863 : memref<1x1x1x2x4096xi32, #tpu.memory_space<hbm>> -> memref<2x4096xi32, #tpu.memory_space<hbm>>
    %dma_wait3A_865 = tpu.memref_slice %arg20[%dma_wait3A_860] : memref<2x!tpu.dma_semaphore, #tpu.memory_space<semaphore_mem>> -> memref<1x!tpu.dma_semaphore, #tpu.memory_space<semaphore_mem>>
    %dma_wait3A_866 = tpu.memref_squeeze %dma_wait3A_865 : memref<1x!tpu.dma_semaphore, #tpu.memory_space<semaphore_mem>> -> memref<!tpu.dma_semaphore, #tpu.memory_space<semaphore_mem>>
    %dma_wait3A_867 = arith.constant 0 : i32
    %dma_wait3A_868 = arith.constant 4096 : i32
    %dma_wait3A_869 = tpu.memref_slice %arg4[%select_n3A, %select_n3A_30, %dma_wait3A_859, %dma_wait3A_867, %dma_wait3A_868] : memref<8x4x2x2x16384xi32, #tpu.memory_space<hbm>> -> memref<1x1x1x2x4096xi32, #tpu.memory_space<hbm>>
    %dma_wait3A_870 = tpu.memref_squeeze %dma_wait3A_869 : memref<1x1x1x2x4096xi32, #tpu.memory_space<hbm>> -> memref<2x4096xi32, #tpu.memory_space<hbm>>
    tpu.wait_dma2 semaphore(%dma_wait3A_866 : memref<!tpu.dma_semaphore, #tpu.memory_space<semaphore_mem>>) src(%dma_wait3A_870 : memref<2x4096xi32, #tpu.memory_space<hbm>>) dst(%arg7 : memref<2x4096xi32, #tpu.memory_space<vmem>>)
    %scan3A_871 = arith.constant 0 : i32
    %scan3A_872 = arith.constant 0 : i32
    %scan3A_873 = arith.constant 256 : i32
    %scan3A_874 = arith.addi %scan3A_872, %scan3A_873 : i32
    %scan3A_875 = arith.constant 4 : i32
    %scan3A_876 = scf.for %scan3A_1154 = %scan3A_872 to %scan3A_874 step %scan3A_875 iter_args(%scan3A_1155 = %scan3A_871) -> (i32)  : i32 {
      %mul3A_1156 = arith.constant 16 : i32
      %mul3A_1157 = arith.muli %scan3A_1154, %mul3A_1156 : i32
      %get3A_1158 = arith.constant 0 : i32
      %get3A_1159 = arith.index_cast %get3A_1158 : i32 to index
      %get3A_1160 = arith.index_cast %mul3A_1157 : i32 to index
      %get3A_1161 = tpu.vector_load %arg6[%get3A_1159, %get3A_1160] {strides = array<i32>} : memref<2x4096xi32, #tpu.memory_space<vmem>>, vector<1x16xi32>,
      %get3A_1162 = vector.shape_cast %get3A_1161 : vector<1x16xi32> to vector<16xi32>
      %mul3A_1163 = arith.constant 512 : i32
      %mul3A_1164 = vector.broadcast %mul3A_1163 : i32 to vector<16xi32>
      %mul3A_1165 = arith.muli %get3A_1162, %mul3A_1164 : vector<16xi32>
      %get3A_1166 = arith.constant 1 : i32
      %get3A_1167 = arith.index_cast %get3A_1166 : i32 to index
      %get3A_1168 = arith.index_cast %mul3A_1157 : i32 to index
      %get3A_1169 = tpu.vector_load %arg6[%get3A_1167, %get3A_1168] {strides = array<i32>} : memref<2x4096xi32, #tpu.memory_space<vmem>>, vector<1x16xi32>,
      %get3A_1170 = vector.shape_cast %get3A_1169 : vector<1x16xi32> to vector<16xi32>
      %add3A_1171 = arith.addi %mul3A_1165, %get3A_1170 : vector<16xi32>
      %add3A_1172 = vector.broadcast %mul3A_32 : i32 to vector<16xi32>
      %add3A_1173 = arith.addi %add3A_1171, %add3A_1172 : vector<16xi32>
      %swap3A_1174 = arith.index_cast %mul3A_1157 : i32 to index
      %swap3A_1175 = tpu.vector_load %arg8[%swap3A_1174] {strides = array<i32>} : memref<4096xi32, #tpu.memory_space<vmem>>, vector<16xi32>,
      %swap3A_1176 = vector.shape_cast %swap3A_1175 : vector<16xi32> to vector<16xi32>
      %swap3A_1177 = vector.shape_cast %add3A_1173 : vector<16xi32> to vector<16xi32>
      tpu.vector_store %arg8[%swap3A_1174], %swap3A_1177 {strides = array<i32>} : memref<4096xi32, #tpu.memory_space<vmem>>, vector<16xi32>,
      %get3A_1178 = arith.constant 0 : i32
      %get3A_1179 = arith.index_cast %get3A_1178 : i32 to index
      %get3A_1180 = arith.index_cast %mul3A_1157 : i32 to index
      %get3A_1181 = tpu.vector_load %arg7[%get3A_1179, %get3A_1180] {strides = array<i32>} : memref<2x4096xi32, #tpu.memory_space<vmem>>, vector<1x16xi32>,
      %get3A_1182 = vector.shape_cast %get3A_1181 : vector<1x16xi32> to vector<16xi32>
      %mul3A_1183 = arith.constant 512 : i32
      %mul3A_1184 = vector.broadcast %mul3A_1183 : i32 to vector<16xi32>
      %mul3A_1185 = arith.muli %get3A_1182, %mul3A_1184 : vector<16xi32>
      %get3A_1186 = arith.constant 1 : i32
      %get3A_1187 = arith.index_cast %get3A_1186 : i32 to index
      %get3A_1188 = arith.index_cast %mul3A_1157 : i32 to index
      %get3A_1189 = tpu.vector_load %arg7[%get3A_1187, %get3A_1188] {strides = array<i32>} : memref<2x4096xi32, #tpu.memory_space<vmem>>, vector<1x16xi32>,
      %get3A_1190 = vector.shape_cast %get3A_1189 : vector<1x16xi32> to vector<16xi32>
      %add3A_1191 = arith.addi %mul3A_1185, %get3A_1190 : vector<16xi32>
      %add3A_1192 = vector.broadcast %mul3A_32 : i32 to vector<16xi32>
      %add3A_1193 = arith.addi %add3A_1191, %add3A_1192 : vector<16xi32>
      %swap3A_1194 = arith.index_cast %mul3A_1157 : i32 to index
      %swap3A_1195 = tpu.vector_load %arg9[%swap3A_1194] {strides = array<i32>} : memref<4096xi32, #tpu.memory_space<vmem>>, vector<16xi32>,
      %swap3A_1196 = vector.shape_cast %swap3A_1195 : vector<16xi32> to vector<16xi32>
      %swap3A_1197 = vector.shape_cast %add3A_1193 : vector<16xi32> to vector<16xi32>
      tpu.vector_store %arg9[%swap3A_1194], %swap3A_1197 {strides = array<i32>} : memref<4096xi32, #tpu.memory_space<vmem>>, vector<16xi32>,
      %scan3A_1198 = arith.constant 0 : i32
      %scan3A_1199 = arith.constant 1 : i32
      %scan3A_1200 = arith.addi %scan3A_1154, %scan3A_1199 : i32
      %mul3A_1201 = arith.constant 16 : i32
      %mul3A_1202 = arith.muli %scan3A_1200, %mul3A_1201 : i32
      %get3A_1203 = arith.constant 0 : i32
      %get3A_1204 = arith.index_cast %get3A_1203 : i32 to index
      %get3A_1205 = arith.index_cast %mul3A_1202 : i32 to index
      %get3A_1206 = tpu.vector_load %arg6[%get3A_1204, %get3A_1205] {strides = array<i32>} : memref<2x4096xi32, #tpu.memory_space<vmem>>, vector<1x16xi32>,
      %get3A_1207 = vector.shape_cast %get3A_1206 : vector<1x16xi32> to vector<16xi32>
      %mul3A_1208 = arith.constant 512 : i32
      %mul3A_1209 = vector.broadcast %mul3A_1208 : i32 to vector<16xi32>
      %mul3A_1210 = arith.muli %get3A_1207, %mul3A_1209 : vector<16xi32>
      %get3A_1211 = arith.constant 1 : i32
      %get3A_1212 = arith.index_cast %get3A_1211 : i32 to index
      %get3A_1213 = arith.index_cast %mul3A_1202 : i32 to index
      %get3A_1214 = tpu.vector_load %arg6[%get3A_1212, %get3A_1213] {strides = array<i32>} : memref<2x4096xi32, #tpu.memory_space<vmem>>, vector<1x16xi32>,
      %get3A_1215 = vector.shape_cast %get3A_1214 : vector<1x16xi32> to vector<16xi32>
      %add3A_1216 = arith.addi %mul3A_1210, %get3A_1215 : vector<16xi32>
      %add3A_1217 = vector.broadcast %mul3A_32 : i32 to vector<16xi32>
      %add3A_1218 = arith.addi %add3A_1216, %add3A_1217 : vector<16xi32>
      %swap3A_1219 = arith.index_cast %mul3A_1202 : i32 to index
      %swap3A_1220 = tpu.vector_load %arg8[%swap3A_1219] {strides = array<i32>} : memref<4096xi32, #tpu.memory_space<vmem>>, vector<16xi32>,
      %swap3A_1221 = vector.shape_cast %swap3A_1220 : vector<16xi32> to vector<16xi32>
      %swap3A_1222 = vector.shape_cast %add3A_1218 : vector<16xi32> to vector<16xi32>
      tpu.vector_store %arg8[%swap3A_1219], %swap3A_1222 {strides = array<i32>} : memref<4096xi32, #tpu.memory_space<vmem>>, vector<16xi32>,
      %get3A_1223 = arith.constant 0 : i32
      %get3A_1224 = arith.index_cast %get3A_1223 : i32 to index
      %get3A_1225 = arith.index_cast %mul3A_1202 : i32 to index
      %get3A_1226 = tpu.vector_load %arg7[%get3A_1224, %get3A_1225] {strides = array<i32>} : memref<2x4096xi32, #tpu.memory_space<vmem>>, vector<1x16xi32>,
      %get3A_1227 = vector.shape_cast %get3A_1226 : vector<1x16xi32> to vector<16xi32>
      %mul3A_1228 = arith.constant 512 : i32
      %mul3A_1229 = vector.broadcast %mul3A_1228 : i32 to vector<16xi32>
      %mul3A_1230 = arith.muli %get3A_1227, %mul3A_1229 : vector<16xi32>
      %get3A_1231 = arith.constant 1 : i32
      %get3A_1232 = arith.index_cast %get3A_1231 : i32 to index
      %get3A_1233 = arith.index_cast %mul3A_1202 : i32 to index
      %get3A_1234 = tpu.vector_load %arg7[%get3A_1232, %get3A_1233] {strides = array<i32>} : memref<2x4096xi32, #tpu.memory_space<vmem>>, vector<1x16xi32>,
      %get3A_1235 = vector.shape_cast %get3A_1234 : vector<1x16xi32> to vector<16xi32>
      %add3A_1236 = arith.addi %mul3A_1230, %get3A_1235 : vector<16xi32>
      %add3A_1237 = vector.broadcast %mul3A_32 : i32 to vector<16xi32>
      %add3A_1238 = arith.addi %add3A_1236, %add3A_1237 : vector<16xi32>
      %swap3A_1239 = arith.index_cast %mul3A_1202 : i32 to index
      %swap3A_1240 = tpu.vector_load %arg9[%swap3A_1239] {strides = array<i32>} : memref<4096xi32, #tpu.memory_space<vmem>>, vector<16xi32>,
      %swap3A_1241 = vector.shape_cast %swap3A_1240 : vector<16xi32> to vector<16xi32>
      %swap3A_1242 = vector.shape_cast %add3A_1238 : vector<16xi32> to vector<16xi32>
      tpu.vector_store %arg9[%swap3A_1239], %swap3A_1242 {strides = array<i32>} : memref<4096xi32, #tpu.memory_space<vmem>>, vector<16xi32>,
      %scan3A_1243 = arith.constant 0 : i32
      %scan3A_1244 = arith.constant 2 : i32
      %scan3A_1245 = arith.addi %scan3A_1154, %scan3A_1244 : i32
      %mul3A_1246 = arith.constant 16 : i32
      %mul3A_1247 = arith.muli %scan3A_1245, %mul3A_1246 : i32
      %get3A_1248 = arith.constant 0 : i32
      %get3A_1249 = arith.index_cast %get3A_1248 : i32 to index
      %get3A_1250 = arith.index_cast %mul3A_1247 : i32 to index
      %get3A_1251 = tpu.vector_load %arg6[%get3A_1249, %get3A_1250] {strides = array<i32>} : memref<2x4096xi32, #tpu.memory_space<vmem>>, vector<1x16xi32>,
      %get3A_1252 = vector.shape_cast %get3A_1251 : vector<1x16xi32> to vector<16xi32>
      %mul3A_1253 = arith.constant 512 : i32
      %mul3A_1254 = vector.broadcast %mul3A_1253 : i32 to vector<16xi32>
      %mul3A_1255 = arith.muli %get3A_1252, %mul3A_1254 : vector<16xi32>
      %get3A_1256 = arith.constant 1 : i32
      %get3A_1257 = arith.index_cast %get3A_1256 : i32 to index
      %get3A_1258 = arith.index_cast %mul3A_1247 : i32 to index
      %get3A_1259 = tpu.vector_load %arg6[%get3A_1257, %get3A_1258] {strides = array<i32>} : memref<2x4096xi32, #tpu.memory_space<vmem>>, vector<1x16xi32>,
      %get3A_1260 = vector.shape_cast %get3A_1259 : vector<1x16xi32> to vector<16xi32>
      %add3A_1261 = arith.addi %mul3A_1255, %get3A_1260 : vector<16xi32>
      %add3A_1262 = vector.broadcast %mul3A_32 : i32 to vector<16xi32>
      %add3A_1263 = arith.addi %add3A_1261, %add3A_1262 : vector<16xi32>
      %swap3A_1264 = arith.index_cast %mul3A_1247 : i32 to index
      %swap3A_1265 = tpu.vector_load %arg8[%swap3A_1264] {strides = array<i32>} : memref<4096xi32, #tpu.memory_space<vmem>>, vector<16xi32>,
      %swap3A_1266 = vector.shape_cast %swap3A_1265 : vector<16xi32> to vector<16xi32>
      %swap3A_1267 = vector.shape_cast %add3A_1263 : vector<16xi32> to vector<16xi32>
      tpu.vector_store %arg8[%swap3A_1264], %swap3A_1267 {strides = array<i32>} : memref<4096xi32, #tpu.memory_space<vmem>>, vector<16xi32>,
      %get3A_1268 = arith.constant 0 : i32
      %get3A_1269 = arith.index_cast %get3A_1268 : i32 to index
      %get3A_1270 = arith.index_cast %mul3A_1247 : i32 to index
      %get3A_1271 = tpu.vector_load %arg7[%get3A_1269, %get3A_1270] {strides = array<i32>} : memref<2x4096xi32, #tpu.memory_space<vmem>>, vector<1x16xi32>,
      %get3A_1272 = vector.shape_cast %get3A_1271 : vector<1x16xi32> to vector<16xi32>
      %mul3A_1273 = arith.constant 512 : i32
      %mul3A_1274 = vector.broadcast %mul3A_1273 : i32 to vector<16xi32>
      %mul3A_1275 = arith.muli %get3A_1272, %mul3A_1274 : vector<16xi32>
      %get3A_1276 = arith.constant 1 : i32
      %get3A_1277 = arith.index_cast %get3A_1276 : i32 to index
      %get3A_1278 = arith.index_cast %mul3A_1247 : i32 to index
      %get3A_1279 = tpu.vector_load %arg7[%get3A_1277, %get3A_1278] {strides = array<i32>} : memref<2x4096xi32, #tpu.memory_space<vmem>>, vector<1x16xi32>,
      %get3A_1280 = vector.shape_cast %get3A_1279 : vector<1x16xi32> to vector<16xi32>
      %add3A_1281 = arith.addi %mul3A_1275, %get3A_1280 : vector<16xi32>
      %add3A_1282 = vector.broadcast %mul3A_32 : i32 to vector<16xi32>
      %add3A_1283 = arith.addi %add3A_1281, %add3A_1282 : vector<16xi32>
      %swap3A_1284 = arith.index_cast %mul3A_1247 : i32 to index
      %swap3A_1285 = tpu.vector_load %arg9[%swap3A_1284] {strides = array<i32>} : memref<4096xi32, #tpu.memory_space<vmem>>, vector<16xi32>,
      %swap3A_1286 = vector.shape_cast %swap3A_1285 : vector<16xi32> to vector<16xi32>
      %swap3A_1287 = vector.shape_cast %add3A_1283 : vector<16xi32> to vector<16xi32>
      tpu.vector_store %arg9[%swap3A_1284], %swap3A_1287 {strides = array<i32>} : memref<4096xi32, #tpu.memory_space<vmem>>, vector<16xi32>,
      %scan3A_1288 = arith.constant 0 : i32
      %scan3A_1289 = arith.constant 3 : i32
      %scan3A_1290 = arith.addi %scan3A_1154, %scan3A_1289 : i32
      %mul3A_1291 = arith.constant 16 : i32
      %mul3A_1292 = arith.muli %scan3A_1290, %mul3A_1291 : i32
      %get3A_1293 = arith.constant 0 : i32
      %get3A_1294 = arith.index_cast %get3A_1293 : i32 to index
      %get3A_1295 = arith.index_cast %mul3A_1292 : i32 to index
      %get3A_1296 = tpu.vector_load %arg6[%get3A_1294, %get3A_1295] {strides = array<i32>} : memref<2x4096xi32, #tpu.memory_space<vmem>>, vector<1x16xi32>,
      %get3A_1297 = vector.shape_cast %get3A_1296 : vector<1x16xi32> to vector<16xi32>
      %mul3A_1298 = arith.constant 512 : i32
      %mul3A_1299 = vector.broadcast %mul3A_1298 : i32 to vector<16xi32>
      %mul3A_1300 = arith.muli %get3A_1297, %mul3A_1299 : vector<16xi32>
      %get3A_1301 = arith.constant 1 : i32
      %get3A_1302 = arith.index_cast %get3A_1301 : i32 to index
      %get3A_1303 = arith.index_cast %mul3A_1292 : i32 to index
      %get3A_1304 = tpu.vector_load %arg6[%get3A_1302, %get3A_1303] {strides = array<i32>} : memref<2x4096xi32, #tpu.memory_space<vmem>>, vector<1x16xi32>,
      %get3A_1305 = vector.shape_cast %get3A_1304 : vector<1x16xi32> to vector<16xi32>
      %add3A_1306 = arith.addi %mul3A_1300, %get3A_1305 : vector<16xi32>
      %add3A_1307 = vector.broadcast %mul3A_32 : i32 to vector<16xi32>
      %add3A_1308 = arith.addi %add3A_1306, %add3A_1307 : vector<16xi32>
      %swap3A_1309 = arith.index_cast %mul3A_1292 : i32 to index
      %swap3A_1310 = tpu.vector_load %arg8[%swap3A_1309] {strides = array<i32>} : memref<4096xi32, #tpu.memory_space<vmem>>, vector<16xi32>,
      %swap3A_1311 = vector.shape_cast %swap3A_1310 : vector<16xi32> to vector<16xi32>
      %swap3A_1312 = vector.shape_cast %add3A_1308 : vector<16xi32> to vector<16xi32>
      tpu.vector_store %arg8[%swap3A_1309], %swap3A_1312 {strides = array<i32>} : memref<4096xi32, #tpu.memory_space<vmem>>, vector<16xi32>,
      %get3A_1313 = arith.constant 0 : i32
      %get3A_1314 = arith.index_cast %get3A_1313 : i32 to index
      %get3A_1315 = arith.index_cast %mul3A_1292 : i32 to index
      %get3A_1316 = tpu.vector_load %arg7[%get3A_1314, %get3A_1315] {strides = array<i32>} : memref<2x4096xi32, #tpu.memory_space<vmem>>, vector<1x16xi32>,
      %get3A_1317 = vector.shape_cast %get3A_1316 : vector<1x16xi32> to vector<16xi32>
      %mul3A_1318 = arith.constant 512 : i32
      %mul3A_1319 = vector.broadcast %mul3A_1318 : i32 to vector<16xi32>
      %mul3A_1320 = arith.muli %get3A_1317, %mul3A_1319 : vector<16xi32>
      %get3A_1321 = arith.constant 1 : i32
      %get3A_1322 = arith.index_cast %get3A_1321 : i32 to index
      %get3A_1323 = arith.index_cast %mul3A_1292 : i32 to index
      %get3A_1324 = tpu.vector_load %arg7[%get3A_1322, %get3A_1323] {strides = array<i32>} : memref<2x4096xi32, #tpu.memory_space<vmem>>, vector<1x16xi32>,
      %get3A_1325 = vector.shape_cast %get3A_1324 : vector<1x16xi32> to vector<16xi32>
      %add3A_1326 = arith.addi %mul3A_1320, %get3A_1325 : vector<16xi32>
      %add3A_1327 = vector.broadcast %mul3A_32 : i32 to vector<16xi32>
      %add3A_1328 = arith.addi %add3A_1326, %add3A_1327 : vector<16xi32>
      %swap3A_1329 = arith.index_cast %mul3A_1292 : i32 to index
      %swap3A_1330 = tpu.vector_load %arg9[%swap3A_1329] {strides = array<i32>} : memref<4096xi32, #tpu.memory_space<vmem>>, vector<16xi32>,
      %swap3A_1331 = vector.shape_cast %swap3A_1330 : vector<16xi32> to vector<16xi32>
      %swap3A_1332 = vector.shape_cast %add3A_1328 : vector<16xi32> to vector<16xi32>
      tpu.vector_store %arg9[%swap3A_1329], %swap3A_1332 {strides = array<i32>} : memref<4096xi32, #tpu.memory_space<vmem>>, vector<16xi32>,
      %scan3A_1333 = arith.constant 0 : i32
      scf.yield %scan3A_1333 : i32
    }
    %scan3A_877 = arith.constant 256 : i32
    %dma_start3A_878 = arith.constant 0 : i32
    %dma_start3A_879 = arith.constant 0 : i32
    %dma_start3A_880 = tpu.memref_slice %arg10[%dma_start3A_879] : memref<4096xf32, #tpu.memory_space<vmem>> -> memref<2048xf32, #tpu.memory_space<vmem>>
    %dma_start3A_881 = arith.constant 0 : i32
    %dma_start3A_882 = tpu.memref_slice %arg8[%dma_start3A_881] : memref<4096xi32, #tpu.memory_space<vmem>> -> memref<2048xi32, #tpu.memory_space<vmem>>
    %dma_start3A_883 = arith.constant 0 : i32
    %dma_start3A_884 = tpu.memref_slice %arg2[%dma_start3A_883] : memref<8388608xf32, #tpu.memory_space<hbm>> -> memref<8388608xf32, #tpu.memory_space<hbm>>
    %dma_start3A_885 = tpu.memref_slice %arg19[%dma_start3A_878] : memref<2x!tpu.dma_semaphore, #tpu.memory_space<semaphore_mem>> -> memref<1x!tpu.dma_semaphore, #tpu.memory_space<semaphore_mem>>
    %dma_start3A_886 = tpu.memref_squeeze %dma_start3A_885 : memref<1x!tpu.dma_semaphore, #tpu.memory_space<semaphore_mem>> -> memref<!tpu.dma_semaphore, #tpu.memory_space<semaphore_mem>>
    tpu.enqueue_indirect_dma source(%dma_start3A_884 : memref<8388608xf32, #tpu.memory_space<hbm>>) target(%dma_start3A_880 : memref<2048xf32, #tpu.memory_space<vmem>>) offsets(%dma_start3A_882 : memref<2048xi32, #tpu.memory_space<vmem>>) semaphore(%dma_start3A_886 : memref<!tpu.dma_semaphore, #tpu.memory_space<semaphore_mem>>)
    %dma_start3A_887 = arith.constant 0 : i32
    %dma_start3A_888 = arith.constant 0 : i32
    %dma_start3A_889 = tpu.memref_slice %arg11[%dma_start3A_888] : memref<4096xf32, #tpu.memory_space<vmem>> -> memref<2048xf32, #tpu.memory_space<vmem>>
    %dma_start3A_890 = arith.constant 0 : i32
    %dma_start3A_891 = tpu.memref_slice %arg9[%dma_start3A_890] : memref<4096xi32, #tpu.memory_space<vmem>> -> memref<2048xi32, #tpu.memory_space<vmem>>
    %dma_start3A_892 = arith.constant 0 : i32
    %dma_start3A_893 = tpu.memref_slice %arg2[%dma_start3A_892] : memref<8388608xf32, #tpu.memory_space<hbm>> -> memref<8388608xf32, #tpu.memory_space<hbm>>
    %dma_start3A_894 = tpu.memref_slice %arg19[%dma_start3A_887] : memref<2x!tpu.dma_semaphore, #tpu.memory_space<semaphore_mem>> -> memref<1x!tpu.dma_semaphore, #tpu.memory_space<semaphore_mem>>
    %dma_start3A_895 = tpu.memref_squeeze %dma_start3A_894 : memref<1x!tpu.dma_semaphore, #tpu.memory_space<semaphore_mem>> -> memref<!tpu.dma_semaphore, #tpu.memory_space<semaphore_mem>>
    tpu.enqueue_indirect_dma source(%dma_start3A_893 : memref<8388608xf32, #tpu.memory_space<hbm>>) target(%dma_start3A_889 : memref<2048xf32, #tpu.memory_space<vmem>>) offsets(%dma_start3A_891 : memref<2048xi32, #tpu.memory_space<vmem>>) semaphore(%dma_start3A_895 : memref<!tpu.dma_semaphore, #tpu.memory_space<semaphore_mem>>)
    %dma_start3A_896 = arith.constant 0 : i32
    %dma_start3A_897 = arith.constant 2048 : i32
    %dma_start3A_898 = tpu.memref_slice %arg10[%dma_start3A_897] : memref<4096xf32, #tpu.memory_space<vmem>> -> memref<2048xf32, #tpu.memory_space<vmem>>
    %dma_start3A_899 = arith.constant 2048 : i32
    %dma_start3A_900 = tpu.memref_slice %arg8[%dma_start3A_899] : memref<4096xi32, #tpu.memory_space<vmem>> -> memref<2048xi32, #tpu.memory_space<vmem>>
    %dma_start3A_901 = arith.constant 0 : i32
    %dma_start3A_902 = tpu.memref_slice %arg2[%dma_start3A_901] : memref<8388608xf32, #tpu.memory_space<hbm>> -> memref<8388608xf32, #tpu.memory_space<hbm>>
    %dma_start3A_903 = tpu.memref_slice %arg19[%dma_start3A_896] : memref<2x!tpu.dma_semaphore, #tpu.memory_space<semaphore_mem>> -> memref<1x!tpu.dma_semaphore, #tpu.memory_space<semaphore_mem>>
    %dma_start3A_904 = tpu.memref_squeeze %dma_start3A_903 : memref<1x!tpu.dma_semaphore, #tpu.memory_space<semaphore_mem>> -> memref<!tpu.dma_semaphore, #tpu.memory_space<semaphore_mem>>
    tpu.enqueue_indirect_dma source(%dma_start3A_902 : memref<8388608xf32, #tpu.memory_space<hbm>>) target(%dma_start3A_898 : memref<2048xf32, #tpu.memory_space<vmem>>) offsets(%dma_start3A_900 : memref<2048xi32, #tpu.memory_space<vmem>>) semaphore(%dma_start3A_904 : memref<!tpu.dma_semaphore, #tpu.memory_space<semaphore_mem>>)
    %dma_start3A_905 = arith.constant 0 : i32
    %dma_start3A_906 = arith.constant 2048 : i32
    %dma_start3A_907 = tpu.memref_slice %arg11[%dma_start3A_906] : memref<4096xf32, #tpu.memory_space<vmem>> -> memref<2048xf32, #tpu.memory_space<vmem>>
    %dma_start3A_908 = arith.constant 2048 : i32
    %dma_start3A_909 = tpu.memref_slice %arg9[%dma_start3A_908] : memref<4096xi32, #tpu.memory_space<vmem>> -> memref<2048xi32, #tpu.memory_space<vmem>>
    %dma_start3A_910 = arith.constant 0 : i32
    %dma_start3A_911 = tpu.memref_slice %arg2[%dma_start3A_910] : memref<8388608xf32, #tpu.memory_space<hbm>> -> memref<8388608xf32, #tpu.memory_space<hbm>>
    %dma_start3A_912 = tpu.memref_slice %arg19[%dma_start3A_905] : memref<2x!tpu.dma_semaphore, #tpu.memory_space<semaphore_mem>> -> memref<1x!tpu.dma_semaphore, #tpu.memory_space<semaphore_mem>>
    %dma_start3A_913 = tpu.memref_squeeze %dma_start3A_912 : memref<1x!tpu.dma_semaphore, #tpu.memory_space<semaphore_mem>> -> memref<!tpu.dma_semaphore, #tpu.memory_space<semaphore_mem>>
    tpu.enqueue_indirect_dma source(%dma_start3A_911 : memref<8388608xf32, #tpu.memory_space<hbm>>) target(%dma_start3A_907 : memref<2048xf32, #tpu.memory_space<vmem>>) offsets(%dma_start3A_909 : memref<2048xi32, #tpu.memory_space<vmem>>) semaphore(%dma_start3A_913 : memref<!tpu.dma_semaphore, #tpu.memory_space<semaphore_mem>>)
    %dma_wait3A_914 = arith.constant 1 : i32
    %dma_wait3A_915 = arith.constant 0 : i32
    %dma_wait3A_916 = tpu.memref_slice %arg16[%dma_wait3A_915] : memref<4096xf32, #tpu.memory_space<vmem>> -> memref<2048xf32, #tpu.memory_space<vmem>>
    %dma_wait3A_917 = arith.constant 0 : i32
    %dma_wait3A_918 = tpu.memref_slice %arg14[%dma_wait3A_917] : memref<4096xi32, #tpu.memory_space<vmem>> -> memref<2048xi32, #tpu.memory_space<vmem>>
    %dma_wait3A_919 = arith.constant 0 : i32
    %dma_wait3A_920 = tpu.memref_slice %arg2[%dma_wait3A_919] : memref<8388608xf32, #tpu.memory_space<hbm>> -> memref<8388608xf32, #tpu.memory_space<hbm>>
    %dma_wait3A_921 = tpu.memref_slice %arg19[%dma_wait3A_914] : memref<2x!tpu.dma_semaphore, #tpu.memory_space<semaphore_mem>> -> memref<1x!tpu.dma_semaphore, #tpu.memory_space<semaphore_mem>>
    %dma_wait3A_922 = tpu.memref_squeeze %dma_wait3A_921 : memref<1x!tpu.dma_semaphore, #tpu.memory_space<semaphore_mem>> -> memref<!tpu.dma_semaphore, #tpu.memory_space<semaphore_mem>>
    tpu.wait_indirect_dma semaphore(%dma_wait3A_922 : memref<!tpu.dma_semaphore, #tpu.memory_space<semaphore_mem>>) src(%dma_wait3A_920 : memref<8388608xf32, #tpu.memory_space<hbm>>) dst(%dma_wait3A_916 : memref<2048xf32, #tpu.memory_space<vmem>>)
    %dma_wait3A_923 = arith.constant 1 : i32
    %dma_wait3A_924 = arith.constant 0 : i32
    %dma_wait3A_925 = tpu.memref_slice %arg17[%dma_wait3A_924] : memref<4096xf32, #tpu.memory_space<vmem>> -> memref<2048xf32, #tpu.memory_space<vmem>>
    %dma_wait3A_926 = arith.constant 0 : i32
    %dma_wait3A_927 = tpu.memref_slice %arg15[%dma_wait3A_926] : memref<4096xi32, #tpu.memory_space<vmem>> -> memref<2048xi32, #tpu.memory_space<vmem>>
    %dma_wait3A_928 = arith.constant 0 : i32
    %dma_wait3A_929 = tpu.memref_slice %arg2[%dma_wait3A_928] : memref<8388608xf32, #tpu.memory_space<hbm>> -> memref<8388608xf32, #tpu.memory_space<hbm>>
    %dma_wait3A_930 = tpu.memref_slice %arg19[%dma_wait3A_923] : memref<2x!tpu.dma_semaphore, #tpu.memory_space<semaphore_mem>> -> memref<1x!tpu.dma_semaphore, #tpu.memory_space<semaphore_mem>>
    %dma_wait3A_931 = tpu.memref_squeeze %dma_wait3A_930 : memref<1x!tpu.dma_semaphore, #tpu.memory_space<semaphore_mem>> -> memref<!tpu.dma_semaphore, #tpu.memory_space<semaphore_mem>>
    tpu.wait_indirect_dma semaphore(%dma_wait3A_931 : memref<!tpu.dma_semaphore, #tpu.memory_space<semaphore_mem>>) src(%dma_wait3A_929 : memref<8388608xf32, #tpu.memory_space<hbm>>) dst(%dma_wait3A_925 : memref<2048xf32, #tpu.memory_space<vmem>>)
    %dma_wait3A_932 = arith.constant 1 : i32
    %dma_wait3A_933 = arith.constant 2048 : i32
    %dma_wait3A_934 = tpu.memref_slice %arg16[%dma_wait3A_933] : memref<4096xf32, #tpu.memory_space<vmem>> -> memref<2048xf32, #tpu.memory_space<vmem>>
    %dma_wait3A_935 = arith.constant 2048 : i32
    %dma_wait3A_936 = tpu.memref_slice %arg14[%dma_wait3A_935] : memref<4096xi32, #tpu.memory_space<vmem>> -> memref<2048xi32, #tpu.memory_space<vmem>>
    %dma_wait3A_937 = arith.constant 0 : i32
    %dma_wait3A_938 = tpu.memref_slice %arg2[%dma_wait3A_937] : memref<8388608xf32, #tpu.memory_space<hbm>> -> memref<8388608xf32, #tpu.memory_space<hbm>>
    %dma_wait3A_939 = tpu.memref_slice %arg19[%dma_wait3A_932] : memref<2x!tpu.dma_semaphore, #tpu.memory_space<semaphore_mem>> -> memref<1x!tpu.dma_semaphore, #tpu.memory_space<semaphore_mem>>
    %dma_wait3A_940 = tpu.memref_squeeze %dma_wait3A_939 : memref<1x!tpu.dma_semaphore, #tpu.memory_space<semaphore_mem>> -> memref<!tpu.dma_semaphore, #tpu.memory_space<semaphore_mem>>
    tpu.wait_indirect_dma semaphore(%dma_wait3A_940 : memref<!tpu.dma_semaphore, #tpu.memory_space<semaphore_mem>>) src(%dma_wait3A_938 : memref<8388608xf32, #tpu.memory_space<hbm>>) dst(%dma_wait3A_934 : memref<2048xf32, #tpu.memory_space<vmem>>)
    %dma_wait3A_941 = arith.constant 1 : i32
    %dma_wait3A_942 = arith.constant 2048 : i32
    %dma_wait3A_943 = tpu.memref_slice %arg17[%dma_wait3A_942] : memref<4096xf32, #tpu.memory_space<vmem>> -> memref<2048xf32, #tpu.memory_space<vmem>>
    %dma_wait3A_944 = arith.constant 2048 : i32
    %dma_wait3A_945 = tpu.memref_slice %arg15[%dma_wait3A_944] : memref<4096xi32, #tpu.memory_space<vmem>> -> memref<2048xi32, #tpu.memory_space<vmem>>
    %dma_wait3A_946 = arith.constant 0 : i32
    %dma_wait3A_947 = tpu.memref_slice %arg2[%dma_wait3A_946] : memref<8388608xf32, #tpu.memory_space<hbm>> -> memref<8388608xf32, #tpu.memory_space<hbm>>
    %dma_wait3A_948 = tpu.memref_slice %arg19[%dma_wait3A_941] : memref<2x!tpu.dma_semaphore, #tpu.memory_space<semaphore_mem>> -> memref<1x!tpu.dma_semaphore, #tpu.memory_space<semaphore_mem>>
    %dma_wait3A_949 = tpu.memref_squeeze %dma_wait3A_948 : memref<1x!tpu.dma_semaphore, #tpu.memory_space<semaphore_mem>> -> memref<!tpu.dma_semaphore, #tpu.memory_space<semaphore_mem>>
    tpu.wait_indirect_dma semaphore(%dma_wait3A_949 : memref<!tpu.dma_semaphore, #tpu.memory_space<semaphore_mem>>) src(%dma_wait3A_947 : memref<8388608xf32, #tpu.memory_space<hbm>>) dst(%dma_wait3A_943 : memref<2048xf32, #tpu.memory_space<vmem>>)
    %dma_start3A_950 = arith.constant 0 : i32
    %dma_start3A_951 = arith.constant 1 : i32
    %dma_start3A_952 = arith.constant 0 : i32
    %dma_start3A_953 = arith.constant 0 : i32
    %dma_start3A_954 = tpu.memref_slice %arg4[%select_n3A, %select_n3A_30, %dma_start3A_950, %dma_start3A_952, %dma_start3A_953] : memref<8x4x2x2x16384xi32, #tpu.memory_space<hbm>> -> memref<1x1x1x2x4096xi32, #tpu.memory_space<hbm>>
    %dma_start3A_955 = tpu.memref_squeeze %dma_start3A_954 : memref<1x1x1x2x4096xi32, #tpu.memory_space<hbm>> -> memref<2x4096xi32, #tpu.memory_space<hbm>>
    %dma_start3A_956 = tpu.memref_slice %arg20[%dma_start3A_951] : memref<2x!tpu.dma_semaphore, #tpu.memory_space<semaphore_mem>> -> memref<1x!tpu.dma_semaphore, #tpu.memory_space<semaphore_mem>>
    %dma_start3A_957 = tpu.memref_squeeze %dma_start3A_956 : memref<1x!tpu.dma_semaphore, #tpu.memory_space<semaphore_mem>> -> memref<!tpu.dma_semaphore, #tpu.memory_space<semaphore_mem>>
    %dma_start3A_958 = arith.constant 0 : i32
    %dma_start3A_959 = arith.constant 0 : i32
    %dma_start3A_960 = tpu.memref_slice %arg4[%select_n3A, %select_n3A_30, %dma_start3A_950, %dma_start3A_958, %dma_start3A_959] : memref<8x4x2x2x16384xi32, #tpu.memory_space<hbm>> -> memref<1x1x1x2x4096xi32, #tpu.memory_space<hbm>>
    %dma_start3A_961 = tpu.memref_squeeze %dma_start3A_960 : memref<1x1x1x2x4096xi32, #tpu.memory_space<hbm>> -> memref<2x4096xi32, #tpu.memory_space<hbm>>
    tpu.enqueue_dma source(%dma_start3A_961 : memref<2x4096xi32, #tpu.memory_space<hbm>>) target(%arg12 : memref<2x4096xi32, #tpu.memory_space<vmem>>) target_semaphore(%dma_start3A_957 : memref<!tpu.dma_semaphore, #tpu.memory_space<semaphore_mem>>)
    %dma_start3A_962 = arith.constant 1 : i32
    %dma_start3A_963 = arith.constant 1 : i32
    %dma_start3A_964 = arith.constant 0 : i32
    %dma_start3A_965 = arith.constant 0 : i32
    %dma_start3A_966 = tpu.memref_slice %arg4[%select_n3A, %select_n3A_30, %dma_start3A_962, %dma_start3A_964, %dma_start3A_965] : memref<8x4x2x2x16384xi32, #tpu.memory_space<hbm>> -> memref<1x1x1x2x4096xi32, #tpu.memory_space<hbm>>
    %dma_start3A_967 = tpu.memref_squeeze %dma_start3A_966 : memref<1x1x1x2x4096xi32, #tpu.memory_space<hbm>> -> memref<2x4096xi32, #tpu.memory_space<hbm>>
    %dma_start3A_968 = tpu.memref_slice %arg20[%dma_start3A_963] : memref<2x!tpu.dma_semaphore, #tpu.memory_space<semaphore_mem>> -> memref<1x!tpu.dma_semaphore, #tpu.memory_space<semaphore_mem>>
    %dma_start3A_969 = tpu.memref_squeeze %dma_start3A_968 : memref<1x!tpu.dma_semaphore, #tpu.memory_space<semaphore_mem>> -> memref<!tpu.dma_semaphore, #tpu.memory_space<semaphore_mem>>
    %dma_start3A_970 = arith.constant 0 : i32
    %dma_start3A_971 = arith.constant 0 : i32
    %dma_start3A_972 = tpu.memref_slice %arg4[%select_n3A, %select_n3A_30, %dma_start3A_962, %dma_start3A_970, %dma_start3A_971] : memref<8x4x2x2x16384xi32, #tpu.memory_space<hbm>> -> memref<1x1x1x2x4096xi32, #tpu.memory_space<hbm>>
    %dma_start3A_973 = tpu.memref_squeeze %dma_start3A_972 : memref<1x1x1x2x4096xi32, #tpu.memory_space<hbm>> -> memref<2x4096xi32, #tpu.memory_space<hbm>>
    tpu.enqueue_dma source(%dma_start3A_973 : memref<2x4096xi32, #tpu.memory_space<hbm>>) target(%arg13 : memref<2x4096xi32, #tpu.memory_space<vmem>>) target_semaphore(%dma_start3A_969 : memref<!tpu.dma_semaphore, #tpu.memory_space<semaphore_mem>>)
    %scan3A_974 = arith.constant 0 : i32
    %scan3A_975 = arith.constant 256 : i32
    %scan3A_976 = arith.addi %scan3A_974, %scan3A_975 : i32
    %scan3A_977 = arith.constant 4 : i32
    %scan3A_978 = scf.for %scan3A_1154 = %scan3A_974 to %scan3A_976 step %scan3A_977 iter_args(%scan3A_1155 = %scan3A_845) -> (vector<16xf32>)  : i32 {
      %mul3A_1156 = arith.constant 16 : i32
      %mul3A_1157 = arith.muli %scan3A_1154, %mul3A_1156 : i32
      %get3A_1158 = arith.index_cast %mul3A_1157 : i32 to index
      %get3A_1159 = tpu.vector_load %arg16[%get3A_1158] {strides = array<i32>} : memref<4096xf32, #tpu.memory_space<vmem>>, vector<16xf32>,
      %get3A_1160 = vector.shape_cast %get3A_1159 : vector<16xf32> to vector<16xf32>
      %get3A_1161 = arith.index_cast %mul3A_1157 : i32 to index
      %get3A_1162 = tpu.vector_load %arg17[%get3A_1161] {strides = array<i32>} : memref<4096xf32, #tpu.memory_space<vmem>>, vector<16xf32>,
      %get3A_1163 = vector.shape_cast %get3A_1162 : vector<16xf32> to vector<16xf32>
      %sub3A_1164 = arith.subf %get3A_1160, %get3A_1163 : vector<16xf32>
      %mul3A_1165 = arith.mulf %sub3A_1164, %sub3A_1164 : vector<16xf32>
      %add3A_1166 = arith.addf %scan3A_1155, %mul3A_1165 : vector<16xf32>
      %scan3A_1167 = arith.constant 1 : i32
      %scan3A_1168 = arith.addi %scan3A_1154, %scan3A_1167 : i32
      %mul3A_1169 = arith.constant 16 : i32
      %mul3A_1170 = arith.muli %scan3A_1168, %mul3A_1169 : i32
      %get3A_1171 = arith.index_cast %mul3A_1170 : i32 to index
      %get3A_1172 = tpu.vector_load %arg16[%get3A_1171] {strides = array<i32>} : memref<4096xf32, #tpu.memory_space<vmem>>, vector<16xf32>,
      %get3A_1173 = vector.shape_cast %get3A_1172 : vector<16xf32> to vector<16xf32>
      %get3A_1174 = arith.index_cast %mul3A_1170 : i32 to index
      %get3A_1175 = tpu.vector_load %arg17[%get3A_1174] {strides = array<i32>} : memref<4096xf32, #tpu.memory_space<vmem>>, vector<16xf32>,
      %get3A_1176 = vector.shape_cast %get3A_1175 : vector<16xf32> to vector<16xf32>
      %sub3A_1177 = arith.subf %get3A_1173, %get3A_1176 : vector<16xf32>
      %mul3A_1178 = arith.mulf %sub3A_1177, %sub3A_1177 : vector<16xf32>
      %add3A_1179 = arith.addf %add3A_1166, %mul3A_1178 : vector<16xf32>
      %scan3A_1180 = arith.constant 2 : i32
      %scan3A_1181 = arith.addi %scan3A_1154, %scan3A_1180 : i32
      %mul3A_1182 = arith.constant 16 : i32
      %mul3A_1183 = arith.muli %scan3A_1181, %mul3A_1182 : i32
      %get3A_1184 = arith.index_cast %mul3A_1183 : i32 to index
      %get3A_1185 = tpu.vector_load %arg16[%get3A_1184] {strides = array<i32>} : memref<4096xf32, #tpu.memory_space<vmem>>, vector<16xf32>,
      %get3A_1186 = vector.shape_cast %get3A_1185 : vector<16xf32> to vector<16xf32>
      %get3A_1187 = arith.index_cast %mul3A_1183 : i32 to index
      %get3A_1188 = tpu.vector_load %arg17[%get3A_1187] {strides = array<i32>} : memref<4096xf32, #tpu.memory_space<vmem>>, vector<16xf32>,
      %get3A_1189 = vector.shape_cast %get3A_1188 : vector<16xf32> to vector<16xf32>
      %sub3A_1190 = arith.subf %get3A_1186, %get3A_1189 : vector<16xf32>
      %mul3A_1191 = arith.mulf %sub3A_1190, %sub3A_1190 : vector<16xf32>
      %add3A_1192 = arith.addf %add3A_1179, %mul3A_1191 : vector<16xf32>
      %scan3A_1193 = arith.constant 3 : i32
      %scan3A_1194 = arith.addi %scan3A_1154, %scan3A_1193 : i32
      %mul3A_1195 = arith.constant 16 : i32
      %mul3A_1196 = arith.muli %scan3A_1194, %mul3A_1195 : i32
      %get3A_1197 = arith.index_cast %mul3A_1196 : i32 to index
      %get3A_1198 = tpu.vector_load %arg16[%get3A_1197] {strides = array<i32>} : memref<4096xf32, #tpu.memory_space<vmem>>, vector<16xf32>,
      %get3A_1199 = vector.shape_cast %get3A_1198 : vector<16xf32> to vector<16xf32>
      %get3A_1200 = arith.index_cast %mul3A_1196 : i32 to index
      %get3A_1201 = tpu.vector_load %arg17[%get3A_1200] {strides = array<i32>} : memref<4096xf32, #tpu.memory_space<vmem>>, vector<16xf32>,
      %get3A_1202 = vector.shape_cast %get3A_1201 : vector<16xf32> to vector<16xf32>
      %sub3A_1203 = arith.subf %get3A_1199, %get3A_1202 : vector<16xf32>
      %mul3A_1204 = arith.mulf %sub3A_1203, %sub3A_1203 : vector<16xf32>
      %add3A_1205 = arith.addf %add3A_1192, %mul3A_1204 : vector<16xf32>
      scf.yield %add3A_1205 : vector<16xf32>
    }
    %scan3A_979 = arith.constant 256 : i32
    %dma_wait3A_980 = arith.constant 0 : i32
    %dma_wait3A_981 = arith.constant 1 : i32
    %dma_wait3A_982 = arith.constant 0 : i32
    %dma_wait3A_983 = arith.constant 0 : i32
    %dma_wait3A_984 = tpu.memref_slice %arg4[%select_n3A, %select_n3A_30, %dma_wait3A_980, %dma_wait3A_982, %dma_wait3A_983] : memref<8x4x2x2x16384xi32, #tpu.memory_space<hbm>> -> memref<1x1x1x2x4096xi32, #tpu.memory_space<hbm>>
    %dma_wait3A_985 = tpu.memref_squeeze %dma_wait3A_984 : memref<1x1x1x2x4096xi32, #tpu.memory_space<hbm>> -> memref<2x4096xi32, #tpu.memory_space<hbm>>
    %dma_wait3A_986 = tpu.memref_slice %arg20[%dma_wait3A_981] : memref<2x!tpu.dma_semaphore, #tpu.memory_space<semaphore_mem>> -> memref<1x!tpu.dma_semaphore, #tpu.memory_space<semaphore_mem>>
    %dma_wait3A_987 = tpu.memref_squeeze %dma_wait3A_986 : memref<1x!tpu.dma_semaphore, #tpu.memory_space<semaphore_mem>> -> memref<!tpu.dma_semaphore, #tpu.memory_space<semaphore_mem>>
    %dma_wait3A_988 = arith.constant 0 : i32
    %dma_wait3A_989 = arith.constant 0 : i32
    %dma_wait3A_990 = tpu.memref_slice %arg4[%select_n3A, %select_n3A_30, %dma_wait3A_980, %dma_wait3A_988, %dma_wait3A_989] : memref<8x4x2x2x16384xi32, #tpu.memory_space<hbm>> -> memref<1x1x1x2x4096xi32, #tpu.memory_space<hbm>>
    %dma_wait3A_991 = tpu.memref_squeeze %dma_wait3A_990 : memref<1x1x1x2x4096xi32, #tpu.memory_space<hbm>> -> memref<2x4096xi32, #tpu.memory_space<hbm>>
    tpu.wait_dma2 semaphore(%dma_wait3A_987 : memref<!tpu.dma_semaphore, #tpu.memory_space<semaphore_mem>>) src(%dma_wait3A_991 : memref<2x4096xi32, #tpu.memory_space<hbm>>) dst(%arg12 : memref<2x4096xi32, #tpu.memory_space<vmem>>)
    %dma_wait3A_992 = arith.constant 1 : i32
    %dma_wait3A_993 = arith.constant 1 : i32
    %dma_wait3A_994 = arith.constant 0 : i32
    %dma_wait3A_995 = arith.constant 0 : i32
    %dma_wait3A_996 = tpu.memref_slice %arg4[%select_n3A, %select_n3A_30, %dma_wait3A_992, %dma_wait3A_994, %dma_wait3A_995] : memref<8x4x2x2x16384xi32, #tpu.memory_space<hbm>> -> memref<1x1x1x2x4096xi32, #tpu.memory_space<hbm>>
    %dma_wait3A_997 = tpu.memref_squeeze %dma_wait3A_996 : memref<1x1x1x2x4096xi32, #tpu.memory_space<hbm>> -> memref<2x4096xi32, #tpu.memory_space<hbm>>
    %dma_wait3A_998 = tpu.memref_slice %arg20[%dma_wait3A_993] : memref<2x!tpu.dma_semaphore, #tpu.memory_space<semaphore_mem>> -> memref<1x!tpu.dma_semaphore, #tpu.memory_space<semaphore_mem>>
    %dma_wait3A_999 = tpu.memref_squeeze %dma_wait3A_998 : memref<1x!tpu.dma_semaphore, #tpu.memory_space<semaphore_mem>> -> memref<!tpu.dma_semaphore, #tpu.memory_space<semaphore_mem>>
    %dma_wait3A_1000 = arith.constant 0 : i32
    %dma_wait3A_1001 = arith.constant 0 : i32
    %dma_wait3A_1002 = tpu.memref_slice %arg4[%select_n3A, %select_n3A_30, %dma_wait3A_992, %dma_wait3A_1000, %dma_wait3A_1001] : memref<8x4x2x2x16384xi32, #tpu.memory_space<hbm>> -> memref<1x1x1x2x4096xi32, #tpu.memory_space<hbm>>
    %dma_wait3A_1003 = tpu.memref_squeeze %dma_wait3A_1002 : memref<1x1x1x2x4096xi32, #tpu.memory_space<hbm>> -> memref<2x4096xi32, #tpu.memory_space<hbm>>
    tpu.wait_dma2 semaphore(%dma_wait3A_999 : memref<!tpu.dma_semaphore, #tpu.memory_space<semaphore_mem>>) src(%dma_wait3A_1003 : memref<2x4096xi32, #tpu.memory_space<hbm>>) dst(%arg13 : memref<2x4096xi32, #tpu.memory_space<vmem>>)
    %scan3A_1004 = arith.constant 0 : i32
    %scan3A_1005 = arith.constant 0 : i32
    %scan3A_1006 = arith.constant 256 : i32
    %scan3A_1007 = arith.addi %scan3A_1005, %scan3A_1006 : i32
    %scan3A_1008 = arith.constant 4 : i32
    %scan3A_1009 = scf.for %scan3A_1154 = %scan3A_1005 to %scan3A_1007 step %scan3A_1008 iter_args(%scan3A_1155 = %scan3A_1004) -> (i32)  : i32 {
      %mul3A_1156 = arith.constant 16 : i32
      %mul3A_1157 = arith.muli %scan3A_1154, %mul3A_1156 : i32
      %get3A_1158 = arith.constant 0 : i32
      %get3A_1159 = arith.index_cast %get3A_1158 : i32 to index
      %get3A_1160 = arith.index_cast %mul3A_1157 : i32 to index
      %get3A_1161 = tpu.vector_load %arg12[%get3A_1159, %get3A_1160] {strides = array<i32>} : memref<2x4096xi32, #tpu.memory_space<vmem>>, vector<1x16xi32>,
      %get3A_1162 = vector.shape_cast %get3A_1161 : vector<1x16xi32> to vector<16xi32>
      %mul3A_1163 = arith.constant 512 : i32
      %mul3A_1164 = vector.broadcast %mul3A_1163 : i32 to vector<16xi32>
      %mul3A_1165 = arith.muli %get3A_1162, %mul3A_1164 : vector<16xi32>
      %get3A_1166 = arith.constant 1 : i32
      %get3A_1167 = arith.index_cast %get3A_1166 : i32 to index
      %get3A_1168 = arith.index_cast %mul3A_1157 : i32 to index
      %get3A_1169 = tpu.vector_load %arg12[%get3A_1167, %get3A_1168] {strides = array<i32>} : memref<2x4096xi32, #tpu.memory_space<vmem>>, vector<1x16xi32>,
      %get3A_1170 = vector.shape_cast %get3A_1169 : vector<1x16xi32> to vector<16xi32>
      %add3A_1171 = arith.addi %mul3A_1165, %get3A_1170 : vector<16xi32>
      %add3A_1172 = vector.broadcast %mul3A_32 : i32 to vector<16xi32>
      %add3A_1173 = arith.addi %add3A_1171, %add3A_1172 : vector<16xi32>
      %swap3A_1174 = arith.index_cast %mul3A_1157 : i32 to index
      %swap3A_1175 = tpu.vector_load %arg14[%swap3A_1174] {strides = array<i32>} : memref<4096xi32, #tpu.memory_space<vmem>>, vector<16xi32>,
      %swap3A_1176 = vector.shape_cast %swap3A_1175 : vector<16xi32> to vector<16xi32>
      %swap3A_1177 = vector.shape_cast %add3A_1173 : vector<16xi32> to vector<16xi32>
      tpu.vector_store %arg14[%swap3A_1174], %swap3A_1177 {strides = array<i32>} : memref<4096xi32, #tpu.memory_space<vmem>>, vector<16xi32>,
      %get3A_1178 = arith.constant 0 : i32
      %get3A_1179 = arith.index_cast %get3A_1178 : i32 to index
      %get3A_1180 = arith.index_cast %mul3A_1157 : i32 to index
      %get3A_1181 = tpu.vector_load %arg13[%get3A_1179, %get3A_1180] {strides = array<i32>} : memref<2x4096xi32, #tpu.memory_space<vmem>>, vector<1x16xi32>,
      %get3A_1182 = vector.shape_cast %get3A_1181 : vector<1x16xi32> to vector<16xi32>
      %mul3A_1183 = arith.constant 512 : i32
      %mul3A_1184 = vector.broadcast %mul3A_1183 : i32 to vector<16xi32>
      %mul3A_1185 = arith.muli %get3A_1182, %mul3A_1184 : vector<16xi32>
      %get3A_1186 = arith.constant 1 : i32
      %get3A_1187 = arith.index_cast %get3A_1186 : i32 to index
      %get3A_1188 = arith.index_cast %mul3A_1157 : i32 to index
      %get3A_1189 = tpu.vector_load %arg13[%get3A_1187, %get3A_1188] {strides = array<i32>} : memref<2x4096xi32, #tpu.memory_space<vmem>>, vector<1x16xi32>,
      %get3A_1190 = vector.shape_cast %get3A_1189 : vector<1x16xi32> to vector<16xi32>
      %add3A_1191 = arith.addi %mul3A_1185, %get3A_1190 : vector<16xi32>
      %add3A_1192 = vector.broadcast %mul3A_32 : i32 to vector<16xi32>
      %add3A_1193 = arith.addi %add3A_1191, %add3A_1192 : vector<16xi32>
      %swap3A_1194 = arith.index_cast %mul3A_1157 : i32 to index
      %swap3A_1195 = tpu.vector_load %arg15[%swap3A_1194] {strides = array<i32>} : memref<4096xi32, #tpu.memory_space<vmem>>, vector<16xi32>,
      %swap3A_1196 = vector.shape_cast %swap3A_1195 : vector<16xi32> to vector<16xi32>
      %swap3A_1197 = vector.shape_cast %add3A_1193 : vector<16xi32> to vector<16xi32>
      tpu.vector_store %arg15[%swap3A_1194], %swap3A_1197 {strides = array<i32>} : memref<4096xi32, #tpu.memory_space<vmem>>, vector<16xi32>,
      %scan3A_1198 = arith.constant 0 : i32
      %scan3A_1199 = arith.constant 1 : i32
      %scan3A_1200 = arith.addi %scan3A_1154, %scan3A_1199 : i32
      %mul3A_1201 = arith.constant 16 : i32
      %mul3A_1202 = arith.muli %scan3A_1200, %mul3A_1201 : i32
      %get3A_1203 = arith.constant 0 : i32
      %get3A_1204 = arith.index_cast %get3A_1203 : i32 to index
      %get3A_1205 = arith.index_cast %mul3A_1202 : i32 to index
      %get3A_1206 = tpu.vector_load %arg12[%get3A_1204, %get3A_1205] {strides = array<i32>} : memref<2x4096xi32, #tpu.memory_space<vmem>>, vector<1x16xi32>,
      %get3A_1207 = vector.shape_cast %get3A_1206 : vector<1x16xi32> to vector<16xi32>
      %mul3A_1208 = arith.constant 512 : i32
      %mul3A_1209 = vector.broadcast %mul3A_1208 : i32 to vector<16xi32>
      %mul3A_1210 = arith.muli %get3A_1207, %mul3A_1209 : vector<16xi32>
      %get3A_1211 = arith.constant 1 : i32
      %get3A_1212 = arith.index_cast %get3A_1211 : i32 to index
      %get3A_1213 = arith.index_cast %mul3A_1202 : i32 to index
      %get3A_1214 = tpu.vector_load %arg12[%get3A_1212, %get3A_1213] {strides = array<i32>} : memref<2x4096xi32, #tpu.memory_space<vmem>>, vector<1x16xi32>,
      %get3A_1215 = vector.shape_cast %get3A_1214 : vector<1x16xi32> to vector<16xi32>
      %add3A_1216 = arith.addi %mul3A_1210, %get3A_1215 : vector<16xi32>
      %add3A_1217 = vector.broadcast %mul3A_32 : i32 to vector<16xi32>
      %add3A_1218 = arith.addi %add3A_1216, %add3A_1217 : vector<16xi32>
      %swap3A_1219 = arith.index_cast %mul3A_1202 : i32 to index
      %swap3A_1220 = tpu.vector_load %arg14[%swap3A_1219] {strides = array<i32>} : memref<4096xi32, #tpu.memory_space<vmem>>, vector<16xi32>,
      %swap3A_1221 = vector.shape_cast %swap3A_1220 : vector<16xi32> to vector<16xi32>
      %swap3A_1222 = vector.shape_cast %add3A_1218 : vector<16xi32> to vector<16xi32>
      tpu.vector_store %arg14[%swap3A_1219], %swap3A_1222 {strides = array<i32>} : memref<4096xi32, #tpu.memory_space<vmem>>, vector<16xi32>,
      %get3A_1223 = arith.constant 0 : i32
      %get3A_1224 = arith.index_cast %get3A_1223 : i32 to index
      %get3A_1225 = arith.index_cast %mul3A_1202 : i32 to index
      %get3A_1226 = tpu.vector_load %arg13[%get3A_1224, %get3A_1225] {strides = array<i32>} : memref<2x4096xi32, #tpu.memory_space<vmem>>, vector<1x16xi32>,
      %get3A_1227 = vector.shape_cast %get3A_1226 : vector<1x16xi32> to vector<16xi32>
      %mul3A_1228 = arith.constant 512 : i32
      %mul3A_1229 = vector.broadcast %mul3A_1228 : i32 to vector<16xi32>
      %mul3A_1230 = arith.muli %get3A_1227, %mul3A_1229 : vector<16xi32>
      %get3A_1231 = arith.constant 1 : i32
      %get3A_1232 = arith.index_cast %get3A_1231 : i32 to index
      %get3A_1233 = arith.index_cast %mul3A_1202 : i32 to index
      %get3A_1234 = tpu.vector_load %arg13[%get3A_1232, %get3A_1233] {strides = array<i32>} : memref<2x4096xi32, #tpu.memory_space<vmem>>, vector<1x16xi32>,
      %get3A_1235 = vector.shape_cast %get3A_1234 : vector<1x16xi32> to vector<16xi32>
      %add3A_1236 = arith.addi %mul3A_1230, %get3A_1235 : vector<16xi32>
      %add3A_1237 = vector.broadcast %mul3A_32 : i32 to vector<16xi32>
      %add3A_1238 = arith.addi %add3A_1236, %add3A_1237 : vector<16xi32>
      %swap3A_1239 = arith.index_cast %mul3A_1202 : i32 to index
      %swap3A_1240 = tpu.vector_load %arg15[%swap3A_1239] {strides = array<i32>} : memref<4096xi32, #tpu.memory_space<vmem>>, vector<16xi32>,
      %swap3A_1241 = vector.shape_cast %swap3A_1240 : vector<16xi32> to vector<16xi32>
      %swap3A_1242 = vector.shape_cast %add3A_1238 : vector<16xi32> to vector<16xi32>
      tpu.vector_store %arg15[%swap3A_1239], %swap3A_1242 {strides = array<i32>} : memref<4096xi32, #tpu.memory_space<vmem>>, vector<16xi32>,
      %scan3A_1243 = arith.constant 0 : i32
      %scan3A_1244 = arith.constant 2 : i32
      %scan3A_1245 = arith.addi %scan3A_1154, %scan3A_1244 : i32
      %mul3A_1246 = arith.constant 16 : i32
      %mul3A_1247 = arith.muli %scan3A_1245, %mul3A_1246 : i32
      %get3A_1248 = arith.constant 0 : i32
      %get3A_1249 = arith.index_cast %get3A_1248 : i32 to index
      %get3A_1250 = arith.index_cast %mul3A_1247 : i32 to index
      %get3A_1251 = tpu.vector_load %arg12[%get3A_1249, %get3A_1250] {strides = array<i32>} : memref<2x4096xi32, #tpu.memory_space<vmem>>, vector<1x16xi32>,
      %get3A_1252 = vector.shape_cast %get3A_1251 : vector<1x16xi32> to vector<16xi32>
      %mul3A_1253 = arith.constant 512 : i32
      %mul3A_1254 = vector.broadcast %mul3A_1253 : i32 to vector<16xi32>
      %mul3A_1255 = arith.muli %get3A_1252, %mul3A_1254 : vector<16xi32>
      %get3A_1256 = arith.constant 1 : i32
      %get3A_1257 = arith.index_cast %get3A_1256 : i32 to index
      %get3A_1258 = arith.index_cast %mul3A_1247 : i32 to index
      %get3A_1259 = tpu.vector_load %arg12[%get3A_1257, %get3A_1258] {strides = array<i32>} : memref<2x4096xi32, #tpu.memory_space<vmem>>, vector<1x16xi32>,
      %get3A_1260 = vector.shape_cast %get3A_1259 : vector<1x16xi32> to vector<16xi32>
      %add3A_1261 = arith.addi %mul3A_1255, %get3A_1260 : vector<16xi32>
      %add3A_1262 = vector.broadcast %mul3A_32 : i32 to vector<16xi32>
      %add3A_1263 = arith.addi %add3A_1261, %add3A_1262 : vector<16xi32>
      %swap3A_1264 = arith.index_cast %mul3A_1247 : i32 to index
      %swap3A_1265 = tpu.vector_load %arg14[%swap3A_1264] {strides = array<i32>} : memref<4096xi32, #tpu.memory_space<vmem>>, vector<16xi32>,
      %swap3A_1266 = vector.shape_cast %swap3A_1265 : vector<16xi32> to vector<16xi32>
      %swap3A_1267 = vector.shape_cast %add3A_1263 : vector<16xi32> to vector<16xi32>
      tpu.vector_store %arg14[%swap3A_1264], %swap3A_1267 {strides = array<i32>} : memref<4096xi32, #tpu.memory_space<vmem>>, vector<16xi32>,
      %get3A_1268 = arith.constant 0 : i32
      %get3A_1269 = arith.index_cast %get3A_1268 : i32 to index
      %get3A_1270 = arith.index_cast %mul3A_1247 : i32 to index
      %get3A_1271 = tpu.vector_load %arg13[%get3A_1269, %get3A_1270] {strides = array<i32>} : memref<2x4096xi32, #tpu.memory_space<vmem>>, vector<1x16xi32>,
      %get3A_1272 = vector.shape_cast %get3A_1271 : vector<1x16xi32> to vector<16xi32>
      %mul3A_1273 = arith.constant 512 : i32
      %mul3A_1274 = vector.broadcast %mul3A_1273 : i32 to vector<16xi32>
      %mul3A_1275 = arith.muli %get3A_1272, %mul3A_1274 : vector<16xi32>
      %get3A_1276 = arith.constant 1 : i32
      %get3A_1277 = arith.index_cast %get3A_1276 : i32 to index
      %get3A_1278 = arith.index_cast %mul3A_1247 : i32 to index
      %get3A_1279 = tpu.vector_load %arg13[%get3A_1277, %get3A_1278] {strides = array<i32>} : memref<2x4096xi32, #tpu.memory_space<vmem>>, vector<1x16xi32>,
      %get3A_1280 = vector.shape_cast %get3A_1279 : vector<1x16xi32> to vector<16xi32>
      %add3A_1281 = arith.addi %mul3A_1275, %get3A_1280 : vector<16xi32>
      %add3A_1282 = vector.broadcast %mul3A_32 : i32 to vector<16xi32>
      %add3A_1283 = arith.addi %add3A_1281, %add3A_1282 : vector<16xi32>
      %swap3A_1284 = arith.index_cast %mul3A_1247 : i32 to index
      %swap3A_1285 = tpu.vector_load %arg15[%swap3A_1284] {strides = array<i32>} : memref<4096xi32, #tpu.memory_space<vmem>>, vector<16xi32>,
      %swap3A_1286 = vector.shape_cast %swap3A_1285 : vector<16xi32> to vector<16xi32>
      %swap3A_1287 = vector.shape_cast %add3A_1283 : vector<16xi32> to vector<16xi32>
      tpu.vector_store %arg15[%swap3A_1284], %swap3A_1287 {strides = array<i32>} : memref<4096xi32, #tpu.memory_space<vmem>>, vector<16xi32>,
      %scan3A_1288 = arith.constant 0 : i32
      %scan3A_1289 = arith.constant 3 : i32
      %scan3A_1290 = arith.addi %scan3A_1154, %scan3A_1289 : i32
      %mul3A_1291 = arith.constant 16 : i32
      %mul3A_1292 = arith.muli %scan3A_1290, %mul3A_1291 : i32
      %get3A_1293 = arith.constant 0 : i32
      %get3A_1294 = arith.index_cast %get3A_1293 : i32 to index
      %get3A_1295 = arith.index_cast %mul3A_1292 : i32 to index
      %get3A_1296 = tpu.vector_load %arg12[%get3A_1294, %get3A_1295] {strides = array<i32>} : memref<2x4096xi32, #tpu.memory_space<vmem>>, vector<1x16xi32>,
      %get3A_1297 = vector.shape_cast %get3A_1296 : vector<1x16xi32> to vector<16xi32>
      %mul3A_1298 = arith.constant 512 : i32
      %mul3A_1299 = vector.broadcast %mul3A_1298 : i32 to vector<16xi32>
      %mul3A_1300 = arith.muli %get3A_1297, %mul3A_1299 : vector<16xi32>
      %get3A_1301 = arith.constant 1 : i32
      %get3A_1302 = arith.index_cast %get3A_1301 : i32 to index
      %get3A_1303 = arith.index_cast %mul3A_1292 : i32 to index
      %get3A_1304 = tpu.vector_load %arg12[%get3A_1302, %get3A_1303] {strides = array<i32>} : memref<2x4096xi32, #tpu.memory_space<vmem>>, vector<1x16xi32>,
      %get3A_1305 = vector.shape_cast %get3A_1304 : vector<1x16xi32> to vector<16xi32>
      %add3A_1306 = arith.addi %mul3A_1300, %get3A_1305 : vector<16xi32>
      %add3A_1307 = vector.broadcast %mul3A_32 : i32 to vector<16xi32>
      %add3A_1308 = arith.addi %add3A_1306, %add3A_1307 : vector<16xi32>
      %swap3A_1309 = arith.index_cast %mul3A_1292 : i32 to index
      %swap3A_1310 = tpu.vector_load %arg14[%swap3A_1309] {strides = array<i32>} : memref<4096xi32, #tpu.memory_space<vmem>>, vector<16xi32>,
      %swap3A_1311 = vector.shape_cast %swap3A_1310 : vector<16xi32> to vector<16xi32>
      %swap3A_1312 = vector.shape_cast %add3A_1308 : vector<16xi32> to vector<16xi32>
      tpu.vector_store %arg14[%swap3A_1309], %swap3A_1312 {strides = array<i32>} : memref<4096xi32, #tpu.memory_space<vmem>>, vector<16xi32>,
      %get3A_1313 = arith.constant 0 : i32
      %get3A_1314 = arith.index_cast %get3A_1313 : i32 to index
      %get3A_1315 = arith.index_cast %mul3A_1292 : i32 to index
      %get3A_1316 = tpu.vector_load %arg13[%get3A_1314, %get3A_1315] {strides = array<i32>} : memref<2x4096xi32, #tpu.memory_space<vmem>>, vector<1x16xi32>,
      %get3A_1317 = vector.shape_cast %get3A_1316 : vector<1x16xi32> to vector<16xi32>
      %mul3A_1318 = arith.constant 512 : i32
      %mul3A_1319 = vector.broadcast %mul3A_1318 : i32 to vector<16xi32>
      %mul3A_1320 = arith.muli %get3A_1317, %mul3A_1319 : vector<16xi32>
      %get3A_1321 = arith.constant 1 : i32
      %get3A_1322 = arith.index_cast %get3A_1321 : i32 to index
      %get3A_1323 = arith.index_cast %mul3A_1292 : i32 to index
      %get3A_1324 = tpu.vector_load %arg13[%get3A_1322, %get3A_1323] {strides = array<i32>} : memref<2x4096xi32, #tpu.memory_space<vmem>>, vector<1x16xi32>,
      %get3A_1325 = vector.shape_cast %get3A_1324 : vector<1x16xi32> to vector<16xi32>
      %add3A_1326 = arith.addi %mul3A_1320, %get3A_1325 : vector<16xi32>
      %add3A_1327 = vector.broadcast %mul3A_32 : i32 to vector<16xi32>
      %add3A_1328 = arith.addi %add3A_1326, %add3A_1327 : vector<16xi32>
      %swap3A_1329 = arith.index_cast %mul3A_1292 : i32 to index
      %swap3A_1330 = tpu.vector_load %arg15[%swap3A_1329] {strides = array<i32>} : memref<4096xi32, #tpu.memory_space<vmem>>, vector<16xi32>,
      %swap3A_1331 = vector.shape_cast %swap3A_1330 : vector<16xi32> to vector<16xi32>
      %swap3A_1332 = vector.shape_cast %add3A_1328 : vector<16xi32> to vector<16xi32>
      tpu.vector_store %arg15[%swap3A_1329], %swap3A_1332 {strides = array<i32>} : memref<4096xi32, #tpu.memory_space<vmem>>, vector<16xi32>,
      %scan3A_1333 = arith.constant 0 : i32
      scf.yield %scan3A_1333 : i32
    }
    %scan3A_1010 = arith.constant 256 : i32
    %dma_start3A_1011 = arith.constant 1 : i32
    %dma_start3A_1012 = arith.constant 0 : i32
    %dma_start3A_1013 = tpu.memref_slice %arg16[%dma_start3A_1012] : memref<4096xf32, #tpu.memory_space<vmem>> -> memref<2048xf32, #tpu.memory_space<vmem>>
    %dma_start3A_1014 = arith.constant 0 : i32
    %dma_start3A_1015 = tpu.memref_slice %arg14[%dma_start3A_1014] : memref<4096xi32, #tpu.memory_space<vmem>> -> memref<2048xi32, #tpu.memory_space<vmem>>
    %dma_start3A_1016 = arith.constant 0 : i32
    %dma_start3A_1017 = tpu.memref_slice %arg2[%dma_start3A_1016] : memref<8388608xf32, #tpu.memory_space<hbm>> -> memref<8388608xf32, #tpu.memory_space<hbm>>
    %dma_start3A_1018 = tpu.memref_slice %arg19[%dma_start3A_1011] : memref<2x!tpu.dma_semaphore, #tpu.memory_space<semaphore_mem>> -> memref<1x!tpu.dma_semaphore, #tpu.memory_space<semaphore_mem>>
    %dma_start3A_1019 = tpu.memref_squeeze %dma_start3A_1018 : memref<1x!tpu.dma_semaphore, #tpu.memory_space<semaphore_mem>> -> memref<!tpu.dma_semaphore, #tpu.memory_space<semaphore_mem>>
    tpu.enqueue_indirect_dma source(%dma_start3A_1017 : memref<8388608xf32, #tpu.memory_space<hbm>>) target(%dma_start3A_1013 : memref<2048xf32, #tpu.memory_space<vmem>>) offsets(%dma_start3A_1015 : memref<2048xi32, #tpu.memory_space<vmem>>) semaphore(%dma_start3A_1019 : memref<!tpu.dma_semaphore, #tpu.memory_space<semaphore_mem>>)
    %dma_start3A_1020 = arith.constant 1 : i32
    %dma_start3A_1021 = arith.constant 0 : i32
    %dma_start3A_1022 = tpu.memref_slice %arg17[%dma_start3A_1021] : memref<4096xf32, #tpu.memory_space<vmem>> -> memref<2048xf32, #tpu.memory_space<vmem>>
    %dma_start3A_1023 = arith.constant 0 : i32
    %dma_start3A_1024 = tpu.memref_slice %arg15[%dma_start3A_1023] : memref<4096xi32, #tpu.memory_space<vmem>> -> memref<2048xi32, #tpu.memory_space<vmem>>
    %dma_start3A_1025 = arith.constant 0 : i32
    %dma_start3A_1026 = tpu.memref_slice %arg2[%dma_start3A_1025] : memref<8388608xf32, #tpu.memory_space<hbm>> -> memref<8388608xf32, #tpu.memory_space<hbm>>
    %dma_start3A_1027 = tpu.memref_slice %arg19[%dma_start3A_1020] : memref<2x!tpu.dma_semaphore, #tpu.memory_space<semaphore_mem>> -> memref<1x!tpu.dma_semaphore, #tpu.memory_space<semaphore_mem>>
    %dma_start3A_1028 = tpu.memref_squeeze %dma_start3A_1027 : memref<1x!tpu.dma_semaphore, #tpu.memory_space<semaphore_mem>> -> memref<!tpu.dma_semaphore, #tpu.memory_space<semaphore_mem>>
    tpu.enqueue_indirect_dma source(%dma_start3A_1026 : memref<8388608xf32, #tpu.memory_space<hbm>>) target(%dma_start3A_1022 : memref<2048xf32, #tpu.memory_space<vmem>>) offsets(%dma_start3A_1024 : memref<2048xi32, #tpu.memory_space<vmem>>) semaphore(%dma_start3A_1028 : memref<!tpu.dma_semaphore, #tpu.memory_space<semaphore_mem>>)
    %dma_start3A_1029 = arith.constant 1 : i32
    %dma_start3A_1030 = arith.constant 2048 : i32
    %dma_start3A_1031 = tpu.memref_slice %arg16[%dma_start3A_1030] : memref<4096xf32, #tpu.memory_space<vmem>> -> memref<2048xf32, #tpu.memory_space<vmem>>
    %dma_start3A_1032 = arith.constant 2048 : i32
    %dma_start3A_1033 = tpu.memref_slice %arg14[%dma_start3A_1032] : memref<4096xi32, #tpu.memory_space<vmem>> -> memref<2048xi32, #tpu.memory_space<vmem>>
    %dma_start3A_1034 = arith.constant 0 : i32
    %dma_start3A_1035 = tpu.memref_slice %arg2[%dma_start3A_1034] : memref<8388608xf32, #tpu.memory_space<hbm>> -> memref<8388608xf32, #tpu.memory_space<hbm>>
    %dma_start3A_1036 = tpu.memref_slice %arg19[%dma_start3A_1029] : memref<2x!tpu.dma_semaphore, #tpu.memory_space<semaphore_mem>> -> memref<1x!tpu.dma_semaphore, #tpu.memory_space<semaphore_mem>>
    %dma_start3A_1037 = tpu.memref_squeeze %dma_start3A_1036 : memref<1x!tpu.dma_semaphore, #tpu.memory_space<semaphore_mem>> -> memref<!tpu.dma_semaphore, #tpu.memory_space<semaphore_mem>>
    tpu.enqueue_indirect_dma source(%dma_start3A_1035 : memref<8388608xf32, #tpu.memory_space<hbm>>) target(%dma_start3A_1031 : memref<2048xf32, #tpu.memory_space<vmem>>) offsets(%dma_start3A_1033 : memref<2048xi32, #tpu.memory_space<vmem>>) semaphore(%dma_start3A_1037 : memref<!tpu.dma_semaphore, #tpu.memory_space<semaphore_mem>>)
    %dma_start3A_1038 = arith.constant 1 : i32
    %dma_start3A_1039 = arith.constant 2048 : i32
    %dma_start3A_1040 = tpu.memref_slice %arg17[%dma_start3A_1039] : memref<4096xf32, #tpu.memory_space<vmem>> -> memref<2048xf32, #tpu.memory_space<vmem>>
    %dma_start3A_1041 = arith.constant 2048 : i32
    %dma_start3A_1042 = tpu.memref_slice %arg15[%dma_start3A_1041] : memref<4096xi32, #tpu.memory_space<vmem>> -> memref<2048xi32, #tpu.memory_space<vmem>>
    %dma_start3A_1043 = arith.constant 0 : i32
    %dma_start3A_1044 = tpu.memref_slice %arg2[%dma_start3A_1043] : memref<8388608xf32, #tpu.memory_space<hbm>> -> memref<8388608xf32, #tpu.memory_space<hbm>>
    %dma_start3A_1045 = tpu.memref_slice %arg19[%dma_start3A_1038] : memref<2x!tpu.dma_semaphore, #tpu.memory_space<semaphore_mem>> -> memref<1x!tpu.dma_semaphore, #tpu.memory_space<semaphore_mem>>
    %dma_start3A_1046 = tpu.memref_squeeze %dma_start3A_1045 : memref<1x!tpu.dma_semaphore, #tpu.memory_space<semaphore_mem>> -> memref<!tpu.dma_semaphore, #tpu.memory_space<semaphore_mem>>
    tpu.enqueue_indirect_dma source(%dma_start3A_1044 : memref<8388608xf32, #tpu.memory_space<hbm>>) target(%dma_start3A_1040 : memref<2048xf32, #tpu.memory_space<vmem>>) offsets(%dma_start3A_1042 : memref<2048xi32, #tpu.memory_space<vmem>>) semaphore(%dma_start3A_1046 : memref<!tpu.dma_semaphore, #tpu.memory_space<semaphore_mem>>)
    %dma_wait3A_1047 = arith.constant 0 : i32
    %dma_wait3A_1048 = arith.constant 0 : i32
    %dma_wait3A_1049 = tpu.memref_slice %arg10[%dma_wait3A_1048] : memref<4096xf32, #tpu.memory_space<vmem>> -> memref<2048xf32, #tpu.memory_space<vmem>>
    %dma_wait3A_1050 = arith.constant 0 : i32
    %dma_wait3A_1051 = tpu.memref_slice %arg8[%dma_wait3A_1050] : memref<4096xi32, #tpu.memory_space<vmem>> -> memref<2048xi32, #tpu.memory_space<vmem>>
    %dma_wait3A_1052 = arith.constant 0 : i32
    %dma_wait3A_1053 = tpu.memref_slice %arg2[%dma_wait3A_1052] : memref<8388608xf32, #tpu.memory_space<hbm>> -> memref<8388608xf32, #tpu.memory_space<hbm>>
    %dma_wait3A_1054 = tpu.memref_slice %arg19[%dma_wait3A_1047] : memref<2x!tpu.dma_semaphore, #tpu.memory_space<semaphore_mem>> -> memref<1x!tpu.dma_semaphore, #tpu.memory_space<semaphore_mem>>
    %dma_wait3A_1055 = tpu.memref_squeeze %dma_wait3A_1054 : memref<1x!tpu.dma_semaphore, #tpu.memory_space<semaphore_mem>> -> memref<!tpu.dma_semaphore, #tpu.memory_space<semaphore_mem>>
    tpu.wait_indirect_dma semaphore(%dma_wait3A_1055 : memref<!tpu.dma_semaphore, #tpu.memory_space<semaphore_mem>>) src(%dma_wait3A_1053 : memref<8388608xf32, #tpu.memory_space<hbm>>) dst(%dma_wait3A_1049 : memref<2048xf32, #tpu.memory_space<vmem>>)
    %dma_wait3A_1056 = arith.constant 0 : i32
    %dma_wait3A_1057 = arith.constant 0 : i32
    %dma_wait3A_1058 = tpu.memref_slice %arg11[%dma_wait3A_1057] : memref<4096xf32, #tpu.memory_space<vmem>> -> memref<2048xf32, #tpu.memory_space<vmem>>
    %dma_wait3A_1059 = arith.constant 0 : i32
    %dma_wait3A_1060 = tpu.memref_slice %arg9[%dma_wait3A_1059] : memref<4096xi32, #tpu.memory_space<vmem>> -> memref<2048xi32, #tpu.memory_space<vmem>>
    %dma_wait3A_1061 = arith.constant 0 : i32
    %dma_wait3A_1062 = tpu.memref_slice %arg2[%dma_wait3A_1061] : memref<8388608xf32, #tpu.memory_space<hbm>> -> memref<8388608xf32, #tpu.memory_space<hbm>>
    %dma_wait3A_1063 = tpu.memref_slice %arg19[%dma_wait3A_1056] : memref<2x!tpu.dma_semaphore, #tpu.memory_space<semaphore_mem>> -> memref<1x!tpu.dma_semaphore, #tpu.memory_space<semaphore_mem>>
    %dma_wait3A_1064 = tpu.memref_squeeze %dma_wait3A_1063 : memref<1x!tpu.dma_semaphore, #tpu.memory_space<semaphore_mem>> -> memref<!tpu.dma_semaphore, #tpu.memory_space<semaphore_mem>>
    tpu.wait_indirect_dma semaphore(%dma_wait3A_1064 : memref<!tpu.dma_semaphore, #tpu.memory_space<semaphore_mem>>) src(%dma_wait3A_1062 : memref<8388608xf32, #tpu.memory_space<hbm>>) dst(%dma_wait3A_1058 : memref<2048xf32, #tpu.memory_space<vmem>>)
    %dma_wait3A_1065 = arith.constant 0 : i32
    %dma_wait3A_1066 = arith.constant 2048 : i32
    %dma_wait3A_1067 = tpu.memref_slice %arg10[%dma_wait3A_1066] : memref<4096xf32, #tpu.memory_space<vmem>> -> memref<2048xf32, #tpu.memory_space<vmem>>
    %dma_wait3A_1068 = arith.constant 2048 : i32
    %dma_wait3A_1069 = tpu.memref_slice %arg8[%dma_wait3A_1068] : memref<4096xi32, #tpu.memory_space<vmem>> -> memref<2048xi32, #tpu.memory_space<vmem>>
    %dma_wait3A_1070 = arith.constant 0 : i32
    %dma_wait3A_1071 = tpu.memref_slice %arg2[%dma_wait3A_1070] : memref<8388608xf32, #tpu.memory_space<hbm>> -> memref<8388608xf32, #tpu.memory_space<hbm>>
    %dma_wait3A_1072 = tpu.memref_slice %arg19[%dma_wait3A_1065] : memref<2x!tpu.dma_semaphore, #tpu.memory_space<semaphore_mem>> -> memref<1x!tpu.dma_semaphore, #tpu.memory_space<semaphore_mem>>
    %dma_wait3A_1073 = tpu.memref_squeeze %dma_wait3A_1072 : memref<1x!tpu.dma_semaphore, #tpu.memory_space<semaphore_mem>> -> memref<!tpu.dma_semaphore, #tpu.memory_space<semaphore_mem>>
    tpu.wait_indirect_dma semaphore(%dma_wait3A_1073 : memref<!tpu.dma_semaphore, #tpu.memory_space<semaphore_mem>>) src(%dma_wait3A_1071 : memref<8388608xf32, #tpu.memory_space<hbm>>) dst(%dma_wait3A_1067 : memref<2048xf32, #tpu.memory_space<vmem>>)
    %dma_wait3A_1074 = arith.constant 0 : i32
    %dma_wait3A_1075 = arith.constant 2048 : i32
    %dma_wait3A_1076 = tpu.memref_slice %arg11[%dma_wait3A_1075] : memref<4096xf32, #tpu.memory_space<vmem>> -> memref<2048xf32, #tpu.memory_space<vmem>>
    %dma_wait3A_1077 = arith.constant 2048 : i32
    %dma_wait3A_1078 = tpu.memref_slice %arg9[%dma_wait3A_1077] : memref<4096xi32, #tpu.memory_space<vmem>> -> memref<2048xi32, #tpu.memory_space<vmem>>
    %dma_wait3A_1079 = arith.constant 0 : i32
    %dma_wait3A_1080 = tpu.memref_slice %arg2[%dma_wait3A_1079] : memref<8388608xf32, #tpu.memory_space<hbm>> -> memref<8388608xf32, #tpu.memory_space<hbm>>
    %dma_wait3A_1081 = tpu.memref_slice %arg19[%dma_wait3A_1074] : memref<2x!tpu.dma_semaphore, #tpu.memory_space<semaphore_mem>> -> memref<1x!tpu.dma_semaphore, #tpu.memory_space<semaphore_mem>>
    %dma_wait3A_1082 = tpu.memref_squeeze %dma_wait3A_1081 : memref<1x!tpu.dma_semaphore, #tpu.memory_space<semaphore_mem>> -> memref<!tpu.dma_semaphore, #tpu.memory_space<semaphore_mem>>
    tpu.wait_indirect_dma semaphore(%dma_wait3A_1082 : memref<!tpu.dma_semaphore, #tpu.memory_space<semaphore_mem>>) src(%dma_wait3A_1080 : memref<8388608xf32, #tpu.memory_space<hbm>>) dst(%dma_wait3A_1076 : memref<2048xf32, #tpu.memory_space<vmem>>)
    %scan3A_1083 = arith.constant 0 : i32
    %scan3A_1084 = arith.constant 256 : i32
    %scan3A_1085 = arith.addi %scan3A_1083, %scan3A_1084 : i32
    %scan3A_1086 = arith.constant 4 : i32
    %scan3A_1087 = scf.for %scan3A_1154 = %scan3A_1083 to %scan3A_1085 step %scan3A_1086 iter_args(%scan3A_1155 = %scan3A_978) -> (vector<16xf32>)  : i32 {
      %mul3A_1156 = arith.constant 16 : i32
      %mul3A_1157 = arith.muli %scan3A_1154, %mul3A_1156 : i32
      %get3A_1158 = arith.index_cast %mul3A_1157 : i32 to index
      %get3A_1159 = tpu.vector_load %arg10[%get3A_1158] {strides = array<i32>} : memref<4096xf32, #tpu.memory_space<vmem>>, vector<16xf32>,
      %get3A_1160 = vector.shape_cast %get3A_1159 : vector<16xf32> to vector<16xf32>
      %get3A_1161 = arith.index_cast %mul3A_1157 : i32 to index
      %get3A_1162 = tpu.vector_load %arg11[%get3A_1161] {strides = array<i32>} : memref<4096xf32, #tpu.memory_space<vmem>>, vector<16xf32>,
      %get3A_1163 = vector.shape_cast %get3A_1162 : vector<16xf32> to vector<16xf32>
      %sub3A_1164 = arith.subf %get3A_1160, %get3A_1163 : vector<16xf32>
      %mul3A_1165 = arith.mulf %sub3A_1164, %sub3A_1164 : vector<16xf32>
      %add3A_1166 = arith.addf %scan3A_1155, %mul3A_1165 : vector<16xf32>
      %scan3A_1167 = arith.constant 1 : i32
      %scan3A_1168 = arith.addi %scan3A_1154, %scan3A_1167 : i32
      %mul3A_1169 = arith.constant 16 : i32
      %mul3A_1170 = arith.muli %scan3A_1168, %mul3A_1169 : i32
      %get3A_1171 = arith.index_cast %mul3A_1170 : i32 to index
      %get3A_1172 = tpu.vector_load %arg10[%get3A_1171] {strides = array<i32>} : memref<4096xf32, #tpu.memory_space<vmem>>, vector<16xf32>,
      %get3A_1173 = vector.shape_cast %get3A_1172 : vector<16xf32> to vector<16xf32>
      %get3A_1174 = arith.index_cast %mul3A_1170 : i32 to index
      %get3A_1175 = tpu.vector_load %arg11[%get3A_1174] {strides = array<i32>} : memref<4096xf32, #tpu.memory_space<vmem>>, vector<16xf32>,
      %get3A_1176 = vector.shape_cast %get3A_1175 : vector<16xf32> to vector<16xf32>
      %sub3A_1177 = arith.subf %get3A_1173, %get3A_1176 : vector<16xf32>
      %mul3A_1178 = arith.mulf %sub3A_1177, %sub3A_1177 : vector<16xf32>
      %add3A_1179 = arith.addf %add3A_1166, %mul3A_1178 : vector<16xf32>
      %scan3A_1180 = arith.constant 2 : i32
      %scan3A_1181 = arith.addi %scan3A_1154, %scan3A_1180 : i32
      %mul3A_1182 = arith.constant 16 : i32
      %mul3A_1183 = arith.muli %scan3A_1181, %mul3A_1182 : i32
      %get3A_1184 = arith.index_cast %mul3A_1183 : i32 to index
      %get3A_1185 = tpu.vector_load %arg10[%get3A_1184] {strides = array<i32>} : memref<4096xf32, #tpu.memory_space<vmem>>, vector<16xf32>,
      %get3A_1186 = vector.shape_cast %get3A_1185 : vector<16xf32> to vector<16xf32>
      %get3A_1187 = arith.index_cast %mul3A_1183 : i32 to index
      %get3A_1188 = tpu.vector_load %arg11[%get3A_1187] {strides = array<i32>} : memref<4096xf32, #tpu.memory_space<vmem>>, vector<16xf32>,
      %get3A_1189 = vector.shape_cast %get3A_1188 : vector<16xf32> to vector<16xf32>
      %sub3A_1190 = arith.subf %get3A_1186, %get3A_1189 : vector<16xf32>
      %mul3A_1191 = arith.mulf %sub3A_1190, %sub3A_1190 : vector<16xf32>
      %add3A_1192 = arith.addf %add3A_1179, %mul3A_1191 : vector<16xf32>
      %scan3A_1193 = arith.constant 3 : i32
      %scan3A_1194 = arith.addi %scan3A_1154, %scan3A_1193 : i32
      %mul3A_1195 = arith.constant 16 : i32
      %mul3A_1196 = arith.muli %scan3A_1194, %mul3A_1195 : i32
      %get3A_1197 = arith.index_cast %mul3A_1196 : i32 to index
      %get3A_1198 = tpu.vector_load %arg10[%get3A_1197] {strides = array<i32>} : memref<4096xf32, #tpu.memory_space<vmem>>, vector<16xf32>,
      %get3A_1199 = vector.shape_cast %get3A_1198 : vector<16xf32> to vector<16xf32>
      %get3A_1200 = arith.index_cast %mul3A_1196 : i32 to index
      %get3A_1201 = tpu.vector_load %arg11[%get3A_1200] {strides = array<i32>} : memref<4096xf32, #tpu.memory_space<vmem>>, vector<16xf32>,
      %get3A_1202 = vector.shape_cast %get3A_1201 : vector<16xf32> to vector<16xf32>
      %sub3A_1203 = arith.subf %get3A_1199, %get3A_1202 : vector<16xf32>
      %mul3A_1204 = arith.mulf %sub3A_1203, %sub3A_1203 : vector<16xf32>
      %add3A_1205 = arith.addf %add3A_1192, %mul3A_1204 : vector<16xf32>
      scf.yield %add3A_1205 : vector<16xf32>
    }
    %scan3A_1088 = arith.constant 256 : i32
    %dma_wait3A_1089 = arith.constant 1 : i32
    %dma_wait3A_1090 = arith.constant 0 : i32
    %dma_wait3A_1091 = tpu.memref_slice %arg16[%dma_wait3A_1090] : memref<4096xf32, #tpu.memory_space<vmem>> -> memref<2048xf32, #tpu.memory_space<vmem>>
    %dma_wait3A_1092 = arith.constant 0 : i32
    %dma_wait3A_1093 = tpu.memref_slice %arg14[%dma_wait3A_1092] : memref<4096xi32, #tpu.memory_space<vmem>> -> memref<2048xi32, #tpu.memory_space<vmem>>
    %dma_wait3A_1094 = arith.constant 0 : i32
    %dma_wait3A_1095 = tpu.memref_slice %arg2[%dma_wait3A_1094] : memref<8388608xf32, #tpu.memory_space<hbm>> -> memref<8388608xf32, #tpu.memory_space<hbm>>
    %dma_wait3A_1096 = tpu.memref_slice %arg19[%dma_wait3A_1089] : memref<2x!tpu.dma_semaphore, #tpu.memory_space<semaphore_mem>> -> memref<1x!tpu.dma_semaphore, #tpu.memory_space<semaphore_mem>>
    %dma_wait3A_1097 = tpu.memref_squeeze %dma_wait3A_1096 : memref<1x!tpu.dma_semaphore, #tpu.memory_space<semaphore_mem>> -> memref<!tpu.dma_semaphore, #tpu.memory_space<semaphore_mem>>
    tpu.wait_indirect_dma semaphore(%dma_wait3A_1097 : memref<!tpu.dma_semaphore, #tpu.memory_space<semaphore_mem>>) src(%dma_wait3A_1095 : memref<8388608xf32, #tpu.memory_space<hbm>>) dst(%dma_wait3A_1091 : memref<2048xf32, #tpu.memory_space<vmem>>)
    %dma_wait3A_1098 = arith.constant 1 : i32
    %dma_wait3A_1099 = arith.constant 0 : i32
    %dma_wait3A_1100 = tpu.memref_slice %arg17[%dma_wait3A_1099] : memref<4096xf32, #tpu.memory_space<vmem>> -> memref<2048xf32, #tpu.memory_space<vmem>>
    %dma_wait3A_1101 = arith.constant 0 : i32
    %dma_wait3A_1102 = tpu.memref_slice %arg15[%dma_wait3A_1101] : memref<4096xi32, #tpu.memory_space<vmem>> -> memref<2048xi32, #tpu.memory_space<vmem>>
    %dma_wait3A_1103 = arith.constant 0 : i32
    %dma_wait3A_1104 = tpu.memref_slice %arg2[%dma_wait3A_1103] : memref<8388608xf32, #tpu.memory_space<hbm>> -> memref<8388608xf32, #tpu.memory_space<hbm>>
    %dma_wait3A_1105 = tpu.memref_slice %arg19[%dma_wait3A_1098] : memref<2x!tpu.dma_semaphore, #tpu.memory_space<semaphore_mem>> -> memref<1x!tpu.dma_semaphore, #tpu.memory_space<semaphore_mem>>
    %dma_wait3A_1106 = tpu.memref_squeeze %dma_wait3A_1105 : memref<1x!tpu.dma_semaphore, #tpu.memory_space<semaphore_mem>> -> memref<!tpu.dma_semaphore, #tpu.memory_space<semaphore_mem>>
    tpu.wait_indirect_dma semaphore(%dma_wait3A_1106 : memref<!tpu.dma_semaphore, #tpu.memory_space<semaphore_mem>>) src(%dma_wait3A_1104 : memref<8388608xf32, #tpu.memory_space<hbm>>) dst(%dma_wait3A_1100 : memref<2048xf32, #tpu.memory_space<vmem>>)
    %dma_wait3A_1107 = arith.constant 1 : i32
    %dma_wait3A_1108 = arith.constant 2048 : i32
    %dma_wait3A_1109 = tpu.memref_slice %arg16[%dma_wait3A_1108] : memref<4096xf32, #tpu.memory_space<vmem>> -> memref<2048xf32, #tpu.memory_space<vmem>>
    %dma_wait3A_1110 = arith.constant 2048 : i32
    %dma_wait3A_1111 = tpu.memref_slice %arg14[%dma_wait3A_1110] : memref<4096xi32, #tpu.memory_space<vmem>> -> memref<2048xi32, #tpu.memory_space<vmem>>
    %dma_wait3A_1112 = arith.constant 0 : i32
    %dma_wait3A_1113 = tpu.memref_slice %arg2[%dma_wait3A_1112] : memref<8388608xf32, #tpu.memory_space<hbm>> -> memref<8388608xf32, #tpu.memory_space<hbm>>
    %dma_wait3A_1114 = tpu.memref_slice %arg19[%dma_wait3A_1107] : memref<2x!tpu.dma_semaphore, #tpu.memory_space<semaphore_mem>> -> memref<1x!tpu.dma_semaphore, #tpu.memory_space<semaphore_mem>>
    %dma_wait3A_1115 = tpu.memref_squeeze %dma_wait3A_1114 : memref<1x!tpu.dma_semaphore, #tpu.memory_space<semaphore_mem>> -> memref<!tpu.dma_semaphore, #tpu.memory_space<semaphore_mem>>
    tpu.wait_indirect_dma semaphore(%dma_wait3A_1115 : memref<!tpu.dma_semaphore, #tpu.memory_space<semaphore_mem>>) src(%dma_wait3A_1113 : memref<8388608xf32, #tpu.memory_space<hbm>>) dst(%dma_wait3A_1109 : memref<2048xf32, #tpu.memory_space<vmem>>)
    %dma_wait3A_1116 = arith.constant 1 : i32
    %dma_wait3A_1117 = arith.constant 2048 : i32
    %dma_wait3A_1118 = tpu.memref_slice %arg17[%dma_wait3A_1117] : memref<4096xf32, #tpu.memory_space<vmem>> -> memref<2048xf32, #tpu.memory_space<vmem>>
    %dma_wait3A_1119 = arith.constant 2048 : i32
    %dma_wait3A_1120 = tpu.memref_slice %arg15[%dma_wait3A_1119] : memref<4096xi32, #tpu.memory_space<vmem>> -> memref<2048xi32, #tpu.memory_space<vmem>>
    %dma_wait3A_1121 = arith.constant 0 : i32
    %dma_wait3A_1122 = tpu.memref_slice %arg2[%dma_wait3A_1121] : memref<8388608xf32, #tpu.memory_space<hbm>> -> memref<8388608xf32, #tpu.memory_space<hbm>>
    %dma_wait3A_1123 = tpu.memref_slice %arg19[%dma_wait3A_1116] : memref<2x!tpu.dma_semaphore, #tpu.memory_space<semaphore_mem>> -> memref<1x!tpu.dma_semaphore, #tpu.memory_space<semaphore_mem>>
    %dma_wait3A_1124 = tpu.memref_squeeze %dma_wait3A_1123 : memref<1x!tpu.dma_semaphore, #tpu.memory_space<semaphore_mem>> -> memref<!tpu.dma_semaphore, #tpu.memory_space<semaphore_mem>>
    tpu.wait_indirect_dma semaphore(%dma_wait3A_1124 : memref<!tpu.dma_semaphore, #tpu.memory_space<semaphore_mem>>) src(%dma_wait3A_1122 : memref<8388608xf32, #tpu.memory_space<hbm>>) dst(%dma_wait3A_1118 : memref<2048xf32, #tpu.memory_space<vmem>>)
    %scan3A_1125 = arith.constant 0 : i32
    %scan3A_1126 = arith.constant 256 : i32
    %scan3A_1127 = arith.addi %scan3A_1125, %scan3A_1126 : i32
    %scan3A_1128 = arith.constant 4 : i32
    %scan3A_1129 = scf.for %scan3A_1154 = %scan3A_1125 to %scan3A_1127 step %scan3A_1128 iter_args(%scan3A_1155 = %scan3A_1087) -> (vector<16xf32>)  : i32 {
      %mul3A_1156 = arith.constant 16 : i32
      %mul3A_1157 = arith.muli %scan3A_1154, %mul3A_1156 : i32
      %get3A_1158 = arith.index_cast %mul3A_1157 : i32 to index
      %get3A_1159 = tpu.vector_load %arg16[%get3A_1158] {strides = array<i32>} : memref<4096xf32, #tpu.memory_space<vmem>>, vector<16xf32>,
      %get3A_1160 = vector.shape_cast %get3A_1159 : vector<16xf32> to vector<16xf32>
      %get3A_1161 = arith.index_cast %mul3A_1157 : i32 to index
      %get3A_1162 = tpu.vector_load %arg17[%get3A_1161] {strides = array<i32>} : memref<4096xf32, #tpu.memory_space<vmem>>, vector<16xf32>,
      %get3A_1163 = vector.shape_cast %get3A_1162 : vector<16xf32> to vector<16xf32>
      %sub3A_1164 = arith.subf %get3A_1160, %get3A_1163 : vector<16xf32>
      %mul3A_1165 = arith.mulf %sub3A_1164, %sub3A_1164 : vector<16xf32>
      %add3A_1166 = arith.addf %scan3A_1155, %mul3A_1165 : vector<16xf32>
      %scan3A_1167 = arith.constant 1 : i32
      %scan3A_1168 = arith.addi %scan3A_1154, %scan3A_1167 : i32
      %mul3A_1169 = arith.constant 16 : i32
      %mul3A_1170 = arith.muli %scan3A_1168, %mul3A_1169 : i32
      %get3A_1171 = arith.index_cast %mul3A_1170 : i32 to index
      %get3A_1172 = tpu.vector_load %arg16[%get3A_1171] {strides = array<i32>} : memref<4096xf32, #tpu.memory_space<vmem>>, vector<16xf32>,
      %get3A_1173 = vector.shape_cast %get3A_1172 : vector<16xf32> to vector<16xf32>
      %get3A_1174 = arith.index_cast %mul3A_1170 : i32 to index
      %get3A_1175 = tpu.vector_load %arg17[%get3A_1174] {strides = array<i32>} : memref<4096xf32, #tpu.memory_space<vmem>>, vector<16xf32>,
      %get3A_1176 = vector.shape_cast %get3A_1175 : vector<16xf32> to vector<16xf32>
      %sub3A_1177 = arith.subf %get3A_1173, %get3A_1176 : vector<16xf32>
      %mul3A_1178 = arith.mulf %sub3A_1177, %sub3A_1177 : vector<16xf32>
      %add3A_1179 = arith.addf %add3A_1166, %mul3A_1178 : vector<16xf32>
      %scan3A_1180 = arith.constant 2 : i32
      %scan3A_1181 = arith.addi %scan3A_1154, %scan3A_1180 : i32
      %mul3A_1182 = arith.constant 16 : i32
      %mul3A_1183 = arith.muli %scan3A_1181, %mul3A_1182 : i32
      %get3A_1184 = arith.index_cast %mul3A_1183 : i32 to index
      %get3A_1185 = tpu.vector_load %arg16[%get3A_1184] {strides = array<i32>} : memref<4096xf32, #tpu.memory_space<vmem>>, vector<16xf32>,
      %get3A_1186 = vector.shape_cast %get3A_1185 : vector<16xf32> to vector<16xf32>
      %get3A_1187 = arith.index_cast %mul3A_1183 : i32 to index
      %get3A_1188 = tpu.vector_load %arg17[%get3A_1187] {strides = array<i32>} : memref<4096xf32, #tpu.memory_space<vmem>>, vector<16xf32>,
      %get3A_1189 = vector.shape_cast %get3A_1188 : vector<16xf32> to vector<16xf32>
      %sub3A_1190 = arith.subf %get3A_1186, %get3A_1189 : vector<16xf32>
      %mul3A_1191 = arith.mulf %sub3A_1190, %sub3A_1190 : vector<16xf32>
      %add3A_1192 = arith.addf %add3A_1179, %mul3A_1191 : vector<16xf32>
      %scan3A_1193 = arith.constant 3 : i32
      %scan3A_1194 = arith.addi %scan3A_1154, %scan3A_1193 : i32
      %mul3A_1195 = arith.constant 16 : i32
      %mul3A_1196 = arith.muli %scan3A_1194, %mul3A_1195 : i32
      %get3A_1197 = arith.index_cast %mul3A_1196 : i32 to index
      %get3A_1198 = tpu.vector_load %arg16[%get3A_1197] {strides = array<i32>} : memref<4096xf32, #tpu.memory_space<vmem>>, vector<16xf32>,
      %get3A_1199 = vector.shape_cast %get3A_1198 : vector<16xf32> to vector<16xf32>
      %get3A_1200 = arith.index_cast %mul3A_1196 : i32 to index
      %get3A_1201 = tpu.vector_load %arg17[%get3A_1200] {strides = array<i32>} : memref<4096xf32, #tpu.memory_space<vmem>>, vector<16xf32>,
      %get3A_1202 = vector.shape_cast %get3A_1201 : vector<16xf32> to vector<16xf32>
      %sub3A_1203 = arith.subf %get3A_1199, %get3A_1202 : vector<16xf32>
      %mul3A_1204 = arith.mulf %sub3A_1203, %sub3A_1203 : vector<16xf32>
      %add3A_1205 = arith.addf %add3A_1192, %mul3A_1204 : vector<16xf32>
      scf.yield %add3A_1205 : vector<16xf32>
    }
    %scan3A_1130 = arith.constant 256 : i32
    %get3A_1131 = arith.constant 0 : index
    %get3A_1132 = tpu.vector_load %arg16[%get3A_1131] {strides = array<i32>} : memref<4096xf32, #tpu.memory_space<vmem>>, vector<16xf32>,
    %get3A_1133 = vector.shape_cast %get3A_1132 : vector<16xf32> to vector<16xf32>
    %get3A_1134 = arith.constant 0 : index
    %get3A_1135 = tpu.vector_load %arg17[%get3A_1134] {strides = array<i32>} : memref<4096xf32, #tpu.memory_space<vmem>>, vector<16xf32>,
    %get3A_1136 = vector.shape_cast %get3A_1135 : vector<16xf32> to vector<16xf32>
    %sub3A_1137 = arith.subf %get3A_1133, %get3A_1136 : vector<16xf32>
    %mul3A_1138 = arith.mulf %sub3A_1137, %sub3A_1137 : vector<16xf32>
    %lt3A_1139 = vector.broadcast %add3A_49 : i32 to vector<16xi32>
    %lt3A_1140 = arith.cmpi slt, %iota3A, %lt3A_1139 : vector<16xi32>
    %mul3A_1141 = arith.constant 2.000000e+00 : f32
    %mul3A_1142 = vector.broadcast %mul3A_1141 : f32 to vector<16xf32>
    %mul3A_1143 = arith.mulf %mul3A_1142, %mul3A_1138 : vector<16xf32>
    %sub3A_1144 = arith.constant 1.000000e+00 : f32
    %sub3A_1145 = vector.broadcast %sub3A_1144 : f32 to vector<16xf32>
    %sub3A_1146 = arith.subf %sub3A_1145, %mul3A_1143 : vector<16xf32>
    %jit3A_1147 = arith.constant 0.000000e+00 : f32
    %broadcast_in_dim3A_1148 = vector.broadcast %jit3A_1147 : f32 to vector<16xf32>
    %select_n3A_1149 = arith.select %lt3A_1140, %sub3A_1146, %broadcast_in_dim3A_1148 : vector<16xi1>, vector<16xf32>
    %add3A_1150 = arith.addf %scan3A_1129, %select_n3A_1149 : vector<16xf32>
    %swap3A = arith.constant 0 : index
    %swap3A_1151 = tpu.vector_load %arg18[%swap3A] {strides = array<i32>} : memref<16xf32, #tpu.memory_space<vmem>>, vector<16xf32>,
    %swap3A_1152 = vector.shape_cast %swap3A_1151 : vector<16xf32> to vector<16xf32>
    %swap3A_1153 = vector.shape_cast %add3A_1150 : vector<16xf32> to vector<16xf32>
    tpu.vector_store %arg18[%swap3A], %swap3A_1153 {strides = array<i32>} : memref<16xf32, #tpu.memory_space<vmem>>, vector<16xf32>,
    "tpu.region"() ({
      %run_scoped3A = tpu.sem_alloc : memref<!tpu.dma_semaphore, #tpu.memory_space<semaphore_mem>>
      %dma_start3A_1154 = arith.constant 0 : i32
      %dma_start3A_1155 = tpu.memref_slice %arg5[%add3A, %dma_start3A_1154] : memref<32x16xf32, #tpu.memory_space<hbm>> -> memref<1x16xf32, #tpu.memory_space<hbm>>
      %dma_start3A_1156 = tpu.memref_squeeze %dma_start3A_1155 : memref<1x16xf32, #tpu.memory_space<hbm>> -> memref<16xf32, #tpu.memory_space<hbm>>
      %dma_start3A_1157 = arith.constant 0 : i32
      %dma_start3A_1158 = tpu.memref_slice %arg5[%add3A, %dma_start3A_1157] : memref<32x16xf32, #tpu.memory_space<hbm>> -> memref<1x16xf32, #tpu.memory_space<hbm>>
      %dma_start3A_1159 = tpu.memref_squeeze %dma_start3A_1158 : memref<1x16xf32, #tpu.memory_space<hbm>> -> memref<16xf32, #tpu.memory_space<hbm>>
      tpu.enqueue_dma source(%arg18 : memref<16xf32, #tpu.memory_space<vmem>>) target(%dma_start3A_1159 : memref<16xf32, #tpu.memory_space<hbm>>) target_semaphore(%run_scoped3A : memref<!tpu.dma_semaphore, #tpu.memory_space<semaphore_mem>>)
      %dma_wait3A_1160 = arith.constant 0 : i32
      %dma_wait3A_1161 = tpu.memref_slice %arg5[%add3A, %dma_wait3A_1160] : memref<32x16xf32, #tpu.memory_space<hbm>> -> memref<1x16xf32, #tpu.memory_space<hbm>>
      %dma_wait3A_1162 = tpu.memref_squeeze %dma_wait3A_1161 : memref<1x16xf32, #tpu.memory_space<hbm>> -> memref<16xf32, #tpu.memory_space<hbm>>
      %dma_wait3A_1163 = arith.constant 0 : i32
      %dma_wait3A_1164 = tpu.memref_slice %arg5[%add3A, %dma_wait3A_1163] : memref<32x16xf32, #tpu.memory_space<hbm>> -> memref<1x16xf32, #tpu.memory_space<hbm>>
      %dma_wait3A_1165 = tpu.memref_squeeze %dma_wait3A_1164 : memref<1x16xf32, #tpu.memory_space<hbm>> -> memref<16xf32, #tpu.memory_space<hbm>>
      tpu.wait_dma2 semaphore(%run_scoped3A : memref<!tpu.dma_semaphore, #tpu.memory_space<semaphore_mem>>) src(%arg18 : memref<16xf32, #tpu.memory_space<vmem>>) dst(%dma_wait3A_1165 : memref<16xf32, #tpu.memory_space<hbm>>)
      tpu.yield
    }) : () -> ()
    return
  }
}

</mosaic_0001>

<sc_bundles>
// kernel: kernel.3.cloned.1.call-start
scs
__scs_entry_jumppad:
0x0: {  	(pc) =	sbr.rel $0x88, $3  }
0x1: {  	(tag) =	ssettag $0x0;
	lr =	simm.s32 $0x1  }
0x2: {  	[smem:$0x3F9E] =	sst lr;
	_ =	strace $0xD0000000  }
0x3: {  	_ = 	snop  }
0x4: {  	_ = 	snop  }
0x5: {  	_ = 	snop  }
0x6: {  	_ = 	snop  }
0x7: {  	_ = 	snop  }
__scs_overlays_trampoline_lowered:
0x8: {  	[smem:$0x3FAD] =	sst s0  }
0x9: {  	[smem:$0x3FAE] =	sst s1  }
0xa: {  	[smem:$0x3FAF] =	sst s2  }
0xb: {  	[smem:$0x3FB0] =	sst s3  }
0xc: {  	[smem:$0x3FB1] =	sst s4  }
0xd: {  	[smem:$0x3FB2] =	sst s5  }
0xe: {  	[smem:$0x3FB3] =	sst s6  }
0xf: {  	[smem:$0x3FB4] =	sst s7  }
0x10: {  	[smem:$0x3FB5] =	sst s8  }
0x11: {  	[smem:$0x3FB6] =	sst s9;
	s0 =	simm.s32 @!p0 $0x0  }
0x12: {  	s1 =	sld [smem:$0x3F9C];
	s0 =	simm.s32 @p0 $0x1  }
0x13: {  	[smem:$0x3FB7] =	sst s0;
	s0 =	simm.s32 @!p1 $0x0  }
0x14: {  	s2 =	sld [smem:$0x3F9B];
	s0 =	simm.s32 @p1 $0x1  }
0x15: {  	[smem:$0x3FB8] =	sst s0;
	s0 =	simm.s32 @!p2 $0x0  }
0x16: {  	s3 =	sld [smem:$0x3FDB];
	s0 =	simm.s32 @p2 $0x1  }
0x17: {  	s4 =	simm.s32 $0x1BF5;
	[smem:$0x3FBA] =	sst s0  }
0x18: {  	s0 =	sld [smem:$0x3F9D];
	_ =	swait.ge [sflag:s4], $0x0  }
0x19: {  	s7 =	sld [smem:$0x3F9E]  }
0x1a: {  	s8 =	sadd.s32 $0xFFFFE003, lr  }
0x1b: {  	s9 =	sadd.s32 $0xFFFFFEF7, lr;
	s5 =	simm.s32 $0xFFFFFFFF;
	p2 =	slt.u32 s8, $0xFFFFF086  }
0x1c: {  	p1 =	slt.u32 s9, $0xF7A;
	s5 =	simm.s32 @!p2 $0x0  }
0x1d: {  	s5 =	simm.s32 @p1 $0x1;
	p0 =	seq.s32 s7, s2  }
0x1e: {  	s7 =	smul.u32 @!p0 $0xF7A, s2;
	p2 =	seq.s32 @!p0 s5, $0x0  }
0x1f: {  	s9 =	smul.u32 $0xF7A, s1;
	s8 =	simm.s32 @!p0 $0x1BF5;
	p2 =	por !p2, p0  }
0x20: {  	[sflag:s8] =	ssyncset.s32 @!p0 $0xFFFFF086;
	s6 =	sadd.s32 @!p0 s3, s7;
	s7 =	simm.s32 @!p0 $0x108  }
0x21: {  	s3 =	sadd.s32 s3, s9;
	s6 =	sadd.s32 @!p0 $0x88, s6;
	s7 =	simm.s32 @p2 $0x1082  }
0x22: {  	[simem:s7], [sflag:s8] =	dma.local @!p0 [hbm:s6], $0xF7A  }
0x23: {  	s9 =	sor.u32 $0xD0000000, s2;
	s6 =	simm.s32 $0x108;
	_ =	swait.ge @!p0 [sflag:s8], $0x0  }
0x24: {  	s3 =	sadd.s32 $0x88, s3;
	s6 =	simm.s32 @!p1 $0x1082;
	[sflag:s4] =	ssyncset.s32 $0xFFFFF086  }
0x25: {  	[simem:s6], [sflag:s4] =	dma.local [hbm:s3], $0xF7A  }
0x26: {  	[smem:$0x3F9E] =	sst s1;
	(tag) =	ssettag s2;
	_ =	strace s9  }
0x27: {  	s1 =	sld [smem:$0x3FAE]  }
0x28: {  	s2 =	sld [smem:$0x3FAF]  }
0x29: {  	s4 =	sld [smem:$0x3FB1]  }
0x2a: {  	p0 =	seq.s32 s5, $0x0;
	s5 =	sld [smem:$0x3FB2]  }
0x2b: {  	s6 =	sld [smem:$0x3FB3]  }
0x2c: {  	s7 =	sld [smem:$0x3FB4]  }
0x2d: {  	s3 =	simm.s32 $0x108;
	s8 =	sld [smem:$0x3FB5]  }
0x2e: {  	s3 =	simm.s32 @!p0 $0x1082;
	s9 =	sld [smem:$0x3FB6]  }
0x2f: {  	lr =	sadd.s32 s0, s3;
	s0 =	sld [smem:$0x3FAD]  }
0x30: {  	s3 =	sld [smem:$0x3FB0]  }
0x31: {  	[smem:$0x3FB9] =	sst s10  }
0x32: {  	s10 =	sld [smem:$0x3FB7];
	_ =	sdelay $0x3  }
0x33: {  	p0 =	seq.s32 s10, $0x1;
	s10 =	sld [smem:$0x3FB9];
	_ =	sdelay $0x3  }
0x34: {  	[smem:$0x3FB9] =	sst s10  }
0x35: {  	s10 =	sld [smem:$0x3FB8];
	_ =	sdelay $0x3  }
0x36: {  	p1 =	seq.s32 s10, $0x1;
	s10 =	sld [smem:$0x3FB9];
	_ =	sdelay $0x3  }
0x37: {  	[smem:$0x3FB9] =	sst s10  }
0x38: {  	s10 =	sld [smem:$0x3FBA]  }
0x39: {  	_ = 	snop;
	(pc) =	sbr.ind lr, $3  }
0x3a: {  	_ = 	snop  }
0x3b: {  	_ = 	snop  }
0x3c: {  	p2 =	seq.s32 s10, $0x1;
	s10 =	sld [smem:$0x3FB9]  }
0x3d: {  	_ =	shalt  }
0x3e: {  	_ =	shalt  }
0x3f: {  	_ =	shalt  }
0x40: {  	_ =	shalt  }
0x41: {  	_ =	shalt  }
0x42: {  	_ =	shalt  }
0x43: {  	_ =	shalt  }
0x44: {  	_ =	shalt  }
0x45: {  	_ =	shalt  }
0x46: {  	_ =	shalt  }
0x47: {  	_ =	shalt  }
0x48: {  	_ =	shalt  }
0x49: {  	_ =	shalt  }
0x4a: {  	_ =	shalt  }
0x4b: {  	_ =	shalt  }
0x4c: {  	_ =	shalt  }
0x4d: {  	_ =	shalt  }
0x4e: {  	_ =	shalt  }
0x4f: {  	_ =	shalt  }
0x50: {  	_ =	shalt  }
0x51: {  	_ =	shalt  }
0x52: {  	_ =	shalt  }
0x53: {  	_ =	shalt  }
0x54: {  	_ =	shalt  }
0x55: {  	_ =	shalt  }
0x56: {  	_ =	shalt  }
0x57: {  	_ =	shalt  }
0x58: {  	_ =	shalt  }
0x59: {  	_ =	shalt  }
0x5a: {  	_ =	shalt  }
0x5b: {  	_ =	shalt  }
0x5c: {  	_ =	shalt  }
0x5d: {  	_ =	shalt  }
0x5e: {  	_ =	shalt  }
0x5f: {  	_ =	shalt  }
0x60: {  	_ =	shalt  }
0x61: {  	_ =	shalt  }
0x62: {  	_ =	shalt  }
0x63: {  	_ =	shalt  }
0x64: {  	_ =	shalt  }
0x65: {  	_ =	shalt  }
0x66: {  	_ =	shalt  }
0x67: {  	_ =	shalt  }
0x68: {  	_ =	shalt  }
0x69: {  	_ =	shalt  }
0x6a: {  	_ =	shalt  }
0x6b: {  	_ =	shalt  }
0x6c: {  	_ =	shalt  }
0x6d: {  	_ =	shalt  }
0x6e: {  	_ =	shalt  }
0x6f: {  	_ =	shalt  }
0x70: {  	_ =	shalt  }
0x71: {  	_ =	shalt  }
0x72: {  	_ =	shalt  }
0x73: {  	_ =	shalt  }
0x74: {  	_ =	shalt  }
0x75: {  	_ =	shalt  }
0x76: {  	_ =	shalt  }
0x77: {  	_ =	shalt  }
0x78: {  	_ =	shalt  }
0x79: {  	_ =	shalt  }
0x7a: {  	_ =	shalt  }
0x7b: {  	_ =	shalt  }
0x7c: {  	_ =	shalt  }
0x7d: {  	_ =	shalt  }
0x7e: {  	_ =	shalt  }
0x7f: {  	_ =	shalt  }
0x80: {  	_ =	shalt  }
0x81: {  	_ =	shalt  }
0x82: {  	_ =	shalt  }
0x83: {  	_ =	shalt  }
0x84: {  	_ =	shalt  }
0x85: {  	_ =	shalt  }
0x86: {  	_ =	shalt  }
0x87: {  	_ =	shalt  }
.Lfunc_end0:
.L_simem_size_0:
called_computation.1_lowered:
.L_overlay_start_0:
0x88: {  	s2 =	sld [smem:$0x3FD9]  }
0x89: {  	s3 =	sld [smem:$0x3FFE];
	_ =	sdelay $0x1  }
0x8a: {  	s1 =	srdreg.scid  }
0x8b: {  	s0 =	sand.u32 $0x1, s1  }
0x8c: {  	s17 =	sshll.u32 s0, $0xA;
	s2 =	sadd.s32 s3, s2  }
0x8d: {  	s2 =	sadd.s32 s2, s17  }
0x8e: {  	[smem:$0x3FC5] =	sst s2  }
0x8f: {  	_ = 	snop  }
0x90: {  	s2 =	sld [smem:$0x3FC8]  }
0x91: {  	s18 =	sld [smem:$0x3FC7];
	(tm) =	ssettm $0x1  }
0x92: {  	s4 =	sld [smem:$0x3FFB];
	_ =	sdelay $0x3  }
0x93: {  	_ =	strace s4  }
0x94: {  	s4 =	sld [smem:$0x3FFC];
	_ =	sdelay $0x3  }
0x95: {  	_ =	strace s4  }
0x96: {  	s4 =	sld [smem:$0x3FFD];
	_ =	sdelay $0x3  }
0x97: {  	_ =	strace s4  }
0x98: {  	_ =	strace $0x8FFFFFFF  }
0x99: {  	s19 =	sld [smem:$0x3FDB];
	_ =	sdelay $0x1  }
0x9a: {  	s5 =	simm.s32 $_scs_section_size  }
0x9b: {  	s6 =	simm.s32 $_size__tile_overlayer_lowered;
	s7 =	simm.s32 $_tile_overlayer_lowered  }
0x9c: {  	s22 =	simm.s32 $0x1BFF;
	s21 =	sshll.u32 s7, $0x1;
	s4 =	sadd.s32 s5, s19  }
0x9d: {  	s8 =	simm.s32 $0x0;
	s20 =	sshll.u32 s6, $0x1;
	s6 =	sadd.s32 s21, s4  }
0x9e: {  	[timem:s8], [sflag:s22] =	dma.local [hbm:s6], s20  }
0x9f: {  	_ =	swait.ge [sflag:s22], s20  }
0xa0: {  	s5 =	ssub.s32 $0x0, s20;
	[sflag:s22] =	ssyncset.done $0x0  }
0xa1: {  	[sflag:s22] =	ssyncadd.s32 s5;
	_ =	sdelay $0x1  }
0xa2: {  	s23 =	simm.s32 $0x1B8B  }
0xa3: {  	_ =	swait.ge [sflag:s23], $0x1  }
0xa4: {  	[sflag:s23] =	ssyncset.done $0x0  }
0xa5: {  	s25 =	simm.s32 $0x1B8E;
	s24 =	sld [smem:$0x3FFE];
	[sflag:s23] =	ssyncadd.s32 $0xFFFFFFFF  }
0xa6: {  	s26 =	simm.s32 $execute0_lowered;
	[smem:$0x3FD2] =	sst s25  }
0xa7: {  	s6 =	sshll.u32 s26, $0x1;
	_ =	strace $0x80000049;
	[dreg:$0x1] =	wrdreg $0xFFFFFFFF  }
0xa8: {  	s28 =	simm.s32 $_size_execute0_lowered;
	s4 =	sadd.s32 s4, s6;
	[dreg:$0x0] =	wrdreg $0x0  }
0xa9: {  	s6 =	sshll.u32 s28, $0x1;
	[dreg:$0x2] =	wrdreg s4  }
0xaa: {  	[dreg:$0x3] =	wrdreg s6  }
0xab: {  	[dreg:$0x4] =	wrdreg $0xC0  }
0xac: {  	_ =	task [dreg:s8], $0x5FFFF  }
0xad: {  	[dreg:$0x1] =	wrdreg $0xFFFFFFFF  }
0xae: {  	[dreg:$0x0] =	wrdreg $0x60  }
0xaf: {  	[dreg:$0x2] =	wrdreg s24  }
0xb0: {  	[dreg:$0x3] =	wrdreg s2  }
0xb1: {  	[dreg:$0x4] =	wrdreg s18  }
0xb2: {  	[dreg:$0x5] =	wrdreg $0x9  }
0xb3: {  	_ =	task.clear_ibuf [dreg:s8], $0x6FFFF;
	_ =	strace $0x90000049  }
0xb4: {  	s29 =	simm.s32 $0x9;
	_ =	strace $0x8000004B  }
0xb5: {  	_ =	swait.ge [sflag:s29], $0x1  }
0xb6: {  	[sflag:s29] =	ssyncadd.s32 $0xFFFFFFFF  }
0xb7: {  	_ =	strace $0x9000004B  }
0xb8: {  	_ =	sfence  }
0xb9: {  	s30 =	sld [smem:$0x0];
	_ =	sdelay $0x2  }
0xba: {  	s31 =	sshll.u32 s1, $0xD;
	s1 =	sshrl.u32 s1, $0x2  }
0xbb: {  	s3 =	sand.u32 $0x4000, s31;
	s1 =	sadd.s32 s1, s30  }
0xbc: {  	s0 =	sor.u32 s3, s0;
	s1 =	sshll.u32 s1, $0x11  }
0xbd: {  	s0 =	sor.u32 s1, s0  }
0xbe: {  	s0 =	sadd.s32 $0x8F2B, s0  }
0xbf: {  	[sflag:s0] =	ssyncadd.remote.s32 $0x1  }
0xc0: {  	_ =	sfence.sel $0xFFFF  }
0xc1: {  	[dreg:$0x0] =	wrdreg $0xFFFFFFFF;
	(pc) =	sbr.abs _section_cstart, $3  }
0xc2: {  	[dreg:$0x1] =	wrdreg $0xFFFFFFFF  }
0xc3: {  	_ =	task.clear_ibuf [dreg:s8], $0x2FFFF;
	_ =	strace $0x9FFFFFFF  }
0xc4: {  	(tm) =	ssettm $0x7FFFFFFF  }
0xc5: {  	_ =	shalt  }
tec
execute0_lowered:
.L_overlay_start_1:
0x0: {  	(tag) =	ssettag $0x1  }
0x1: {  	s0 =	rddreg [dreg:$0x0]  }
0x2: {  	s4 =	rddreg [dreg:$0x1]  }
0x3: {  	s5 =	rddreg [dreg:$0x2];
	s2 =	simm.s32 $0x0  }
0x4: {  	s1 =	srdreg.scid;
	s12 =	stileid.u32;
	s9 =	simm.s32 $0x1  }
0x5: {  	s10 =	simm.s32 $0x2;
	s11 =	simm.s32 $0x2;
	s29 =	simm.s32 $0x800  }
0x6: {  	s30 =	simm.s32 $0x4000;
	[smem:$0x7FF] =	sst s2;
	s1 =	sand.u32 $0x1, s1  }
0x7: {  	s3 =	sshll.u32 s12, $0x1;
	s12 =	sshll.u32 s12, $0xE;
	_ =	strace $0x8000004A  }
0x8: {  	s6 =	sor.u32 s1, s3;
	s3 =	sadd.s32 $0x400, s0;
	s1 =	ssub.s32 $0x2, s1  }
0x9: {  	s12 =	sand.u32 $0x38000, s12;
	s7 =	sshll.u32 s6, $0x4;
	s19 =	sshrl.u32 s1, $0x1  }
0xa: {  	s8 =	sand.u32 $0x3, s6;
	s0 =	sadd.s32 s7, s0;
	s7 =	ssub.s32 s1, s19  }
0xb: {  	s1 =	sshll.u32 s6, $0x12;
	p0 =	seq.s32 s8, $0x1;
	s6 =	simm.s32 $0x1  }
0xc: {  	p1 =	seq.s32 s8, $0x3;
	p2 =	seq.s32 s8, $0x2;
	s8 =	sshll.u32 s8, $0xD  }
0xd: {  	s6 =	simm.s32 @!p0 $0x0;
	s9 =	simm.s32 @!p1 $0x0;
	s11 =	simm.s32 @!p2 $0x0  }
0xe: {  	s10 =	simm.s32 @!p0 $0x1;
	s8 =	sor.u32 s12, s8;
	s0 =	sadd.s32 $0x100400, s0  }
0xf: {  	s12 =	simm.s32 $0xF000;
	s6 =	sor.u32 s6, s11;
	s14 =	sadd.s32 s11, s10  }
0x10: {  	s20 =	sor.u32 $0xC00, s8;
	s17 =	sadd.s32 s4, s8;
	[dreg:$0x14] =	wrdreg s0  }
0x11: {  	s22 =	sor.u32 $0x1C00, s8;
	s21 =	sadd.s32 s4, s20;
	[dreg:$0xa] =	wrdreg s17  }
0x12: {  	s23 =	sor.u32 $0x800, s8;
	s24 =	sadd.s32 s4, s22;
	[dreg:$0x4] =	wrdreg s21  }
0x13: {  	s26 =	sor.u32 $0x1800, s8;
	s25 =	sadd.s32 s4, s23;
	[dreg:$0x5] =	wrdreg s24  }
0x14: {  	s31 =	sor.u32 $0x400, s8;
	s28 =	sadd.s32 s4, s26;
	[dreg:$0x6] =	wrdreg s25  }
0x15: {  	s13 =	sor.u32 $0x1400, s8;
	s16 =	sadd.s32 s4, s31;
	[dreg:$0x7] =	wrdreg s28  }
0x16: {  	s19 =	sor.u32 $0x1000, s8;
	s18 =	sadd.s32 s4, s13;
	[dreg:$0x8] =	wrdreg s16  }
0x17: {  	s0 =	simm.s32 $0x5000;
	s4 =	sadd.s32 s4, s19;
	[dreg:$0x9] =	wrdreg s18  }
0x18: {  	s11 =	simm.s32 $0xD000;
	s20 =	sadd.s32 s5, s20;
	[dreg:$0xb] =	wrdreg s4  }
0x19: {  	s15 =	sadd.s32 s9, s6;
	[dreg:$0xc] =	wrdreg s20;
	s21 =	sadd.s32 s5, s22  }
0x1a: {  	v1 =	vmov s14;
	s14 =	simm.s32 $0xE800;
	s22 =	sadd.s32 s5, s23;
	[dreg:$0xd] =	wrdreg s21  }
0x1b: {  	s23 =	sadd.s32 s5, s26;
	s24 =	sadd.s32 s5, s31;
	[dreg:$0xe] =	wrdreg s22  }
0x1c: {  	s25 =	sadd.s32 s5, s13;
	s26 =	sadd.s32 s5, s8;
	[dreg:$0xf] =	wrdreg s23  }
0x1d: {  	s28 =	sadd.s32 s5, s19;
	s20 =	simm.s32 $0x1;
	[dreg:$0x10] =	wrdreg s24  }
0x1e: {  	s31 =	smax.u32 s7, $0x1;
	s8 =	simm.s32 $0x4;
	[dreg:$0x11] =	wrdreg s25  }
0x1f: {  	s13 =	simm.s32 $0xC800;
	v2 =	vmov s15;
	s15 =	simm.s32 $0xD800;
	[dreg:$0x12] =	wrdreg s26  }
0x20: {  	v3 =	vlaneseq.u32;
	s16 =	simm.s32 $0xF800;
	s18 =	simm.s32 $0x0;
	[dreg:$0x13] =	wrdreg s28  }
0x21: {  	v0 =	vmov s1;
	vm0 =	vgt.u32 v1, v3;
	[dreg:$0x15] =	wrdreg s31;
	s23 =	simm.s32 $0x2;
	s25 =	simm.s32 $0x3;
	vm1 =	vgt.u32 v2, v3  }
.LBB2_1:
0x22: {  	s1 =	rddreg [dreg:$0x4]  }
0x23: {  	[tilespmem:s2], [sflag:$0x3] =	stream.linear.gather [hbm4b:s1+s2], $0x2000, $0x38;
	[tilespmem:$0x10080] =	vst v63  }
0x24: {  	s7 =	rddreg [dreg:$0x5];
	s4 =	simm.s32 $0x2000  }
0x25: {  	[tilespmem:s4], [sflag:$0x3] =	stream.linear.gather [hbm4b:s7+s2], $0x2000, $0x38;
	[tilespmem:$0x10080] =	vst v63  }
0x26: {  	_ =	swait.ge [sflag:s25], $0x2000  }
0x27: {  	[sflag:s25] =	ssyncset.done $0x0  }
0x28: {  	p0 =	por $0x0, $0x0;
	s1 =	simm.s32 $0x1;
	[sflag:s25] =	ssyncadd.s32 $0xFFFFE000  }
0x29: {  	s9 =	sand.u32 $0x40, s2;
	s1 =	simm.s32 @!p0 $0x0;
	_ =	swait.ge [sflag:s25], $0x2000  }
0x2a: {  	s5 =	sand.u32 $0x1F00, s2;
	s1 =	sshll.u32 s1, $0x6;
	[sflag:s25] =	ssyncset.done $0x0  }
0x2b: {  	s17 =	sor.u32 s9, s5;
	s1 =	sadd.s32 $0x0, s1;
	[sflag:s25] =	ssyncadd.s32 $0xFFFFE000  }
0x2c: {  	s19 =	sor.u32 $0x80, s1;
	v1 =	vld [tilespmem:s17+$0x0]  }
0x2d: {  	v2 =	vld [tilespmem:s19+$0x0];
	_ =	sdelay $0x4  }
0x2e: {  	v1 =	vshll.u32 v1, $0x9;
	v2 =	vadd.s32 v0, v2  }
0x2f: {  	v1 =	vadd.s32 v1, v2  }
0x30: {  	[tilespmem:s30+$0x0] =	vst v1  }
0x31: {  	v1 =	vld [tilespmem:s17+$0x2000]  }
0x32: {  	v2 =	vld [tilespmem:s19+$0x2000];
	_ =	sdelay $0x4  }
0x33: {  	v1 =	vshll.u32 v1, $0x9;
	v2 =	vadd.s32 v0, v2  }
0x34: {  	s10 =	sor.u32 $0x10, s9;
	v1 =	vadd.s32 v1, v2  }
0x35: {  	s21 =	sor.u32 s5, s10;
	s24 =	sadd.s32 $0x10, s1;
	[tilespmem:s0+$0x0] =	vst v1  }
0x36: {  	s19 =	sor.u32 $0x80, s24;
	v1 =	vld [tilespmem:s21+$0x0]  }
0x37: {  	v2 =	vld [tilespmem:s19+$0x0];
	_ =	sdelay $0x4  }
0x38: {  	s22 =	sand.u32 $0xF80, s2;
	v1 =	vshll.u32 v1, $0x9;
	v2 =	vadd.s32 v0, v2  }
0x39: {  	s17 =	sor.u32 s22, s10;
	v1 =	vadd.s32 v1, v2  }
0x3a: {  	[tilespmem:s17+$0x4000] =	vst v1  }
0x3b: {  	v1 =	vld [tilespmem:s21+$0x2000]  }
0x3c: {  	v2 =	vld [tilespmem:s19+$0x2000];
	_ =	sdelay $0x4  }
0x3d: {  	v1 =	vshll.u32 v1, $0x9;
	v2 =	vadd.s32 v0, v2  }
0x3e: {  	s26 =	sor.u32 $0x20, s9;
	v1 =	vadd.s32 v1, v2  }
0x3f: {  	s31 =	sor.u32 s5, s26;
	s28 =	sadd.s32 $0x20, s1;
	[tilespmem:s17+$0x5000] =	vst v1  }
0x40: {  	s21 =	sor.u32 $0x80, s28;
	v1 =	vld [tilespmem:s31+$0x0]  }
0x41: {  	v2 =	vld [tilespmem:s21+$0x0];
	_ =	sdelay $0x4  }
0x42: {  	v1 =	vshll.u32 v1, $0x9;
	v2 =	vadd.s32 v0, v2  }
0x43: {  	s19 =	sor.u32 s22, s26;
	v1 =	vadd.s32 v1, v2  }
0x44: {  	[tilespmem:s19+$0x4000] =	vst v1  }
0x45: {  	v1 =	vld [tilespmem:s31+$0x2000]  }
0x46: {  	v2 =	vld [tilespmem:s21+$0x2000];
	_ =	sdelay $0x4  }
0x47: {  	v1 =	vshll.u32 v1, $0x9;
	v2 =	vadd.s32 v0, v2  }
0x48: {  	s4 =	sor.u32 $0x30, s9;
	v1 =	vadd.s32 v1, v2  }
0x49: {  	s5 =	sor.u32 s5, s4;
	s1 =	sadd.s32 $0x30, s1;
	[tilespmem:s19+$0x5000] =	vst v1  }
0x4a: {  	s1 =	sor.u32 $0x80, s1;
	v1 =	vld [tilespmem:s5+$0x0]  }
0x4b: {  	v2 =	vld [tilespmem:s1+$0x0];
	_ =	sdelay $0x4  }
0x4c: {  	v1 =	vshll.u32 v1, $0x9;
	v2 =	vadd.s32 v0, v2  }
0x4d: {  	s4 =	sor.u32 s22, s4;
	v1 =	vadd.s32 v1, v2  }
0x4e: {  	s24 =	simm.s32 $0x0;
	s22 =	simm.s32 $0x4040;
	[tilespmem:s4+$0x4000] =	vst v1  }
0x4f: {  	s17 =	simm.s32 $0x5040;
	s21 =	simm.s32 $0x40;
	s19 =	simm.s32 $0x0;
	v1 =	vld [tilespmem:s5+$0x2000]  }
.LBB2_2:
0x50: {  	s19 =	sadd.s32 $0x4, s19;
	v2 =	vld [tilespmem:s1+$0x2000];
	s24 =	sadd.s32 $0x80, s24;
	p0 =	por !p0, !p0  }
0x51: {  	p1 =	slt.u32 s19, $0xFC;
	_ =	sdelay $0x2  }
0x52: {  	s1 =	simm.s32 $0x1;
	v1 =	vshll.u32 v1, $0x9  }
0x53: {  	s1 =	simm.s32 @!p0 $0x0;
	v2 =	vadd.s32 v0, v2  }
0x54: {  	s26 =	sand.u32 $0x1F00, s24;
	s5 =	sshll.u32 s1, $0x6;
	s1 =	sand.u32 $0x40, s21;
	v1 =	vadd.s32 v1, v2  }
0x55: {  	s5 =	sadd.s32 s5, s24;
	s6 =	sor.u32 s1, s26;
	s7 =	sor.u32 $0x10, s1;
	[tilespmem:s4+$0x5000] =	vst v1  }
0x56: {  	s9 =	sor.u32 $0x80, s5;
	s10 =	sadd.s32 $0x10, s5;
	s4 =	sadd.s32 $0x20, s5;
	v1 =	vld [tilespmem:s6+$0x0]  }
0x57: {  	s28 =	sor.u32 $0x30, s1;
	s31 =	sadd.s32 $0x30, s5;
	v2 =	vld [tilespmem:s9+$0x0];
	_ =	sdelay $0x4  }
0x58: {  	v1 =	vshll.u32 v1, $0x9;
	v2 =	vadd.s32 v0, v2  }
0x59: {  	v1 =	vadd.s32 v1, v2  }
0x5a: {  	[tilespmem:s22+$0x0] =	vst v1  }
0x5b: {  	v1 =	vld [tilespmem:s6+$0x2000]  }
0x5c: {  	v2 =	vld [tilespmem:s9+$0x2000];
	_ =	sdelay $0x3  }
0x5d: {  	v1 =	vshll.u32 v1, $0x9  }
0x5e: {  	v2 =	vadd.s32 v0, v2  }
0x5f: {  	v1 =	vadd.s32 v1, v2  }
0x60: {  	s6 =	sor.u32 s26, s7;
	[tilespmem:s17+$0x0] =	vst v1  }
0x61: {  	s9 =	sor.u32 $0x80, s10;
	v1 =	vld [tilespmem:s6+$0x0]  }
0x62: {  	v2 =	vld [tilespmem:s9+$0x0];
	_ =	sdelay $0x2  }
0x63: {  	s5 =	sand.u32 $0xF80, s21  }
0x64: {  	s7 =	sor.u32 s5, s7;
	v1 =	vshll.u32 v1, $0x9  }
0x65: {  	v2 =	vadd.s32 v0, v2  }
0x66: {  	v1 =	vadd.s32 v1, v2  }
0x67: {  	[tilespmem:s7+$0x4000] =	vst v1  }
0x68: {  	v1 =	vld [tilespmem:s6+$0x2000]  }
0x69: {  	v2 =	vld [tilespmem:s9+$0x2000];
	_ =	sdelay $0x3  }
0x6a: {  	v1 =	vshll.u32 v1, $0x9  }
0x6b: {  	v2 =	vadd.s32 v0, v2  }
0x6c: {  	s1 =	sor.u32 $0x20, s1;
	v1 =	vadd.s32 v1, v2  }
0x6d: {  	s6 =	sor.u32 s26, s1;
	[tilespmem:s7+$0x5000] =	vst v1  }
0x6e: {  	s4 =	sor.u32 $0x80, s4;
	v1 =	vld [tilespmem:s6+$0x0]  }
0x6f: {  	v2 =	vld [tilespmem:s4+$0x0];
	_ =	sdelay $0x1  }
0x70: {  	s1 =	sor.u32 s5, s1;
	_ =	sdelay $0x1  }
0x71: {  	v1 =	vshll.u32 v1, $0x9  }
0x72: {  	v2 =	vadd.s32 v0, v2  }
0x73: {  	v1 =	vadd.s32 v1, v2  }
0x74: {  	[tilespmem:s1+$0x4000] =	vst v1  }
0x75: {  	v1 =	vld [tilespmem:s6+$0x2000]  }
0x76: {  	v2 =	vld [tilespmem:s4+$0x2000];
	_ =	sdelay $0x3  }
0x77: {  	v1 =	vshll.u32 v1, $0x9  }
0x78: {  	v2 =	vadd.s32 v0, v2  }
0x79: {  	v1 =	vadd.s32 v1, v2  }
0x7a: {  	s6 =	sor.u32 s26, s28;
	[tilespmem:s1+$0x5000] =	vst v1  }
0x7b: {  	s1 =	sor.u32 $0x80, s31;
	v1 =	vld [tilespmem:s6+$0x0]  }
0x7c: {  	s4 =	sor.u32 s5, s28;
	v2 =	vld [tilespmem:s1+$0x0];
	_ =	sdelay $0x3  }
.Ltmp0:
0x7d: {  	v1 =	vshll.u32 v1, $0x9;
	(pc) =	sbr.rel @p1 .LBB2_2-.Ltmp0, $4  }
0x7e: {  	v2 =	vadd.s32 v0, v2  }
0x7f: {  	v1 =	vadd.s32 v1, v2  }
0x80: {  	[tilespmem:s4+$0x4000] =	vst v1  }
0x81: {  	s21 =	sadd.s32 $0x40, s21;
	s22 =	sadd.s32 $0x40, s22;
	s17 =	sadd.s32 $0x40, s17;
	v1 =	vld [tilespmem:s6+$0x2000]  }
0x82: {  	v2 =	vld [tilespmem:s1+$0x2000];
	_ =	sdelay $0x4  }
0x83: {  	v1 =	vshll.u32 v1, $0x9;
	v2 =	vadd.s32 v0, v2  }
0x84: {  	v1 =	vadd.s32 v1, v2  }
0x85: {  	s19 =	simm.s32 $0x0;
	s24 =	rddreg [dreg:$0x6];
	s26 =	simm.s32 $0x8000;
	[tilespmem:s4+$0x5000] =	vst v1  }
0x86: {  	[tilespmem:s26], [sflag:$0x4] =	stream.linear.gather [hbm4b:s24+s19], $0x2000, $0x38;
	[tilespmem:$0x10080] =	vst v63  }
0x87: {  	s28 =	rddreg [dreg:$0x7];
	s31 =	simm.s32 $0xA000  }
0x88: {  	[tilespmem:s31], [sflag:$0x4] =	stream.linear.gather [hbm4b:s28+s19], $0x2000, $0x38;
	[tilespmem:$0x10080] =	vst v63  }
0x89: {  	s4 =	simm.s32 $0x6000  }
0x8a: {  	[tilespmem:s4], [sflag:$0x1] =	stream.indirect.gather [hbm4b:s3+s29], $0x1, s30, s29, $0xb8;
	[tilespmem:$0x10080] =	vst v63  }
0x8b: {  	s5 =	simm.s32 $0x7000  }
0x8c: {  	[tilespmem:s5], [sflag:$0x1] =	stream.indirect.gather [hbm4b:s3+s29], $0x1, s0, s29, $0xb8;
	[tilespmem:$0x10080] =	vst v63  }
0x8d: {  	s6 =	simm.s32 $0x4800;
	s7 =	simm.s32 $0x6800  }
0x8e: {  	[tilespmem:s7], [sflag:$0x1] =	stream.indirect.gather [hbm4b:s3+s29], $0x1, s6, s29, $0xb8;
	[tilespmem:$0x10080] =	vst v63  }
0x8f: {  	s9 =	simm.s32 $0x5800;
	s10 =	simm.s32 $0x7800  }
0x90: {  	[tilespmem:s10], [sflag:$0x1] =	stream.indirect.gather [hbm4b:s3+s29], $0x1, s9, s29, $0xb8;
	[tilespmem:$0x10080] =	vst v63  }
0x91: {  	_ =	swait.ge [sflag:s8], $0x2000  }
0x92: {  	p0 =	por $0x0, $0x0;
	s1 =	simm.s32 $0x1;
	[sflag:s8] =	ssyncset.done $0x0  }
0x93: {  	s1 =	simm.s32 @!p0 $0x0;
	[sflag:s8] =	ssyncadd.s32 $0xFFFFE000  }
0x94: {  	s1 =	sshll.u32 s1, $0x6;
	_ =	swait.ge [sflag:s8], $0x2000  }
0x95: {  	s4 =	sand.u32 $0x40, s19;
	s5 =	sand.u32 $0x1F00, s19;
	[sflag:s8] =	ssyncset.done $0x0  }
0x96: {  	s1 =	sadd.s32 $0x0, s1;
	s6 =	sor.u32 s4, s5;
	[sflag:s8] =	ssyncadd.s32 $0xFFFFE000  }
0x97: {  	s7 =	sor.u32 $0x80, s1;
	v1 =	vld [tilespmem:s6+$0x8000]  }
0x98: {  	v2 =	vld [tilespmem:s7+$0x8000];
	_ =	sdelay $0x4  }
0x99: {  	v1 =	vshll.u32 v1, $0x9;
	v2 =	vadd.s32 v0, v2  }
0x9a: {  	s9 =	simm.s32 $0xC000;
	v1 =	vadd.s32 v1, v2  }
0x9b: {  	[tilespmem:s9+$0x0] =	vst v1  }
0x9c: {  	v1 =	vld [tilespmem:s6+$0xA000]  }
0x9d: {  	v2 =	vld [tilespmem:s7+$0xA000];
	_ =	sdelay $0x4  }
0x9e: {  	v1 =	vshll.u32 v1, $0x9;
	v2 =	vadd.s32 v0, v2  }
0x9f: {  	s17 =	simm.s32 $0xD000;
	s21 =	sor.u32 $0x10, s4;
	v1 =	vadd.s32 v1, v2  }
0xa0: {  	s22 =	sadd.s32 $0x10, s1;
	s24 =	sor.u32 s5, s21;
	[tilespmem:s17+$0x0] =	vst v1  }
0xa1: {  	s9 =	sor.u32 $0x80, s22;
	v1 =	vld [tilespmem:s24+$0x8000]  }
0xa2: {  	v2 =	vld [tilespmem:s9+$0x8000];
	_ =	sdelay $0x4  }
0xa3: {  	s10 =	sand.u32 $0xF80, s19;
	v1 =	vshll.u32 v1, $0x9;
	v2 =	vadd.s32 v0, v2  }
0xa4: {  	s7 =	sor.u32 s10, s21;
	v1 =	vadd.s32 v1, v2  }
0xa5: {  	[tilespmem:s7+$0xC000] =	vst v1  }
0xa6: {  	v1 =	vld [tilespmem:s24+$0xA000]  }
0xa7: {  	v2 =	vld [tilespmem:s9+$0xA000];
	_ =	sdelay $0x4  }
0xa8: {  	v1 =	vshll.u32 v1, $0x9;
	v2 =	vadd.s32 v0, v2  }
0xa9: {  	s26 =	sor.u32 $0x20, s4;
	v1 =	vadd.s32 v1, v2  }
0xaa: {  	s28 =	sadd.s32 $0x20, s1;
	s31 =	sor.u32 s5, s26;
	[tilespmem:s7+$0xD000] =	vst v1  }
0xab: {  	s9 =	sor.u32 $0x80, s28;
	v1 =	vld [tilespmem:s31+$0x8000]  }
0xac: {  	v2 =	vld [tilespmem:s9+$0x8000];
	_ =	sdelay $0x4  }
0xad: {  	v1 =	vshll.u32 v1, $0x9;
	v2 =	vadd.s32 v0, v2  }
0xae: {  	s6 =	sor.u32 s10, s26;
	v1 =	vadd.s32 v1, v2  }
0xaf: {  	[tilespmem:s6+$0xC000] =	vst v1  }
0xb0: {  	v1 =	vld [tilespmem:s31+$0xA000]  }
0xb1: {  	v2 =	vld [tilespmem:s9+$0xA000];
	_ =	sdelay $0x4  }
0xb2: {  	v1 =	vshll.u32 v1, $0x9;
	v2 =	vadd.s32 v0, v2  }
0xb3: {  	s4 =	sor.u32 $0x30, s4;
	v1 =	vadd.s32 v1, v2  }
0xb4: {  	s1 =	sadd.s32 $0x30, s1;
	s5 =	sor.u32 s5, s4;
	[tilespmem:s6+$0xD000] =	vst v1  }
0xb5: {  	s1 =	sor.u32 $0x80, s1;
	v1 =	vld [tilespmem:s5+$0x8000]  }
0xb6: {  	v2 =	vld [tilespmem:s1+$0x8000];
	_ =	sdelay $0x4  }
0xb7: {  	v1 =	vshll.u32 v1, $0x9;
	v2 =	vadd.s32 v0, v2  }
0xb8: {  	s4 =	sor.u32 s10, s4;
	v1 =	vadd.s32 v1, v2  }
0xb9: {  	s22 =	simm.s32 $0x40;
	[tilespmem:s4+$0xC000] =	vst v1  }
0xba: {  	s21 =	simm.s32 $0x0;
	s17 =	simm.s32 $0xC040;
	s24 =	simm.s32 $0xD040;
	v1 =	vld [tilespmem:s5+$0xA000]  }
.LBB2_4:
0xbb: {  	s21 =	sadd.s32 $0x4, s21;
	v2 =	vld [tilespmem:s1+$0xA000];
	s19 =	sadd.s32 $0x80, s19;
	p0 =	por !p0, !p0  }
0xbc: {  	p1 =	slt.u32 s21, $0xFC;
	_ =	sdelay $0x2  }
0xbd: {  	s1 =	simm.s32 $0x1;
	v1 =	vshll.u32 v1, $0x9  }
0xbe: {  	s1 =	simm.s32 @!p0 $0x0;
	v2 =	vadd.s32 v0, v2  }
0xbf: {  	s26 =	sand.u32 $0x1F00, s19;
	s5 =	sshll.u32 s1, $0x6;
	s1 =	sand.u32 $0x40, s22;
	v1 =	vadd.s32 v1, v2  }
0xc0: {  	s5 =	sadd.s32 s5, s19;
	s6 =	sor.u32 s1, s26;
	s7 =	sor.u32 $0x10, s1;
	[tilespmem:s4+$0xD000] =	vst v1  }
0xc1: {  	s9 =	sor.u32 $0x80, s5;
	s10 =	sadd.s32 $0x10, s5;
	s4 =	sadd.s32 $0x20, s5;
	v1 =	vld [tilespmem:s6+$0x8000]  }
0xc2: {  	s28 =	sor.u32 $0x30, s1;
	s31 =	sadd.s32 $0x30, s5;
	v2 =	vld [tilespmem:s9+$0x8000];
	_ =	sdelay $0x4  }
0xc3: {  	v1 =	vshll.u32 v1, $0x9;
	v2 =	vadd.s32 v0, v2  }
0xc4: {  	v1 =	vadd.s32 v1, v2  }
0xc5: {  	[tilespmem:s17+$0x0] =	vst v1  }
0xc6: {  	v1 =	vld [tilespmem:s6+$0xA000]  }
0xc7: {  	v2 =	vld [tilespmem:s9+$0xA000];
	_ =	sdelay $0x3  }
0xc8: {  	v1 =	vshll.u32 v1, $0x9  }
0xc9: {  	v2 =	vadd.s32 v0, v2  }
0xca: {  	v1 =	vadd.s32 v1, v2  }
0xcb: {  	s6 =	sor.u32 s26, s7;
	[tilespmem:s24+$0x0] =	vst v1  }
0xcc: {  	s9 =	sor.u32 $0x80, s10;
	v1 =	vld [tilespmem:s6+$0x8000]  }
0xcd: {  	v2 =	vld [tilespmem:s9+$0x8000];
	_ =	sdelay $0x2  }
0xce: {  	s5 =	sand.u32 $0xF80, s22  }
0xcf: {  	s7 =	sor.u32 s5, s7;
	v1 =	vshll.u32 v1, $0x9  }
0xd0: {  	v2 =	vadd.s32 v0, v2  }
0xd1: {  	v1 =	vadd.s32 v1, v2  }
0xd2: {  	[tilespmem:s7+$0xC000] =	vst v1  }
0xd3: {  	v1 =	vld [tilespmem:s6+$0xA000]  }
0xd4: {  	v2 =	vld [tilespmem:s9+$0xA000];
	_ =	sdelay $0x3  }
0xd5: {  	v1 =	vshll.u32 v1, $0x9  }
0xd6: {  	v2 =	vadd.s32 v0, v2  }
0xd7: {  	s1 =	sor.u32 $0x20, s1;
	v1 =	vadd.s32 v1, v2  }
0xd8: {  	s6 =	sor.u32 s26, s1;
	[tilespmem:s7+$0xD000] =	vst v1  }
0xd9: {  	s4 =	sor.u32 $0x80, s4;
	v1 =	vld [tilespmem:s6+$0x8000]  }
0xda: {  	v2 =	vld [tilespmem:s4+$0x8000];
	_ =	sdelay $0x1  }
0xdb: {  	s1 =	sor.u32 s5, s1;
	_ =	sdelay $0x1  }
0xdc: {  	v1 =	vshll.u32 v1, $0x9  }
0xdd: {  	v2 =	vadd.s32 v0, v2  }
0xde: {  	v1 =	vadd.s32 v1, v2  }
0xdf: {  	[tilespmem:s1+$0xC000] =	vst v1  }
0xe0: {  	v1 =	vld [tilespmem:s6+$0xA000]  }
0xe1: {  	v2 =	vld [tilespmem:s4+$0xA000];
	_ =	sdelay $0x3  }
0xe2: {  	v1 =	vshll.u32 v1, $0x9  }
0xe3: {  	v2 =	vadd.s32 v0, v2  }
0xe4: {  	v1 =	vadd.s32 v1, v2  }
0xe5: {  	s6 =	sor.u32 s26, s28;
	[tilespmem:s1+$0xD000] =	vst v1  }
0xe6: {  	s1 =	sor.u32 $0x80, s31;
	v1 =	vld [tilespmem:s6+$0x8000]  }
0xe7: {  	s4 =	sor.u32 s5, s28;
	v2 =	vld [tilespmem:s1+$0x8000];
	_ =	sdelay $0x3  }
.Ltmp1:
0xe8: {  	v1 =	vshll.u32 v1, $0x9;
	(pc) =	sbr.rel @p1 .LBB2_4-.Ltmp1, $4  }
0xe9: {  	v2 =	vadd.s32 v0, v2  }
0xea: {  	v1 =	vadd.s32 v1, v2  }
0xeb: {  	[tilespmem:s4+$0xC000] =	vst v1  }
0xec: {  	s22 =	sadd.s32 $0x40, s22;
	s17 =	sadd.s32 $0x40, s17;
	s24 =	sadd.s32 $0x40, s24;
	v1 =	vld [tilespmem:s6+$0xA000]  }
0xed: {  	v2 =	vld [tilespmem:s1+$0xA000];
	_ =	sdelay $0x4  }
0xee: {  	v1 =	vshll.u32 v1, $0x9;
	v2 =	vadd.s32 v0, v2  }
0xef: {  	v1 =	vadd.s32 v1, v2  }
0xf0: {  	s17 =	simm.s32 $0xC000;
	s19 =	simm.s32 $0xE000;
	[tilespmem:s4+$0xD000] =	vst v1  }
0xf1: {  	[tilespmem:s19], [sflag:$0x2] =	stream.indirect.gather [hbm4b:s3+s29], $0x1, s17, s29, $0xb8;
	[tilespmem:$0x10080] =	vst v63  }
0xf2: {  	_ = 	snop  }
0xf3: {  	[tilespmem:s12], [sflag:$0x2] =	stream.indirect.gather [hbm4b:s3+s29], $0x1, s11, s29, $0xb8;
	[tilespmem:$0x10080] =	vst v63  }
0xf4: {  	_ = 	snop  }
0xf5: {  	[tilespmem:s14], [sflag:$0x2] =	stream.indirect.gather [hbm4b:s3+s29], $0x1, s13, s29, $0xb8;
	[tilespmem:$0x10080] =	vst v63  }
0xf6: {  	_ = 	snop  }
0xf7: {  	[tilespmem:s16], [sflag:$0x2] =	stream.indirect.gather [hbm4b:s3+s29], $0x1, s15, s29, $0xb8;
	[tilespmem:$0x10080] =	vst v63  }
0xf8: {  	_ =	swait.ge [sflag:s20], $0x800  }
0xf9: {  	[sflag:s20] =	ssyncset.done $0x0  }
0xfa: {  	[sflag:s20] =	ssyncadd.s32 $0xFFFFF800  }
0xfb: {  	_ =	swait.ge [sflag:s20], $0x800  }
0xfc: {  	[sflag:s20] =	ssyncset.done $0x0  }
0xfd: {  	[sflag:s20] =	ssyncadd.s32 $0xFFFFF800  }
0xfe: {  	_ =	swait.ge [sflag:s20], $0x800  }
0xff: {  	[sflag:s20] =	ssyncset.done $0x0  }
0x100: {  	[sflag:s20] =	ssyncadd.s32 $0xFFFFF800  }
0x101: {  	_ =	swait.ge [sflag:s20], $0x800  }
0x102: {  	[sflag:s20] =	ssyncset.done $0x0  }
0x103: {  	s21 =	rddreg [dreg:$0x8];
	[sflag:s20] =	ssyncadd.s32 $0xFFFFF800  }
0x104: {  	[tilespmem:s2], [sflag:$0x3] =	stream.linear.gather [hbm4b:s21+s2], $0x2000, $0x38;
	[tilespmem:$0x10080] =	vst v63  }
0x105: {  	s24 =	simm.s32 $0x2000;
	s26 =	simm.s32 $0x6020;
	s22 =	rddreg [dreg:$0x9]  }
0x106: {  	[tilespmem:s24], [sflag:$0x3] =	stream.linear.gather [hbm4b:s22+s2], $0x2000, $0x38;
	[tilespmem:$0x10080] =	vst v63  }
0x107: {  	s28 =	simm.s32 $0x7020;
	v1 =	vld [tilespmem:s26+$0xFFFFFFE0]  }
0x108: {  	v2 =	vld [tilespmem:s28+$0xFFFFFFE0]  }
0x109: {  	v3 =	vld [tilespmem:s26+$0xFFFFFFF0]  }
0x10a: {  	v4 =	vld [tilespmem:s28+$0xFFFFFFF0]  }
0x10b: {  	v5 =	vld [tilespmem:s26+$0x0]  }
0x10c: {  	v6 =	vld [tilespmem:s28+$0x0]  }
0x10d: {  	v7 =	vld [tilespmem:s26+$0x10];
	v1 =	vsub.f32 v1, v2  }
0x10e: {  	s31 =	simm.s32 $0x6060;
	v2 =	vld [tilespmem:s28+$0x10]  }
0x10f: {  	s1 =	simm.s32 $0x7060;
	v8 =	vld [tilespmem:s31+$0xFFFFFFE0];
	v4 =	vsub.f32 v3, v4;
	v1 =	vmul.f32 v1, v1  }
0x110: {  	v10 =	vimm.f32 $0.0e+00;
	v9 =	vld [tilespmem:s1+$0xFFFFFFE0]  }
0x111: {  	v3 =	vld [tilespmem:s31+$0xFFFFFFF0];
	v5 =	vsub.f32 v5, v6;
	v4 =	vmul.f32 v4, v4;
	v10 =	vadd.f32 v1, v10  }
0x112: {  	v6 =	vld [tilespmem:s1+$0xFFFFFFF0]  }
0x113: {  	v5 =	vmul.f32 v5, v5;
	v1 =	vld [tilespmem:s31+$0x0];
	v11 =	vsub.f32 v7, v2;
	v10 =	vadd.f32 v4, v10  }
0x114: {  	v4 =	vld [tilespmem:s1+$0x0]  }
0x115: {  	v8 =	vsub.f32 v8, v9;
	v2 =	vld [tilespmem:s31+$0x10];
	v9 =	vmul.f32 v11, v11;
	v7 =	vadd.f32 v5, v10  }
0x116: {  	s5 =	simm.s32 $0x60A0;
	s4 =	simm.s32 $0x4;
	v5 =	vld [tilespmem:s1+$0x10]  }
.LBB2_6:
0x117: {  	v10 =	vld [tilespmem:s5+$0xFFFFFFE0];
	v8 =	vmul.f32 v8, v8;
	v6 =	vsub.f32 v3, v6;
	s1 =	sadd.s32 $0x40, s1;
	v7 =	vadd.f32 v9, v7  }
0x118: {  	s4 =	sadd.s32 $0x4, s4;
	v9 =	vld [tilespmem:s1+$0xFFFFFFE0]  }
0x119: {  	p0 =	slt.u32 s4, $0xFC;
	v3 =	vld [tilespmem:s5+$0xFFFFFFF0];
	v7 =	vadd.f32 v8, v7;
	v8 =	vmul.f32 v6, v6;
	v4 =	vsub.f32 v1, v4  }
.Ltmp2:
0x11a: {  	v6 =	vld [tilespmem:s1+$0xFFFFFFF0];
	(pc) =	sbr.rel @p0 .LBB2_6-.Ltmp2, $4  }
0x11b: {  	v1 =	vld [tilespmem:s5+$0x0];
	v7 =	vadd.f32 v8, v7;
	v11 =	vmul.f32 v4, v4;
	v5 =	vsub.f32 v2, v5  }
0x11c: {  	v4 =	vld [tilespmem:s1+$0x0]  }
0x11d: {  	v8 =	vsub.f32 v10, v9;
	v2 =	vld [tilespmem:s5+$0x10];
	v7 =	vadd.f32 v11, v7;
	v9 =	vmul.f32 v5, v5  }
0x11e: {  	s5 =	sadd.s32 $0x40, s5;
	v5 =	vld [tilespmem:s1+$0x10]  }
0x11f: {  	_ =	swait.ge [sflag:s25], $0x2000  }
0x120: {  	p0 =	por $0x0, $0x0;
	[sflag:s25] =	ssyncset.done $0x0  }
0x121: {  	s1 =	simm.s32 $0x1;
	s19 =	simm.s32 $0x0;
	[sflag:s25] =	ssyncadd.s32 $0xFFFFE000  }
0x122: {  	s1 =	simm.s32 @!p0 $0x0;
	s4 =	sand.u32 $0x40, s19;
	_ =	swait.ge [sflag:s25], $0x2000  }
0x123: {  	s5 =	sand.u32 $0x1F00, s19;
	s1 =	sshll.u32 s1, $0x6;
	[sflag:s25] =	ssyncset.done $0x0  }
0x124: {  	s6 =	sor.u32 s4, s5;
	s1 =	sadd.s32 $0x0, s1;
	[sflag:s25] =	ssyncadd.s32 $0xFFFFE000  }
0x125: {  	s7 =	sor.u32 $0x80, s1;
	v10 =	vld [tilespmem:s6+$0x0]  }
0x126: {  	v11 =	vld [tilespmem:s7+$0x0];
	_ =	sdelay $0x4  }
0x127: {  	v10 =	vshll.u32 v10, $0x9;
	v11 =	vadd.s32 v0, v11  }
0x128: {  	s9 =	simm.s32 $0x4000;
	v10 =	vadd.s32 v10, v11  }
0x129: {  	[tilespmem:s9+$0x0] =	vst v10  }
0x12a: {  	v10 =	vld [tilespmem:s6+$0x2000]  }
0x12b: {  	v55 =	vld [tilespmem:s7+$0x2000];
	_ =	sdelay $0x4  }
0x12c: {  	v10 =	vshll.u32 v10, $0x9;
	v11 =	vadd.s32 v0, v55  }
0x12d: {  	s17 =	simm.s32 $0x5000;
	s21 =	sor.u32 $0x10, s4;
	v10 =	vadd.s32 v10, v11  }
0x12e: {  	s24 =	sor.u32 s5, s21;
	s22 =	sadd.s32 $0x10, s1;
	[tilespmem:s17+$0x0] =	vst v10  }
0x12f: {  	s9 =	sor.u32 $0x80, s22;
	v10 =	vld [tilespmem:s24+$0x0]  }
0x130: {  	v56 =	vld [tilespmem:s9+$0x0];
	_ =	sdelay $0x4  }
0x131: {  	s10 =	sand.u32 $0xF80, s19;
	v10 =	vshll.u32 v10, $0x9;
	v11 =	vadd.s32 v0, v56  }
0x132: {  	s7 =	sor.u32 s10, s21;
	v10 =	vadd.s32 v10, v11  }
0x133: {  	[tilespmem:s7+$0x4000] =	vst v10  }
0x134: {  	v10 =	vld [tilespmem:s24+$0x2000]  }
0x135: {  	v57 =	vld [tilespmem:s9+$0x2000];
	_ =	sdelay $0x4  }
0x136: {  	v10 =	vshll.u32 v10, $0x9;
	v11 =	vadd.s32 v0, v57  }
0x137: {  	s26 =	sor.u32 $0x20, s4;
	v10 =	vadd.s32 v10, v11  }
0x138: {  	s31 =	sor.u32 s5, s26;
	s28 =	sadd.s32 $0x20, s1;
	[tilespmem:s7+$0x5000] =	vst v10  }
0x139: {  	s9 =	sor.u32 $0x80, s28;
	v10 =	vld [tilespmem:s31+$0x0]  }
0x13a: {  	v58 =	vld [tilespmem:s9+$0x0];
	_ =	sdelay $0x4  }
0x13b: {  	v10 =	vshll.u32 v10, $0x9;
	v11 =	vadd.s32 v0, v58  }
0x13c: {  	s6 =	sor.u32 s10, s26;
	v10 =	vadd.s32 v10, v11  }
0x13d: {  	[tilespmem:s6+$0x4000] =	vst v10  }
0x13e: {  	v10 =	vld [tilespmem:s31+$0x2000]  }
0x13f: {  	v59 =	vld [tilespmem:s9+$0x2000];
	_ =	sdelay $0x4  }
0x140: {  	v10 =	vshll.u32 v10, $0x9;
	v11 =	vadd.s32 v0, v59  }
0x141: {  	s4 =	sor.u32 $0x30, s4;
	v10 =	vadd.s32 v10, v11  }
0x142: {  	s5 =	sor.u32 s5, s4;
	s1 =	sadd.s32 $0x30, s1;
	[tilespmem:s6+$0x5000] =	vst v10  }
0x143: {  	s1 =	sor.u32 $0x80, s1;
	v10 =	vld [tilespmem:s5+$0x0]  }
0x144: {  	v3 =	vsub.f32 v3, v6;
	v60 =	vmul.f32 v8, v8;
	v7 =	vadd.f32 v9, v7;
	v61 =	vld [tilespmem:s1+$0x0];
	_ =	sdelay $0x1  }
0x145: {  	v6 =	vadd.f32 v60, v7;
	v3 =	vmul.f32 v3, v3;
	v1 =	vsub.f32 v1, v4;
	_ =	sdelay $0x1  }
0x146: {  	v3 =	vadd.f32 v3, v6;
	v1 =	vmul.f32 v1, v1;
	v2 =	vsub.f32 v2, v5  }
0x147: {  	v62 =	vshll.u32 v10, $0x9;
	v63 =	vadd.s32 v0, v61  }
0x148: {  	s4 =	sor.u32 s10, s4;
	v1 =	vadd.f32 v1, v3;
	v2 =	vmul.f32 v2, v2;
	v3 =	vadd.s32 v62, v63  }
0x149: {  	s22 =	simm.s32 $0x40;
	[tilespmem:s4+$0x4000] =	vst v3  }
0x14a: {  	v1 =	vadd.f32 v2, v1;
	s21 =	simm.s32 $0x0;
	s17 =	simm.s32 $0x4040;
	s24 =	simm.s32 $0x5040;
	v2 =	vld [tilespmem:s5+$0x2000]  }
.LBB2_8:
0x14b: {  	s21 =	sadd.s32 $0x4, s21;
	v3 =	vld [tilespmem:s1+$0x2000];
	s19 =	sadd.s32 $0x80, s19;
	p0 =	por !p0, !p0  }
0x14c: {  	p1 =	slt.u32 s21, $0xFC;
	_ =	sdelay $0x2  }
0x14d: {  	s1 =	simm.s32 $0x1;
	v2 =	vshll.u32 v2, $0x9  }
0x14e: {  	s1 =	simm.s32 @!p0 $0x0;
	v3 =	vadd.s32 v0, v3  }
0x14f: {  	s26 =	sand.u32 $0x1F00, s19;
	s5 =	sshll.u32 s1, $0x6;
	s1 =	sand.u32 $0x40, s22;
	v2 =	vadd.s32 v2, v3  }
0x150: {  	s5 =	sadd.s32 s5, s19;
	s6 =	sor.u32 s1, s26;
	s7 =	sor.u32 $0x10, s1;
	[tilespmem:s4+$0x5000] =	vst v2  }
0x151: {  	s9 =	sor.u32 $0x80, s5;
	s10 =	sadd.s32 $0x10, s5;
	s4 =	sadd.s32 $0x20, s5;
	v2 =	vld [tilespmem:s6+$0x0]  }
0x152: {  	s28 =	sor.u32 $0x30, s1;
	s31 =	sadd.s32 $0x30, s5;
	v3 =	vld [tilespmem:s9+$0x0];
	_ =	sdelay $0x4  }
0x153: {  	v2 =	vshll.u32 v2, $0x9;
	v3 =	vadd.s32 v0, v3  }
0x154: {  	v2 =	vadd.s32 v2, v3  }
0x155: {  	[tilespmem:s17+$0x0] =	vst v2  }
0x156: {  	v2 =	vld [tilespmem:s6+$0x2000]  }
0x157: {  	v3 =	vld [tilespmem:s9+$0x2000];
	_ =	sdelay $0x3  }
0x158: {  	v2 =	vshll.u32 v2, $0x9  }
0x159: {  	v3 =	vadd.s32 v0, v3  }
0x15a: {  	v2 =	vadd.s32 v2, v3  }
0x15b: {  	s6 =	sor.u32 s26, s7;
	[tilespmem:s24+$0x0] =	vst v2  }
0x15c: {  	s9 =	sor.u32 $0x80, s10;
	v2 =	vld [tilespmem:s6+$0x0]  }
0x15d: {  	v3 =	vld [tilespmem:s9+$0x0];
	_ =	sdelay $0x2  }
0x15e: {  	s5 =	sand.u32 $0xF80, s22  }
0x15f: {  	s7 =	sor.u32 s5, s7;
	v2 =	vshll.u32 v2, $0x9  }
0x160: {  	v3 =	vadd.s32 v0, v3  }
0x161: {  	v2 =	vadd.s32 v2, v3  }
0x162: {  	[tilespmem:s7+$0x4000] =	vst v2  }
0x163: {  	v2 =	vld [tilespmem:s6+$0x2000]  }
0x164: {  	v3 =	vld [tilespmem:s9+$0x2000];
	_ =	sdelay $0x3  }
0x165: {  	v2 =	vshll.u32 v2, $0x9  }
0x166: {  	v3 =	vadd.s32 v0, v3  }
0x167: {  	s1 =	sor.u32 $0x20, s1;
	v2 =	vadd.s32 v2, v3  }
0x168: {  	s6 =	sor.u32 s26, s1;
	[tilespmem:s7+$0x5000] =	vst v2  }
0x169: {  	s4 =	sor.u32 $0x80, s4;
	v2 =	vld [tilespmem:s6+$0x0]  }
0x16a: {  	v3 =	vld [tilespmem:s4+$0x0];
	_ =	sdelay $0x1  }
0x16b: {  	s1 =	sor.u32 s5, s1;
	_ =	sdelay $0x1  }
0x16c: {  	v2 =	vshll.u32 v2, $0x9  }
0x16d: {  	v3 =	vadd.s32 v0, v3  }
0x16e: {  	v2 =	vadd.s32 v2, v3  }
0x16f: {  	[tilespmem:s1+$0x4000] =	vst v2  }
0x170: {  	v2 =	vld [tilespmem:s6+$0x2000]  }
0x171: {  	v3 =	vld [tilespmem:s4+$0x2000];
	_ =	sdelay $0x3  }
0x172: {  	v2 =	vshll.u32 v2, $0x9  }
0x173: {  	v3 =	vadd.s32 v0, v3  }
0x174: {  	v2 =	vadd.s32 v2, v3  }
0x175: {  	s6 =	sor.u32 s26, s28;
	[tilespmem:s1+$0x5000] =	vst v2  }
0x176: {  	s1 =	sor.u32 $0x80, s31;
	v2 =	vld [tilespmem:s6+$0x0]  }
0x177: {  	s4 =	sor.u32 s5, s28;
	v3 =	vld [tilespmem:s1+$0x0];
	_ =	sdelay $0x3  }
.Ltmp3:
0x178: {  	v2 =	vshll.u32 v2, $0x9;
	(pc) =	sbr.rel @p1 .LBB2_8-.Ltmp3, $4  }
0x179: {  	v3 =	vadd.s32 v0, v3  }
0x17a: {  	v2 =	vadd.s32 v2, v3  }
0x17b: {  	[tilespmem:s4+$0x4000] =	vst v2  }
0x17c: {  	s22 =	sadd.s32 $0x40, s22;
	s17 =	sadd.s32 $0x40, s17;
	s24 =	sadd.s32 $0x40, s24;
	v2 =	vld [tilespmem:s6+$0x2000]  }
0x17d: {  	v3 =	vld [tilespmem:s1+$0x2000];
	_ =	sdelay $0x4  }
0x17e: {  	v2 =	vshll.u32 v2, $0x9;
	v3 =	vadd.s32 v0, v3  }
0x17f: {  	v2 =	vadd.s32 v2, v3  }
0x180: {  	s5 =	simm.s32 $0x6000;
	[tilespmem:s4+$0x5000] =	vst v2  }
0x181: {  	[tilespmem:s5], [sflag:$0x1] =	stream.indirect.gather [hbm4b:s3+s29], $0x1, s30, s29, $0xb8;
	[tilespmem:$0x10080] =	vst v63  }
0x182: {  	s6 =	simm.s32 $0x7000  }
0x183: {  	[tilespmem:s6], [sflag:$0x1] =	stream.indirect.gather [hbm4b:s3+s29], $0x1, s0, s29, $0xb8;
	[tilespmem:$0x10080] =	vst v63  }
0x184: {  	s7 =	simm.s32 $0x4800;
	s9 =	simm.s32 $0x6800  }
0x185: {  	[tilespmem:s9], [sflag:$0x1] =	stream.indirect.gather [hbm4b:s3+s29], $0x1, s7, s29, $0xb8;
	[tilespmem:$0x10080] =	vst v63  }
0x186: {  	s10 =	simm.s32 $0x5800;
	s17 =	simm.s32 $0x7800  }
0x187: {  	[tilespmem:s17], [sflag:$0x1] =	stream.indirect.gather [hbm4b:s3+s29], $0x1, s10, s29, $0xb8;
	[tilespmem:$0x10080] =	vst v63  }
0x188: {  	_ =	swait.ge [sflag:s23], $0x800  }
0x189: {  	[sflag:s23] =	ssyncset.done $0x0  }
0x18a: {  	[sflag:s23] =	ssyncadd.s32 $0xFFFFF800  }
0x18b: {  	_ =	swait.ge [sflag:s23], $0x800  }
0x18c: {  	[sflag:s23] =	ssyncset.done $0x0  }
0x18d: {  	[sflag:s23] =	ssyncadd.s32 $0xFFFFF800  }
0x18e: {  	_ =	swait.ge [sflag:s23], $0x800  }
0x18f: {  	[sflag:s23] =	ssyncset.done $0x0  }
0x190: {  	[sflag:s23] =	ssyncadd.s32 $0xFFFFF800  }
0x191: {  	_ =	swait.ge [sflag:s23], $0x800  }
0x192: {  	[sflag:s23] =	ssyncset.done $0x0  }
0x193: {  	s21 =	simm.s32 $0x8000;
	s19 =	rddreg [dreg:$0xa];
	[sflag:s23] =	ssyncadd.s32 $0xFFFFF800  }
0x194: {  	[tilespmem:s21], [sflag:$0x4] =	stream.linear.gather [hbm4b:s19+s2], $0x2000, $0x38;
	[tilespmem:$0x10080] =	vst v63  }
0x195: {  	s24 =	simm.s32 $0xA000;
	s26 =	simm.s32 $0xE020;
	s22 =	rddreg [dreg:$0xb]  }
0x196: {  	[tilespmem:s24], [sflag:$0x4] =	stream.linear.gather [hbm4b:s22+s2], $0x2000, $0x38;
	[tilespmem:$0x10080] =	vst v63  }
0x197: {  	s28 =	simm.s32 $0xF020;
	v2 =	vld [tilespmem:s26+$0xFFFFFFE0]  }
0x198: {  	v3 =	vld [tilespmem:s28+$0xFFFFFFE0]  }
0x199: {  	v4 =	vld [tilespmem:s26+$0xFFFFFFF0]  }
0x19a: {  	v5 =	vld [tilespmem:s28+$0xFFFFFFF0]  }
0x19b: {  	v6 =	vld [tilespmem:s26+$0x0]  }
0x19c: {  	v7 =	vld [tilespmem:s28+$0x0]  }
0x19d: {  	v8 =	vld [tilespmem:s26+$0x10];
	v2 =	vsub.f32 v2, v3  }
0x19e: {  	s31 =	simm.s32 $0xE060;
	v9 =	vld [tilespmem:s28+$0x10]  }
0x19f: {  	s1 =	simm.s32 $0xF060;
	v10 =	vld [tilespmem:s31+$0xFFFFFFE0];
	v4 =	vsub.f32 v4, v5;
	v2 =	vmul.f32 v2, v2  }
0x1a0: {  	v5 =	vld [tilespmem:s1+$0xFFFFFFE0]  }
0x1a1: {  	v3 =	vld [tilespmem:s31+$0xFFFFFFF0];
	v7 =	vsub.f32 v6, v7;
	v4 =	vmul.f32 v4, v4;
	v2 =	vadd.f32 v2, v1  }
0x1a2: {  	v6 =	vld [tilespmem:s1+$0xFFFFFFF0]  }
0x1a3: {  	v9 =	vsub.f32 v8, v9;
	v7 =	vmul.f32 v7, v7;
	v1 =	vld [tilespmem:s31+$0x0];
	v11 =	vadd.f32 v4, v2  }
0x1a4: {  	v4 =	vld [tilespmem:s1+$0x0]  }
0x1a5: {  	v9 =	vmul.f32 v9, v9;
	v8 =	vsub.f32 v10, v5;
	v5 =	vld [tilespmem:s1+$0x10];
	v7 =	vadd.f32 v7, v11  }
0x1a6: {  	s4 =	simm.s32 $0x4;
	s5 =	simm.s32 $0xE0A0;
	v2 =	vld [tilespmem:s31+$0x10]  }
.LBB2_10:
0x1a7: {  	v10 =	vld [tilespmem:s5+$0xFFFFFFE0];
	v8 =	vmul.f32 v8, v8;
	v6 =	vsub.f32 v3, v6;
	s1 =	sadd.s32 $0x40, s1;
	v7 =	vadd.f32 v9, v7  }
0x1a8: {  	s4 =	sadd.s32 $0x4, s4;
	v9 =	vld [tilespmem:s1+$0xFFFFFFE0]  }
0x1a9: {  	p0 =	slt.u32 s4, $0xFC;
	v3 =	vld [tilespmem:s5+$0xFFFFFFF0];
	v7 =	vadd.f32 v8, v7;
	v8 =	vmul.f32 v6, v6;
	v4 =	vsub.f32 v1, v4  }
.Ltmp4:
0x1aa: {  	v6 =	vld [tilespmem:s1+$0xFFFFFFF0];
	(pc) =	sbr.rel @p0 .LBB2_10-.Ltmp4, $4  }
0x1ab: {  	v1 =	vld [tilespmem:s5+$0x0];
	v7 =	vadd.f32 v8, v7;
	v11 =	vmul.f32 v4, v4;
	v5 =	vsub.f32 v2, v5  }
0x1ac: {  	v4 =	vld [tilespmem:s1+$0x0]  }
0x1ad: {  	v8 =	vsub.f32 v10, v9;
	v2 =	vld [tilespmem:s5+$0x10];
	v7 =	vadd.f32 v11, v7;
	v9 =	vmul.f32 v5, v5  }
0x1ae: {  	s5 =	sadd.s32 $0x40, s5;
	v5 =	vld [tilespmem:s1+$0x10]  }
0x1af: {  	_ =	swait.ge [sflag:s8], $0x2000  }
0x1b0: {  	p0 =	por $0x0, $0x0;
	[sflag:s8] =	ssyncset.done $0x0  }
0x1b1: {  	s1 =	simm.s32 $0x1;
	s19 =	simm.s32 $0x0;
	[sflag:s8] =	ssyncadd.s32 $0xFFFFE000  }
0x1b2: {  	s1 =	simm.s32 @!p0 $0x0;
	s4 =	sand.u32 $0x40, s19;
	_ =	swait.ge [sflag:s8], $0x2000  }
0x1b3: {  	s5 =	sand.u32 $0x1F00, s19;
	s1 =	sshll.u32 s1, $0x6;
	[sflag:s8] =	ssyncset.done $0x0  }
0x1b4: {  	s6 =	sor.u32 s4, s5;
	s1 =	sadd.s32 $0x0, s1;
	[sflag:s8] =	ssyncadd.s32 $0xFFFFE000  }
0x1b5: {  	s7 =	sor.u32 $0x80, s1;
	v10 =	vld [tilespmem:s6+$0x8000]  }
0x1b6: {  	v11 =	vld [tilespmem:s7+$0x8000];
	_ =	sdelay $0x4  }
0x1b7: {  	v10 =	vshll.u32 v10, $0x9;
	v11 =	vadd.s32 v0, v11  }
0x1b8: {  	s9 =	simm.s32 $0xC000;
	v10 =	vadd.s32 v10, v11  }
0x1b9: {  	[tilespmem:s9+$0x0] =	vst v10  }
0x1ba: {  	v10 =	vld [tilespmem:s6+$0xA000]  }
0x1bb: {  	v55 =	vld [tilespmem:s7+$0xA000];
	_ =	sdelay $0x4  }
0x1bc: {  	v10 =	vshll.u32 v10, $0x9;
	v11 =	vadd.s32 v0, v55  }
0x1bd: {  	s17 =	simm.s32 $0xD000;
	s21 =	sor.u32 $0x10, s4;
	v10 =	vadd.s32 v10, v11  }
0x1be: {  	s24 =	sor.u32 s5, s21;
	s22 =	sadd.s32 $0x10, s1;
	[tilespmem:s17+$0x0] =	vst v10  }
0x1bf: {  	s9 =	sor.u32 $0x80, s22;
	v10 =	vld [tilespmem:s24+$0x8000]  }
0x1c0: {  	v56 =	vld [tilespmem:s9+$0x8000];
	_ =	sdelay $0x4  }
0x1c1: {  	s10 =	sand.u32 $0xF80, s19;
	v10 =	vshll.u32 v10, $0x9;
	v11 =	vadd.s32 v0, v56  }
0x1c2: {  	s7 =	sor.u32 s10, s21;
	v10 =	vadd.s32 v10, v11  }
0x1c3: {  	[tilespmem:s7+$0xC000] =	vst v10  }
0x1c4: {  	v10 =	vld [tilespmem:s24+$0xA000]  }
0x1c5: {  	v57 =	vld [tilespmem:s9+$0xA000];
	_ =	sdelay $0x4  }
0x1c6: {  	v10 =	vshll.u32 v10, $0x9;
	v11 =	vadd.s32 v0, v57  }
0x1c7: {  	s26 =	sor.u32 $0x20, s4;
	v10 =	vadd.s32 v10, v11  }
0x1c8: {  	s31 =	sor.u32 s5, s26;
	s28 =	sadd.s32 $0x20, s1;
	[tilespmem:s7+$0xD000] =	vst v10  }
0x1c9: {  	s9 =	sor.u32 $0x80, s28;
	v10 =	vld [tilespmem:s31+$0x8000]  }
0x1ca: {  	v58 =	vld [tilespmem:s9+$0x8000];
	_ =	sdelay $0x4  }
0x1cb: {  	v10 =	vshll.u32 v10, $0x9;
	v11 =	vadd.s32 v0, v58  }
0x1cc: {  	s6 =	sor.u32 s10, s26;
	v10 =	vadd.s32 v10, v11  }
0x1cd: {  	[tilespmem:s6+$0xC000] =	vst v10  }
0x1ce: {  	v10 =	vld [tilespmem:s31+$0xA000]  }
0x1cf: {  	v59 =	vld [tilespmem:s9+$0xA000];
	_ =	sdelay $0x4  }
0x1d0: {  	v10 =	vshll.u32 v10, $0x9;
	v11 =	vadd.s32 v0, v59  }
0x1d1: {  	s4 =	sor.u32 $0x30, s4;
	v10 =	vadd.s32 v10, v11  }
0x1d2: {  	s5 =	sor.u32 s5, s4;
	s1 =	sadd.s32 $0x30, s1;
	[tilespmem:s6+$0xD000] =	vst v10  }
0x1d3: {  	s1 =	sor.u32 $0x80, s1;
	v10 =	vld [tilespmem:s5+$0x8000]  }
0x1d4: {  	v3 =	vsub.f32 v3, v6;
	v60 =	vmul.f32 v8, v8;
	v7 =	vadd.f32 v9, v7;
	v61 =	vld [tilespmem:s1+$0x8000];
	_ =	sdelay $0x1  }
0x1d5: {  	v6 =	vadd.f32 v60, v7;
	v3 =	vmul.f32 v3, v3;
	v1 =	vsub.f32 v1, v4;
	_ =	sdelay $0x1  }
0x1d6: {  	v3 =	vadd.f32 v3, v6;
	v1 =	vmul.f32 v1, v1;
	v2 =	vsub.f32 v2, v5  }
0x1d7: {  	v62 =	vshll.u32 v10, $0x9;
	v63 =	vadd.s32 v0, v61  }
0x1d8: {  	s4 =	sor.u32 s10, s4;
	v1 =	vadd.f32 v1, v3;
	v2 =	vmul.f32 v2, v2;
	v3 =	vadd.s32 v62, v63  }
0x1d9: {  	s22 =	simm.s32 $0x40;
	[tilespmem:s4+$0xC000] =	vst v3  }
0x1da: {  	v1 =	vadd.f32 v2, v1;
	s21 =	simm.s32 $0x0;
	s17 =	simm.s32 $0xC040;
	s24 =	simm.s32 $0xD040;
	v2 =	vld [tilespmem:s5+$0xA000]  }
.LBB2_12:
0x1db: {  	s21 =	sadd.s32 $0x4, s21;
	v3 =	vld [tilespmem:s1+$0xA000];
	s19 =	sadd.s32 $0x80, s19;
	p0 =	por !p0, !p0  }
0x1dc: {  	p1 =	slt.u32 s21, $0xFC;
	_ =	sdelay $0x2  }
0x1dd: {  	s1 =	simm.s32 $0x1;
	v2 =	vshll.u32 v2, $0x9  }
0x1de: {  	s1 =	simm.s32 @!p0 $0x0;
	v3 =	vadd.s32 v0, v3  }
0x1df: {  	s26 =	sand.u32 $0x1F00, s19;
	s5 =	sshll.u32 s1, $0x6;
	s1 =	sand.u32 $0x40, s22;
	v2 =	vadd.s32 v2, v3  }
0x1e0: {  	s5 =	sadd.s32 s5, s19;
	s6 =	sor.u32 s1, s26;
	s7 =	sor.u32 $0x10, s1;
	[tilespmem:s4+$0xD000] =	vst v2  }
0x1e1: {  	s9 =	sor.u32 $0x80, s5;
	s10 =	sadd.s32 $0x10, s5;
	s4 =	sadd.s32 $0x20, s5;
	v2 =	vld [tilespmem:s6+$0x8000]  }
0x1e2: {  	s28 =	sor.u32 $0x30, s1;
	s31 =	sadd.s32 $0x30, s5;
	v3 =	vld [tilespmem:s9+$0x8000];
	_ =	sdelay $0x4  }
0x1e3: {  	v2 =	vshll.u32 v2, $0x9;
	v3 =	vadd.s32 v0, v3  }
0x1e4: {  	v2 =	vadd.s32 v2, v3  }
0x1e5: {  	[tilespmem:s17+$0x0] =	vst v2  }
0x1e6: {  	v2 =	vld [tilespmem:s6+$0xA000]  }
0x1e7: {  	v3 =	vld [tilespmem:s9+$0xA000];
	_ =	sdelay $0x3  }
0x1e8: {  	v2 =	vshll.u32 v2, $0x9  }
0x1e9: {  	v3 =	vadd.s32 v0, v3  }
0x1ea: {  	v2 =	vadd.s32 v2, v3  }
0x1eb: {  	s6 =	sor.u32 s26, s7;
	[tilespmem:s24+$0x0] =	vst v2  }
0x1ec: {  	s9 =	sor.u32 $0x80, s10;
	v2 =	vld [tilespmem:s6+$0x8000]  }
0x1ed: {  	v3 =	vld [tilespmem:s9+$0x8000];
	_ =	sdelay $0x2  }
0x1ee: {  	s5 =	sand.u32 $0xF80, s22  }
0x1ef: {  	s7 =	sor.u32 s5, s7;
	v2 =	vshll.u32 v2, $0x9  }
0x1f0: {  	v3 =	vadd.s32 v0, v3  }
0x1f1: {  	v2 =	vadd.s32 v2, v3  }
0x1f2: {  	[tilespmem:s7+$0xC000] =	vst v2  }
0x1f3: {  	v2 =	vld [tilespmem:s6+$0xA000]  }
0x1f4: {  	v3 =	vld [tilespmem:s9+$0xA000];
	_ =	sdelay $0x3  }
0x1f5: {  	v2 =	vshll.u32 v2, $0x9  }
0x1f6: {  	v3 =	vadd.s32 v0, v3  }
0x1f7: {  	s1 =	sor.u32 $0x20, s1;
	v2 =	vadd.s32 v2, v3  }
0x1f8: {  	s6 =	sor.u32 s26, s1;
	[tilespmem:s7+$0xD000] =	vst v2  }
0x1f9: {  	s4 =	sor.u32 $0x80, s4;
	v2 =	vld [tilespmem:s6+$0x8000]  }
0x1fa: {  	v3 =	vld [tilespmem:s4+$0x8000];
	_ =	sdelay $0x1  }
0x1fb: {  	s1 =	sor.u32 s5, s1;
	_ =	sdelay $0x1  }
0x1fc: {  	v2 =	vshll.u32 v2, $0x9  }
0x1fd: {  	v3 =	vadd.s32 v0, v3  }
0x1fe: {  	v2 =	vadd.s32 v2, v3  }
0x1ff: {  	[tilespmem:s1+$0xC000] =	vst v2  }
0x200: {  	v2 =	vld [tilespmem:s6+$0xA000]  }
0x201: {  	v3 =	vld [tilespmem:s4+$0xA000];
	_ =	sdelay $0x3  }
0x202: {  	v2 =	vshll.u32 v2, $0x9  }
0x203: {  	v3 =	vadd.s32 v0, v3  }
0x204: {  	v2 =	vadd.s32 v2, v3  }
0x205: {  	s6 =	sor.u32 s26, s28;
	[tilespmem:s1+$0xD000] =	vst v2  }
0x206: {  	s1 =	sor.u32 $0x80, s31;
	v2 =	vld [tilespmem:s6+$0x8000]  }
0x207: {  	s4 =	sor.u32 s5, s28;
	v3 =	vld [tilespmem:s1+$0x8000];
	_ =	sdelay $0x3  }
.Ltmp5:
0x208: {  	v2 =	vshll.u32 v2, $0x9;
	(pc) =	sbr.rel @p1 .LBB2_12-.Ltmp5, $4  }
0x209: {  	v3 =	vadd.s32 v0, v3  }
0x20a: {  	v2 =	vadd.s32 v2, v3  }
0x20b: {  	[tilespmem:s4+$0xC000] =	vst v2  }
0x20c: {  	s22 =	sadd.s32 $0x40, s22;
	s17 =	sadd.s32 $0x40, s17;
	s24 =	sadd.s32 $0x40, s24;
	v2 =	vld [tilespmem:s6+$0xA000]  }
0x20d: {  	v3 =	vld [tilespmem:s1+$0xA000];
	_ =	sdelay $0x4  }
0x20e: {  	v2 =	vshll.u32 v2, $0x9;
	v3 =	vadd.s32 v0, v3  }
0x20f: {  	v2 =	vadd.s32 v2, v3  }
0x210: {  	s17 =	simm.s32 $0xC000;
	s19 =	simm.s32 $0xE000;
	[tilespmem:s4+$0xD000] =	vst v2  }
0x211: {  	[tilespmem:s19], [sflag:$0x2] =	stream.indirect.gather [hbm4b:s3+s29], $0x1, s17, s29, $0xb8;
	[tilespmem:$0x10080] =	vst v63  }
0x212: {  	_ = 	snop  }
0x213: {  	[tilespmem:s12], [sflag:$0x2] =	stream.indirect.gather [hbm4b:s3+s29], $0x1, s11, s29, $0xb8;
	[tilespmem:$0x10080] =	vst v63  }
0x214: {  	_ = 	snop  }
0x215: {  	[tilespmem:s14], [sflag:$0x2] =	stream.indirect.gather [hbm4b:s3+s29], $0x1, s13, s29, $0xb8;
	[tilespmem:$0x10080] =	vst v63  }
0x216: {  	_ = 	snop  }
0x217: {  	[tilespmem:s16], [sflag:$0x2] =	stream.indirect.gather [hbm4b:s3+s29], $0x1, s15, s29, $0xb8;
	[tilespmem:$0x10080] =	vst v63  }
0x218: {  	_ =	swait.ge [sflag:s20], $0x800  }
0x219: {  	[sflag:s20] =	ssyncset.done $0x0  }
0x21a: {  	[sflag:s20] =	ssyncadd.s32 $0xFFFFF800  }
0x21b: {  	_ =	swait.ge [sflag:s20], $0x800  }
0x21c: {  	[sflag:s20] =	ssyncset.done $0x0  }
0x21d: {  	[sflag:s20] =	ssyncadd.s32 $0xFFFFF800  }
0x21e: {  	_ =	swait.ge [sflag:s20], $0x800  }
0x21f: {  	[sflag:s20] =	ssyncset.done $0x0  }
0x220: {  	[sflag:s20] =	ssyncadd.s32 $0xFFFFF800  }
0x221: {  	_ =	swait.ge [sflag:s20], $0x800  }
0x222: {  	[sflag:s20] =	ssyncset.done $0x0  }
0x223: {  	s21 =	rddreg [dreg:$0xc];
	[sflag:s20] =	ssyncadd.s32 $0xFFFFF800  }
0x224: {  	[tilespmem:s2], [sflag:$0x3] =	stream.linear.gather [hbm4b:s21+s2], $0x2000, $0x38;
	[tilespmem:$0x10080] =	vst v63  }
0x225: {  	s24 =	simm.s32 $0x2000;
	s26 =	simm.s32 $0x6020;
	s22 =	rddreg [dreg:$0xd]  }
0x226: {  	[tilespmem:s24], [sflag:$0x3] =	stream.linear.gather [hbm4b:s22+s2], $0x2000, $0x38;
	[tilespmem:$0x10080] =	vst v63  }
0x227: {  	s28 =	simm.s32 $0x7020;
	v2 =	vld [tilespmem:s26+$0xFFFFFFE0]  }
0x228: {  	v3 =	vld [tilespmem:s28+$0xFFFFFFE0]  }
0x229: {  	v4 =	vld [tilespmem:s26+$0xFFFFFFF0]  }
0x22a: {  	v5 =	vld [tilespmem:s28+$0xFFFFFFF0]  }
0x22b: {  	v6 =	vld [tilespmem:s26+$0x0]  }
0x22c: {  	v7 =	vld [tilespmem:s28+$0x0]  }
0x22d: {  	v8 =	vld [tilespmem:s26+$0x10];
	v2 =	vsub.f32 v2, v3  }
0x22e: {  	s31 =	simm.s32 $0x6060;
	v9 =	vld [tilespmem:s28+$0x10]  }
0x22f: {  	s1 =	simm.s32 $0x7060;
	v10 =	vld [tilespmem:s31+$0xFFFFFFE0];
	v4 =	vsub.f32 v4, v5;
	v2 =	vmul.f32 v2, v2  }
0x230: {  	v5 =	vld [tilespmem:s1+$0xFFFFFFE0]  }
0x231: {  	v3 =	vld [tilespmem:s31+$0xFFFFFFF0];
	v7 =	vsub.f32 v6, v7;
	v4 =	vmul.f32 v4, v4;
	v2 =	vadd.f32 v2, v1  }
0x232: {  	v6 =	vld [tilespmem:s1+$0xFFFFFFF0]  }
0x233: {  	v9 =	vsub.f32 v8, v9;
	v7 =	vmul.f32 v7, v7;
	v1 =	vld [tilespmem:s31+$0x0];
	v11 =	vadd.f32 v4, v2  }
0x234: {  	v4 =	vld [tilespmem:s1+$0x0]  }
0x235: {  	v9 =	vmul.f32 v9, v9;
	v8 =	vsub.f32 v10, v5;
	v5 =	vld [tilespmem:s1+$0x10];
	v7 =	vadd.f32 v7, v11  }
0x236: {  	s5 =	simm.s32 $0x60A0;
	s4 =	simm.s32 $0x4;
	v2 =	vld [tilespmem:s31+$0x10]  }
.LBB2_14:
0x237: {  	v10 =	vld [tilespmem:s5+$0xFFFFFFE0];
	v8 =	vmul.f32 v8, v8;
	v6 =	vsub.f32 v3, v6;
	s1 =	sadd.s32 $0x40, s1;
	v7 =	vadd.f32 v9, v7  }
0x238: {  	s4 =	sadd.s32 $0x4, s4;
	v9 =	vld [tilespmem:s1+$0xFFFFFFE0]  }
0x239: {  	p0 =	slt.u32 s4, $0xFC;
	v3 =	vld [tilespmem:s5+$0xFFFFFFF0];
	v7 =	vadd.f32 v8, v7;
	v8 =	vmul.f32 v6, v6;
	v4 =	vsub.f32 v1, v4  }
.Ltmp6:
0x23a: {  	v6 =	vld [tilespmem:s1+$0xFFFFFFF0];
	(pc) =	sbr.rel @p0 .LBB2_14-.Ltmp6, $4  }
0x23b: {  	v1 =	vld [tilespmem:s5+$0x0];
	v7 =	vadd.f32 v8, v7;
	v11 =	vmul.f32 v4, v4;
	v5 =	vsub.f32 v2, v5  }
0x23c: {  	v4 =	vld [tilespmem:s1+$0x0]  }
0x23d: {  	v8 =	vsub.f32 v10, v9;
	v2 =	vld [tilespmem:s5+$0x10];
	v7 =	vadd.f32 v11, v7;
	v9 =	vmul.f32 v5, v5  }
0x23e: {  	s5 =	sadd.s32 $0x40, s5;
	v5 =	vld [tilespmem:s1+$0x10]  }
0x23f: {  	_ =	swait.ge [sflag:s25], $0x2000  }
0x240: {  	p0 =	por $0x0, $0x0;
	[sflag:s25] =	ssyncset.done $0x0  }
0x241: {  	s1 =	simm.s32 $0x1;
	s19 =	simm.s32 $0x0;
	[sflag:s25] =	ssyncadd.s32 $0xFFFFE000  }
0x242: {  	s1 =	simm.s32 @!p0 $0x0;
	s4 =	sand.u32 $0x40, s19;
	_ =	swait.ge [sflag:s25], $0x2000  }
0x243: {  	s5 =	sand.u32 $0x1F00, s19;
	s1 =	sshll.u32 s1, $0x6;
	[sflag:s25] =	ssyncset.done $0x0  }
0x244: {  	s6 =	sor.u32 s4, s5;
	s1 =	sadd.s32 $0x0, s1;
	[sflag:s25] =	ssyncadd.s32 $0xFFFFE000  }
0x245: {  	s7 =	sor.u32 $0x80, s1;
	v10 =	vld [tilespmem:s6+$0x0]  }
0x246: {  	v11 =	vld [tilespmem:s7+$0x0];
	_ =	sdelay $0x4  }
0x247: {  	v10 =	vshll.u32 v10, $0x9;
	v11 =	vadd.s32 v0, v11  }
0x248: {  	s9 =	simm.s32 $0x4000;
	v10 =	vadd.s32 v10, v11  }
0x249: {  	[tilespmem:s9+$0x0] =	vst v10  }
0x24a: {  	v10 =	vld [tilespmem:s6+$0x2000]  }
0x24b: {  	v55 =	vld [tilespmem:s7+$0x2000];
	_ =	sdelay $0x4  }
0x24c: {  	v10 =	vshll.u32 v10, $0x9;
	v11 =	vadd.s32 v0, v55  }
0x24d: {  	s17 =	simm.s32 $0x5000;
	s21 =	sor.u32 $0x10, s4;
	v10 =	vadd.s32 v10, v11  }
0x24e: {  	s24 =	sor.u32 s5, s21;
	s22 =	sadd.s32 $0x10, s1;
	[tilespmem:s17+$0x0] =	vst v10  }
0x24f: {  	s9 =	sor.u32 $0x80, s22;
	v10 =	vld [tilespmem:s24+$0x0]  }
0x250: {  	v56 =	vld [tilespmem:s9+$0x0];
	_ =	sdelay $0x4  }
0x251: {  	s10 =	sand.u32 $0xF80, s19;
	v10 =	vshll.u32 v10, $0x9;
	v11 =	vadd.s32 v0, v56  }
0x252: {  	s7 =	sor.u32 s10, s21;
	v10 =	vadd.s32 v10, v11  }
0x253: {  	[tilespmem:s7+$0x4000] =	vst v10  }
0x254: {  	v10 =	vld [tilespmem:s24+$0x2000]  }
0x255: {  	v57 =	vld [tilespmem:s9+$0x2000];
	_ =	sdelay $0x4  }
0x256: {  	v10 =	vshll.u32 v10, $0x9;
	v11 =	vadd.s32 v0, v57  }
0x257: {  	s26 =	sor.u32 $0x20, s4;
	v10 =	vadd.s32 v10, v11  }
0x258: {  	s31 =	sor.u32 s5, s26;
	s28 =	sadd.s32 $0x20, s1;
	[tilespmem:s7+$0x5000] =	vst v10  }
0x259: {  	s9 =	sor.u32 $0x80, s28;
	v10 =	vld [tilespmem:s31+$0x0]  }
0x25a: {  	v58 =	vld [tilespmem:s9+$0x0];
	_ =	sdelay $0x4  }
0x25b: {  	v10 =	vshll.u32 v10, $0x9;
	v11 =	vadd.s32 v0, v58  }
0x25c: {  	s6 =	sor.u32 s10, s26;
	v10 =	vadd.s32 v10, v11  }
0x25d: {  	[tilespmem:s6+$0x4000] =	vst v10  }
0x25e: {  	v10 =	vld [tilespmem:s31+$0x2000]  }
0x25f: {  	v59 =	vld [tilespmem:s9+$0x2000];
	_ =	sdelay $0x4  }
0x260: {  	v10 =	vshll.u32 v10, $0x9;
	v11 =	vadd.s32 v0, v59  }
0x261: {  	s4 =	sor.u32 $0x30, s4;
	v10 =	vadd.s32 v10, v11  }
0x262: {  	s5 =	sor.u32 s5, s4;
	s1 =	sadd.s32 $0x30, s1;
	[tilespmem:s6+$0x5000] =	vst v10  }
0x263: {  	s1 =	sor.u32 $0x80, s1;
	v10 =	vld [tilespmem:s5+$0x0]  }
0x264: {  	v3 =	vsub.f32 v3, v6;
	v60 =	vmul.f32 v8, v8;
	v7 =	vadd.f32 v9, v7;
	v61 =	vld [tilespmem:s1+$0x0];
	_ =	sdelay $0x1  }
0x265: {  	v6 =	vadd.f32 v60, v7;
	v3 =	vmul.f32 v3, v3;
	v1 =	vsub.f32 v1, v4;
	_ =	sdelay $0x1  }
0x266: {  	v3 =	vadd.f32 v3, v6;
	v1 =	vmul.f32 v1, v1;
	v2 =	vsub.f32 v2, v5  }
0x267: {  	v62 =	vshll.u32 v10, $0x9;
	v63 =	vadd.s32 v0, v61  }
0x268: {  	s4 =	sor.u32 s10, s4;
	v1 =	vadd.f32 v1, v3;
	v2 =	vmul.f32 v2, v2;
	v3 =	vadd.s32 v62, v63  }
0x269: {  	s22 =	simm.s32 $0x40;
	[tilespmem:s4+$0x4000] =	vst v3  }
0x26a: {  	v1 =	vadd.f32 v2, v1;
	s21 =	simm.s32 $0x0;
	s17 =	simm.s32 $0x4040;
	s24 =	simm.s32 $0x5040;
	v2 =	vld [tilespmem:s5+$0x2000]  }
.LBB2_16:
0x26b: {  	s21 =	sadd.s32 $0x4, s21;
	v3 =	vld [tilespmem:s1+$0x2000];
	s19 =	sadd.s32 $0x80, s19;
	p0 =	por !p0, !p0  }
0x26c: {  	p1 =	slt.u32 s21, $0xFC;
	_ =	sdelay $0x2  }
0x26d: {  	s1 =	simm.s32 $0x1;
	v2 =	vshll.u32 v2, $0x9  }
0x26e: {  	s1 =	simm.s32 @!p0 $0x0;
	v3 =	vadd.s32 v0, v3  }
0x26f: {  	s26 =	sand.u32 $0x1F00, s19;
	s5 =	sshll.u32 s1, $0x6;
	s1 =	sand.u32 $0x40, s22;
	v2 =	vadd.s32 v2, v3  }
0x270: {  	s5 =	sadd.s32 s5, s19;
	s6 =	sor.u32 s1, s26;
	s7 =	sor.u32 $0x10, s1;
	[tilespmem:s4+$0x5000] =	vst v2  }
0x271: {  	s9 =	sor.u32 $0x80, s5;
	s10 =	sadd.s32 $0x10, s5;
	s4 =	sadd.s32 $0x20, s5;
	v2 =	vld [tilespmem:s6+$0x0]  }
0x272: {  	s28 =	sor.u32 $0x30, s1;
	s31 =	sadd.s32 $0x30, s5;
	v3 =	vld [tilespmem:s9+$0x0];
	_ =	sdelay $0x4  }
0x273: {  	v2 =	vshll.u32 v2, $0x9;
	v3 =	vadd.s32 v0, v3  }
0x274: {  	v2 =	vadd.s32 v2, v3  }
0x275: {  	[tilespmem:s17+$0x0] =	vst v2  }
0x276: {  	v2 =	vld [tilespmem:s6+$0x2000]  }
0x277: {  	v3 =	vld [tilespmem:s9+$0x2000];
	_ =	sdelay $0x3  }
0x278: {  	v2 =	vshll.u32 v2, $0x9  }
0x279: {  	v3 =	vadd.s32 v0, v3  }
0x27a: {  	v2 =	vadd.s32 v2, v3  }
0x27b: {  	s6 =	sor.u32 s26, s7;
	[tilespmem:s24+$0x0] =	vst v2  }
0x27c: {  	s9 =	sor.u32 $0x80, s10;
	v2 =	vld [tilespmem:s6+$0x0]  }
0x27d: {  	v3 =	vld [tilespmem:s9+$0x0];
	_ =	sdelay $0x2  }
0x27e: {  	s5 =	sand.u32 $0xF80, s22  }
0x27f: {  	s7 =	sor.u32 s5, s7;
	v2 =	vshll.u32 v2, $0x9  }
0x280: {  	v3 =	vadd.s32 v0, v3  }
0x281: {  	v2 =	vadd.s32 v2, v3  }
0x282: {  	[tilespmem:s7+$0x4000] =	vst v2  }
0x283: {  	v2 =	vld [tilespmem:s6+$0x2000]  }
0x284: {  	v3 =	vld [tilespmem:s9+$0x2000];
	_ =	sdelay $0x3  }
0x285: {  	v2 =	vshll.u32 v2, $0x9  }
0x286: {  	v3 =	vadd.s32 v0, v3  }
0x287: {  	s1 =	sor.u32 $0x20, s1;
	v2 =	vadd.s32 v2, v3  }
0x288: {  	s6 =	sor.u32 s26, s1;
	[tilespmem:s7+$0x5000] =	vst v2  }
0x289: {  	s4 =	sor.u32 $0x80, s4;
	v2 =	vld [tilespmem:s6+$0x0]  }
0x28a: {  	v3 =	vld [tilespmem:s4+$0x0];
	_ =	sdelay $0x1  }
0x28b: {  	s1 =	sor.u32 s5, s1;
	_ =	sdelay $0x1  }
0x28c: {  	v2 =	vshll.u32 v2, $0x9  }
0x28d: {  	v3 =	vadd.s32 v0, v3  }
0x28e: {  	v2 =	vadd.s32 v2, v3  }
0x28f: {  	[tilespmem:s1+$0x4000] =	vst v2  }
0x290: {  	v2 =	vld [tilespmem:s6+$0x2000]  }
0x291: {  	v3 =	vld [tilespmem:s4+$0x2000];
	_ =	sdelay $0x3  }
0x292: {  	v2 =	vshll.u32 v2, $0x9  }
0x293: {  	v3 =	vadd.s32 v0, v3  }
0x294: {  	v2 =	vadd.s32 v2, v3  }
0x295: {  	s6 =	sor.u32 s26, s28;
	[tilespmem:s1+$0x5000] =	vst v2  }
0x296: {  	s1 =	sor.u32 $0x80, s31;
	v2 =	vld [tilespmem:s6+$0x0]  }
0x297: {  	s4 =	sor.u32 s5, s28;
	v3 =	vld [tilespmem:s1+$0x0];
	_ =	sdelay $0x3  }
.Ltmp7:
0x298: {  	v2 =	vshll.u32 v2, $0x9;
	(pc) =	sbr.rel @p1 .LBB2_16-.Ltmp7, $4  }
0x299: {  	v3 =	vadd.s32 v0, v3  }
0x29a: {  	v2 =	vadd.s32 v2, v3  }
0x29b: {  	[tilespmem:s4+$0x4000] =	vst v2  }
0x29c: {  	s22 =	sadd.s32 $0x40, s22;
	s17 =	sadd.s32 $0x40, s17;
	s24 =	sadd.s32 $0x40, s24;
	v2 =	vld [tilespmem:s6+$0x2000]  }
0x29d: {  	v3 =	vld [tilespmem:s1+$0x2000];
	_ =	sdelay $0x4  }
0x29e: {  	v2 =	vshll.u32 v2, $0x9;
	v3 =	vadd.s32 v0, v3  }
0x29f: {  	v2 =	vadd.s32 v2, v3  }
0x2a0: {  	s5 =	simm.s32 $0x6000;
	[tilespmem:s4+$0x5000] =	vst v2  }
0x2a1: {  	[tilespmem:s5], [sflag:$0x1] =	stream.indirect.gather [hbm4b:s3+s29], $0x1, s30, s29, $0xb8;
	[tilespmem:$0x10080] =	vst v63  }
0x2a2: {  	s6 =	simm.s32 $0x7000  }
0x2a3: {  	[tilespmem:s6], [sflag:$0x1] =	stream.indirect.gather [hbm4b:s3+s29], $0x1, s0, s29, $0xb8;
	[tilespmem:$0x10080] =	vst v63  }
0x2a4: {  	s7 =	simm.s32 $0x4800;
	s9 =	simm.s32 $0x6800  }
0x2a5: {  	[tilespmem:s9], [sflag:$0x1] =	stream.indirect.gather [hbm4b:s3+s29], $0x1, s7, s29, $0xb8;
	[tilespmem:$0x10080] =	vst v63  }
0x2a6: {  	s10 =	simm.s32 $0x5800;
	s17 =	simm.s32 $0x7800  }
0x2a7: {  	[tilespmem:s17], [sflag:$0x1] =	stream.indirect.gather [hbm4b:s3+s29], $0x1, s10, s29, $0xb8;
	[tilespmem:$0x10080] =	vst v63  }
0x2a8: {  	_ =	swait.ge [sflag:s23], $0x800  }
0x2a9: {  	[sflag:s23] =	ssyncset.done $0x0  }
0x2aa: {  	[sflag:s23] =	ssyncadd.s32 $0xFFFFF800  }
0x2ab: {  	_ =	swait.ge [sflag:s23], $0x800  }
0x2ac: {  	[sflag:s23] =	ssyncset.done $0x0  }
0x2ad: {  	[sflag:s23] =	ssyncadd.s32 $0xFFFFF800  }
0x2ae: {  	_ =	swait.ge [sflag:s23], $0x800  }
0x2af: {  	[sflag:s23] =	ssyncset.done $0x0  }
0x2b0: {  	[sflag:s23] =	ssyncadd.s32 $0xFFFFF800  }
0x2b1: {  	_ =	swait.ge [sflag:s23], $0x800  }
0x2b2: {  	[sflag:s23] =	ssyncset.done $0x0  }
0x2b3: {  	s21 =	simm.s32 $0x8000;
	s19 =	rddreg [dreg:$0xe];
	[sflag:s23] =	ssyncadd.s32 $0xFFFFF800  }
0x2b4: {  	[tilespmem:s21], [sflag:$0x4] =	stream.linear.gather [hbm4b:s19+s2], $0x2000, $0x38;
	[tilespmem:$0x10080] =	vst v63  }
0x2b5: {  	s24 =	simm.s32 $0xA000;
	s26 =	simm.s32 $0xE020;
	s22 =	rddreg [dreg:$0xf]  }
0x2b6: {  	[tilespmem:s24], [sflag:$0x4] =	stream.linear.gather [hbm4b:s22+s2], $0x2000, $0x38;
	[tilespmem:$0x10080] =	vst v63  }
0x2b7: {  	s28 =	simm.s32 $0xF020;
	v2 =	vld [tilespmem:s26+$0xFFFFFFE0]  }
0x2b8: {  	v3 =	vld [tilespmem:s28+$0xFFFFFFE0]  }
0x2b9: {  	v4 =	vld [tilespmem:s26+$0xFFFFFFF0]  }
0x2ba: {  	v5 =	vld [tilespmem:s28+$0xFFFFFFF0]  }
0x2bb: {  	v6 =	vld [tilespmem:s26+$0x0]  }
0x2bc: {  	v7 =	vld [tilespmem:s28+$0x0]  }
0x2bd: {  	v9 =	vld [tilespmem:s26+$0x10];
	v2 =	vsub.f32 v2, v3  }
0x2be: {  	s31 =	simm.s32 $0xE060;
	v10 =	vld [tilespmem:s28+$0x10]  }
0x2bf: {  	s1 =	simm.s32 $0xF060;
	v11 =	vld [tilespmem:s31+$0xFFFFFFE0];
	v3 =	vsub.f32 v4, v5;
	v2 =	vmul.f32 v2, v2  }
0x2c0: {  	v12 =	vld [tilespmem:s1+$0xFFFFFFE0]  }
0x2c1: {  	v8 =	vld [tilespmem:s1+$0xFFFFFFF0];
	v4 =	vsub.f32 v6, v7;
	v1 =	vadd.f32 v2, v1;
	v2 =	vmul.f32 v3, v3  }
0x2c2: {  	v5 =	vld [tilespmem:s31+$0xFFFFFFF0]  }
0x2c3: {  	v7 =	vsub.f32 v9, v10;
	v6 =	vld [tilespmem:s1+$0x0];
	v1 =	vadd.f32 v2, v1;
	v2 =	vmul.f32 v4, v4  }
0x2c4: {  	v3 =	vld [tilespmem:s31+$0x0]  }
0x2c5: {  	v10 =	vsub.f32 v11, v12;
	v11 =	vmul.f32 v7, v7;
	v7 =	vld [tilespmem:s1+$0x10];
	v9 =	vadd.f32 v2, v1  }
0x2c6: {  	s4 =	simm.s32 $0x4;
	s5 =	simm.s32 $0xE0A0;
	v4 =	vld [tilespmem:s31+$0x10]  }
.LBB2_18:
0x2c7: {  	v1 =	vld [tilespmem:s5+$0xFFFFFFE0];
	v2 =	vmul.f32 v10, v10;
	v8 =	vsub.f32 v5, v8;
	s1 =	sadd.s32 $0x40, s1;
	v9 =	vadd.f32 v11, v9  }
0x2c8: {  	s4 =	sadd.s32 $0x4, s4;
	v10 =	vld [tilespmem:s1+$0xFFFFFFE0]  }
0x2c9: {  	p0 =	slt.u32 s4, $0xFC;
	v5 =	vld [tilespmem:s5+$0xFFFFFFF0];
	v2 =	vadd.f32 v2, v9;
	v9 =	vmul.f32 v8, v8;
	v6 =	vsub.f32 v3, v6  }
.Ltmp8:
0x2ca: {  	v8 =	vld [tilespmem:s1+$0xFFFFFFF0];
	(pc) =	sbr.rel @p0 .LBB2_18-.Ltmp8, $4  }
0x2cb: {  	v3 =	vld [tilespmem:s5+$0x0];
	v2 =	vadd.f32 v9, v2;
	v9 =	vmul.f32 v6, v6;
	v7 =	vsub.f32 v4, v7  }
0x2cc: {  	v6 =	vld [tilespmem:s1+$0x0]  }
0x2cd: {  	v10 =	vsub.f32 v1, v10;
	v4 =	vld [tilespmem:s5+$0x10];
	v9 =	vadd.f32 v9, v2;
	v11 =	vmul.f32 v7, v7  }
0x2ce: {  	s5 =	sadd.s32 $0x40, s5;
	v7 =	vld [tilespmem:s1+$0x10]  }
0x2cf: {  	v1 =	vld [tilespmem:$0xE000]  }
0x2d0: {  	v2 =	vld [tilespmem:$0xF000];
	_ =	swait.ge [sflag:s8], $0x2000  }
0x2d1: {  	p0 =	por $0x0, $0x0;
	[sflag:s8] =	ssyncset.done $0x0  }
0x2d2: {  	s1 =	simm.s32 $0x1;
	s19 =	simm.s32 $0x0;
	[sflag:s8] =	ssyncadd.s32 $0xFFFFE000  }
0x2d3: {  	s1 =	simm.s32 @!p0 $0x0;
	s4 =	sand.u32 $0x40, s19;
	_ =	swait.ge [sflag:s8], $0x2000  }
0x2d4: {  	s5 =	sand.u32 $0x1F00, s19;
	s1 =	sshll.u32 s1, $0x6;
	[sflag:s8] =	ssyncset.done $0x0  }
0x2d5: {  	s6 =	sor.u32 s4, s5;
	s1 =	sadd.s32 $0x0, s1;
	[sflag:s8] =	ssyncadd.s32 $0xFFFFE000  }
0x2d6: {  	s7 =	sor.u32 $0x80, s1;
	v12 =	vld [tilespmem:s6+$0x8000]  }
0x2d7: {  	v13 =	vld [tilespmem:s7+$0x8000];
	_ =	sdelay $0x4  }
0x2d8: {  	v12 =	vshll.u32 v12, $0x9;
	v13 =	vadd.s32 v0, v13  }
0x2d9: {  	s9 =	simm.s32 $0xC000;
	v12 =	vadd.s32 v12, v13  }
0x2da: {  	[tilespmem:s9+$0x0] =	vst v12  }
0x2db: {  	v12 =	vld [tilespmem:s6+$0xA000]  }
0x2dc: {  	v57 =	vld [tilespmem:s7+$0xA000];
	_ =	sdelay $0x4  }
0x2dd: {  	v12 =	vshll.u32 v12, $0x9;
	v13 =	vadd.s32 v0, v57  }
0x2de: {  	s17 =	simm.s32 $0xD000;
	s21 =	sor.u32 $0x10, s4;
	v12 =	vadd.s32 v12, v13  }
0x2df: {  	s24 =	sor.u32 s5, s21;
	s22 =	sadd.s32 $0x10, s1;
	[tilespmem:s17+$0x0] =	vst v12  }
0x2e0: {  	s9 =	sor.u32 $0x80, s22;
	v12 =	vld [tilespmem:s24+$0x8000]  }
0x2e1: {  	v58 =	vld [tilespmem:s9+$0x8000];
	_ =	sdelay $0x4  }
0x2e2: {  	s10 =	sand.u32 $0xF80, s19;
	v12 =	vshll.u32 v12, $0x9;
	v13 =	vadd.s32 v0, v58  }
0x2e3: {  	s7 =	sor.u32 s10, s21;
	v12 =	vadd.s32 v12, v13  }
0x2e4: {  	[tilespmem:s7+$0xC000] =	vst v12  }
0x2e5: {  	v12 =	vld [tilespmem:s24+$0xA000]  }
0x2e6: {  	v59 =	vld [tilespmem:s9+$0xA000];
	_ =	sdelay $0x4  }
0x2e7: {  	v12 =	vshll.u32 v12, $0x9;
	v13 =	vadd.s32 v0, v59  }
0x2e8: {  	s26 =	sor.u32 $0x20, s4;
	v12 =	vadd.s32 v12, v13  }
0x2e9: {  	s31 =	sor.u32 s5, s26;
	s28 =	sadd.s32 $0x20, s1;
	[tilespmem:s7+$0xD000] =	vst v12  }
0x2ea: {  	s9 =	sor.u32 $0x80, s28;
	v12 =	vld [tilespmem:s31+$0x8000]  }
0x2eb: {  	v60 =	vld [tilespmem:s9+$0x8000];
	_ =	sdelay $0x4  }
0x2ec: {  	v12 =	vshll.u32 v12, $0x9;
	v13 =	vadd.s32 v0, v60  }
0x2ed: {  	s6 =	sor.u32 s10, s26;
	v12 =	vadd.s32 v12, v13  }
0x2ee: {  	[tilespmem:s6+$0xC000] =	vst v12  }
0x2ef: {  	v12 =	vld [tilespmem:s31+$0xA000]  }
0x2f0: {  	v61 =	vld [tilespmem:s9+$0xA000];
	_ =	sdelay $0x4  }
0x2f1: {  	v12 =	vshll.u32 v12, $0x9;
	v13 =	vadd.s32 v0, v61  }
0x2f2: {  	s4 =	sor.u32 $0x30, s4;
	v12 =	vadd.s32 v12, v13  }
0x2f3: {  	s5 =	sor.u32 s5, s4;
	s1 =	sadd.s32 $0x30, s1;
	[tilespmem:s6+$0xD000] =	vst v12  }
0x2f4: {  	s1 =	sor.u32 $0x80, s1;
	v12 =	vld [tilespmem:s5+$0x8000]  }
0x2f5: {  	v5 =	vsub.f32 v5, v8;
	v62 =	vmul.f32 v10, v10;
	v9 =	vadd.f32 v11, v9;
	v63 =	vld [tilespmem:s1+$0x8000];
	_ =	sdelay $0x1  }
0x2f6: {  	v8 =	vadd.f32 v62, v9;
	v3 =	vsub.f32 v3, v6;
	v5 =	vmul.f32 v5, v5;
	_ =	sdelay $0x1  }
0x2f7: {  	v5 =	vadd.f32 v5, v8;
	v3 =	vmul.f32 v3, v3;
	v4 =	vsub.f32 v4, v7  }
0x2f8: {  	v6 =	vshll.u32 v12, $0x9;
	v7 =	vadd.s32 v0, v63  }
0x2f9: {  	s4 =	sor.u32 s10, s4;
	v3 =	vadd.f32 v3, v5;
	v4 =	vmul.f32 v4, v4;
	v5 =	vadd.s32 v6, v7  }
0x2fa: {  	s22 =	simm.s32 $0x40;
	[tilespmem:s4+$0xC000] =	vst v5  }
0x2fb: {  	v3 =	vadd.f32 v4, v3;
	s21 =	simm.s32 $0x0;
	s17 =	simm.s32 $0xC040;
	s24 =	simm.s32 $0xD040;
	v4 =	vld [tilespmem:s5+$0xA000]  }
.LBB2_20:
0x2fc: {  	s21 =	sadd.s32 $0x4, s21;
	v5 =	vld [tilespmem:s1+$0xA000];
	s19 =	sadd.s32 $0x80, s19;
	p0 =	por !p0, !p0  }
0x2fd: {  	p1 =	slt.u32 s21, $0xFC;
	_ =	sdelay $0x2  }
0x2fe: {  	s1 =	simm.s32 $0x1;
	v4 =	vshll.u32 v4, $0x9  }
0x2ff: {  	s1 =	simm.s32 @!p0 $0x0;
	v5 =	vadd.s32 v0, v5  }
0x300: {  	s26 =	sand.u32 $0x1F00, s19;
	s5 =	sshll.u32 s1, $0x6;
	s1 =	sand.u32 $0x40, s22;
	v4 =	vadd.s32 v4, v5  }
0x301: {  	s5 =	sadd.s32 s5, s19;
	s6 =	sor.u32 s1, s26;
	s7 =	sor.u32 $0x10, s1;
	[tilespmem:s4+$0xD000] =	vst v4  }
0x302: {  	s9 =	sor.u32 $0x80, s5;
	s10 =	sadd.s32 $0x10, s5;
	s4 =	sadd.s32 $0x20, s5;
	v4 =	vld [tilespmem:s6+$0x8000]  }
0x303: {  	s28 =	sor.u32 $0x30, s1;
	s31 =	sadd.s32 $0x30, s5;
	v5 =	vld [tilespmem:s9+$0x8000];
	_ =	sdelay $0x4  }
0x304: {  	v4 =	vshll.u32 v4, $0x9;
	v5 =	vadd.s32 v0, v5  }
0x305: {  	v4 =	vadd.s32 v4, v5  }
0x306: {  	[tilespmem:s17+$0x0] =	vst v4  }
0x307: {  	v4 =	vld [tilespmem:s6+$0xA000]  }
0x308: {  	v5 =	vld [tilespmem:s9+$0xA000];
	_ =	sdelay $0x3  }
0x309: {  	v4 =	vshll.u32 v4, $0x9  }
0x30a: {  	v5 =	vadd.s32 v0, v5  }
0x30b: {  	v4 =	vadd.s32 v4, v5  }
0x30c: {  	s6 =	sor.u32 s26, s7;
	[tilespmem:s24+$0x0] =	vst v4  }
0x30d: {  	s9 =	sor.u32 $0x80, s10;
	v4 =	vld [tilespmem:s6+$0x8000]  }
0x30e: {  	v5 =	vld [tilespmem:s9+$0x8000];
	_ =	sdelay $0x2  }
0x30f: {  	s5 =	sand.u32 $0xF80, s22  }
0x310: {  	s7 =	sor.u32 s5, s7;
	v4 =	vshll.u32 v4, $0x9  }
0x311: {  	v5 =	vadd.s32 v0, v5  }
0x312: {  	v4 =	vadd.s32 v4, v5  }
0x313: {  	[tilespmem:s7+$0xC000] =	vst v4  }
0x314: {  	v4 =	vld [tilespmem:s6+$0xA000]  }
0x315: {  	v5 =	vld [tilespmem:s9+$0xA000];
	_ =	sdelay $0x3  }
0x316: {  	v4 =	vshll.u32 v4, $0x9  }
0x317: {  	v5 =	vadd.s32 v0, v5  }
0x318: {  	s1 =	sor.u32 $0x20, s1;
	v4 =	vadd.s32 v4, v5  }
0x319: {  	s6 =	sor.u32 s26, s1;
	[tilespmem:s7+$0xD000] =	vst v4  }
0x31a: {  	s4 =	sor.u32 $0x80, s4;
	v4 =	vld [tilespmem:s6+$0x8000]  }
0x31b: {  	v5 =	vld [tilespmem:s4+$0x8000];
	_ =	sdelay $0x1  }
0x31c: {  	s1 =	sor.u32 s5, s1;
	_ =	sdelay $0x1  }
0x31d: {  	v4 =	vshll.u32 v4, $0x9  }
0x31e: {  	v5 =	vadd.s32 v0, v5  }
0x31f: {  	v4 =	vadd.s32 v4, v5  }
0x320: {  	[tilespmem:s1+$0xC000] =	vst v4  }
0x321: {  	v4 =	vld [tilespmem:s6+$0xA000]  }
0x322: {  	v5 =	vld [tilespmem:s4+$0xA000];
	_ =	sdelay $0x3  }
0x323: {  	v4 =	vshll.u32 v4, $0x9  }
0x324: {  	v5 =	vadd.s32 v0, v5  }
0x325: {  	v4 =	vadd.s32 v4, v5  }
0x326: {  	s6 =	sor.u32 s26, s28;
	[tilespmem:s1+$0xD000] =	vst v4  }
0x327: {  	s1 =	sor.u32 $0x80, s31;
	v4 =	vld [tilespmem:s6+$0x8000]  }
0x328: {  	s4 =	sor.u32 s5, s28;
	v5 =	vld [tilespmem:s1+$0x8000];
	_ =	sdelay $0x3  }
.Ltmp9:
0x329: {  	v4 =	vshll.u32 v4, $0x9;
	(pc) =	sbr.rel @p1 .LBB2_20-.Ltmp9, $4  }
0x32a: {  	v5 =	vadd.s32 v0, v5  }
0x32b: {  	v4 =	vadd.s32 v4, v5  }
0x32c: {  	[tilespmem:s4+$0xC000] =	vst v4  }
0x32d: {  	s22 =	sadd.s32 $0x40, s22;
	s17 =	sadd.s32 $0x40, s17;
	s24 =	sadd.s32 $0x40, s24;
	v4 =	vld [tilespmem:s6+$0xA000]  }
0x32e: {  	v5 =	vld [tilespmem:s1+$0xA000];
	_ =	sdelay $0x4  }
0x32f: {  	v4 =	vshll.u32 v4, $0x9;
	v5 =	vadd.s32 v0, v5  }
0x330: {  	v4 =	vadd.s32 v4, v5  }
0x331: {  	s17 =	simm.s32 $0xC000;
	s19 =	simm.s32 $0xE000;
	[tilespmem:s4+$0xD000] =	vst v4  }
0x332: {  	[tilespmem:s19], [sflag:$0x2] =	stream.indirect.gather [hbm4b:s3+s29], $0x1, s17, s29, $0xb8;
	[tilespmem:$0x10080] =	vst v63  }
0x333: {  	_ = 	snop  }
0x334: {  	[tilespmem:s12], [sflag:$0x2] =	stream.indirect.gather [hbm4b:s3+s29], $0x1, s11, s29, $0xb8;
	[tilespmem:$0x10080] =	vst v63  }
0x335: {  	_ = 	snop  }
0x336: {  	[tilespmem:s14], [sflag:$0x2] =	stream.indirect.gather [hbm4b:s3+s29], $0x1, s13, s29, $0xb8;
	[tilespmem:$0x10080] =	vst v63  }
0x337: {  	_ = 	snop  }
0x338: {  	[tilespmem:s16], [sflag:$0x2] =	stream.indirect.gather [hbm4b:s3+s29], $0x1, s15, s29, $0xb8;
	[tilespmem:$0x10080] =	vst v63  }
0x339: {  	_ =	swait.ge [sflag:s20], $0x800  }
0x33a: {  	[sflag:s20] =	ssyncset.done $0x0  }
0x33b: {  	[sflag:s20] =	ssyncadd.s32 $0xFFFFF800  }
0x33c: {  	_ =	swait.ge [sflag:s20], $0x800  }
0x33d: {  	[sflag:s20] =	ssyncset.done $0x0  }
0x33e: {  	[sflag:s20] =	ssyncadd.s32 $0xFFFFF800  }
0x33f: {  	_ =	swait.ge [sflag:s20], $0x800  }
0x340: {  	[sflag:s20] =	ssyncset.done $0x0  }
0x341: {  	[sflag:s20] =	ssyncadd.s32 $0xFFFFF800  }
0x342: {  	_ =	swait.ge [sflag:s20], $0x800  }
0x343: {  	[sflag:s20] =	ssyncset.done $0x0  }
0x344: {  	s21 =	rddreg [dreg:$0x10];
	[sflag:s20] =	ssyncadd.s32 $0xFFFFF800  }
0x345: {  	[tilespmem:s2], [sflag:$0x3] =	stream.linear.gather [hbm4b:s21+s2], $0x2000, $0x38;
	[tilespmem:$0x10080] =	vst v63  }
0x346: {  	s24 =	simm.s32 $0x2000;
	s26 =	simm.s32 $0x6020;
	s22 =	rddreg [dreg:$0x11]  }
0x347: {  	v1 =	vsub.f32 v1, v2;
	[tilespmem:s24], [sflag:$0x3] =	stream.linear.gather [hbm4b:s22+s2], $0x2000, $0x38;
	[tilespmem:$0x10080] =	vst v63  }
0x348: {  	s28 =	simm.s32 $0x7020;
	v2 =	vld [tilespmem:s26+$0xFFFFFFE0]  }
0x349: {  	v1 =	vmul.f32 v1, v1;
	v4 =	vld [tilespmem:s28+$0xFFFFFFE0]  }
0x34a: {  	v5 =	vld [tilespmem:s26+$0xFFFFFFF0]  }
0x34b: {  	v1 =	vadd.f32 v1, v1;
	v6 =	vld [tilespmem:s28+$0xFFFFFFF0]  }
0x34c: {  	v7 =	vld [tilespmem:s26+$0x0]  }
0x34d: {  	v1 =	vsub.f32 $1.000000000e+00, v1;
	v8 =	vld [tilespmem:s28+$0x0]  }
0x34e: {  	v9 =	vld [tilespmem:s26+$0x10];
	v2 =	vsub.f32 v2, v4  }
0x34f: {  	s31 =	simm.s32 $0x6060;
	v1 =	vnsel vm0, $0x0, v1;
	v4 =	vld [tilespmem:s28+$0x10]  }
0x350: {  	s1 =	simm.s32 $0x7060;
	v1 =	vadd.f32 v1, v3;
	v10 =	vld [tilespmem:s31+$0xFFFFFFE0];
	v5 =	vsub.f32 v5, v6;
	v2 =	vmul.f32 v2, v2  }
0x351: {  	v11 =	vld [tilespmem:s1+$0xFFFFFFE0]  }
0x352: {  	v3 =	vld [tilespmem:s31+$0xFFFFFFF0];
	v7 =	vsub.f32 v7, v8;
	v5 =	vmul.f32 v5, v5;
	v2 =	vadd.f32 v2, v1  }
0x353: {  	v6 =	vld [tilespmem:s1+$0xFFFFFFF0]  }
0x354: {  	v7 =	vmul.f32 v7, v7;
	v1 =	vld [tilespmem:s31+$0x0];
	v9 =	vsub.f32 v9, v4;
	v5 =	vadd.f32 v5, v2  }
0x355: {  	v4 =	vld [tilespmem:s1+$0x0]  }
0x356: {  	v8 =	vsub.f32 v10, v11;
	v2 =	vld [tilespmem:s31+$0x10];
	v9 =	vmul.f32 v9, v9;
	v7 =	vadd.f32 v7, v5  }
0x357: {  	s5 =	simm.s32 $0x60A0;
	s4 =	simm.s32 $0x4;
	v5 =	vld [tilespmem:s1+$0x10]  }
.LBB2_22:
0x358: {  	v10 =	vld [tilespmem:s5+$0xFFFFFFE0];
	v8 =	vmul.f32 v8, v8;
	v6 =	vsub.f32 v3, v6;
	s1 =	sadd.s32 $0x40, s1;
	v7 =	vadd.f32 v9, v7  }
0x359: {  	s4 =	sadd.s32 $0x4, s4;
	v9 =	vld [tilespmem:s1+$0xFFFFFFE0]  }
0x35a: {  	p0 =	slt.u32 s4, $0xFC;
	v3 =	vld [tilespmem:s5+$0xFFFFFFF0];
	v7 =	vadd.f32 v8, v7;
	v8 =	vmul.f32 v6, v6;
	v4 =	vsub.f32 v1, v4  }
.Ltmp10:
0x35b: {  	v6 =	vld [tilespmem:s1+$0xFFFFFFF0];
	(pc) =	sbr.rel @p0 .LBB2_22-.Ltmp10, $4  }
0x35c: {  	v1 =	vld [tilespmem:s5+$0x0];
	v7 =	vadd.f32 v8, v7;
	v11 =	vmul.f32 v4, v4;
	v5 =	vsub.f32 v2, v5  }
0x35d: {  	v4 =	vld [tilespmem:s1+$0x0]  }
0x35e: {  	v8 =	vsub.f32 v10, v9;
	v2 =	vld [tilespmem:s5+$0x10];
	v7 =	vadd.f32 v11, v7;
	v9 =	vmul.f32 v5, v5  }
0x35f: {  	s5 =	sadd.s32 $0x40, s5;
	v5 =	vld [tilespmem:s1+$0x10]  }
0x360: {  	_ =	swait.ge [sflag:s25], $0x2000  }
0x361: {  	p0 =	por $0x0, $0x0;
	[sflag:s25] =	ssyncset.done $0x0  }
0x362: {  	s1 =	simm.s32 $0x1;
	s19 =	simm.s32 $0x0;
	[sflag:s25] =	ssyncadd.s32 $0xFFFFE000  }
0x363: {  	s1 =	simm.s32 @!p0 $0x0;
	s4 =	sand.u32 $0x40, s19;
	_ =	swait.ge [sflag:s25], $0x2000  }
0x364: {  	s5 =	sand.u32 $0x1F00, s19;
	s1 =	sshll.u32 s1, $0x6;
	[sflag:s25] =	ssyncset.done $0x0  }
0x365: {  	s6 =	sor.u32 s4, s5;
	s1 =	sadd.s32 $0x0, s1;
	[sflag:s25] =	ssyncadd.s32 $0xFFFFE000  }
0x366: {  	s7 =	sor.u32 $0x80, s1;
	v10 =	vld [tilespmem:s6+$0x0]  }
0x367: {  	v11 =	vld [tilespmem:s7+$0x0];
	_ =	sdelay $0x4  }
0x368: {  	v10 =	vshll.u32 v10, $0x9;
	v11 =	vadd.s32 v0, v11  }
0x369: {  	s9 =	simm.s32 $0x4000;
	v10 =	vadd.s32 v10, v11  }
0x36a: {  	[tilespmem:s9+$0x0] =	vst v10  }
0x36b: {  	v10 =	vld [tilespmem:s6+$0x2000]  }
0x36c: {  	v55 =	vld [tilespmem:s7+$0x2000];
	_ =	sdelay $0x4  }
0x36d: {  	v10 =	vshll.u32 v10, $0x9;
	v11 =	vadd.s32 v0, v55  }
0x36e: {  	s17 =	simm.s32 $0x5000;
	s21 =	sor.u32 $0x10, s4;
	v10 =	vadd.s32 v10, v11  }
0x36f: {  	s24 =	sor.u32 s5, s21;
	s22 =	sadd.s32 $0x10, s1;
	[tilespmem:s17+$0x0] =	vst v10  }
0x370: {  	s9 =	sor.u32 $0x80, s22;
	v10 =	vld [tilespmem:s24+$0x0]  }
0x371: {  	v56 =	vld [tilespmem:s9+$0x0];
	_ =	sdelay $0x4  }
0x372: {  	s10 =	sand.u32 $0xF80, s19;
	v10 =	vshll.u32 v10, $0x9;
	v11 =	vadd.s32 v0, v56  }
0x373: {  	s7 =	sor.u32 s10, s21;
	v10 =	vadd.s32 v10, v11  }
0x374: {  	[tilespmem:s7+$0x4000] =	vst v10  }
0x375: {  	v10 =	vld [tilespmem:s24+$0x2000]  }
0x376: {  	v57 =	vld [tilespmem:s9+$0x2000];
	_ =	sdelay $0x4  }
0x377: {  	v10 =	vshll.u32 v10, $0x9;
	v11 =	vadd.s32 v0, v57  }
0x378: {  	s26 =	sor.u32 $0x20, s4;
	v10 =	vadd.s32 v10, v11  }
0x379: {  	s31 =	sor.u32 s5, s26;
	s28 =	sadd.s32 $0x20, s1;
	[tilespmem:s7+$0x5000] =	vst v10  }
0x37a: {  	s9 =	sor.u32 $0x80, s28;
	v10 =	vld [tilespmem:s31+$0x0]  }
0x37b: {  	v58 =	vld [tilespmem:s9+$0x0];
	_ =	sdelay $0x4  }
0x37c: {  	v10 =	vshll.u32 v10, $0x9;
	v11 =	vadd.s32 v0, v58  }
0x37d: {  	s6 =	sor.u32 s10, s26;
	v10 =	vadd.s32 v10, v11  }
0x37e: {  	[tilespmem:s6+$0x4000] =	vst v10  }
0x37f: {  	v10 =	vld [tilespmem:s31+$0x2000]  }
0x380: {  	v59 =	vld [tilespmem:s9+$0x2000];
	_ =	sdelay $0x4  }
0x381: {  	v10 =	vshll.u32 v10, $0x9;
	v11 =	vadd.s32 v0, v59  }
0x382: {  	s4 =	sor.u32 $0x30, s4;
	v10 =	vadd.s32 v10, v11  }
0x383: {  	s5 =	sor.u32 s5, s4;
	s1 =	sadd.s32 $0x30, s1;
	[tilespmem:s6+$0x5000] =	vst v10  }
0x384: {  	s1 =	sor.u32 $0x80, s1;
	v10 =	vld [tilespmem:s5+$0x0]  }
0x385: {  	v3 =	vsub.f32 v3, v6;
	v60 =	vmul.f32 v8, v8;
	v7 =	vadd.f32 v9, v7;
	v61 =	vld [tilespmem:s1+$0x0];
	_ =	sdelay $0x1  }
0x386: {  	v6 =	vadd.f32 v60, v7;
	v3 =	vmul.f32 v3, v3;
	v1 =	vsub.f32 v1, v4;
	_ =	sdelay $0x1  }
0x387: {  	v3 =	vadd.f32 v3, v6;
	v1 =	vmul.f32 v1, v1;
	v2 =	vsub.f32 v2, v5  }
0x388: {  	v62 =	vshll.u32 v10, $0x9;
	v63 =	vadd.s32 v0, v61  }
0x389: {  	s4 =	sor.u32 s10, s4;
	v1 =	vadd.f32 v1, v3;
	v2 =	vmul.f32 v2, v2;
	v3 =	vadd.s32 v62, v63  }
0x38a: {  	s22 =	simm.s32 $0x40;
	[tilespmem:s4+$0x4000] =	vst v3  }
0x38b: {  	v1 =	vadd.f32 v2, v1;
	s21 =	simm.s32 $0x0;
	s17 =	simm.s32 $0x4040;
	s24 =	simm.s32 $0x5040;
	v2 =	vld [tilespmem:s5+$0x2000]  }
.LBB2_24:
0x38c: {  	s21 =	sadd.s32 $0x4, s21;
	v3 =	vld [tilespmem:s1+$0x2000];
	s19 =	sadd.s32 $0x80, s19;
	p0 =	por !p0, !p0  }
0x38d: {  	p1 =	slt.u32 s21, $0xFC;
	_ =	sdelay $0x2  }
0x38e: {  	s1 =	simm.s32 $0x1;
	v2 =	vshll.u32 v2, $0x9  }
0x38f: {  	s1 =	simm.s32 @!p0 $0x0;
	v3 =	vadd.s32 v0, v3  }
0x390: {  	s26 =	sand.u32 $0x1F00, s19;
	s5 =	sshll.u32 s1, $0x6;
	s1 =	sand.u32 $0x40, s22;
	v2 =	vadd.s32 v2, v3  }
0x391: {  	s5 =	sadd.s32 s5, s19;
	s6 =	sor.u32 s1, s26;
	s7 =	sor.u32 $0x10, s1;
	[tilespmem:s4+$0x5000] =	vst v2  }
0x392: {  	s9 =	sor.u32 $0x80, s5;
	s10 =	sadd.s32 $0x10, s5;
	s4 =	sadd.s32 $0x20, s5;
	v2 =	vld [tilespmem:s6+$0x0]  }
0x393: {  	s28 =	sor.u32 $0x30, s1;
	s31 =	sadd.s32 $0x30, s5;
	v3 =	vld [tilespmem:s9+$0x0];
	_ =	sdelay $0x4  }
0x394: {  	v2 =	vshll.u32 v2, $0x9;
	v3 =	vadd.s32 v0, v3  }
0x395: {  	v2 =	vadd.s32 v2, v3  }
0x396: {  	[tilespmem:s17+$0x0] =	vst v2  }
0x397: {  	v2 =	vld [tilespmem:s6+$0x2000]  }
0x398: {  	v3 =	vld [tilespmem:s9+$0x2000];
	_ =	sdelay $0x3  }
0x399: {  	v2 =	vshll.u32 v2, $0x9  }
0x39a: {  	v3 =	vadd.s32 v0, v3  }
0x39b: {  	v2 =	vadd.s32 v2, v3  }
0x39c: {  	s6 =	sor.u32 s26, s7;
	[tilespmem:s24+$0x0] =	vst v2  }
0x39d: {  	s9 =	sor.u32 $0x80, s10;
	v2 =	vld [tilespmem:s6+$0x0]  }
0x39e: {  	v3 =	vld [tilespmem:s9+$0x0];
	_ =	sdelay $0x2  }
0x39f: {  	s5 =	sand.u32 $0xF80, s22  }
0x3a0: {  	s7 =	sor.u32 s5, s7;
	v2 =	vshll.u32 v2, $0x9  }
0x3a1: {  	v3 =	vadd.s32 v0, v3  }
0x3a2: {  	v2 =	vadd.s32 v2, v3  }
0x3a3: {  	[tilespmem:s7+$0x4000] =	vst v2  }
0x3a4: {  	v2 =	vld [tilespmem:s6+$0x2000]  }
0x3a5: {  	v3 =	vld [tilespmem:s9+$0x2000];
	_ =	sdelay $0x3  }
0x3a6: {  	v2 =	vshll.u32 v2, $0x9  }
0x3a7: {  	v3 =	vadd.s32 v0, v3  }
0x3a8: {  	s1 =	sor.u32 $0x20, s1;
	v2 =	vadd.s32 v2, v3  }
0x3a9: {  	s6 =	sor.u32 s26, s1;
	[tilespmem:s7+$0x5000] =	vst v2  }
0x3aa: {  	s4 =	sor.u32 $0x80, s4;
	v2 =	vld [tilespmem:s6+$0x0]  }
0x3ab: {  	v3 =	vld [tilespmem:s4+$0x0];
	_ =	sdelay $0x1  }
0x3ac: {  	s1 =	sor.u32 s5, s1;
	_ =	sdelay $0x1  }
0x3ad: {  	v2 =	vshll.u32 v2, $0x9  }
0x3ae: {  	v3 =	vadd.s32 v0, v3  }
0x3af: {  	v2 =	vadd.s32 v2, v3  }
0x3b0: {  	[tilespmem:s1+$0x4000] =	vst v2  }
0x3b1: {  	v2 =	vld [tilespmem:s6+$0x2000]  }
0x3b2: {  	v3 =	vld [tilespmem:s4+$0x2000];
	_ =	sdelay $0x3  }
0x3b3: {  	v2 =	vshll.u32 v2, $0x9  }
0x3b4: {  	v3 =	vadd.s32 v0, v3  }
0x3b5: {  	v2 =	vadd.s32 v2, v3  }
0x3b6: {  	s6 =	sor.u32 s26, s28;
	[tilespmem:s1+$0x5000] =	vst v2  }
0x3b7: {  	s1 =	sor.u32 $0x80, s31;
	v2 =	vld [tilespmem:s6+$0x0]  }
0x3b8: {  	s4 =	sor.u32 s5, s28;
	v3 =	vld [tilespmem:s1+$0x0];
	_ =	sdelay $0x3  }
.Ltmp11:
0x3b9: {  	v2 =	vshll.u32 v2, $0x9;
	(pc) =	sbr.rel @p1 .LBB2_24-.Ltmp11, $4  }
0x3ba: {  	v3 =	vadd.s32 v0, v3  }
0x3bb: {  	v2 =	vadd.s32 v2, v3  }
0x3bc: {  	[tilespmem:s4+$0x4000] =	vst v2  }
0x3bd: {  	s22 =	sadd.s32 $0x40, s22;
	s17 =	sadd.s32 $0x40, s17;
	s24 =	sadd.s32 $0x40, s24;
	v2 =	vld [tilespmem:s6+$0x2000]  }
0x3be: {  	v3 =	vld [tilespmem:s1+$0x2000];
	_ =	sdelay $0x4  }
0x3bf: {  	v2 =	vshll.u32 v2, $0x9;
	v3 =	vadd.s32 v0, v3  }
0x3c0: {  	v2 =	vadd.s32 v2, v3  }
0x3c1: {  	s5 =	simm.s32 $0x6000;
	[tilespmem:s4+$0x5000] =	vst v2  }
0x3c2: {  	[tilespmem:s5], [sflag:$0x1] =	stream.indirect.gather [hbm4b:s3+s29], $0x1, s30, s29, $0xb8;
	[tilespmem:$0x10080] =	vst v63  }
0x3c3: {  	s6 =	simm.s32 $0x7000  }
0x3c4: {  	[tilespmem:s6], [sflag:$0x1] =	stream.indirect.gather [hbm4b:s3+s29], $0x1, s0, s29, $0xb8;
	[tilespmem:$0x10080] =	vst v63  }
0x3c5: {  	s7 =	simm.s32 $0x4800;
	s9 =	simm.s32 $0x6800  }
0x3c6: {  	[tilespmem:s9], [sflag:$0x1] =	stream.indirect.gather [hbm4b:s3+s29], $0x1, s7, s29, $0xb8;
	[tilespmem:$0x10080] =	vst v63  }
0x3c7: {  	s10 =	simm.s32 $0x5800;
	s17 =	simm.s32 $0x7800  }
0x3c8: {  	[tilespmem:s17], [sflag:$0x1] =	stream.indirect.gather [hbm4b:s3+s29], $0x1, s10, s29, $0xb8;
	[tilespmem:$0x10080] =	vst v63  }
0x3c9: {  	_ =	swait.ge [sflag:s23], $0x800  }
0x3ca: {  	[sflag:s23] =	ssyncset.done $0x0  }
0x3cb: {  	[sflag:s23] =	ssyncadd.s32 $0xFFFFF800  }
0x3cc: {  	_ =	swait.ge [sflag:s23], $0x800  }
0x3cd: {  	[sflag:s23] =	ssyncset.done $0x0  }
0x3ce: {  	[sflag:s23] =	ssyncadd.s32 $0xFFFFF800  }
0x3cf: {  	_ =	swait.ge [sflag:s23], $0x800  }
0x3d0: {  	[sflag:s23] =	ssyncset.done $0x0  }
0x3d1: {  	[sflag:s23] =	ssyncadd.s32 $0xFFFFF800  }
0x3d2: {  	_ =	swait.ge [sflag:s23], $0x800  }
0x3d3: {  	[sflag:s23] =	ssyncset.done $0x0  }
0x3d4: {  	s21 =	simm.s32 $0x8000;
	s19 =	rddreg [dreg:$0x12];
	[sflag:s23] =	ssyncadd.s32 $0xFFFFF800  }
0x3d5: {  	[tilespmem:s21], [sflag:$0x4] =	stream.linear.gather [hbm4b:s19+s2], $0x2000, $0x38;
	[tilespmem:$0x10080] =	vst v63  }
0x3d6: {  	s24 =	simm.s32 $0xA000;
	s26 =	simm.s32 $0xE020;
	s22 =	rddreg [dreg:$0x13]  }
0x3d7: {  	[tilespmem:s24], [sflag:$0x4] =	stream.linear.gather [hbm4b:s22+s2], $0x2000, $0x38;
	[tilespmem:$0x10080] =	vst v63  }
0x3d8: {  	s28 =	simm.s32 $0xF020;
	v2 =	vld [tilespmem:s26+$0xFFFFFFE0]  }
0x3d9: {  	v3 =	vld [tilespmem:s28+$0xFFFFFFE0]  }
0x3da: {  	v4 =	vld [tilespmem:s26+$0xFFFFFFF0]  }
0x3db: {  	v5 =	vld [tilespmem:s28+$0xFFFFFFF0]  }
0x3dc: {  	v6 =	vld [tilespmem:s26+$0x0]  }
0x3dd: {  	v7 =	vld [tilespmem:s28+$0x0]  }
0x3de: {  	v8 =	vld [tilespmem:s26+$0x10];
	v2 =	vsub.f32 v2, v3  }
0x3df: {  	s31 =	simm.s32 $0xE060;
	v9 =	vld [tilespmem:s28+$0x10]  }
0x3e0: {  	s1 =	simm.s32 $0xF060;
	v10 =	vld [tilespmem:s31+$0xFFFFFFE0];
	v4 =	vsub.f32 v4, v5;
	v2 =	vmul.f32 v2, v2  }
0x3e1: {  	v5 =	vld [tilespmem:s1+$0xFFFFFFE0]  }
0x3e2: {  	v3 =	vld [tilespmem:s31+$0xFFFFFFF0];
	v7 =	vsub.f32 v6, v7;
	v4 =	vmul.f32 v4, v4;
	v2 =	vadd.f32 v2, v1  }
0x3e3: {  	v6 =	vld [tilespmem:s1+$0xFFFFFFF0]  }
0x3e4: {  	v9 =	vsub.f32 v8, v9;
	v7 =	vmul.f32 v7, v7;
	v1 =	vld [tilespmem:s31+$0x0];
	v11 =	vadd.f32 v4, v2  }
0x3e5: {  	v4 =	vld [tilespmem:s1+$0x0]  }
0x3e6: {  	v9 =	vmul.f32 v9, v9;
	v8 =	vsub.f32 v10, v5;
	v5 =	vld [tilespmem:s1+$0x10];
	v7 =	vadd.f32 v7, v11  }
0x3e7: {  	s4 =	simm.s32 $0x4;
	s5 =	simm.s32 $0xE0A0;
	v2 =	vld [tilespmem:s31+$0x10]  }
.LBB2_26:
0x3e8: {  	v10 =	vld [tilespmem:s5+$0xFFFFFFE0];
	v8 =	vmul.f32 v8, v8;
	v6 =	vsub.f32 v3, v6;
	s1 =	sadd.s32 $0x40, s1;
	v7 =	vadd.f32 v9, v7  }
0x3e9: {  	s4 =	sadd.s32 $0x4, s4;
	v9 =	vld [tilespmem:s1+$0xFFFFFFE0]  }
0x3ea: {  	p0 =	slt.u32 s4, $0xFC;
	v3 =	vld [tilespmem:s5+$0xFFFFFFF0];
	v7 =	vadd.f32 v8, v7;
	v8 =	vmul.f32 v6, v6;
	v4 =	vsub.f32 v1, v4  }
.Ltmp12:
0x3eb: {  	v6 =	vld [tilespmem:s1+$0xFFFFFFF0];
	(pc) =	sbr.rel @p0 .LBB2_26-.Ltmp12, $4  }
0x3ec: {  	v1 =	vld [tilespmem:s5+$0x0];
	v7 =	vadd.f32 v8, v7;
	v11 =	vmul.f32 v4, v4;
	v5 =	vsub.f32 v2, v5  }
0x3ed: {  	v4 =	vld [tilespmem:s1+$0x0]  }
0x3ee: {  	v8 =	vsub.f32 v10, v9;
	v2 =	vld [tilespmem:s5+$0x10];
	v7 =	vadd.f32 v11, v7;
	v9 =	vmul.f32 v5, v5  }
0x3ef: {  	s5 =	sadd.s32 $0x40, s5;
	v5 =	vld [tilespmem:s1+$0x10]  }
0x3f0: {  	_ =	swait.ge [sflag:s8], $0x2000  }
0x3f1: {  	p0 =	por $0x0, $0x0;
	[sflag:s8] =	ssyncset.done $0x0  }
0x3f2: {  	s1 =	simm.s32 $0x1;
	s19 =	simm.s32 $0x0;
	[sflag:s8] =	ssyncadd.s32 $0xFFFFE000  }
0x3f3: {  	s1 =	simm.s32 @!p0 $0x0;
	s4 =	sand.u32 $0x40, s19;
	_ =	swait.ge [sflag:s8], $0x2000  }
0x3f4: {  	s5 =	sand.u32 $0x1F00, s19;
	s1 =	sshll.u32 s1, $0x6;
	[sflag:s8] =	ssyncset.done $0x0  }
0x3f5: {  	s6 =	sor.u32 s4, s5;
	s1 =	sadd.s32 $0x0, s1;
	[sflag:s8] =	ssyncadd.s32 $0xFFFFE000  }
0x3f6: {  	s7 =	sor.u32 $0x80, s1;
	v10 =	vld [tilespmem:s6+$0x8000]  }
0x3f7: {  	v11 =	vld [tilespmem:s7+$0x8000];
	_ =	sdelay $0x4  }
0x3f8: {  	v10 =	vshll.u32 v10, $0x9;
	v11 =	vadd.s32 v0, v11  }
0x3f9: {  	s9 =	simm.s32 $0xC000;
	v10 =	vadd.s32 v10, v11  }
0x3fa: {  	[tilespmem:s9+$0x0] =	vst v10  }
0x3fb: {  	v10 =	vld [tilespmem:s6+$0xA000]  }
0x3fc: {  	v55 =	vld [tilespmem:s7+$0xA000];
	_ =	sdelay $0x4  }
0x3fd: {  	v10 =	vshll.u32 v10, $0x9;
	v11 =	vadd.s32 v0, v55  }
0x3fe: {  	s17 =	simm.s32 $0xD000;
	s21 =	sor.u32 $0x10, s4;
	v10 =	vadd.s32 v10, v11  }
0x3ff: {  	s24 =	sor.u32 s5, s21;
	s22 =	sadd.s32 $0x10, s1;
	[tilespmem:s17+$0x0] =	vst v10  }
0x400: {  	s9 =	sor.u32 $0x80, s22;
	v10 =	vld [tilespmem:s24+$0x8000]  }
0x401: {  	v56 =	vld [tilespmem:s9+$0x8000];
	_ =	sdelay $0x4  }
0x402: {  	s10 =	sand.u32 $0xF80, s19;
	v10 =	vshll.u32 v10, $0x9;
	v11 =	vadd.s32 v0, v56  }
0x403: {  	s7 =	sor.u32 s10, s21;
	v10 =	vadd.s32 v10, v11  }
0x404: {  	[tilespmem:s7+$0xC000] =	vst v10  }
0x405: {  	v10 =	vld [tilespmem:s24+$0xA000]  }
0x406: {  	v57 =	vld [tilespmem:s9+$0xA000];
	_ =	sdelay $0x4  }
0x407: {  	v10 =	vshll.u32 v10, $0x9;
	v11 =	vadd.s32 v0, v57  }
0x408: {  	s26 =	sor.u32 $0x20, s4;
	v10 =	vadd.s32 v10, v11  }
0x409: {  	s31 =	sor.u32 s5, s26;
	s28 =	sadd.s32 $0x20, s1;
	[tilespmem:s7+$0xD000] =	vst v10  }
0x40a: {  	s9 =	sor.u32 $0x80, s28;
	v10 =	vld [tilespmem:s31+$0x8000]  }
0x40b: {  	v58 =	vld [tilespmem:s9+$0x8000];
	_ =	sdelay $0x4  }
0x40c: {  	v10 =	vshll.u32 v10, $0x9;
	v11 =	vadd.s32 v0, v58  }
0x40d: {  	s6 =	sor.u32 s10, s26;
	v10 =	vadd.s32 v10, v11  }
0x40e: {  	[tilespmem:s6+$0xC000] =	vst v10  }
0x40f: {  	v10 =	vld [tilespmem:s31+$0xA000]  }
0x410: {  	v59 =	vld [tilespmem:s9+$0xA000];
	_ =	sdelay $0x4  }
0x411: {  	v10 =	vshll.u32 v10, $0x9;
	v11 =	vadd.s32 v0, v59  }
0x412: {  	s4 =	sor.u32 $0x30, s4;
	v10 =	vadd.s32 v10, v11  }
0x413: {  	s5 =	sor.u32 s5, s4;
	s1 =	sadd.s32 $0x30, s1;
	[tilespmem:s6+$0xD000] =	vst v10  }
0x414: {  	s1 =	sor.u32 $0x80, s1;
	v10 =	vld [tilespmem:s5+$0x8000]  }
0x415: {  	v3 =	vsub.f32 v3, v6;
	v60 =	vmul.f32 v8, v8;
	v7 =	vadd.f32 v9, v7;
	v61 =	vld [tilespmem:s1+$0x8000];
	_ =	sdelay $0x1  }
0x416: {  	v6 =	vadd.f32 v60, v7;
	v3 =	vmul.f32 v3, v3;
	v1 =	vsub.f32 v1, v4;
	_ =	sdelay $0x1  }
0x417: {  	v3 =	vadd.f32 v3, v6;
	v1 =	vmul.f32 v1, v1;
	v2 =	vsub.f32 v2, v5  }
0x418: {  	v62 =	vshll.u32 v10, $0x9;
	v63 =	vadd.s32 v0, v61  }
0x419: {  	s4 =	sor.u32 s10, s4;
	v1 =	vadd.f32 v1, v3;
	v2 =	vmul.f32 v2, v2;
	v3 =	vadd.s32 v62, v63  }
0x41a: {  	s22 =	simm.s32 $0x40;
	[tilespmem:s4+$0xC000] =	vst v3  }
0x41b: {  	v1 =	vadd.f32 v2, v1;
	s21 =	simm.s32 $0x0;
	s17 =	simm.s32 $0xC040;
	s24 =	simm.s32 $0xD040;
	v2 =	vld [tilespmem:s5+$0xA000]  }
.LBB2_28:
0x41c: {  	s21 =	sadd.s32 $0x4, s21;
	v3 =	vld [tilespmem:s1+$0xA000];
	s19 =	sadd.s32 $0x80, s19;
	p0 =	por !p0, !p0  }
0x41d: {  	p1 =	slt.u32 s21, $0xFC;
	_ =	sdelay $0x2  }
0x41e: {  	s1 =	simm.s32 $0x1;
	v2 =	vshll.u32 v2, $0x9  }
0x41f: {  	s1 =	simm.s32 @!p0 $0x0;
	v3 =	vadd.s32 v0, v3  }
0x420: {  	s26 =	sand.u32 $0x1F00, s19;
	s5 =	sshll.u32 s1, $0x6;
	s1 =	sand.u32 $0x40, s22;
	v2 =	vadd.s32 v2, v3  }
0x421: {  	s5 =	sadd.s32 s5, s19;
	s6 =	sor.u32 s1, s26;
	s7 =	sor.u32 $0x10, s1;
	[tilespmem:s4+$0xD000] =	vst v2  }
0x422: {  	s9 =	sor.u32 $0x80, s5;
	s10 =	sadd.s32 $0x10, s5;
	s4 =	sadd.s32 $0x20, s5;
	v2 =	vld [tilespmem:s6+$0x8000]  }
0x423: {  	s28 =	sor.u32 $0x30, s1;
	s31 =	sadd.s32 $0x30, s5;
	v3 =	vld [tilespmem:s9+$0x8000];
	_ =	sdelay $0x4  }
0x424: {  	v2 =	vshll.u32 v2, $0x9;
	v3 =	vadd.s32 v0, v3  }
0x425: {  	v2 =	vadd.s32 v2, v3  }
0x426: {  	[tilespmem:s17+$0x0] =	vst v2  }
0x427: {  	v2 =	vld [tilespmem:s6+$0xA000]  }
0x428: {  	v3 =	vld [tilespmem:s9+$0xA000];
	_ =	sdelay $0x3  }
0x429: {  	v2 =	vshll.u32 v2, $0x9  }
0x42a: {  	v3 =	vadd.s32 v0, v3  }
0x42b: {  	v2 =	vadd.s32 v2, v3  }
0x42c: {  	s6 =	sor.u32 s26, s7;
	[tilespmem:s24+$0x0] =	vst v2  }
0x42d: {  	s9 =	sor.u32 $0x80, s10;
	v2 =	vld [tilespmem:s6+$0x8000]  }
0x42e: {  	v3 =	vld [tilespmem:s9+$0x8000];
	_ =	sdelay $0x2  }
0x42f: {  	s5 =	sand.u32 $0xF80, s22  }
0x430: {  	s7 =	sor.u32 s5, s7;
	v2 =	vshll.u32 v2, $0x9  }
0x431: {  	v3 =	vadd.s32 v0, v3  }
0x432: {  	v2 =	vadd.s32 v2, v3  }
0x433: {  	[tilespmem:s7+$0xC000] =	vst v2  }
0x434: {  	v2 =	vld [tilespmem:s6+$0xA000]  }
0x435: {  	v3 =	vld [tilespmem:s9+$0xA000];
	_ =	sdelay $0x3  }
0x436: {  	v2 =	vshll.u32 v2, $0x9  }
0x437: {  	v3 =	vadd.s32 v0, v3  }
0x438: {  	s1 =	sor.u32 $0x20, s1;
	v2 =	vadd.s32 v2, v3  }
0x439: {  	s6 =	sor.u32 s26, s1;
	[tilespmem:s7+$0xD000] =	vst v2  }
0x43a: {  	s4 =	sor.u32 $0x80, s4;
	v2 =	vld [tilespmem:s6+$0x8000]  }
0x43b: {  	v3 =	vld [tilespmem:s4+$0x8000];
	_ =	sdelay $0x1  }
0x43c: {  	s1 =	sor.u32 s5, s1;
	_ =	sdelay $0x1  }
0x43d: {  	v2 =	vshll.u32 v2, $0x9  }
0x43e: {  	v3 =	vadd.s32 v0, v3  }
0x43f: {  	v2 =	vadd.s32 v2, v3  }
0x440: {  	[tilespmem:s1+$0xC000] =	vst v2  }
0x441: {  	v2 =	vld [tilespmem:s6+$0xA000]  }
0x442: {  	v3 =	vld [tilespmem:s4+$0xA000];
	_ =	sdelay $0x3  }
0x443: {  	v2 =	vshll.u32 v2, $0x9  }
0x444: {  	v3 =	vadd.s32 v0, v3  }
0x445: {  	v2 =	vadd.s32 v2, v3  }
0x446: {  	s6 =	sor.u32 s26, s28;
	[tilespmem:s1+$0xD000] =	vst v2  }
0x447: {  	s1 =	sor.u32 $0x80, s31;
	v2 =	vld [tilespmem:s6+$0x8000]  }
0x448: {  	s4 =	sor.u32 s5, s28;
	v3 =	vld [tilespmem:s1+$0x8000];
	_ =	sdelay $0x3  }
.Ltmp13:
0x449: {  	v2 =	vshll.u32 v2, $0x9;
	(pc) =	sbr.rel @p1 .LBB2_28-.Ltmp13, $4  }
0x44a: {  	v3 =	vadd.s32 v0, v3  }
0x44b: {  	v2 =	vadd.s32 v2, v3  }
0x44c: {  	[tilespmem:s4+$0xC000] =	vst v2  }
0x44d: {  	s22 =	sadd.s32 $0x40, s22;
	s17 =	sadd.s32 $0x40, s17;
	s24 =	sadd.s32 $0x40, s24;
	v2 =	vld [tilespmem:s6+$0xA000]  }
0x44e: {  	v3 =	vld [tilespmem:s1+$0xA000];
	_ =	sdelay $0x4  }
0x44f: {  	v2 =	vshll.u32 v2, $0x9;
	v3 =	vadd.s32 v0, v3  }
0x450: {  	v2 =	vadd.s32 v2, v3  }
0x451: {  	s22 =	simm.s32 $0xC000;
	s24 =	simm.s32 $0xE000;
	[tilespmem:s4+$0xD000] =	vst v2  }
0x452: {  	[tilespmem:s24], [sflag:$0x2] =	stream.indirect.gather [hbm4b:s3+s29], $0x1, s22, s29, $0xb8;
	[tilespmem:$0x10080] =	vst v63  }
0x453: {  	_ = 	snop  }
0x454: {  	[tilespmem:s12], [sflag:$0x2] =	stream.indirect.gather [hbm4b:s3+s29], $0x1, s11, s29, $0xb8;
	[tilespmem:$0x10080] =	vst v63  }
0x455: {  	_ = 	snop  }
0x456: {  	[tilespmem:s14], [sflag:$0x2] =	stream.indirect.gather [hbm4b:s3+s29], $0x1, s13, s29, $0xb8;
	[tilespmem:$0x10080] =	vst v63  }
0x457: {  	_ = 	snop  }
0x458: {  	[tilespmem:s16], [sflag:$0x2] =	stream.indirect.gather [hbm4b:s3+s29], $0x1, s15, s29, $0xb8;
	[tilespmem:$0x10080] =	vst v63  }
0x459: {  	_ =	swait.ge [sflag:s20], $0x800  }
0x45a: {  	[sflag:s20] =	ssyncset.done $0x0  }
0x45b: {  	[sflag:s20] =	ssyncadd.s32 $0xFFFFF800  }
0x45c: {  	_ =	swait.ge [sflag:s20], $0x800  }
0x45d: {  	[sflag:s20] =	ssyncset.done $0x0  }
0x45e: {  	[sflag:s20] =	ssyncadd.s32 $0xFFFFF800  }
0x45f: {  	_ =	swait.ge [sflag:s20], $0x800  }
0x460: {  	[sflag:s20] =	ssyncset.done $0x0  }
0x461: {  	[sflag:s20] =	ssyncadd.s32 $0xFFFFF800  }
0x462: {  	_ =	swait.ge [sflag:s20], $0x800  }
0x463: {  	[sflag:s20] =	ssyncset.done $0x0  }
0x464: {  	s26 =	simm.s32 $0x6020;
	[sflag:s20] =	ssyncadd.s32 $0xFFFFF800  }
0x465: {  	s28 =	simm.s32 $0x7020;
	v2 =	vld [tilespmem:s26+$0xFFFFFFE0]  }
0x466: {  	v3 =	vld [tilespmem:s28+$0xFFFFFFE0]  }
0x467: {  	v4 =	vld [tilespmem:s26+$0xFFFFFFF0]  }
0x468: {  	v5 =	vld [tilespmem:s28+$0xFFFFFFF0]  }
0x469: {  	v6 =	vld [tilespmem:s26+$0x0]  }
0x46a: {  	v7 =	vld [tilespmem:s28+$0x0]  }
0x46b: {  	v8 =	vld [tilespmem:s26+$0x10];
	v2 =	vsub.f32 v2, v3  }
0x46c: {  	s31 =	simm.s32 $0x6060;
	v9 =	vld [tilespmem:s28+$0x10]  }
0x46d: {  	s1 =	simm.s32 $0x7060;
	v10 =	vld [tilespmem:s31+$0xFFFFFFE0];
	v4 =	vsub.f32 v4, v5;
	v2 =	vmul.f32 v2, v2  }
0x46e: {  	v5 =	vld [tilespmem:s1+$0xFFFFFFE0]  }
0x46f: {  	v3 =	vld [tilespmem:s31+$0xFFFFFFF0];
	v7 =	vsub.f32 v6, v7;
	v4 =	vmul.f32 v4, v4;
	v2 =	vadd.f32 v2, v1  }
0x470: {  	v6 =	vld [tilespmem:s1+$0xFFFFFFF0]  }
0x471: {  	v9 =	vsub.f32 v8, v9;
	v7 =	vmul.f32 v7, v7;
	v1 =	vld [tilespmem:s31+$0x0];
	v11 =	vadd.f32 v4, v2  }
0x472: {  	v4 =	vld [tilespmem:s1+$0x0]  }
0x473: {  	v9 =	vmul.f32 v9, v9;
	v8 =	vsub.f32 v10, v5;
	v5 =	vld [tilespmem:s1+$0x10];
	v7 =	vadd.f32 v7, v11  }
0x474: {  	s5 =	simm.s32 $0x60A0;
	s4 =	simm.s32 $0x4;
	v2 =	vld [tilespmem:s31+$0x10]  }
.LBB2_30:
0x475: {  	v10 =	vld [tilespmem:s5+$0xFFFFFFE0];
	v8 =	vmul.f32 v8, v8;
	v6 =	vsub.f32 v3, v6;
	s1 =	sadd.s32 $0x40, s1;
	v7 =	vadd.f32 v9, v7  }
0x476: {  	s4 =	sadd.s32 $0x4, s4;
	v9 =	vld [tilespmem:s1+$0xFFFFFFE0]  }
0x477: {  	p0 =	slt.u32 s4, $0xFC;
	v3 =	vld [tilespmem:s5+$0xFFFFFFF0];
	v7 =	vadd.f32 v8, v7;
	v8 =	vmul.f32 v6, v6;
	v4 =	vsub.f32 v1, v4  }
.Ltmp14:
0x478: {  	v6 =	vld [tilespmem:s1+$0xFFFFFFF0];
	(pc) =	sbr.rel @p0 .LBB2_30-.Ltmp14, $4  }
0x479: {  	v1 =	vld [tilespmem:s5+$0x0];
	v7 =	vadd.f32 v8, v7;
	v11 =	vmul.f32 v4, v4;
	v5 =	vsub.f32 v2, v5  }
0x47a: {  	v4 =	vld [tilespmem:s1+$0x0]  }
0x47b: {  	v8 =	vsub.f32 v10, v9;
	v2 =	vld [tilespmem:s5+$0x10];
	v7 =	vadd.f32 v11, v7;
	v9 =	vmul.f32 v5, v5  }
0x47c: {  	s5 =	sadd.s32 $0x40, s5;
	v5 =	vld [tilespmem:s1+$0x10]  }
0x47d: {  	_ =	swait.ge [sflag:s23], $0x800  }
0x47e: {  	[sflag:s23] =	ssyncset.done $0x0  }
0x47f: {  	[sflag:s23] =	ssyncadd.s32 $0xFFFFF800  }
0x480: {  	_ =	swait.ge [sflag:s23], $0x800  }
0x481: {  	[sflag:s23] =	ssyncset.done $0x0  }
0x482: {  	[sflag:s23] =	ssyncadd.s32 $0xFFFFF800  }
0x483: {  	_ =	swait.ge [sflag:s23], $0x800  }
0x484: {  	[sflag:s23] =	ssyncset.done $0x0  }
0x485: {  	[sflag:s23] =	ssyncadd.s32 $0xFFFFF800  }
0x486: {  	_ =	swait.ge [sflag:s23], $0x800  }
0x487: {  	[sflag:s23] =	ssyncset.done $0x0  }
0x488: {  	s1 =	simm.s32 $0xE020;
	[sflag:s23] =	ssyncadd.s32 $0xFFFFF800  }
0x489: {  	s4 =	simm.s32 $0xF020;
	v8 =	vmul.f32 v8, v8;
	v3 =	vsub.f32 v3, v6;
	v6 =	vadd.f32 v9, v7;
	v10 =	vld [tilespmem:s1+$0xFFFFFFE0]  }
0x48a: {  	v7 =	vld [tilespmem:s4+$0xFFFFFFE0]  }
0x48b: {  	v6 =	vadd.f32 v8, v6;
	v3 =	vmul.f32 v3, v3;
	v1 =	vsub.f32 v1, v4;
	v9 =	vld [tilespmem:s1+$0xFFFFFFF0]  }
0x48c: {  	v4 =	vld [tilespmem:s4+$0xFFFFFFF0]  }
0x48d: {  	v3 =	vadd.f32 v3, v6;
	v1 =	vmul.f32 v1, v1;
	v2 =	vsub.f32 v2, v5;
	v8 =	vld [tilespmem:s1+$0x0]  }
0x48e: {  	v5 =	vld [tilespmem:s4+$0x0]  }
0x48f: {  	v1 =	vadd.f32 v1, v3;
	v2 =	vmul.f32 v2, v2;
	v11 =	vld [tilespmem:s1+$0x10];
	v3 =	vsub.f32 v10, v7  }
0x490: {  	s31 =	simm.s32 $0xE060;
	v7 =	vld [tilespmem:s4+$0x10]  }
0x491: {  	v1 =	vadd.f32 v2, v1;
	s1 =	simm.s32 $0xF060;
	v10 =	vld [tilespmem:s31+$0xFFFFFFE0];
	v4 =	vsub.f32 v9, v4;
	v2 =	vmul.f32 v3, v3  }
0x492: {  	v9 =	vld [tilespmem:s1+$0xFFFFFFE0]  }
0x493: {  	v6 =	vld [tilespmem:s1+$0xFFFFFFF0];
	v5 =	vsub.f32 v8, v5;
	v4 =	vmul.f32 v4, v4;
	v2 =	vadd.f32 v2, v1  }
0x494: {  	v3 =	vld [tilespmem:s31+$0xFFFFFFF0]  }
0x495: {  	v5 =	vmul.f32 v5, v5;
	v1 =	vld [tilespmem:s31+$0x0];
	v11 =	vsub.f32 v11, v7;
	v8 =	vadd.f32 v4, v2  }
0x496: {  	v4 =	vld [tilespmem:s1+$0x0]  }
0x497: {  	v7 =	vsub.f32 v10, v9;
	v2 =	vld [tilespmem:s31+$0x10];
	v9 =	vmul.f32 v11, v11;
	v8 =	vadd.f32 v5, v8  }
0x498: {  	s5 =	simm.s32 $0xE0A0;
	s4 =	simm.s32 $0x4;
	v5 =	vld [tilespmem:s1+$0x10]  }
.LBB2_32:
0x499: {  	v10 =	vld [tilespmem:s5+$0xFFFFFFE0];
	v7 =	vmul.f32 v7, v7;
	v6 =	vsub.f32 v3, v6;
	s1 =	sadd.s32 $0x40, s1;
	v8 =	vadd.f32 v9, v8  }
0x49a: {  	s4 =	sadd.s32 $0x4, s4;
	v9 =	vld [tilespmem:s1+$0xFFFFFFE0]  }
0x49b: {  	p0 =	slt.u32 s4, $0xFC;
	v3 =	vld [tilespmem:s5+$0xFFFFFFF0];
	v7 =	vadd.f32 v7, v8;
	v8 =	vmul.f32 v6, v6;
	v4 =	vsub.f32 v1, v4  }
.Ltmp15:
0x49c: {  	v6 =	vld [tilespmem:s1+$0xFFFFFFF0];
	(pc) =	sbr.rel @p0 .LBB2_32-.Ltmp15, $4  }
0x49d: {  	v1 =	vld [tilespmem:s5+$0x0];
	v8 =	vadd.f32 v8, v7;
	v11 =	vmul.f32 v4, v4;
	v5 =	vsub.f32 v2, v5  }
0x49e: {  	v4 =	vld [tilespmem:s1+$0x0]  }
0x49f: {  	v7 =	vsub.f32 v10, v9;
	v2 =	vld [tilespmem:s5+$0x10];
	v8 =	vadd.f32 v11, v8;
	v9 =	vmul.f32 v5, v5  }
0x4a0: {  	s5 =	sadd.s32 $0x40, s5;
	v5 =	vld [tilespmem:s1+$0x10]  }
0x4a1: {  	v10 =	vld [tilespmem:$0xE000]  }
0x4a2: {  	v11 =	vld [tilespmem:$0xF000];
	_ =	sdelay $0x3  }
0x4a3: {  	v3 =	vsub.f32 v3, v6;
	v61 =	vadd.f32 v9, v8;
	v7 =	vmul.f32 v7, v7  }
0x4a4: {  	v62 =	vsub.f32 v10, v11  }
0x4a5: {  	v6 =	vadd.f32 v7, v61;
	v3 =	vmul.f32 v3, v3;
	v1 =	vsub.f32 v1, v4  }
0x4a6: {  	v63 =	vmul.f32 v62, v62  }
0x4a7: {  	v3 =	vadd.f32 v3, v6;
	v1 =	vmul.f32 v1, v1;
	v2 =	vsub.f32 v2, v5  }
0x4a8: {  	v4 =	vadd.f32 v63, v63  }
0x4a9: {  	v1 =	vadd.f32 v1, v3;
	v2 =	vmul.f32 v2, v2  }
0x4aa: {  	v3 =	vsub.f32 $1.000000000e+00, v4  }
0x4ab: {  	v1 =	vadd.f32 v2, v1  }
0x4ac: {  	v2 =	vnsel vm1, $0x0, v3  }
0x4ad: {  	v1 =	vadd.f32 v2, v1;
	_ =	sdelay $0x1  }
0x4ae: {  	s1 =	rddreg [dreg:$0x14];
	s4 =	simm.s32 $0x10000;
	s28 =	simm.s32 $0x5;
	[tilespmem:$0x10000] =	vst v1  }
0x4af: {  	[hbm4b:s1+s2] =	stream.linear.scatter [tilespmem:s4], [sflag:$0x5], $0x80, $0x38;
	[tilespmem:$0x10080] =	vst v63  }
0x4b0: {  	_ =	swait.ge [sflag:s28], $0x80  }
0x4b1: {  	s18 =	sadd.s32 $0x1, s18;
	s31 =	rddreg [dreg:$0x15]  }
0x4b2: {  	p0 =	sne.s32 s18, s31  }
.Ltmp16:
0x4b3: {  	_ = 	snop;
	(pc) =	sbr.rel @p0 .LBB2_1-.Ltmp16, $3  }
0x4b4: {  	_ =	sdelay $0x1  }
0x4b5: {  	[sflag:s28] =	ssyncset.done $0x0  }
0x4b6: {  	[sflag:s28] =	ssyncadd.s32 $0xFFFFFF80  }
0x4b7: {  	_ =	sfence.sel $0x180000  }
0x4b8: {  	[bflag:$0x0] =	sbarrier.arrive $0xFFFF  }
0x4b9: {  	_ =	strace $0x9000004A  }
0x4ba: {  	s0 =	stileid.u32;
	[bflag:$0x2] =	sbarrier.arrive $0xFFFF  }
0x4bb: {  	p0 =	sne.s32 s0, $0x0;
	s0 =	rddreg [dreg:$0x3]  }
0x4bc: {  	s0 =	sadd.s32 @!p0 $0x100000, s0  }
0x4bd: {  	[sflag:s0] =	ssyncadd.tile.s32 @!p0 $0x1;
	_ =	shalt  }
.Lfunc_end2:
_tile_overlayer_lowered:
.L_overlay_start_2:
0x4be: {  	(tag) =	ssettag $0x2  }
0x4bf: {  	s0 =	rddreg [dreg:$0x0];
	s2 =	stileid.u32  }
0x4c0: {  	s1 =	rddreg [dreg:$0x1];
	p0 =	sne.s32 s2, $0x0  }
0x4c1: {  	s3 =	rddreg [dreg:$0x2];
	[bflag:$0x3] =	sbarrier.arrive $0xFFFF;
	s2 =	simm.s32 @!p0 $0x1C05  }
0x4c2: {  	[timem:s3], [sflag:s2] =	dma.local @!p0 [hbm:s0], s1  }
0x4c3: {  	s0 =	simm.s32 @!p0 $0x5  }
0x4c4: {  	_ =	swait.ge @!p0 [sflag:s0], s1  }
0x4c5: {  	s1 =	ssub.s32 @!p0 $0x0, s1;
	[sflag:s0] =	ssyncset.done @!p0 $0x0  }
0x4c6: {  	[sflag:s0] =	ssyncadd.s32 @!p0 s1  }
0x4c7: {  	[bflag:$0x3] =	sbarrier.arrive $0xFFFF  }
0x4c8: {  	_ =	shalt  }

// kernel: sparse-core-data-format-call.cloned.1.call-start
scs
called_computation_lowered:
.L_overlay_start_0:
0x0: {  	s2 =	sld [smem:$0x3FD9]  }
0x1: {  	s3 =	sld [smem:$0x3FFE];
	_ =	sdelay $0x1  }
0x2: {  	s1 =	srdreg.scid  }
0x3: {  	s0 =	sand.u32 $0x1, s1  }
0x4: {  	s18 =	sshll.u32 s0, $0xA;
	s2 =	sadd.s32 s3, s2  }
0x5: {  	s2 =	sadd.s32 s2, s18  }
0x6: {  	[smem:$0x3FC5] =	sst s2  }
0x7: {  	_ = 	snop  }
0x8: {  	s2 =	sld [smem:$0x3FC9];
	(tm) =	ssettm $0x1  }
0x9: {  	s19 =	sld [smem:$0x3FFB];
	_ =	sdelay $0x3  }
0xa: {  	_ =	strace s19  }
0xb: {  	s3 =	sld [smem:$0x3FFC];
	_ =	sdelay $0x3  }
0xc: {  	_ =	strace s3  }
0xd: {  	s3 =	sld [smem:$0x3FFD];
	_ =	sdelay $0x3  }
0xe: {  	_ =	strace s3  }
0xf: {  	_ =	strace $0x8FFFFFFF  }
0x10: {  	s20 =	sld [smem:$0x3FDB];
	_ =	sdelay $0x1  }
0x11: {  	s4 =	simm.s32 $_scs_section_size  }
0x12: {  	s5 =	simm.s32 $_size__tile_overlayer_lowered;
	s6 =	simm.s32 $_tile_overlayer_lowered  }
0x13: {  	s23 =	simm.s32 $0x1BFF;
	s22 =	sshll.u32 s6, $0x1;
	s3 =	sadd.s32 s4, s20  }
0x14: {  	s7 =	simm.s32 $0x0;
	s21 =	sshll.u32 s5, $0x1;
	s5 =	sadd.s32 s22, s3  }
0x15: {  	[timem:s7], [sflag:s23] =	dma.local [hbm:s5], s21  }
0x16: {  	_ =	swait.ge [sflag:s23], s21  }
0x17: {  	s4 =	ssub.s32 $0x0, s21;
	[sflag:s23] =	ssyncset.done $0x0  }
0x18: {  	[sflag:s23] =	ssyncadd.s32 s4;
	_ =	sdelay $0x1  }
0x19: {  	s24 =	simm.s32 $0x1B8B  }
0x1a: {  	_ =	swait.ge [sflag:s24], $0x1  }
0x1b: {  	[sflag:s24] =	ssyncset.done $0x0  }
0x1c: {  	s26 =	simm.s32 $0x1B8E;
	s25 =	sld [smem:$0x3FFE];
	[sflag:s24] =	ssyncadd.s32 $0xFFFFFFFF  }
0x1d: {  	s27 =	simm.s32 $execute0_lowered;
	[smem:$0x3FD2] =	sst s26  }
0x1e: {  	s5 =	sshll.u32 s27, $0x1;
	_ =	strace $0x80000046;
	[dreg:$0x1] =	wrdreg $0xFFFFFFFF  }
0x1f: {  	s28 =	simm.s32 $_size_execute0_lowered;
	s3 =	sadd.s32 s3, s5;
	[dreg:$0x0] =	wrdreg $0x0  }
0x20: {  	s5 =	sshll.u32 s28, $0x1;
	[dreg:$0x2] =	wrdreg s3  }
0x21: {  	[dreg:$0x3] =	wrdreg s5  }
0x22: {  	[dreg:$0x4] =	wrdreg $0xC0  }
0x23: {  	_ =	task [dreg:s7], $0x5FFFF  }
0x24: {  	[dreg:$0x1] =	wrdreg $0xFFFFFFFF  }
0x25: {  	[dreg:$0x0] =	wrdreg $0x60  }
0x26: {  	[dreg:$0x2] =	wrdreg s2  }
0x27: {  	[dreg:$0x3] =	wrdreg s25  }
0x28: {  	[dreg:$0x4] =	wrdreg $0x9  }
0x29: {  	_ =	task.clear_ibuf [dreg:s7], $0x5FFFF;
	_ =	strace $0x90000046  }
0x2a: {  	s29 =	simm.s32 $0x9;
	_ =	strace $0x80000048  }
0x2b: {  	_ =	swait.ge [sflag:s29], $0x1  }
0x2c: {  	[sflag:s29] =	ssyncadd.s32 $0xFFFFFFFF  }
0x2d: {  	_ =	strace $0x90000048  }
0x2e: {  	_ =	sfence  }
0x2f: {  	s30 =	sld [smem:$0x0];
	_ =	sdelay $0x2  }
0x30: {  	s31 =	sshll.u32 s1, $0xD;
	s1 =	sshrl.u32 s1, $0x2  }
0x31: {  	s3 =	sand.u32 $0x4000, s31;
	s1 =	sadd.s32 s1, s30  }
0x32: {  	s0 =	sor.u32 s3, s0;
	s1 =	sshll.u32 s1, $0x11  }
0x33: {  	s0 =	sor.u32 s1, s0  }
0x34: {  	s0 =	sadd.s32 $0x8F2B, s0  }
0x35: {  	[sflag:s0] =	ssyncadd.remote.s32 $0x1  }
0x36: {  	_ =	sfence.sel $0xFFFF  }
0x37: {  	[dreg:$0x0] =	wrdreg $0xFFFFFFFF;
	(pc) =	sbr.abs _section_cstart, $3  }
0x38: {  	[dreg:$0x1] =	wrdreg $0xFFFFFFFF  }
0x39: {  	_ =	task.clear_ibuf [dreg:s7], $0x2FFFF;
	_ =	strace $0x9FFFFFFF  }
0x3a: {  	(tm) =	ssettm $0x7FFFFFFF  }
0x3b: {  	_ =	shalt  }
tec
execute0_lowered:
.L_overlay_start_1:
0x0: {  	(tag) =	ssettag $0x1  }
0x1: {  	s0 =	srdreg.scid  }
0x2: {  	s1 =	sshll.u32 s0, $0x4  }
0x3: {  	s2 =	rddreg [dreg:$0x0];
	s0 =	stileid.u32;
	s1 =	sand.u32 $0x10, s1  }
0x4: {  	s4 =	rddreg [dreg:$0x1];
	s7 =	simm.s32 $0x1;
	s1 =	sor.u32 s0, s1  }
0x5: {  	s8 =	simm.s32 $0x2;
	s9 =	simm.s32 $0x0;
	s3 =	sshll.u32 s1, $0x2  }
0x6: {  	s12 =	simm.s32 $0x0;
	s11 =	simm.s32 $0x0;
	s6 =	ssub.s32 $0x800, s3  }
.Ltmp0:
0x7: {  	s4 =	sadd.s32 $0x400, s4;
	s5 =	sand.u32 $0x7C, s6;
	(pc) =	sbr.rel .LBB1_1-.Ltmp0, $4  }
0x8: {  	s1 =	rddreg [dreg:$0x2];
	_ =	strace $0x80000047;
	p0 =	sne.s32 s5, $0x0  }
0x9: {  	s6 =	sshrl.u32 s6, $0x7;
	s5 =	simm.s32 $0x1;
	s7 =	simm.s32 @!p0 $0x0  }
0xa: {  	s10 =	smov.u32 s3;
	[sflag:s5] =	ssyncpa.u1 $0x0;
	s6 =	sadd.s32 s7, s6  }
0xb: {  	[sflag:s8] =	ssyncpa.u1 $0x0;
	s8 =	simm.s32 $0x0;
	s7 =	sadd.s32 $0x1, s6  }
.LBB1_9:
0xc: {  	s14 =	sadd.s32 $0x80, s10  }
0xd: {  	p1 =	sgt.s32 s14, $0x7FF  }
0xe: {  	s14 =	smov.u32 @p1 s3;
	p1 =	sne.s32 s11, s7  }
.Ltmp1:
0xf: {  	p0 =	slt.u32 s11, $0x2;
	(pc) =	sbr.rel @!p1 .LBB1_10-.Ltmp1, $4  }
0x10: {  	s13 =	simm.s32 @!p0 $0x2  }
0x11: {  	s15 =	sadd.s32 $0x1, s11;
	_ =	swait.ge @!p0 [sflag:s13], $0x4000  }
0x12: {  	s12 =	smov.u32 s10;
	s9 =	sadd.s32 $0x4000, s9;
	[sflag:s13] =	ssyncset.done @!p0 $0x0  }
0x13: {  	s11 =	smov.u32 s15;
	s10 =	smov.u32 s14;
	[sflag:s13] =	ssyncadd.s32 @!p0 $0xFFFFC000  }
.LBB1_1:
0x14: {  	p0 =	sge.u32 s11, s6  }
0x15: {  	s13 =	sxor.u32 @!p0 $0xFFFFFFFF, s11  }
0x16: {  	s31 =	sadd.s32 $0xFFFFFFFF, s11;
	s14 =	sshll.u32 @!p0 s10, $0x9;
	s13 =	sshll.u32 @!p0 s13, $0xE  }
0x17: {  	s15 =	simm.s32 @!p0 $0x0;
	s14 =	sadd.s32 @!p0 s2, s14;
	s13 =	sand.u32 @!p0 $0x4000, s13  }
0x18: {  	[tilespmem:s13], [sflag:$0x1] =	stream.linear.gather @!p0 [hbm4b:s14+s15], $0x4000, $0x38;
	[tilespmem:$0x10000] =	vst v63  }
0x19: {  	p0 =	sge.u32 s31, s6  }
.Ltmp2:
0x1a: {  	_ = 	snop;
	(pc) =	sbr.rel @p0 .LBB1_9-.Ltmp2, $1  }
0x1b: {  	_ =	sdelay $0x3  }
0x1c: {  	s14 =	sand.u32 $0x4000, s9  }
0x1d: {  	_ =	swait.ge [sflag:s5], $0x4000;
	s15 =	sshll.u32 s11, $0xE;
	s16 =	simm.s32 $0x0  }
0x1e: {  	s13 =	sor.u32 $0x40, s14;
	[sflag:s5] =	ssyncset.done $0x0;
	s15 =	sand.u32 $0x4000, s15  }
0x1f: {  	s14 =	sor.u32 $0x8040, s14;
	[sflag:s5] =	ssyncadd.s32 $0xFFFFC000;
	s15 =	sor.u32 $0x8000, s15  }
.LBB1_3:
0x20: {  	s17 =	smov.u32 s14;
	s18 =	smov.u32 s13;
	s19 =	simm.s32 $0x0  }
.LBB1_4:
0x21: {  	v0 =	vmov s17;
	v2 =	vld [tilespmem:s18+$0x30]  }
0x22: {  	v4 =	vld [tilespmem:s18+$0xFFFFFFD0]  }
0x23: {  	v6 =	vld [tilespmem:s18+$0xFFFFFFE0]  }
0x24: {  	v7 =	vld [tilespmem:s18+$0xFFFFFFF0]  }
0x25: {  	s20 =	simm.s32 $0x0;
	v1 =	vld [tilespmem:s18+$0x0]  }
0x26: {  	v3 =	vld [tilespmem:s18+$0x10];
	[tilespmem:v0+s20+$0x30 ss:$0x1] =	vst.idx.msk $0xffff, v2  }
0x27: {  	v5 =	vld [tilespmem:s18+$0x20];
	[tilespmem:v0+s20+$0xFFFFFFD0 ss:$0x1] =	vst.idx.msk $0xffff, v4  }
0x28: {  	s21 =	sadd.s32 $0x80, s18;
	v2 =	vld [tilespmem:s18+$0xFFFFFFC0];
	[tilespmem:v0+s20+$0xFFFFFFE0 ss:$0x1] =	vst.idx.msk $0xffff, v6  }
0x29: {  	s22 =	simm.s32 $0x800;
	s23 =	simm.s32 $0x1000;
	v4 =	vld [tilespmem:s21+$0x30];
	[tilespmem:v0+s20+$0xFFFFFFF0 ss:$0x1] =	vst.idx.msk $0xffff, v7  }
.LBB1_5:
0x2a: {  	p0 =	sne.s32 s23, $0x3800;
	v6 =	vld [tilespmem:s21+$0xFFFFFFD0];
	[tilespmem:v0+s20+$0x0 ss:$0x1] =	vst.idx.msk $0xffff, v1  }
0x2b: {  	v7 =	vld [tilespmem:s21+$0xFFFFFFE0];
	[tilespmem:v0+s20+$0x10 ss:$0x1] =	vst.idx.msk $0xffff, v3  }
0x2c: {  	v8 =	vld [tilespmem:s21+$0xFFFFFFF0];
	[tilespmem:v0+s20+$0x20 ss:$0x1] =	vst.idx.msk $0xffff, v5  }
.Ltmp3:
0x2d: {  	v1 =	vld [tilespmem:s21+$0x0];
	[tilespmem:v0+s20+$0xFFFFFFC0 ss:$0x1] =	vst.idx.msk $0xffff, v2;
	s20 =	sshra.s32 s22, $0x2;
	s22 =	smov.u32 s23;
	(pc) =	sbr.rel @p0 .LBB1_5-.Ltmp3, $4  }
0x2e: {  	v3 =	vld [tilespmem:s21+$0x10];
	[tilespmem:v0+s20+$0x30 ss:$0x1] =	vst.idx.msk $0xffff, v4  }
0x2f: {  	[tilespmem:v0+s20+$0xFFFFFFD0 ss:$0x1] =	vst.idx.msk $0xffff, v6;
	v5 =	vld [tilespmem:s21+$0x20]  }
0x30: {  	v2 =	vld [tilespmem:s21+$0xFFFFFFC0];
	[tilespmem:v0+s20+$0xFFFFFFE0 ss:$0x1] =	vst.idx.msk $0xffff, v7;
	s21 =	sadd.s32 $0x80, s21  }
0x31: {  	s23 =	sadd.s32 $0x800, s23;
	v4 =	vld [tilespmem:s21+$0x30];
	[tilespmem:v0+s20+$0xFFFFFFF0 ss:$0x1] =	vst.idx.msk $0xffff, v8  }
0x32: {  	_ =	sdelay $0x3  }
0x33: {  	v6 =	vld [tilespmem:s21+$0xFFFFFFD0];
	[tilespmem:v0+s20+$0x0 ss:$0x1] =	vst.idx.msk $0xffff, v1  }
0x34: {  	v58 =	vld [tilespmem:s21+$0xFFFFFFE0];
	[tilespmem:v0+s20+$0x10 ss:$0x1] =	vst.idx.msk $0xffff, v3  }
0x35: {  	v59 =	vld [tilespmem:s21+$0xFFFFFFF0];
	[tilespmem:v0+s20+$0x20 ss:$0x1] =	vst.idx.msk $0xffff, v5  }
0x36: {  	s22 =	sshra.s32 s22, $0x2;
	v60 =	vld [tilespmem:s21+$0x0];
	[tilespmem:v0+s20+$0xFFFFFFC0 ss:$0x1] =	vst.idx.msk $0xffff, v2  }
0x37: {  	v61 =	vld [tilespmem:s21+$0x10];
	[tilespmem:v0+s22+$0x30 ss:$0x1] =	vst.idx.msk $0xffff, v4  }
0x38: {  	v62 =	vld [tilespmem:s21+$0x20];
	s19 =	sadd.s32 $0x1, s19;
	[tilespmem:v0+s22+$0xFFFFFFD0 ss:$0x1] =	vst.idx.msk $0xffff, v6  }
0x39: {  	v63 =	vld [tilespmem:s21+$0xFFFFFFC0];
	p0 =	sne.s32 s19, $0x4;
	[tilespmem:v0+s22+$0xFFFFFFE0 ss:$0x1] =	vst.idx.msk $0xffff, v58  }
.Ltmp4:
0x3a: {  	[tilespmem:v0+s22+$0xFFFFFFF0 ss:$0x1] =	vst.idx.msk $0xffff, v59;
	(pc) =	sbr.rel @p0 .LBB1_4-.Ltmp4, $4  }
0x3b: {  	[tilespmem:v0+s22+$0x0 ss:$0x1] =	vst.idx.msk $0xffff, v60  }
0x3c: {  	[tilespmem:v0+s22+$0x10 ss:$0x1] =	vst.idx.msk $0xffff, v61  }
0x3d: {  	[tilespmem:v0+s22+$0x20 ss:$0x1] =	vst.idx.msk $0xffff, v62  }
0x3e: {  	s18 =	sadd.s32 $0x400, s18;
	s17 =	sadd.s32 $0x80, s17;
	[tilespmem:v0+s22+$0xFFFFFFC0 ss:$0x1] =	vst.idx.msk $0xffff, v63  }
0x3f: {  	s16 =	sadd.s32 $0x1, s16  }
0x40: {  	p0 =	sne.s32 s16, $0x4  }
.Ltmp5:
0x41: {  	_ = 	snop;
	(pc) =	sbr.rel @p0 .LBB1_3-.Ltmp5, $2  }
0x42: {  	_ =	sdelay $0x2  }
0x43: {  	s13 =	sadd.s32 $0x1000, s13;
	s14 =	sadd.s32 $0x1000, s14  }
.Ltmp6:
0x44: {  	(pc) =	sbr.rel .LBB1_9-.Ltmp6, $4  }
0x45: {  	_ = 	snop  }
0x46: {  	s12 =	sshll.u32 s12, $0x9  }
0x47: {  	s12 =	sadd.s32 s4, s12  }
0x48: {  	[hbm4b:s12+s8] =	stream.linear.scatter [tilespmem:s15], [sflag:$0x2], $0x4000, $0x38;
	[tilespmem:$0x10000] =	vst v63  }
.LBB1_10:
0x49: {  	_ =	sfence.sel $0x180000  }
0x4a: {  	s2 =	simm.s32 $0x1;
	[bflag:$0x0] =	sbarrier.arrive $0xFFFF  }
0x4b: {  	s31 =	simm.s32 $0x2;
	[sflag:s2] =	ssyncpa.u1 $0x1  }
0x4c: {  	[sflag:s31] =	ssyncpa.u1 $0x1  }
0x4d: {  	p0 =	sne.s32 s0, $0x0;
	_ =	strace $0x90000047  }
0x4e: {  	s0 =	sadd.s32 @!p0 $0x100000, s1;
	[bflag:$0x2] =	sbarrier.arrive $0xFFFF  }
0x4f: {  	[sflag:s0] =	ssyncadd.tile.s32 @!p0 $0x1;
	_ =	shalt  }
.Lfunc_end1:
_tile_overlayer_lowered:
.L_overlay_start_2:
0x50: {  	(tag) =	ssettag $0x2  }
0x51: {  	s0 =	rddreg [dreg:$0x0];
	s2 =	stileid.u32  }
0x52: {  	s1 =	rddreg [dreg:$0x1];
	p0 =	sne.s32 s2, $0x0  }
0x53: {  	s3 =	rddreg [dreg:$0x2];
	[bflag:$0x3] =	sbarrier.arrive $0xFFFF;
	s2 =	simm.s32 @!p0 $0x1C01  }
0x54: {  	[timem:s3], [sflag:s2] =	dma.local @!p0 [hbm:s0], s1  }
0x55: {  	s0 =	simm.s32 @!p0 $0x1  }
0x56: {  	_ =	swait.ge @!p0 [sflag:s0], s1  }
0x57: {  	s1 =	ssub.s32 @!p0 $0x0, s1;
	[sflag:s0] =	ssyncset.done @!p0 $0x0  }
0x58: {  	[sflag:s0] =	ssyncadd.s32 @!p0 s1  }
0x59: {  	[bflag:$0x3] =	sbarrier.arrive $0xFFFF  }
0x5a: {  	_ =	shalt  }

</sc_bundles>
